<compile_context>
chip_gen: v7x
topology: tpu7x:2x2x1
jax: 0.10.2.dev20260603
libtpu: 0.0.44.dev20260713+nightly
codegen_flags: <defaults>
</compile_context>

<pallas_src>
import functools

import numpy as np
import jax
import jax.numpy as jnp
from jax import lax
from jax.experimental import pallas as pl
from jax.experimental.pallas import tpu as pltpu
from jax.experimental.pallas import tpu_sc as plsc

_VOCAB = 100000
_DIM = 64
_BATCH = 1024
_SEQ = 200
_MAX_LEN = 512

_NUM_CORES = 2
_NUM_SUBCORES = 16
_NUM_WORKERS = _NUM_CORES * _NUM_SUBCORES
_SEQ_PER_W = _BATCH // _NUM_WORKERS
_NBUF = 6


def _positional_encoding_np(max_len, d):
    pos = np.arange(max_len, dtype=np.float64)[:, None]
    i = np.arange(0, d, 2, dtype=np.float64)
    angles = pos / np.power(10000.0, i / d)
    pe = np.zeros((max_len, d), dtype=np.float64)
    pe[:, 0::2] = np.sin(angles)
    pe[:, 1::2] = np.cos(angles)
    return pe.astype(np.float32)


_PE = _positional_encoding_np(_MAX_LEN, _DIM)[:_SEQ]

_mesh = plsc.VectorSubcoreMesh(
    core_axis_name="c", subcore_axis_name="s", num_cores=_NUM_CORES
)


@functools.partial(
    pl.kernel,
    out_type=jax.ShapeDtypeStruct((_BATCH, _SEQ, 2 * _DIM), jnp.float32),
    mesh=_mesh,
    compiler_params=pltpu.CompilerParams(use_tc_tiling_on_sc=False),
    scratch_types=[
        pltpu.VMEM((_SEQ_PER_W, _SEQ), jnp.int32),
        pltpu.VMEM((_NBUF, _SEQ, _DIM), jnp.float32),
        pltpu.VMEM_SHARED((_SEQ, _DIM), jnp.float32),
        pltpu.SemaphoreType.DMA,
        pltpu.SemaphoreType.DMA((_NBUF,)),
        pltpu.SemaphoreType.DMA((_NBUF,)),
        pltpu.SemaphoreType.DMA((_NBUF,)),
    ],
)
def _emb_kernel(
    x_hbm, pe_hbm, table_hbm, out_hbm,
    idx_v, rows_v, pe_sh, idx_sem, fill_sem, gath_sem, out_sem,
):
    wid = lax.axis_index("s") * _NUM_CORES + lax.axis_index("c")
    base = wid * _SEQ_PER_W

    idx_dma = pltpu.async_copy(
        x_hbm.at[pl.ds(base, _SEQ_PER_W)], idx_v, idx_sem
    )

    @pl.when(lax.axis_index("s") == 0)
    def _():
        pltpu.sync_copy(pe_hbm, pe_sh)

    plsc.subcore_barrier()

    fill_dma = {}
    gath_dma = {}
    out_dma = {}

    def start_fill(g):
        b = g % _NBUF
        if g >= _NBUF:
            out_dma.pop(g - _NBUF).wait()
        fill_dma[g] = pltpu.async_copy(pe_sh, rows_v.at[b], fill_sem.at[b])

    def start_gather(g):
        b = g % _NBUF
        if g == 0:
            idx_dma.wait()
        fill_dma.pop(g).wait()
        gath_dma[g] = pltpu.async_copy(
            table_hbm.at[idx_v.at[g]], rows_v.at[b], gath_sem.at[b], add=True
        )

    def start_out(g):
        b = g % _NBUF
        gath_dma.pop(g).wait()
        out_dma[g] = pltpu.async_copy(
            rows_v.at[b], out_hbm.at[base + g, :, pl.ds(0, _DIM)], out_sem.at[b]
        )

    for g in range(_SEQ_PER_W + 4):
        if g < _SEQ_PER_W:
            start_fill(g)
        if 1 <= g < _SEQ_PER_W + 1:
            start_gather(g - 1)
        if g >= 4:
            start_out(g - 4)

    for g in sorted(out_dma):
        out_dma[g].wait()


def kernel(X, table):
    pe = jnp.asarray(_PE)
    out_wide = _emb_kernel(X, pe, table)
    return out_wide[:, :, :_DIM]

# --- scband reference (transcript-rebuilt; emitter-appended) ---
"""Pipeline reference for scband-transformer-embedding-15410342658229 (READ-ONLY COPY).

The authoritative reference and input builder live on the scoring server;
editing this copy changes nothing except your own understanding.
"""

import jax, jax.numpy as jnp
import numpy as np

VOCAB = 100000
DIM = 64
BATCH = 1024
SEQ = 200
MAX_LEN = 512


def _positional_encoding(max_len, d):
    pos = np.arange(max_len, dtype=np.float64)[:, None]
    i = np.arange(0, d, 2, dtype=np.float64)
    angles = pos / np.power(10000.0, i / d)
    pe = np.zeros((max_len, d), dtype=np.float64)
    pe[:, 0::2] = np.sin(angles)
    pe[:, 1::2] = np.cos(angles)
    return jnp.asarray(pe, dtype=jnp.float32)


def setup_inputs(seed: int = 0) -> dict:
    key = jax.random.key(seed)
    k1, k2 = jax.random.split(key)
    X = jax.random.randint(k1, (BATCH, SEQ), 0, VOCAB, dtype=jnp.int32)
    table = jax.random.normal(k2, (VOCAB, DIM), dtype=jnp.float32)
    return {"X": X, "table": table}


def reference(X, table):
    # nn.Embedding lookup (gather rows of the table)
    emb = jnp.take(table, X, axis=0)  # [B, S, D]
    # sinusoidal positional encoding, added (sliced to seq_len)
    pe = _positional_encoding(MAX_LEN, DIM)[: X.shape[1]]  # [S, D]
    out = emb + pe[None, :, :]
    # dropout p=0 -> identity
    return out

if __name__ == "__main__":
    import jax
    _d = setup_inputs()
    print(jax.jit(kernel)(*tuple(_d.values())))

</pallas_src>

<mosaic_0001>
#map = affine_map<(d0, d1) -> (0, 0)>
#map1 = affine_map<(d0, d1) -> (0, 0, 0)>
module attributes {stable_mosaic.version = 14 : i64} {
  func.func @_emb_kernel(%arg0: i32, %arg1: i32, %arg2: memref<1024x200xi32, #tpu.memory_space<hbm>>, %arg3: memref<200x64xf32, #tpu.memory_space<hbm>>, %arg4: memref<100000x64xf32, #tpu.memory_space<hbm>>, %arg5: memref<1024x200x128xf32, #tpu.memory_space<hbm>>, %arg6: memref<32x200xi32, #tpu.memory_space<vmem>>, %arg7: memref<6x200x64xf32, #tpu.memory_space<vmem>>, %arg8: memref<200x64xf32, #tpu.memory_space<vmem_shared>>, %arg9: memref<!tpu.dma_semaphore, #tpu.memory_space<semaphore_mem>>, %arg10: memref<6x!tpu.dma_semaphore, #tpu.memory_space<semaphore_mem>>, %arg11: memref<6x!tpu.dma_semaphore, #tpu.memory_space<semaphore_mem>>, %arg12: memref<6x!tpu.dma_semaphore, #tpu.memory_space<semaphore_mem>>) attributes {dimension_semantics = [#tpu.dimension_semantics<core_parallel>, #tpu.dimension_semantics<subcore_parallel>], iteration_bounds = array<i64: 2, 16>, scalar_prefetch = 0 : i64, scratch_operands = 7 : i64, tpu.core_type = #tpu.core_type<sc_vector_subcore>, window_params = [{transform_indices = #map}, {transform_indices = #map}, {transform_indices = #map}, {transform_indices = #map1}]} {
    %mul3A = arith.constant 2 : i32
    %mul3A_0 = arith.muli %arg1, %mul3A : i32
    %add3A = arith.addi %mul3A_0, %arg0 : i32
    %mul3A_1 = arith.constant 32 : i32
    %mul3A_2 = arith.muli %add3A, %mul3A_1 : i32
    %dma_start3A = arith.constant 0 : i32
    %dma_start3A_3 = tpu.memref_slice %arg2[%mul3A_2, %dma_start3A] : memref<1024x200xi32, #tpu.memory_space<hbm>> -> memref<32x200xi32, #tpu.memory_space<hbm>>
    %dma_start3A_4 = arith.constant 0 : i32
    %dma_start3A_5 = tpu.memref_slice %arg2[%mul3A_2, %dma_start3A_4] : memref<1024x200xi32, #tpu.memory_space<hbm>> -> memref<32x200xi32, #tpu.memory_space<hbm>>
    tpu.enqueue_dma source(%dma_start3A_5 : memref<32x200xi32, #tpu.memory_space<hbm>>) target(%arg6 : memref<32x200xi32, #tpu.memory_space<vmem>>) target_semaphore(%arg9 : memref<!tpu.dma_semaphore, #tpu.memory_space<semaphore_mem>>)
    %eq3A = arith.constant 0 : i32
    %eq3A_6 = arith.cmpi eq, %arg1, %eq3A : i32
    %convert_element_type3A = arith.extui %eq3A_6 : i1 to i32
    %cond3A = arith.constant 0 : i32
    %cond3A_7 = arith.cmpi ne, %convert_element_type3A, %cond3A : i32
    scf.if %cond3A_7 {
      "tpu.region"() ({
        %run_scoped3A = tpu.sem_alloc : memref<!tpu.dma_semaphore, #tpu.memory_space<semaphore_mem>>
        tpu.enqueue_dma source(%arg3 : memref<200x64xf32, #tpu.memory_space<hbm>>) target(%arg8 : memref<200x64xf32, #tpu.memory_space<vmem_shared>>) target_semaphore(%run_scoped3A : memref<!tpu.dma_semaphore, #tpu.memory_space<semaphore_mem>>)
        tpu.wait_dma2 semaphore(%run_scoped3A : memref<!tpu.dma_semaphore, #tpu.memory_space<semaphore_mem>>) src(%arg3 : memref<200x64xf32, #tpu.memory_space<hbm>>) dst(%arg8 : memref<200x64xf32, #tpu.memory_space<vmem_shared>>)
        tpu.yield
      }) : () -> ()
    } else {
    }
    %barrier3A = arith.constant 0 : index
    tpu.barrier barrier_id(%barrier3A)
    %dma_start3A_8 = arith.constant 0 : i32
    %dma_start3A_9 = arith.constant 0 : i32
    %dma_start3A_10 = arith.constant 0 : i32
    %dma_start3A_11 = arith.constant 0 : i32
    %dma_start3A_12 = tpu.memref_slice %arg7[%dma_start3A_8, %dma_start3A_10, %dma_start3A_11] : memref<6x200x64xf32, #tpu.memory_space<vmem>> -> memref<1x200x64xf32, #tpu.memory_space<vmem>>
    %dma_start3A_13 = tpu.memref_squeeze %dma_start3A_12 : memref<1x200x64xf32, #tpu.memory_space<vmem>> -> memref<200x64xf32, #tpu.memory_space<vmem>>
    %dma_start3A_14 = tpu.memref_slice %arg10[%dma_start3A_9] : memref<6x!tpu.dma_semaphore, #tpu.memory_space<semaphore_mem>> -> memref<1x!tpu.dma_semaphore, #tpu.memory_space<semaphore_mem>>
    %dma_start3A_15 = tpu.memref_squeeze %dma_start3A_14 : memref<1x!tpu.dma_semaphore, #tpu.memory_space<semaphore_mem>> -> memref<!tpu.dma_semaphore, #tpu.memory_space<semaphore_mem>>
    %dma_start3A_16 = arith.constant 0 : i32
    %dma_start3A_17 = arith.constant 0 : i32
    %dma_start3A_18 = tpu.memref_slice %arg7[%dma_start3A_8, %dma_start3A_16, %dma_start3A_17] : memref<6x200x64xf32, #tpu.memory_space<vmem>> -> memref<1x200x64xf32, #tpu.memory_space<vmem>>
    %dma_start3A_19 = tpu.memref_squeeze %dma_start3A_18 : memref<1x200x64xf32, #tpu.memory_space<vmem>> -> memref<200x64xf32, #tpu.memory_space<vmem>>
    tpu.enqueue_dma source(%arg8 : memref<200x64xf32, #tpu.memory_space<vmem_shared>>) target(%dma_start3A_19 : memref<200x64xf32, #tpu.memory_space<vmem>>) target_semaphore(%dma_start3A_15 : memref<!tpu.dma_semaphore, #tpu.memory_space<semaphore_mem>>)
    %dma_start3A_20 = arith.constant 1 : i32
    %dma_start3A_21 = arith.constant 1 : i32
    %dma_start3A_22 = arith.constant 0 : i32
    %dma_start3A_23 = arith.constant 0 : i32
    %dma_start3A_24 = tpu.memref_slice %arg7[%dma_start3A_20, %dma_start3A_22, %dma_start3A_23] : memref<6x200x64xf32, #tpu.memory_space<vmem>> -> memref<1x200x64xf32, #tpu.memory_space<vmem>>
    %dma_start3A_25 = tpu.memref_squeeze %dma_start3A_24 : memref<1x200x64xf32, #tpu.memory_space<vmem>> -> memref<200x64xf32, #tpu.memory_space<vmem>>
    %dma_start3A_26 = tpu.memref_slice %arg10[%dma_start3A_21] : memref<6x!tpu.dma_semaphore, #tpu.memory_space<semaphore_mem>> -> memref<1x!tpu.dma_semaphore, #tpu.memory_space<semaphore_mem>>
    %dma_start3A_27 = tpu.memref_squeeze %dma_start3A_26 : memref<1x!tpu.dma_semaphore, #tpu.memory_space<semaphore_mem>> -> memref<!tpu.dma_semaphore, #tpu.memory_space<semaphore_mem>>
    %dma_start3A_28 = arith.constant 0 : i32
    %dma_start3A_29 = arith.constant 0 : i32
    %dma_start3A_30 = tpu.memref_slice %arg7[%dma_start3A_20, %dma_start3A_28, %dma_start3A_29] : memref<6x200x64xf32, #tpu.memory_space<vmem>> -> memref<1x200x64xf32, #tpu.memory_space<vmem>>
    %dma_start3A_31 = tpu.memref_squeeze %dma_start3A_30 : memref<1x200x64xf32, #tpu.memory_space<vmem>> -> memref<200x64xf32, #tpu.memory_space<vmem>>
    tpu.enqueue_dma source(%arg8 : memref<200x64xf32, #tpu.memory_space<vmem_shared>>) target(%dma_start3A_31 : memref<200x64xf32, #tpu.memory_space<vmem>>) target_semaphore(%dma_start3A_27 : memref<!tpu.dma_semaphore, #tpu.memory_space<semaphore_mem>>)
    %dma_wait3A = arith.constant 0 : i32
    %dma_wait3A_32 = tpu.memref_slice %arg2[%mul3A_2, %dma_wait3A] : memref<1024x200xi32, #tpu.memory_space<hbm>> -> memref<32x200xi32, #tpu.memory_space<hbm>>
    %dma_wait3A_33 = arith.constant 0 : i32
    %dma_wait3A_34 = tpu.memref_slice %arg2[%mul3A_2, %dma_wait3A_33] : memref<1024x200xi32, #tpu.memory_space<hbm>> -> memref<32x200xi32, #tpu.memory_space<hbm>>
    tpu.wait_dma2 semaphore(%arg9 : memref<!tpu.dma_semaphore, #tpu.memory_space<semaphore_mem>>) src(%dma_wait3A_34 : memref<32x200xi32, #tpu.memory_space<hbm>>) dst(%arg6 : memref<32x200xi32, #tpu.memory_space<vmem>>)
    %dma_wait3A_35 = arith.constant 0 : i32
    %dma_wait3A_36 = arith.constant 0 : i32
    %dma_wait3A_37 = arith.constant 0 : i32
    %dma_wait3A_38 = arith.constant 0 : i32
    %dma_wait3A_39 = tpu.memref_slice %arg7[%dma_wait3A_35, %dma_wait3A_37, %dma_wait3A_38] : memref<6x200x64xf32, #tpu.memory_space<vmem>> -> memref<1x200x64xf32, #tpu.memory_space<vmem>>
    %dma_wait3A_40 = tpu.memref_squeeze %dma_wait3A_39 : memref<1x200x64xf32, #tpu.memory_space<vmem>> -> memref<200x64xf32, #tpu.memory_space<vmem>>
    %dma_wait3A_41 = tpu.memref_slice %arg10[%dma_wait3A_36] : memref<6x!tpu.dma_semaphore, #tpu.memory_space<semaphore_mem>> -> memref<1x!tpu.dma_semaphore, #tpu.memory_space<semaphore_mem>>
    %dma_wait3A_42 = tpu.memref_squeeze %dma_wait3A_41 : memref<1x!tpu.dma_semaphore, #tpu.memory_space<semaphore_mem>> -> memref<!tpu.dma_semaphore, #tpu.memory_space<semaphore_mem>>
    %dma_wait3A_43 = arith.constant 0 : i32
    %dma_wait3A_44 = arith.constant 0 : i32
    %dma_wait3A_45 = tpu.memref_slice %arg7[%dma_wait3A_35, %dma_wait3A_43, %dma_wait3A_44] : memref<6x200x64xf32, #tpu.memory_space<vmem>> -> memref<1x200x64xf32, #tpu.memory_space<vmem>>
    %dma_wait3A_46 = tpu.memref_squeeze %dma_wait3A_45 : memref<1x200x64xf32, #tpu.memory_space<vmem>> -> memref<200x64xf32, #tpu.memory_space<vmem>>
    tpu.wait_dma2 semaphore(%dma_wait3A_42 : memref<!tpu.dma_semaphore, #tpu.memory_space<semaphore_mem>>) src(%arg8 : memref<200x64xf32, #tpu.memory_space<vmem_shared>>) dst(%dma_wait3A_46 : memref<200x64xf32, #tpu.memory_space<vmem>>)
    %dma_start3A_47 = arith.constant 0 : i32
    %dma_start3A_48 = arith.constant 0 : i32
    %dma_start3A_49 = arith.constant 0 : i32
    %dma_start3A_50 = arith.constant 0 : i32
    %dma_start3A_51 = arith.constant 0 : i32
    %dma_start3A_52 = tpu.memref_slice %arg7[%dma_start3A_48, %dma_start3A_50, %dma_start3A_51] : memref<6x200x64xf32, #tpu.memory_space<vmem>> -> memref<1x200x64xf32, #tpu.memory_space<vmem>>
    %dma_start3A_53 = tpu.memref_squeeze %dma_start3A_52 : memref<1x200x64xf32, #tpu.memory_space<vmem>> -> memref<200x64xf32, #tpu.memory_space<vmem>>
    %dma_start3A_54 = arith.constant 0 : i32
    %dma_start3A_55 = tpu.memref_slice %arg6[%dma_start3A_47, %dma_start3A_54] : memref<32x200xi32, #tpu.memory_space<vmem>> -> memref<1x200xi32, #tpu.memory_space<vmem>>
    %dma_start3A_56 = tpu.memref_squeeze %dma_start3A_55 : memref<1x200xi32, #tpu.memory_space<vmem>> -> memref<200xi32, #tpu.memory_space<vmem>>
    %dma_start3A_57 = arith.constant 0 : i32
    %dma_start3A_58 = arith.constant 0 : i32
    %dma_start3A_59 = tpu.memref_slice %arg4[%dma_start3A_57, %dma_start3A_58] : memref<100000x64xf32, #tpu.memory_space<hbm>> -> memref<100000x64xf32, #tpu.memory_space<hbm>>
    %dma_start3A_60 = tpu.memref_slice %arg11[%dma_start3A_49] : memref<6x!tpu.dma_semaphore, #tpu.memory_space<semaphore_mem>> -> memref<1x!tpu.dma_semaphore, #tpu.memory_space<semaphore_mem>>
    %dma_start3A_61 = tpu.memref_squeeze %dma_start3A_60 : memref<1x!tpu.dma_semaphore, #tpu.memory_space<semaphore_mem>> -> memref<!tpu.dma_semaphore, #tpu.memory_space<semaphore_mem>>
    tpu.enqueue_indirect_dma source(%dma_start3A_59 : memref<100000x64xf32, #tpu.memory_space<hbm>>) target(%dma_start3A_53 : memref<200x64xf32, #tpu.memory_space<vmem>>) offsets(%dma_start3A_56 : memref<200xi32, #tpu.memory_space<vmem>>) semaphore(%dma_start3A_61 : memref<!tpu.dma_semaphore, #tpu.memory_space<semaphore_mem>>) {add = true}
    %dma_start3A_62 = arith.constant 2 : i32
    %dma_start3A_63 = arith.constant 2 : i32
    %dma_start3A_64 = arith.constant 0 : i32
    %dma_start3A_65 = arith.constant 0 : i32
    %dma_start3A_66 = tpu.memref_slice %arg7[%dma_start3A_62, %dma_start3A_64, %dma_start3A_65] : memref<6x200x64xf32, #tpu.memory_space<vmem>> -> memref<1x200x64xf32, #tpu.memory_space<vmem>>
    %dma_start3A_67 = tpu.memref_squeeze %dma_start3A_66 : memref<1x200x64xf32, #tpu.memory_space<vmem>> -> memref<200x64xf32, #tpu.memory_space<vmem>>
    %dma_start3A_68 = tpu.memref_slice %arg10[%dma_start3A_63] : memref<6x!tpu.dma_semaphore, #tpu.memory_space<semaphore_mem>> -> memref<1x!tpu.dma_semaphore, #tpu.memory_space<semaphore_mem>>
    %dma_start3A_69 = tpu.memref_squeeze %dma_start3A_68 : memref<1x!tpu.dma_semaphore, #tpu.memory_space<semaphore_mem>> -> memref<!tpu.dma_semaphore, #tpu.memory_space<semaphore_mem>>
    %dma_start3A_70 = arith.constant 0 : i32
    %dma_start3A_71 = arith.constant 0 : i32
    %dma_start3A_72 = tpu.memref_slice %arg7[%dma_start3A_62, %dma_start3A_70, %dma_start3A_71] : memref<6x200x64xf32, #tpu.memory_space<vmem>> -> memref<1x200x64xf32, #tpu.memory_space<vmem>>
    %dma_start3A_73 = tpu.memref_squeeze %dma_start3A_72 : memref<1x200x64xf32, #tpu.memory_space<vmem>> -> memref<200x64xf32, #tpu.memory_space<vmem>>
    tpu.enqueue_dma source(%arg8 : memref<200x64xf32, #tpu.memory_space<vmem_shared>>) target(%dma_start3A_73 : memref<200x64xf32, #tpu.memory_space<vmem>>) target_semaphore(%dma_start3A_69 : memref<!tpu.dma_semaphore, #tpu.memory_space<semaphore_mem>>)
    %dma_wait3A_74 = arith.constant 1 : i32
    %dma_wait3A_75 = arith.constant 1 : i32
    %dma_wait3A_76 = arith.constant 0 : i32
    %dma_wait3A_77 = arith.constant 0 : i32
    %dma_wait3A_78 = tpu.memref_slice %arg7[%dma_wait3A_74, %dma_wait3A_76, %dma_wait3A_77] : memref<6x200x64xf32, #tpu.memory_space<vmem>> -> memref<1x200x64xf32, #tpu.memory_space<vmem>>
    %dma_wait3A_79 = tpu.memref_squeeze %dma_wait3A_78 : memref<1x200x64xf32, #tpu.memory_space<vmem>> -> memref<200x64xf32, #tpu.memory_space<vmem>>
    %dma_wait3A_80 = tpu.memref_slice %arg10[%dma_wait3A_75] : memref<6x!tpu.dma_semaphore, #tpu.memory_space<semaphore_mem>> -> memref<1x!tpu.dma_semaphore, #tpu.memory_space<semaphore_mem>>
    %dma_wait3A_81 = tpu.memref_squeeze %dma_wait3A_80 : memref<1x!tpu.dma_semaphore, #tpu.memory_space<semaphore_mem>> -> memref<!tpu.dma_semaphore, #tpu.memory_space<semaphore_mem>>
    %dma_wait3A_82 = arith.constant 0 : i32
    %dma_wait3A_83 = arith.constant 0 : i32
    %dma_wait3A_84 = tpu.memref_slice %arg7[%dma_wait3A_74, %dma_wait3A_82, %dma_wait3A_83] : memref<6x200x64xf32, #tpu.memory_space<vmem>> -> memref<1x200x64xf32, #tpu.memory_space<vmem>>
    %dma_wait3A_85 = tpu.memref_squeeze %dma_wait3A_84 : memref<1x200x64xf32, #tpu.memory_space<vmem>> -> memref<200x64xf32, #tpu.memory_space<vmem>>
    tpu.wait_dma2 semaphore(%dma_wait3A_81 : memref<!tpu.dma_semaphore, #tpu.memory_space<semaphore_mem>>) src(%arg8 : memref<200x64xf32, #tpu.memory_space<vmem_shared>>) dst(%dma_wait3A_85 : memref<200x64xf32, #tpu.memory_space<vmem>>)
    %dma_start3A_86 = arith.constant 1 : i32
    %dma_start3A_87 = arith.constant 1 : i32
    %dma_start3A_88 = arith.constant 1 : i32
    %dma_start3A_89 = arith.constant 0 : i32
    %dma_start3A_90 = arith.constant 0 : i32
    %dma_start3A_91 = tpu.memref_slice %arg7[%dma_start3A_87, %dma_start3A_89, %dma_start3A_90] : memref<6x200x64xf32, #tpu.memory_space<vmem>> -> memref<1x200x64xf32, #tpu.memory_space<vmem>>
    %dma_start3A_92 = tpu.memref_squeeze %dma_start3A_91 : memref<1x200x64xf32, #tpu.memory_space<vmem>> -> memref<200x64xf32, #tpu.memory_space<vmem>>
    %dma_start3A_93 = arith.constant 0 : i32
    %dma_start3A_94 = tpu.memref_slice %arg6[%dma_start3A_86, %dma_start3A_93] : memref<32x200xi32, #tpu.memory_space<vmem>> -> memref<1x200xi32, #tpu.memory_space<vmem>>
    %dma_start3A_95 = tpu.memref_squeeze %dma_start3A_94 : memref<1x200xi32, #tpu.memory_space<vmem>> -> memref<200xi32, #tpu.memory_space<vmem>>
    %dma_start3A_96 = arith.constant 0 : i32
    %dma_start3A_97 = arith.constant 0 : i32
    %dma_start3A_98 = tpu.memref_slice %arg4[%dma_start3A_96, %dma_start3A_97] : memref<100000x64xf32, #tpu.memory_space<hbm>> -> memref<100000x64xf32, #tpu.memory_space<hbm>>
    %dma_start3A_99 = tpu.memref_slice %arg11[%dma_start3A_88] : memref<6x!tpu.dma_semaphore, #tpu.memory_space<semaphore_mem>> -> memref<1x!tpu.dma_semaphore, #tpu.memory_space<semaphore_mem>>
    %dma_start3A_100 = tpu.memref_squeeze %dma_start3A_99 : memref<1x!tpu.dma_semaphore, #tpu.memory_space<semaphore_mem>> -> memref<!tpu.dma_semaphore, #tpu.memory_space<semaphore_mem>>
    tpu.enqueue_indirect_dma source(%dma_start3A_98 : memref<100000x64xf32, #tpu.memory_space<hbm>>) target(%dma_start3A_92 : memref<200x64xf32, #tpu.memory_space<vmem>>) offsets(%dma_start3A_95 : memref<200xi32, #tpu.memory_space<vmem>>) semaphore(%dma_start3A_100 : memref<!tpu.dma_semaphore, #tpu.memory_space<semaphore_mem>>) {add = true}
    %dma_start3A_101 = arith.constant 3 : i32
    %dma_start3A_102 = arith.constant 3 : i32
    %dma_start3A_103 = arith.constant 0 : i32
    %dma_start3A_104 = arith.constant 0 : i32
    %dma_start3A_105 = tpu.memref_slice %arg7[%dma_start3A_101, %dma_start3A_103, %dma_start3A_104] : memref<6x200x64xf32, #tpu.memory_space<vmem>> -> memref<1x200x64xf32, #tpu.memory_space<vmem>>
    %dma_start3A_106 = tpu.memref_squeeze %dma_start3A_105 : memref<1x200x64xf32, #tpu.memory_space<vmem>> -> memref<200x64xf32, #tpu.memory_space<vmem>>
    %dma_start3A_107 = tpu.memref_slice %arg10[%dma_start3A_102] : memref<6x!tpu.dma_semaphore, #tpu.memory_space<semaphore_mem>> -> memref<1x!tpu.dma_semaphore, #tpu.memory_space<semaphore_mem>>
    %dma_start3A_108 = tpu.memref_squeeze %dma_start3A_107 : memref<1x!tpu.dma_semaphore, #tpu.memory_space<semaphore_mem>> -> memref<!tpu.dma_semaphore, #tpu.memory_space<semaphore_mem>>
    %dma_start3A_109 = arith.constant 0 : i32
    %dma_start3A_110 = arith.constant 0 : i32
    %dma_start3A_111 = tpu.memref_slice %arg7[%dma_start3A_101, %dma_start3A_109, %dma_start3A_110] : memref<6x200x64xf32, #tpu.memory_space<vmem>> -> memref<1x200x64xf32, #tpu.memory_space<vmem>>
    %dma_start3A_112 = tpu.memref_squeeze %dma_start3A_111 : memref<1x200x64xf32, #tpu.memory_space<vmem>> -> memref<200x64xf32, #tpu.memory_space<vmem>>
    tpu.enqueue_dma source(%arg8 : memref<200x64xf32, #tpu.memory_space<vmem_shared>>) target(%dma_start3A_112 : memref<200x64xf32, #tpu.memory_space<vmem>>) target_semaphore(%dma_start3A_108 : memref<!tpu.dma_semaphore, #tpu.memory_space<semaphore_mem>>)
    %dma_wait3A_113 = arith.constant 2 : i32
    %dma_wait3A_114 = arith.constant 2 : i32
    %dma_wait3A_115 = arith.constant 0 : i32
    %dma_wait3A_116 = arith.constant 0 : i32
    %dma_wait3A_117 = tpu.memref_slice %arg7[%dma_wait3A_113, %dma_wait3A_115, %dma_wait3A_116] : memref<6x200x64xf32, #tpu.memory_space<vmem>> -> memref<1x200x64xf32, #tpu.memory_space<vmem>>
    %dma_wait3A_118 = tpu.memref_squeeze %dma_wait3A_117 : memref<1x200x64xf32, #tpu.memory_space<vmem>> -> memref<200x64xf32, #tpu.memory_space<vmem>>
    %dma_wait3A_119 = tpu.memref_slice %arg10[%dma_wait3A_114] : memref<6x!tpu.dma_semaphore, #tpu.memory_space<semaphore_mem>> -> memref<1x!tpu.dma_semaphore, #tpu.memory_space<semaphore_mem>>
    %dma_wait3A_120 = tpu.memref_squeeze %dma_wait3A_119 : memref<1x!tpu.dma_semaphore, #tpu.memory_space<semaphore_mem>> -> memref<!tpu.dma_semaphore, #tpu.memory_space<semaphore_mem>>
    %dma_wait3A_121 = arith.constant 0 : i32
    %dma_wait3A_122 = arith.constant 0 : i32
    %dma_wait3A_123 = tpu.memref_slice %arg7[%dma_wait3A_113, %dma_wait3A_121, %dma_wait3A_122] : memref<6x200x64xf32, #tpu.memory_space<vmem>> -> memref<1x200x64xf32, #tpu.memory_space<vmem>>
    %dma_wait3A_124 = tpu.memref_squeeze %dma_wait3A_123 : memref<1x200x64xf32, #tpu.memory_space<vmem>> -> memref<200x64xf32, #tpu.memory_space<vmem>>
    tpu.wait_dma2 semaphore(%dma_wait3A_120 : memref<!tpu.dma_semaphore, #tpu.memory_space<semaphore_mem>>) src(%arg8 : memref<200x64xf32, #tpu.memory_space<vmem_shared>>) dst(%dma_wait3A_124 : memref<200x64xf32, #tpu.memory_space<vmem>>)
    %dma_start3A_125 = arith.constant 2 : i32
    %dma_start3A_126 = arith.constant 2 : i32
    %dma_start3A_127 = arith.constant 2 : i32
    %dma_start3A_128 = arith.constant 0 : i32
    %dma_start3A_129 = arith.constant 0 : i32
    %dma_start3A_130 = tpu.memref_slice %arg7[%dma_start3A_126, %dma_start3A_128, %dma_start3A_129] : memref<6x200x64xf32, #tpu.memory_space<vmem>> -> memref<1x200x64xf32, #tpu.memory_space<vmem>>
    %dma_start3A_131 = tpu.memref_squeeze %dma_start3A_130 : memref<1x200x64xf32, #tpu.memory_space<vmem>> -> memref<200x64xf32, #tpu.memory_space<vmem>>
    %dma_start3A_132 = arith.constant 0 : i32
    %dma_start3A_133 = tpu.memref_slice %arg6[%dma_start3A_125, %dma_start3A_132] : memref<32x200xi32, #tpu.memory_space<vmem>> -> memref<1x200xi32, #tpu.memory_space<vmem>>
    %dma_start3A_134 = tpu.memref_squeeze %dma_start3A_133 : memref<1x200xi32, #tpu.memory_space<vmem>> -> memref<200xi32, #tpu.memory_space<vmem>>
    %dma_start3A_135 = arith.constant 0 : i32
    %dma_start3A_136 = arith.constant 0 : i32
    %dma_start3A_137 = tpu.memref_slice %arg4[%dma_start3A_135, %dma_start3A_136] : memref<100000x64xf32, #tpu.memory_space<hbm>> -> memref<100000x64xf32, #tpu.memory_space<hbm>>
    %dma_start3A_138 = tpu.memref_slice %arg11[%dma_start3A_127] : memref<6x!tpu.dma_semaphore, #tpu.memory_space<semaphore_mem>> -> memref<1x!tpu.dma_semaphore, #tpu.memory_space<semaphore_mem>>
    %dma_start3A_139 = tpu.memref_squeeze %dma_start3A_138 : memref<1x!tpu.dma_semaphore, #tpu.memory_space<semaphore_mem>> -> memref<!tpu.dma_semaphore, #tpu.memory_space<semaphore_mem>>
    tpu.enqueue_indirect_dma source(%dma_start3A_137 : memref<100000x64xf32, #tpu.memory_space<hbm>>) target(%dma_start3A_131 : memref<200x64xf32, #tpu.memory_space<vmem>>) offsets(%dma_start3A_134 : memref<200xi32, #tpu.memory_space<vmem>>) semaphore(%dma_start3A_139 : memref<!tpu.dma_semaphore, #tpu.memory_space<semaphore_mem>>) {add = true}
    %dma_start3A_140 = arith.constant 4 : i32
    %dma_start3A_141 = arith.constant 4 : i32
    %dma_start3A_142 = arith.constant 0 : i32
    %dma_start3A_143 = arith.constant 0 : i32
    %dma_start3A_144 = tpu.memref_slice %arg7[%dma_start3A_140, %dma_start3A_142, %dma_start3A_143] : memref<6x200x64xf32, #tpu.memory_space<vmem>> -> memref<1x200x64xf32, #tpu.memory_space<vmem>>
    %dma_start3A_145 = tpu.memref_squeeze %dma_start3A_144 : memref<1x200x64xf32, #tpu.memory_space<vmem>> -> memref<200x64xf32, #tpu.memory_space<vmem>>
    %dma_start3A_146 = tpu.memref_slice %arg10[%dma_start3A_141] : memref<6x!tpu.dma_semaphore, #tpu.memory_space<semaphore_mem>> -> memref<1x!tpu.dma_semaphore, #tpu.memory_space<semaphore_mem>>
    %dma_start3A_147 = tpu.memref_squeeze %dma_start3A_146 : memref<1x!tpu.dma_semaphore, #tpu.memory_space<semaphore_mem>> -> memref<!tpu.dma_semaphore, #tpu.memory_space<semaphore_mem>>
    %dma_start3A_148 = arith.constant 0 : i32
    %dma_start3A_149 = arith.constant 0 : i32
    %dma_start3A_150 = tpu.memref_slice %arg7[%dma_start3A_140, %dma_start3A_148, %dma_start3A_149] : memref<6x200x64xf32, #tpu.memory_space<vmem>> -> memref<1x200x64xf32, #tpu.memory_space<vmem>>
    %dma_start3A_151 = tpu.memref_squeeze %dma_start3A_150 : memref<1x200x64xf32, #tpu.memory_space<vmem>> -> memref<200x64xf32, #tpu.memory_space<vmem>>
    tpu.enqueue_dma source(%arg8 : memref<200x64xf32, #tpu.memory_space<vmem_shared>>) target(%dma_start3A_151 : memref<200x64xf32, #tpu.memory_space<vmem>>) target_semaphore(%dma_start3A_147 : memref<!tpu.dma_semaphore, #tpu.memory_space<semaphore_mem>>)
    %dma_wait3A_152 = arith.constant 3 : i32
    %dma_wait3A_153 = arith.constant 3 : i32
    %dma_wait3A_154 = arith.constant 0 : i32
    %dma_wait3A_155 = arith.constant 0 : i32
    %dma_wait3A_156 = tpu.memref_slice %arg7[%dma_wait3A_152, %dma_wait3A_154, %dma_wait3A_155] : memref<6x200x64xf32, #tpu.memory_space<vmem>> -> memref<1x200x64xf32, #tpu.memory_space<vmem>>
    %dma_wait3A_157 = tpu.memref_squeeze %dma_wait3A_156 : memref<1x200x64xf32, #tpu.memory_space<vmem>> -> memref<200x64xf32, #tpu.memory_space<vmem>>
    %dma_wait3A_158 = tpu.memref_slice %arg10[%dma_wait3A_153] : memref<6x!tpu.dma_semaphore, #tpu.memory_space<semaphore_mem>> -> memref<1x!tpu.dma_semaphore, #tpu.memory_space<semaphore_mem>>
    %dma_wait3A_159 = tpu.memref_squeeze %dma_wait3A_158 : memref<1x!tpu.dma_semaphore, #tpu.memory_space<semaphore_mem>> -> memref<!tpu.dma_semaphore, #tpu.memory_space<semaphore_mem>>
    %dma_wait3A_160 = arith.constant 0 : i32
    %dma_wait3A_161 = arith.constant 0 : i32
    %dma_wait3A_162 = tpu.memref_slice %arg7[%dma_wait3A_152, %dma_wait3A_160, %dma_wait3A_161] : memref<6x200x64xf32, #tpu.memory_space<vmem>> -> memref<1x200x64xf32, #tpu.memory_space<vmem>>
    %dma_wait3A_163 = tpu.memref_squeeze %dma_wait3A_162 : memref<1x200x64xf32, #tpu.memory_space<vmem>> -> memref<200x64xf32, #tpu.memory_space<vmem>>
    tpu.wait_dma2 semaphore(%dma_wait3A_159 : memref<!tpu.dma_semaphore, #tpu.memory_space<semaphore_mem>>) src(%arg8 : memref<200x64xf32, #tpu.memory_space<vmem_shared>>) dst(%dma_wait3A_163 : memref<200x64xf32, #tpu.memory_space<vmem>>)
    %dma_start3A_164 = arith.constant 3 : i32
    %dma_start3A_165 = arith.constant 3 : i32
    %dma_start3A_166 = arith.constant 3 : i32
    %dma_start3A_167 = arith.constant 0 : i32
    %dma_start3A_168 = arith.constant 0 : i32
    %dma_start3A_169 = tpu.memref_slice %arg7[%dma_start3A_165, %dma_start3A_167, %dma_start3A_168] : memref<6x200x64xf32, #tpu.memory_space<vmem>> -> memref<1x200x64xf32, #tpu.memory_space<vmem>>
    %dma_start3A_170 = tpu.memref_squeeze %dma_start3A_169 : memref<1x200x64xf32, #tpu.memory_space<vmem>> -> memref<200x64xf32, #tpu.memory_space<vmem>>
    %dma_start3A_171 = arith.constant 0 : i32
    %dma_start3A_172 = tpu.memref_slice %arg6[%dma_start3A_164, %dma_start3A_171] : memref<32x200xi32, #tpu.memory_space<vmem>> -> memref<1x200xi32, #tpu.memory_space<vmem>>
    %dma_start3A_173 = tpu.memref_squeeze %dma_start3A_172 : memref<1x200xi32, #tpu.memory_space<vmem>> -> memref<200xi32, #tpu.memory_space<vmem>>
    %dma_start3A_174 = arith.constant 0 : i32
    %dma_start3A_175 = arith.constant 0 : i32
    %dma_start3A_176 = tpu.memref_slice %arg4[%dma_start3A_174, %dma_start3A_175] : memref<100000x64xf32, #tpu.memory_space<hbm>> -> memref<100000x64xf32, #tpu.memory_space<hbm>>
    %dma_start3A_177 = tpu.memref_slice %arg11[%dma_start3A_166] : memref<6x!tpu.dma_semaphore, #tpu.memory_space<semaphore_mem>> -> memref<1x!tpu.dma_semaphore, #tpu.memory_space<semaphore_mem>>
    %dma_start3A_178 = tpu.memref_squeeze %dma_start3A_177 : memref<1x!tpu.dma_semaphore, #tpu.memory_space<semaphore_mem>> -> memref<!tpu.dma_semaphore, #tpu.memory_space<semaphore_mem>>
    tpu.enqueue_indirect_dma source(%dma_start3A_176 : memref<100000x64xf32, #tpu.memory_space<hbm>>) target(%dma_start3A_170 : memref<200x64xf32, #tpu.memory_space<vmem>>) offsets(%dma_start3A_173 : memref<200xi32, #tpu.memory_space<vmem>>) semaphore(%dma_start3A_178 : memref<!tpu.dma_semaphore, #tpu.memory_space<semaphore_mem>>) {add = true}
    %dma_wait3A_179 = arith.constant 0 : i32
    %dma_wait3A_180 = arith.constant 0 : i32
    %dma_wait3A_181 = arith.constant 0 : i32
    %dma_wait3A_182 = arith.constant 0 : i32
    %dma_wait3A_183 = arith.constant 0 : i32
    %dma_wait3A_184 = tpu.memref_slice %arg7[%dma_wait3A_180, %dma_wait3A_182, %dma_wait3A_183] : memref<6x200x64xf32, #tpu.memory_space<vmem>> -> memref<1x200x64xf32, #tpu.memory_space<vmem>>
    %dma_wait3A_185 = tpu.memref_squeeze %dma_wait3A_184 : memref<1x200x64xf32, #tpu.memory_space<vmem>> -> memref<200x64xf32, #tpu.memory_space<vmem>>
    %dma_wait3A_186 = arith.constant 0 : i32
    %dma_wait3A_187 = tpu.memref_slice %arg6[%dma_wait3A_179, %dma_wait3A_186] : memref<32x200xi32, #tpu.memory_space<vmem>> -> memref<1x200xi32, #tpu.memory_space<vmem>>
    %dma_wait3A_188 = tpu.memref_squeeze %dma_wait3A_187 : memref<1x200xi32, #tpu.memory_space<vmem>> -> memref<200xi32, #tpu.memory_space<vmem>>
    %dma_wait3A_189 = arith.constant 0 : i32
    %dma_wait3A_190 = arith.constant 0 : i32
    %dma_wait3A_191 = tpu.memref_slice %arg4[%dma_wait3A_189, %dma_wait3A_190] : memref<100000x64xf32, #tpu.memory_space<hbm>> -> memref<100000x64xf32, #tpu.memory_space<hbm>>
    %dma_wait3A_192 = tpu.memref_slice %arg11[%dma_wait3A_181] : memref<6x!tpu.dma_semaphore, #tpu.memory_space<semaphore_mem>> -> memref<1x!tpu.dma_semaphore, #tpu.memory_space<semaphore_mem>>
    %dma_wait3A_193 = tpu.memref_squeeze %dma_wait3A_192 : memref<1x!tpu.dma_semaphore, #tpu.memory_space<semaphore_mem>> -> memref<!tpu.dma_semaphore, #tpu.memory_space<semaphore_mem>>
    tpu.wait_indirect_dma semaphore(%dma_wait3A_193 : memref<!tpu.dma_semaphore, #tpu.memory_space<semaphore_mem>>) src(%dma_wait3A_191 : memref<100000x64xf32, #tpu.memory_space<hbm>>) dst(%dma_wait3A_185 : memref<200x64xf32, #tpu.memory_space<vmem>>)
    %add3A_194 = arith.constant 0 : i32
    %add3A_195 = arith.addi %mul3A_2, %add3A_194 : i32
    %dma_start3A_196 = arith.constant 0 : i32
    %dma_start3A_197 = arith.constant 0 : i32
    %dma_start3A_198 = arith.constant 0 : i32
    %dma_start3A_199 = arith.constant 0 : i32
    %dma_start3A_200 = tpu.memref_slice %arg7[%dma_start3A_196, %dma_start3A_198, %dma_start3A_199] : memref<6x200x64xf32, #tpu.memory_space<vmem>> -> memref<1x200x64xf32, #tpu.memory_space<vmem>>
    %dma_start3A_201 = tpu.memref_squeeze %dma_start3A_200 : memref<1x200x64xf32, #tpu.memory_space<vmem>> -> memref<200x64xf32, #tpu.memory_space<vmem>>
    %dma_start3A_202 = arith.constant 0 : i32
    %dma_start3A_203 = arith.constant 0 : i32
    %dma_start3A_204 = tpu.memref_slice %arg5[%add3A_195, %dma_start3A_202, %dma_start3A_203] : memref<1024x200x128xf32, #tpu.memory_space<hbm>> -> memref<1x200x64xf32, #tpu.memory_space<hbm>>
    %dma_start3A_205 = tpu.memref_squeeze %dma_start3A_204 : memref<1x200x64xf32, #tpu.memory_space<hbm>> -> memref<200x64xf32, #tpu.memory_space<hbm>>
    %dma_start3A_206 = tpu.memref_slice %arg12[%dma_start3A_197] : memref<6x!tpu.dma_semaphore, #tpu.memory_space<semaphore_mem>> -> memref<1x!tpu.dma_semaphore, #tpu.memory_space<semaphore_mem>>
    %dma_start3A_207 = tpu.memref_squeeze %dma_start3A_206 : memref<1x!tpu.dma_semaphore, #tpu.memory_space<semaphore_mem>> -> memref<!tpu.dma_semaphore, #tpu.memory_space<semaphore_mem>>
    %dma_start3A_208 = arith.constant 0 : i32
    %dma_start3A_209 = arith.constant 0 : i32
    %dma_start3A_210 = tpu.memref_slice %arg5[%add3A_195, %dma_start3A_208, %dma_start3A_209] : memref<1024x200x128xf32, #tpu.memory_space<hbm>> -> memref<1x200x64xf32, #tpu.memory_space<hbm>>
    %dma_start3A_211 = tpu.memref_squeeze %dma_start3A_210 : memref<1x200x64xf32, #tpu.memory_space<hbm>> -> memref<200x64xf32, #tpu.memory_space<hbm>>
    %dma_start3A_212 = arith.constant 0 : i32
    %dma_start3A_213 = arith.constant 0 : i32
    %dma_start3A_214 = tpu.memref_slice %arg7[%dma_start3A_196, %dma_start3A_212, %dma_start3A_213] : memref<6x200x64xf32, #tpu.memory_space<vmem>> -> memref<1x200x64xf32, #tpu.memory_space<vmem>>
    %dma_start3A_215 = tpu.memref_squeeze %dma_start3A_214 : memref<1x200x64xf32, #tpu.memory_space<vmem>> -> memref<200x64xf32, #tpu.memory_space<vmem>>
    tpu.enqueue_dma source(%dma_start3A_215 : memref<200x64xf32, #tpu.memory_space<vmem>>) target(%dma_start3A_211 : memref<200x64xf32, #tpu.memory_space<hbm>>) target_semaphore(%dma_start3A_207 : memref<!tpu.dma_semaphore, #tpu.memory_space<semaphore_mem>>)
    %dma_start3A_216 = arith.constant 5 : i32
    %dma_start3A_217 = arith.constant 5 : i32
    %dma_start3A_218 = arith.constant 0 : i32
    %dma_start3A_219 = arith.constant 0 : i32
    %dma_start3A_220 = tpu.memref_slice %arg7[%dma_start3A_216, %dma_start3A_218, %dma_start3A_219] : memref<6x200x64xf32, #tpu.memory_space<vmem>> -> memref<1x200x64xf32, #tpu.memory_space<vmem>>
    %dma_start3A_221 = tpu.memref_squeeze %dma_start3A_220 : memref<1x200x64xf32, #tpu.memory_space<vmem>> -> memref<200x64xf32, #tpu.memory_space<vmem>>
    %dma_start3A_222 = tpu.memref_slice %arg10[%dma_start3A_217] : memref<6x!tpu.dma_semaphore, #tpu.memory_space<semaphore_mem>> -> memref<1x!tpu.dma_semaphore, #tpu.memory_space<semaphore_mem>>
    %dma_start3A_223 = tpu.memref_squeeze %dma_start3A_222 : memref<1x!tpu.dma_semaphore, #tpu.memory_space<semaphore_mem>> -> memref<!tpu.dma_semaphore, #tpu.memory_space<semaphore_mem>>
    %dma_start3A_224 = arith.constant 0 : i32
    %dma_start3A_225 = arith.constant 0 : i32
    %dma_start3A_226 = tpu.memref_slice %arg7[%dma_start3A_216, %dma_start3A_224, %dma_start3A_225] : memref<6x200x64xf32, #tpu.memory_space<vmem>> -> memref<1x200x64xf32, #tpu.memory_space<vmem>>
    %dma_start3A_227 = tpu.memref_squeeze %dma_start3A_226 : memref<1x200x64xf32, #tpu.memory_space<vmem>> -> memref<200x64xf32, #tpu.memory_space<vmem>>
    tpu.enqueue_dma source(%arg8 : memref<200x64xf32, #tpu.memory_space<vmem_shared>>) target(%dma_start3A_227 : memref<200x64xf32, #tpu.memory_space<vmem>>) target_semaphore(%dma_start3A_223 : memref<!tpu.dma_semaphore, #tpu.memory_space<semaphore_mem>>)
    %dma_wait3A_228 = arith.constant 4 : i32
    %dma_wait3A_229 = arith.constant 4 : i32
    %dma_wait3A_230 = arith.constant 0 : i32
    %dma_wait3A_231 = arith.constant 0 : i32
    %dma_wait3A_232 = tpu.memref_slice %arg7[%dma_wait3A_228, %dma_wait3A_230, %dma_wait3A_231] : memref<6x200x64xf32, #tpu.memory_space<vmem>> -> memref<1x200x64xf32, #tpu.memory_space<vmem>>
    %dma_wait3A_233 = tpu.memref_squeeze %dma_wait3A_232 : memref<1x200x64xf32, #tpu.memory_space<vmem>> -> memref<200x64xf32, #tpu.memory_space<vmem>>
    %dma_wait3A_234 = tpu.memref_slice %arg10[%dma_wait3A_229] : memref<6x!tpu.dma_semaphore, #tpu.memory_space<semaphore_mem>> -> memref<1x!tpu.dma_semaphore, #tpu.memory_space<semaphore_mem>>
    %dma_wait3A_235 = tpu.memref_squeeze %dma_wait3A_234 : memref<1x!tpu.dma_semaphore, #tpu.memory_space<semaphore_mem>> -> memref<!tpu.dma_semaphore, #tpu.memory_space<semaphore_mem>>
    %dma_wait3A_236 = arith.constant 0 : i32
    %dma_wait3A_237 = arith.constant 0 : i32
    %dma_wait3A_238 = tpu.memref_slice %arg7[%dma_wait3A_228, %dma_wait3A_236, %dma_wait3A_237] : memref<6x200x64xf32, #tpu.memory_space<vmem>> -> memref<1x200x64xf32, #tpu.memory_space<vmem>>
    %dma_wait3A_239 = tpu.memref_squeeze %dma_wait3A_238 : memref<1x200x64xf32, #tpu.memory_space<vmem>> -> memref<200x64xf32, #tpu.memory_space<vmem>>
    tpu.wait_dma2 semaphore(%dma_wait3A_235 : memref<!tpu.dma_semaphore, #tpu.memory_space<semaphore_mem>>) src(%arg8 : memref<200x64xf32, #tpu.memory_space<vmem_shared>>) dst(%dma_wait3A_239 : memref<200x64xf32, #tpu.memory_space<vmem>>)
    %dma_start3A_240 = arith.constant 4 : i32
    %dma_start3A_241 = arith.constant 4 : i32
    %dma_start3A_242 = arith.constant 4 : i32
    %dma_start3A_243 = arith.constant 0 : i32
    %dma_start3A_244 = arith.constant 0 : i32
    %dma_start3A_245 = tpu.memref_slice %arg7[%dma_start3A_241, %dma_start3A_243, %dma_start3A_244] : memref<6x200x64xf32, #tpu.memory_space<vmem>> -> memref<1x200x64xf32, #tpu.memory_space<vmem>>
    %dma_start3A_246 = tpu.memref_squeeze %dma_start3A_245 : memref<1x200x64xf32, #tpu.memory_space<vmem>> -> memref<200x64xf32, #tpu.memory_space<vmem>>
    %dma_start3A_247 = arith.constant 0 : i32
    %dma_start3A_248 = tpu.memref_slice %arg6[%dma_start3A_240, %dma_start3A_247] : memref<32x200xi32, #tpu.memory_space<vmem>> -> memref<1x200xi32, #tpu.memory_space<vmem>>
    %dma_start3A_249 = tpu.memref_squeeze %dma_start3A_248 : memref<1x200xi32, #tpu.memory_space<vmem>> -> memref<200xi32, #tpu.memory_space<vmem>>
    %dma_start3A_250 = arith.constant 0 : i32
    %dma_start3A_251 = arith.constant 0 : i32
    %dma_start3A_252 = tpu.memref_slice %arg4[%dma_start3A_250, %dma_start3A_251] : memref<100000x64xf32, #tpu.memory_space<hbm>> -> memref<100000x64xf32, #tpu.memory_space<hbm>>
    %dma_start3A_253 = tpu.memref_slice %arg11[%dma_start3A_242] : memref<6x!tpu.dma_semaphore, #tpu.memory_space<semaphore_mem>> -> memref<1x!tpu.dma_semaphore, #tpu.memory_space<semaphore_mem>>
    %dma_start3A_254 = tpu.memref_squeeze %dma_start3A_253 : memref<1x!tpu.dma_semaphore, #tpu.memory_space<semaphore_mem>> -> memref<!tpu.dma_semaphore, #tpu.memory_space<semaphore_mem>>
    tpu.enqueue_indirect_dma source(%dma_start3A_252 : memref<100000x64xf32, #tpu.memory_space<hbm>>) target(%dma_start3A_246 : memref<200x64xf32, #tpu.memory_space<vmem>>) offsets(%dma_start3A_249 : memref<200xi32, #tpu.memory_space<vmem>>) semaphore(%dma_start3A_254 : memref<!tpu.dma_semaphore, #tpu.memory_space<semaphore_mem>>) {add = true}
    %dma_wait3A_255 = arith.constant 1 : i32
    %dma_wait3A_256 = arith.constant 1 : i32
    %dma_wait3A_257 = arith.constant 1 : i32
    %dma_wait3A_258 = arith.constant 0 : i32
    %dma_wait3A_259 = arith.constant 0 : i32
    %dma_wait3A_260 = tpu.memref_slice %arg7[%dma_wait3A_256, %dma_wait3A_258, %dma_wait3A_259] : memref<6x200x64xf32, #tpu.memory_space<vmem>> -> memref<1x200x64xf32, #tpu.memory_space<vmem>>
    %dma_wait3A_261 = tpu.memref_squeeze %dma_wait3A_260 : memref<1x200x64xf32, #tpu.memory_space<vmem>> -> memref<200x64xf32, #tpu.memory_space<vmem>>
    %dma_wait3A_262 = arith.constant 0 : i32
    %dma_wait3A_263 = tpu.memref_slice %arg6[%dma_wait3A_255, %dma_wait3A_262] : memref<32x200xi32, #tpu.memory_space<vmem>> -> memref<1x200xi32, #tpu.memory_space<vmem>>
    %dma_wait3A_264 = tpu.memref_squeeze %dma_wait3A_263 : memref<1x200xi32, #tpu.memory_space<vmem>> -> memref<200xi32, #tpu.memory_space<vmem>>
    %dma_wait3A_265 = arith.constant 0 : i32
    %dma_wait3A_266 = arith.constant 0 : i32
    %dma_wait3A_267 = tpu.memref_slice %arg4[%dma_wait3A_265, %dma_wait3A_266] : memref<100000x64xf32, #tpu.memory_space<hbm>> -> memref<100000x64xf32, #tpu.memory_space<hbm>>
    %dma_wait3A_268 = tpu.memref_slice %arg11[%dma_wait3A_257] : memref<6x!tpu.dma_semaphore, #tpu.memory_space<semaphore_mem>> -> memref<1x!tpu.dma_semaphore, #tpu.memory_space<semaphore_mem>>
    %dma_wait3A_269 = tpu.memref_squeeze %dma_wait3A_268 : memref<1x!tpu.dma_semaphore, #tpu.memory_space<semaphore_mem>> -> memref<!tpu.dma_semaphore, #tpu.memory_space<semaphore_mem>>
    tpu.wait_indirect_dma semaphore(%dma_wait3A_269 : memref<!tpu.dma_semaphore, #tpu.memory_space<semaphore_mem>>) src(%dma_wait3A_267 : memref<100000x64xf32, #tpu.memory_space<hbm>>) dst(%dma_wait3A_261 : memref<200x64xf32, #tpu.memory_space<vmem>>)
    %add3A_270 = arith.constant 1 : i32
    %add3A_271 = arith.addi %mul3A_2, %add3A_270 : i32
    %dma_start3A_272 = arith.constant 1 : i32
    %dma_start3A_273 = arith.constant 1 : i32
    %dma_start3A_274 = arith.constant 0 : i32
    %dma_start3A_275 = arith.constant 0 : i32
    %dma_start3A_276 = tpu.memref_slice %arg7[%dma_start3A_272, %dma_start3A_274, %dma_start3A_275] : memref<6x200x64xf32, #tpu.memory_space<vmem>> -> memref<1x200x64xf32, #tpu.memory_space<vmem>>
    %dma_start3A_277 = tpu.memref_squeeze %dma_start3A_276 : memref<1x200x64xf32, #tpu.memory_space<vmem>> -> memref<200x64xf32, #tpu.memory_space<vmem>>
    %dma_start3A_278 = arith.constant 0 : i32
    %dma_start3A_279 = arith.constant 0 : i32
    %dma_start3A_280 = tpu.memref_slice %arg5[%add3A_271, %dma_start3A_278, %dma_start3A_279] : memref<1024x200x128xf32, #tpu.memory_space<hbm>> -> memref<1x200x64xf32, #tpu.memory_space<hbm>>
    %dma_start3A_281 = tpu.memref_squeeze %dma_start3A_280 : memref<1x200x64xf32, #tpu.memory_space<hbm>> -> memref<200x64xf32, #tpu.memory_space<hbm>>
    %dma_start3A_282 = tpu.memref_slice %arg12[%dma_start3A_273] : memref<6x!tpu.dma_semaphore, #tpu.memory_space<semaphore_mem>> -> memref<1x!tpu.dma_semaphore, #tpu.memory_space<semaphore_mem>>
    %dma_start3A_283 = tpu.memref_squeeze %dma_start3A_282 : memref<1x!tpu.dma_semaphore, #tpu.memory_space<semaphore_mem>> -> memref<!tpu.dma_semaphore, #tpu.memory_space<semaphore_mem>>
    %dma_start3A_284 = arith.constant 0 : i32
    %dma_start3A_285 = arith.constant 0 : i32
    %dma_start3A_286 = tpu.memref_slice %arg5[%add3A_271, %dma_start3A_284, %dma_start3A_285] : memref<1024x200x128xf32, #tpu.memory_space<hbm>> -> memref<1x200x64xf32, #tpu.memory_space<hbm>>
    %dma_start3A_287 = tpu.memref_squeeze %dma_start3A_286 : memref<1x200x64xf32, #tpu.memory_space<hbm>> -> memref<200x64xf32, #tpu.memory_space<hbm>>
    %dma_start3A_288 = arith.constant 0 : i32
    %dma_start3A_289 = arith.constant 0 : i32
    %dma_start3A_290 = tpu.memref_slice %arg7[%dma_start3A_272, %dma_start3A_288, %dma_start3A_289] : memref<6x200x64xf32, #tpu.memory_space<vmem>> -> memref<1x200x64xf32, #tpu.memory_space<vmem>>
    %dma_start3A_291 = tpu.memref_squeeze %dma_start3A_290 : memref<1x200x64xf32, #tpu.memory_space<vmem>> -> memref<200x64xf32, #tpu.memory_space<vmem>>
    tpu.enqueue_dma source(%dma_start3A_291 : memref<200x64xf32, #tpu.memory_space<vmem>>) target(%dma_start3A_287 : memref<200x64xf32, #tpu.memory_space<hbm>>) target_semaphore(%dma_start3A_283 : memref<!tpu.dma_semaphore, #tpu.memory_space<semaphore_mem>>)
    %dma_wait3A_292 = arith.constant 0 : i32
    %dma_wait3A_293 = arith.constant 0 : i32
    %dma_wait3A_294 = arith.constant 0 : i32
    %dma_wait3A_295 = arith.constant 0 : i32
    %dma_wait3A_296 = tpu.memref_slice %arg7[%dma_wait3A_292, %dma_wait3A_294, %dma_wait3A_295] : memref<6x200x64xf32, #tpu.memory_space<vmem>> -> memref<1x200x64xf32, #tpu.memory_space<vmem>>
    %dma_wait3A_297 = tpu.memref_squeeze %dma_wait3A_296 : memref<1x200x64xf32, #tpu.memory_space<vmem>> -> memref<200x64xf32, #tpu.memory_space<vmem>>
    %dma_wait3A_298 = arith.constant 0 : i32
    %dma_wait3A_299 = arith.constant 0 : i32
    %dma_wait3A_300 = tpu.memref_slice %arg5[%add3A_195, %dma_wait3A_298, %dma_wait3A_299] : memref<1024x200x128xf32, #tpu.memory_space<hbm>> -> memref<1x200x64xf32, #tpu.memory_space<hbm>>
    %dma_wait3A_301 = tpu.memref_squeeze %dma_wait3A_300 : memref<1x200x64xf32, #tpu.memory_space<hbm>> -> memref<200x64xf32, #tpu.memory_space<hbm>>
    %dma_wait3A_302 = tpu.memref_slice %arg12[%dma_wait3A_293] : memref<6x!tpu.dma_semaphore, #tpu.memory_space<semaphore_mem>> -> memref<1x!tpu.dma_semaphore, #tpu.memory_space<semaphore_mem>>
    %dma_wait3A_303 = tpu.memref_squeeze %dma_wait3A_302 : memref<1x!tpu.dma_semaphore, #tpu.memory_space<semaphore_mem>> -> memref<!tpu.dma_semaphore, #tpu.memory_space<semaphore_mem>>
    %dma_wait3A_304 = arith.constant 0 : i32
    %dma_wait3A_305 = arith.constant 0 : i32
    %dma_wait3A_306 = tpu.memref_slice %arg5[%add3A_195, %dma_wait3A_304, %dma_wait3A_305] : memref<1024x200x128xf32, #tpu.memory_space<hbm>> -> memref<1x200x64xf32, #tpu.memory_space<hbm>>
    %dma_wait3A_307 = tpu.memref_squeeze %dma_wait3A_306 : memref<1x200x64xf32, #tpu.memory_space<hbm>> -> memref<200x64xf32, #tpu.memory_space<hbm>>
    %dma_wait3A_308 = arith.constant 0 : i32
    %dma_wait3A_309 = arith.constant 0 : i32
    %dma_wait3A_310 = tpu.memref_slice %arg7[%dma_wait3A_292, %dma_wait3A_308, %dma_wait3A_309] : memref<6x200x64xf32, #tpu.memory_space<vmem>> -> memref<1x200x64xf32, #tpu.memory_space<vmem>>
    %dma_wait3A_311 = tpu.memref_squeeze %dma_wait3A_310 : memref<1x200x64xf32, #tpu.memory_space<vmem>> -> memref<200x64xf32, #tpu.memory_space<vmem>>
    tpu.wait_dma2 semaphore(%dma_wait3A_303 : memref<!tpu.dma_semaphore, #tpu.memory_space<semaphore_mem>>) src(%dma_wait3A_311 : memref<200x64xf32, #tpu.memory_space<vmem>>) dst(%dma_wait3A_307 : memref<200x64xf32, #tpu.memory_space<hbm>>)
    %dma_start3A_312 = arith.constant 0 : i32
    %dma_start3A_313 = arith.constant 0 : i32
    %dma_start3A_314 = arith.constant 0 : i32
    %dma_start3A_315 = arith.constant 0 : i32
    %dma_start3A_316 = tpu.memref_slice %arg7[%dma_start3A_312, %dma_start3A_314, %dma_start3A_315] : memref<6x200x64xf32, #tpu.memory_space<vmem>> -> memref<1x200x64xf32, #tpu.memory_space<vmem>>
    %dma_start3A_317 = tpu.memref_squeeze %dma_start3A_316 : memref<1x200x64xf32, #tpu.memory_space<vmem>> -> memref<200x64xf32, #tpu.memory_space<vmem>>
    %dma_start3A_318 = tpu.memref_slice %arg10[%dma_start3A_313] : memref<6x!tpu.dma_semaphore, #tpu.memory_space<semaphore_mem>> -> memref<1x!tpu.dma_semaphore, #tpu.memory_space<semaphore_mem>>
    %dma_start3A_319 = tpu.memref_squeeze %dma_start3A_318 : memref<1x!tpu.dma_semaphore, #tpu.memory_space<semaphore_mem>> -> memref<!tpu.dma_semaphore, #tpu.memory_space<semaphore_mem>>
    %dma_start3A_320 = arith.constant 0 : i32
    %dma_start3A_321 = arith.constant 0 : i32
    %dma_start3A_322 = tpu.memref_slice %arg7[%dma_start3A_312, %dma_start3A_320, %dma_start3A_321] : memref<6x200x64xf32, #tpu.memory_space<vmem>> -> memref<1x200x64xf32, #tpu.memory_space<vmem>>
    %dma_start3A_323 = tpu.memref_squeeze %dma_start3A_322 : memref<1x200x64xf32, #tpu.memory_space<vmem>> -> memref<200x64xf32, #tpu.memory_space<vmem>>
    tpu.enqueue_dma source(%arg8 : memref<200x64xf32, #tpu.memory_space<vmem_shared>>) target(%dma_start3A_323 : memref<200x64xf32, #tpu.memory_space<vmem>>) target_semaphore(%dma_start3A_319 : memref<!tpu.dma_semaphore, #tpu.memory_space<semaphore_mem>>)
    %dma_wait3A_324 = arith.constant 5 : i32
    %dma_wait3A_325 = arith.constant 5 : i32
    %dma_wait3A_326 = arith.constant 0 : i32
    %dma_wait3A_327 = arith.constant 0 : i32
    %dma_wait3A_328 = tpu.memref_slice %arg7[%dma_wait3A_324, %dma_wait3A_326, %dma_wait3A_327] : memref<6x200x64xf32, #tpu.memory_space<vmem>> -> memref<1x200x64xf32, #tpu.memory_space<vmem>>
    %dma_wait3A_329 = tpu.memref_squeeze %dma_wait3A_328 : memref<1x200x64xf32, #tpu.memory_space<vmem>> -> memref<200x64xf32, #tpu.memory_space<vmem>>
    %dma_wait3A_330 = tpu.memref_slice %arg10[%dma_wait3A_325] : memref<6x!tpu.dma_semaphore, #tpu.memory_space<semaphore_mem>> -> memref<1x!tpu.dma_semaphore, #tpu.memory_space<semaphore_mem>>
    %dma_wait3A_331 = tpu.memref_squeeze %dma_wait3A_330 : memref<1x!tpu.dma_semaphore, #tpu.memory_space<semaphore_mem>> -> memref<!tpu.dma_semaphore, #tpu.memory_space<semaphore_mem>>
    %dma_wait3A_332 = arith.constant 0 : i32
    %dma_wait3A_333 = arith.constant 0 : i32
    %dma_wait3A_334 = tpu.memref_slice %arg7[%dma_wait3A_324, %dma_wait3A_332, %dma_wait3A_333] : memref<6x200x64xf32, #tpu.memory_space<vmem>> -> memref<1x200x64xf32, #tpu.memory_space<vmem>>
    %dma_wait3A_335 = tpu.memref_squeeze %dma_wait3A_334 : memref<1x200x64xf32, #tpu.memory_space<vmem>> -> memref<200x64xf32, #tpu.memory_space<vmem>>
    tpu.wait_dma2 semaphore(%dma_wait3A_331 : memref<!tpu.dma_semaphore, #tpu.memory_space<semaphore_mem>>) src(%arg8 : memref<200x64xf32, #tpu.memory_space<vmem_shared>>) dst(%dma_wait3A_335 : memref<200x64xf32, #tpu.memory_space<vmem>>)
    %dma_start3A_336 = arith.constant 5 : i32
    %dma_start3A_337 = arith.constant 5 : i32
    %dma_start3A_338 = arith.constant 5 : i32
    %dma_start3A_339 = arith.constant 0 : i32
    %dma_start3A_340 = arith.constant 0 : i32
    %dma_start3A_341 = tpu.memref_slice %arg7[%dma_start3A_337, %dma_start3A_339, %dma_start3A_340] : memref<6x200x64xf32, #tpu.memory_space<vmem>> -> memref<1x200x64xf32, #tpu.memory_space<vmem>>
    %dma_start3A_342 = tpu.memref_squeeze %dma_start3A_341 : memref<1x200x64xf32, #tpu.memory_space<vmem>> -> memref<200x64xf32, #tpu.memory_space<vmem>>
    %dma_start3A_343 = arith.constant 0 : i32
    %dma_start3A_344 = tpu.memref_slice %arg6[%dma_start3A_336, %dma_start3A_343] : memref<32x200xi32, #tpu.memory_space<vmem>> -> memref<1x200xi32, #tpu.memory_space<vmem>>
    %dma_start3A_345 = tpu.memref_squeeze %dma_start3A_344 : memref<1x200xi32, #tpu.memory_space<vmem>> -> memref<200xi32, #tpu.memory_space<vmem>>
    %dma_start3A_346 = arith.constant 0 : i32
    %dma_start3A_347 = arith.constant 0 : i32
    %dma_start3A_348 = tpu.memref_slice %arg4[%dma_start3A_346, %dma_start3A_347] : memref<100000x64xf32, #tpu.memory_space<hbm>> -> memref<100000x64xf32, #tpu.memory_space<hbm>>
    %dma_start3A_349 = tpu.memref_slice %arg11[%dma_start3A_338] : memref<6x!tpu.dma_semaphore, #tpu.memory_space<semaphore_mem>> -> memref<1x!tpu.dma_semaphore, #tpu.memory_space<semaphore_mem>>
    %dma_start3A_350 = tpu.memref_squeeze %dma_start3A_349 : memref<1x!tpu.dma_semaphore, #tpu.memory_space<semaphore_mem>> -> memref<!tpu.dma_semaphore, #tpu.memory_space<semaphore_mem>>
    tpu.enqueue_indirect_dma source(%dma_start3A_348 : memref<100000x64xf32, #tpu.memory_space<hbm>>) target(%dma_start3A_342 : memref<200x64xf32, #tpu.memory_space<vmem>>) offsets(%dma_start3A_345 : memref<200xi32, #tpu.memory_space<vmem>>) semaphore(%dma_start3A_350 : memref<!tpu.dma_semaphore, #tpu.memory_space<semaphore_mem>>) {add = true}
    %dma_wait3A_351 = arith.constant 2 : i32
    %dma_wait3A_352 = arith.constant 2 : i32
    %dma_wait3A_353 = arith.constant 2 : i32
    %dma_wait3A_354 = arith.constant 0 : i32
    %dma_wait3A_355 = arith.constant 0 : i32
    %dma_wait3A_356 = tpu.memref_slice %arg7[%dma_wait3A_352, %dma_wait3A_354, %dma_wait3A_355] : memref<6x200x64xf32, #tpu.memory_space<vmem>> -> memref<1x200x64xf32, #tpu.memory_space<vmem>>
    %dma_wait3A_357 = tpu.memref_squeeze %dma_wait3A_356 : memref<1x200x64xf32, #tpu.memory_space<vmem>> -> memref<200x64xf32, #tpu.memory_space<vmem>>
    %dma_wait3A_358 = arith.constant 0 : i32
    %dma_wait3A_359 = tpu.memref_slice %arg6[%dma_wait3A_351, %dma_wait3A_358] : memref<32x200xi32, #tpu.memory_space<vmem>> -> memref<1x200xi32, #tpu.memory_space<vmem>>
    %dma_wait3A_360 = tpu.memref_squeeze %dma_wait3A_359 : memref<1x200xi32, #tpu.memory_space<vmem>> -> memref<200xi32, #tpu.memory_space<vmem>>
    %dma_wait3A_361 = arith.constant 0 : i32
    %dma_wait3A_362 = arith.constant 0 : i32
    %dma_wait3A_363 = tpu.memref_slice %arg4[%dma_wait3A_361, %dma_wait3A_362] : memref<100000x64xf32, #tpu.memory_space<hbm>> -> memref<100000x64xf32, #tpu.memory_space<hbm>>
    %dma_wait3A_364 = tpu.memref_slice %arg11[%dma_wait3A_353] : memref<6x!tpu.dma_semaphore, #tpu.memory_space<semaphore_mem>> -> memref<1x!tpu.dma_semaphore, #tpu.memory_space<semaphore_mem>>
    %dma_wait3A_365 = tpu.memref_squeeze %dma_wait3A_364 : memref<1x!tpu.dma_semaphore, #tpu.memory_space<semaphore_mem>> -> memref<!tpu.dma_semaphore, #tpu.memory_space<semaphore_mem>>
    tpu.wait_indirect_dma semaphore(%dma_wait3A_365 : memref<!tpu.dma_semaphore, #tpu.memory_space<semaphore_mem>>) src(%dma_wait3A_363 : memref<100000x64xf32, #tpu.memory_space<hbm>>) dst(%dma_wait3A_357 : memref<200x64xf32, #tpu.memory_space<vmem>>)
    %add3A_366 = arith.constant 2 : i32
    %add3A_367 = arith.addi %mul3A_2, %add3A_366 : i32
    %dma_start3A_368 = arith.constant 2 : i32
    %dma_start3A_369 = arith.constant 2 : i32
    %dma_start3A_370 = arith.constant 0 : i32
    %dma_start3A_371 = arith.constant 0 : i32
    %dma_start3A_372 = tpu.memref_slice %arg7[%dma_start3A_368, %dma_start3A_370, %dma_start3A_371] : memref<6x200x64xf32, #tpu.memory_space<vmem>> -> memref<1x200x64xf32, #tpu.memory_space<vmem>>
    %dma_start3A_373 = tpu.memref_squeeze %dma_start3A_372 : memref<1x200x64xf32, #tpu.memory_space<vmem>> -> memref<200x64xf32, #tpu.memory_space<vmem>>
    %dma_start3A_374 = arith.constant 0 : i32
    %dma_start3A_375 = arith.constant 0 : i32
    %dma_start3A_376 = tpu.memref_slice %arg5[%add3A_367, %dma_start3A_374, %dma_start3A_375] : memref<1024x200x128xf32, #tpu.memory_space<hbm>> -> memref<1x200x64xf32, #tpu.memory_space<hbm>>
    %dma_start3A_377 = tpu.memref_squeeze %dma_start3A_376 : memref<1x200x64xf32, #tpu.memory_space<hbm>> -> memref<200x64xf32, #tpu.memory_space<hbm>>
    %dma_start3A_378 = tpu.memref_slice %arg12[%dma_start3A_369] : memref<6x!tpu.dma_semaphore, #tpu.memory_space<semaphore_mem>> -> memref<1x!tpu.dma_semaphore, #tpu.memory_space<semaphore_mem>>
    %dma_start3A_379 = tpu.memref_squeeze %dma_start3A_378 : memref<1x!tpu.dma_semaphore, #tpu.memory_space<semaphore_mem>> -> memref<!tpu.dma_semaphore, #tpu.memory_space<semaphore_mem>>
    %dma_start3A_380 = arith.constant 0 : i32
    %dma_start3A_381 = arith.constant 0 : i32
    %dma_start3A_382 = tpu.memref_slice %arg5[%add3A_367, %dma_start3A_380, %dma_start3A_381] : memref<1024x200x128xf32, #tpu.memory_space<hbm>> -> memref<1x200x64xf32, #tpu.memory_space<hbm>>
    %dma_start3A_383 = tpu.memref_squeeze %dma_start3A_382 : memref<1x200x64xf32, #tpu.memory_space<hbm>> -> memref<200x64xf32, #tpu.memory_space<hbm>>
    %dma_start3A_384 = arith.constant 0 : i32
    %dma_start3A_385 = arith.constant 0 : i32
    %dma_start3A_386 = tpu.memref_slice %arg7[%dma_start3A_368, %dma_start3A_384, %dma_start3A_385] : memref<6x200x64xf32, #tpu.memory_space<vmem>> -> memref<1x200x64xf32, #tpu.memory_space<vmem>>
    %dma_start3A_387 = tpu.memref_squeeze %dma_start3A_386 : memref<1x200x64xf32, #tpu.memory_space<vmem>> -> memref<200x64xf32, #tpu.memory_space<vmem>>
    tpu.enqueue_dma source(%dma_start3A_387 : memref<200x64xf32, #tpu.memory_space<vmem>>) target(%dma_start3A_383 : memref<200x64xf32, #tpu.memory_space<hbm>>) target_semaphore(%dma_start3A_379 : memref<!tpu.dma_semaphore, #tpu.memory_space<semaphore_mem>>)
    %dma_wait3A_388 = arith.constant 1 : i32
    %dma_wait3A_389 = arith.constant 1 : i32
    %dma_wait3A_390 = arith.constant 0 : i32
    %dma_wait3A_391 = arith.constant 0 : i32
    %dma_wait3A_392 = tpu.memref_slice %arg7[%dma_wait3A_388, %dma_wait3A_390, %dma_wait3A_391] : memref<6x200x64xf32, #tpu.memory_space<vmem>> -> memref<1x200x64xf32, #tpu.memory_space<vmem>>
    %dma_wait3A_393 = tpu.memref_squeeze %dma_wait3A_392 : memref<1x200x64xf32, #tpu.memory_space<vmem>> -> memref<200x64xf32, #tpu.memory_space<vmem>>
    %dma_wait3A_394 = arith.constant 0 : i32
    %dma_wait3A_395 = arith.constant 0 : i32
    %dma_wait3A_396 = tpu.memref_slice %arg5[%add3A_271, %dma_wait3A_394, %dma_wait3A_395] : memref<1024x200x128xf32, #tpu.memory_space<hbm>> -> memref<1x200x64xf32, #tpu.memory_space<hbm>>
    %dma_wait3A_397 = tpu.memref_squeeze %dma_wait3A_396 : memref<1x200x64xf32, #tpu.memory_space<hbm>> -> memref<200x64xf32, #tpu.memory_space<hbm>>
    %dma_wait3A_398 = tpu.memref_slice %arg12[%dma_wait3A_389] : memref<6x!tpu.dma_semaphore, #tpu.memory_space<semaphore_mem>> -> memref<1x!tpu.dma_semaphore, #tpu.memory_space<semaphore_mem>>
    %dma_wait3A_399 = tpu.memref_squeeze %dma_wait3A_398 : memref<1x!tpu.dma_semaphore, #tpu.memory_space<semaphore_mem>> -> memref<!tpu.dma_semaphore, #tpu.memory_space<semaphore_mem>>
    %dma_wait3A_400 = arith.constant 0 : i32
    %dma_wait3A_401 = arith.constant 0 : i32
    %dma_wait3A_402 = tpu.memref_slice %arg5[%add3A_271, %dma_wait3A_400, %dma_wait3A_401] : memref<1024x200x128xf32, #tpu.memory_space<hbm>> -> memref<1x200x64xf32, #tpu.memory_space<hbm>>
    %dma_wait3A_403 = tpu.memref_squeeze %dma_wait3A_402 : memref<1x200x64xf32, #tpu.memory_space<hbm>> -> memref<200x64xf32, #tpu.memory_space<hbm>>
    %dma_wait3A_404 = arith.constant 0 : i32
    %dma_wait3A_405 = arith.constant 0 : i32
    %dma_wait3A_406 = tpu.memref_slice %arg7[%dma_wait3A_388, %dma_wait3A_404, %dma_wait3A_405] : memref<6x200x64xf32, #tpu.memory_space<vmem>> -> memref<1x200x64xf32, #tpu.memory_space<vmem>>
    %dma_wait3A_407 = tpu.memref_squeeze %dma_wait3A_406 : memref<1x200x64xf32, #tpu.memory_space<vmem>> -> memref<200x64xf32, #tpu.memory_space<vmem>>
    tpu.wait_dma2 semaphore(%dma_wait3A_399 : memref<!tpu.dma_semaphore, #tpu.memory_space<semaphore_mem>>) src(%dma_wait3A_407 : memref<200x64xf32, #tpu.memory_space<vmem>>) dst(%dma_wait3A_403 : memref<200x64xf32, #tpu.memory_space<hbm>>)
    %dma_start3A_408 = arith.constant 1 : i32
    %dma_start3A_409 = arith.constant 1 : i32
    %dma_start3A_410 = arith.constant 0 : i32
    %dma_start3A_411 = arith.constant 0 : i32
    %dma_start3A_412 = tpu.memref_slice %arg7[%dma_start3A_408, %dma_start3A_410, %dma_start3A_411] : memref<6x200x64xf32, #tpu.memory_space<vmem>> -> memref<1x200x64xf32, #tpu.memory_space<vmem>>
    %dma_start3A_413 = tpu.memref_squeeze %dma_start3A_412 : memref<1x200x64xf32, #tpu.memory_space<vmem>> -> memref<200x64xf32, #tpu.memory_space<vmem>>
    %dma_start3A_414 = tpu.memref_slice %arg10[%dma_start3A_409] : memref<6x!tpu.dma_semaphore, #tpu.memory_space<semaphore_mem>> -> memref<1x!tpu.dma_semaphore, #tpu.memory_space<semaphore_mem>>
    %dma_start3A_415 = tpu.memref_squeeze %dma_start3A_414 : memref<1x!tpu.dma_semaphore, #tpu.memory_space<semaphore_mem>> -> memref<!tpu.dma_semaphore, #tpu.memory_space<semaphore_mem>>
    %dma_start3A_416 = arith.constant 0 : i32
    %dma_start3A_417 = arith.constant 0 : i32
    %dma_start3A_418 = tpu.memref_slice %arg7[%dma_start3A_408, %dma_start3A_416, %dma_start3A_417] : memref<6x200x64xf32, #tpu.memory_space<vmem>> -> memref<1x200x64xf32, #tpu.memory_space<vmem>>
    %dma_start3A_419 = tpu.memref_squeeze %dma_start3A_418 : memref<1x200x64xf32, #tpu.memory_space<vmem>> -> memref<200x64xf32, #tpu.memory_space<vmem>>
    tpu.enqueue_dma source(%arg8 : memref<200x64xf32, #tpu.memory_space<vmem_shared>>) target(%dma_start3A_419 : memref<200x64xf32, #tpu.memory_space<vmem>>) target_semaphore(%dma_start3A_415 : memref<!tpu.dma_semaphore, #tpu.memory_space<semaphore_mem>>)
    %dma_wait3A_420 = arith.constant 0 : i32
    %dma_wait3A_421 = arith.constant 0 : i32
    %dma_wait3A_422 = arith.constant 0 : i32
    %dma_wait3A_423 = arith.constant 0 : i32
    %dma_wait3A_424 = tpu.memref_slice %arg7[%dma_wait3A_420, %dma_wait3A_422, %dma_wait3A_423] : memref<6x200x64xf32, #tpu.memory_space<vmem>> -> memref<1x200x64xf32, #tpu.memory_space<vmem>>
    %dma_wait3A_425 = tpu.memref_squeeze %dma_wait3A_424 : memref<1x200x64xf32, #tpu.memory_space<vmem>> -> memref<200x64xf32, #tpu.memory_space<vmem>>
    %dma_wait3A_426 = tpu.memref_slice %arg10[%dma_wait3A_421] : memref<6x!tpu.dma_semaphore, #tpu.memory_space<semaphore_mem>> -> memref<1x!tpu.dma_semaphore, #tpu.memory_space<semaphore_mem>>
    %dma_wait3A_427 = tpu.memref_squeeze %dma_wait3A_426 : memref<1x!tpu.dma_semaphore, #tpu.memory_space<semaphore_mem>> -> memref<!tpu.dma_semaphore, #tpu.memory_space<semaphore_mem>>
    %dma_wait3A_428 = arith.constant 0 : i32
    %dma_wait3A_429 = arith.constant 0 : i32
    %dma_wait3A_430 = tpu.memref_slice %arg7[%dma_wait3A_420, %dma_wait3A_428, %dma_wait3A_429] : memref<6x200x64xf32, #tpu.memory_space<vmem>> -> memref<1x200x64xf32, #tpu.memory_space<vmem>>
    %dma_wait3A_431 = tpu.memref_squeeze %dma_wait3A_430 : memref<1x200x64xf32, #tpu.memory_space<vmem>> -> memref<200x64xf32, #tpu.memory_space<vmem>>
    tpu.wait_dma2 semaphore(%dma_wait3A_427 : memref<!tpu.dma_semaphore, #tpu.memory_space<semaphore_mem>>) src(%arg8 : memref<200x64xf32, #tpu.memory_space<vmem_shared>>) dst(%dma_wait3A_431 : memref<200x64xf32, #tpu.memory_space<vmem>>)
    %dma_start3A_432 = arith.constant 6 : i32
    %dma_start3A_433 = arith.constant 0 : i32
    %dma_start3A_434 = arith.constant 0 : i32
    %dma_start3A_435 = arith.constant 0 : i32
    %dma_start3A_436 = arith.constant 0 : i32
    %dma_start3A_437 = tpu.memref_slice %arg7[%dma_start3A_433, %dma_start3A_435, %dma_start3A_436] : memref<6x200x64xf32, #tpu.memory_space<vmem>> -> memref<1x200x64xf32, #tpu.memory_space<vmem>>
    %dma_start3A_438 = tpu.memref_squeeze %dma_start3A_437 : memref<1x200x64xf32, #tpu.memory_space<vmem>> -> memref<200x64xf32, #tpu.memory_space<vmem>>
    %dma_start3A_439 = arith.constant 0 : i32
    %dma_start3A_440 = tpu.memref_slice %arg6[%dma_start3A_432, %dma_start3A_439] : memref<32x200xi32, #tpu.memory_space<vmem>> -> memref<1x200xi32, #tpu.memory_space<vmem>>
    %dma_start3A_441 = tpu.memref_squeeze %dma_start3A_440 : memref<1x200xi32, #tpu.memory_space<vmem>> -> memref<200xi32, #tpu.memory_space<vmem>>
    %dma_start3A_442 = arith.constant 0 : i32
    %dma_start3A_443 = arith.constant 0 : i32
    %dma_start3A_444 = tpu.memref_slice %arg4[%dma_start3A_442, %dma_start3A_443] : memref<100000x64xf32, #tpu.memory_space<hbm>> -> memref<100000x64xf32, #tpu.memory_space<hbm>>
    %dma_start3A_445 = tpu.memref_slice %arg11[%dma_start3A_434] : memref<6x!tpu.dma_semaphore, #tpu.memory_space<semaphore_mem>> -> memref<1x!tpu.dma_semaphore, #tpu.memory_space<semaphore_mem>>
    %dma_start3A_446 = tpu.memref_squeeze %dma_start3A_445 : memref<1x!tpu.dma_semaphore, #tpu.memory_space<semaphore_mem>> -> memref<!tpu.dma_semaphore, #tpu.memory_space<semaphore_mem>>
    tpu.enqueue_indirect_dma source(%dma_start3A_444 : memref<100000x64xf32, #tpu.memory_space<hbm>>) target(%dma_start3A_438 : memref<200x64xf32, #tpu.memory_space<vmem>>) offsets(%dma_start3A_441 : memref<200xi32, #tpu.memory_space<vmem>>) semaphore(%dma_start3A_446 : memref<!tpu.dma_semaphore, #tpu.memory_space<semaphore_mem>>) {add = true}
    %dma_wait3A_447 = arith.constant 3 : i32
    %dma_wait3A_448 = arith.constant 3 : i32
    %dma_wait3A_449 = arith.constant 3 : i32
    %dma_wait3A_450 = arith.constant 0 : i32
    %dma_wait3A_451 = arith.constant 0 : i32
    %dma_wait3A_452 = tpu.memref_slice %arg7[%dma_wait3A_448, %dma_wait3A_450, %dma_wait3A_451] : memref<6x200x64xf32, #tpu.memory_space<vmem>> -> memref<1x200x64xf32, #tpu.memory_space<vmem>>
    %dma_wait3A_453 = tpu.memref_squeeze %dma_wait3A_452 : memref<1x200x64xf32, #tpu.memory_space<vmem>> -> memref<200x64xf32, #tpu.memory_space<vmem>>
    %dma_wait3A_454 = arith.constant 0 : i32
    %dma_wait3A_455 = tpu.memref_slice %arg6[%dma_wait3A_447, %dma_wait3A_454] : memref<32x200xi32, #tpu.memory_space<vmem>> -> memref<1x200xi32, #tpu.memory_space<vmem>>
    %dma_wait3A_456 = tpu.memref_squeeze %dma_wait3A_455 : memref<1x200xi32, #tpu.memory_space<vmem>> -> memref<200xi32, #tpu.memory_space<vmem>>
    %dma_wait3A_457 = arith.constant 0 : i32
    %dma_wait3A_458 = arith.constant 0 : i32
    %dma_wait3A_459 = tpu.memref_slice %arg4[%dma_wait3A_457, %dma_wait3A_458] : memref<100000x64xf32, #tpu.memory_space<hbm>> -> memref<100000x64xf32, #tpu.memory_space<hbm>>
    %dma_wait3A_460 = tpu.memref_slice %arg11[%dma_wait3A_449] : memref<6x!tpu.dma_semaphore, #tpu.memory_space<semaphore_mem>> -> memref<1x!tpu.dma_semaphore, #tpu.memory_space<semaphore_mem>>
    %dma_wait3A_461 = tpu.memref_squeeze %dma_wait3A_460 : memref<1x!tpu.dma_semaphore, #tpu.memory_space<semaphore_mem>> -> memref<!tpu.dma_semaphore, #tpu.memory_space<semaphore_mem>>
    tpu.wait_indirect_dma semaphore(%dma_wait3A_461 : memref<!tpu.dma_semaphore, #tpu.memory_space<semaphore_mem>>) src(%dma_wait3A_459 : memref<100000x64xf32, #tpu.memory_space<hbm>>) dst(%dma_wait3A_453 : memref<200x64xf32, #tpu.memory_space<vmem>>)
    %add3A_462 = arith.constant 3 : i32
    %add3A_463 = arith.addi %mul3A_2, %add3A_462 : i32
    %dma_start3A_464 = arith.constant 3 : i32
    %dma_start3A_465 = arith.constant 3 : i32
    %dma_start3A_466 = arith.constant 0 : i32
    %dma_start3A_467 = arith.constant 0 : i32
    %dma_start3A_468 = tpu.memref_slice %arg7[%dma_start3A_464, %dma_start3A_466, %dma_start3A_467] : memref<6x200x64xf32, #tpu.memory_space<vmem>> -> memref<1x200x64xf32, #tpu.memory_space<vmem>>
    %dma_start3A_469 = tpu.memref_squeeze %dma_start3A_468 : memref<1x200x64xf32, #tpu.memory_space<vmem>> -> memref<200x64xf32, #tpu.memory_space<vmem>>
    %dma_start3A_470 = arith.constant 0 : i32
    %dma_start3A_471 = arith.constant 0 : i32
    %dma_start3A_472 = tpu.memref_slice %arg5[%add3A_463, %dma_start3A_470, %dma_start3A_471] : memref<1024x200x128xf32, #tpu.memory_space<hbm>> -> memref<1x200x64xf32, #tpu.memory_space<hbm>>
    %dma_start3A_473 = tpu.memref_squeeze %dma_start3A_472 : memref<1x200x64xf32, #tpu.memory_space<hbm>> -> memref<200x64xf32, #tpu.memory_space<hbm>>
    %dma_start3A_474 = tpu.memref_slice %arg12[%dma_start3A_465] : memref<6x!tpu.dma_semaphore, #tpu.memory_space<semaphore_mem>> -> memref<1x!tpu.dma_semaphore, #tpu.memory_space<semaphore_mem>>
    %dma_start3A_475 = tpu.memref_squeeze %dma_start3A_474 : memref<1x!tpu.dma_semaphore, #tpu.memory_space<semaphore_mem>> -> memref<!tpu.dma_semaphore, #tpu.memory_space<semaphore_mem>>
    %dma_start3A_476 = arith.constant 0 : i32
    %dma_start3A_477 = arith.constant 0 : i32
    %dma_start3A_478 = tpu.memref_slice %arg5[%add3A_463, %dma_start3A_476, %dma_start3A_477] : memref<1024x200x128xf32, #tpu.memory_space<hbm>> -> memref<1x200x64xf32, #tpu.memory_space<hbm>>
    %dma_start3A_479 = tpu.memref_squeeze %dma_start3A_478 : memref<1x200x64xf32, #tpu.memory_space<hbm>> -> memref<200x64xf32, #tpu.memory_space<hbm>>
    %dma_start3A_480 = arith.constant 0 : i32
    %dma_start3A_481 = arith.constant 0 : i32
    %dma_start3A_482 = tpu.memref_slice %arg7[%dma_start3A_464, %dma_start3A_480, %dma_start3A_481] : memref<6x200x64xf32, #tpu.memory_space<vmem>> -> memref<1x200x64xf32, #tpu.memory_space<vmem>>
    %dma_start3A_483 = tpu.memref_squeeze %dma_start3A_482 : memref<1x200x64xf32, #tpu.memory_space<vmem>> -> memref<200x64xf32, #tpu.memory_space<vmem>>
    tpu.enqueue_dma source(%dma_start3A_483 : memref<200x64xf32, #tpu.memory_space<vmem>>) target(%dma_start3A_479 : memref<200x64xf32, #tpu.memory_space<hbm>>) target_semaphore(%dma_start3A_475 : memref<!tpu.dma_semaphore, #tpu.memory_space<semaphore_mem>>)
    %dma_wait3A_484 = arith.constant 2 : i32
    %dma_wait3A_485 = arith.constant 2 : i32
    %dma_wait3A_486 = arith.constant 0 : i32
    %dma_wait3A_487 = arith.constant 0 : i32
    %dma_wait3A_488 = tpu.memref_slice %arg7[%dma_wait3A_484, %dma_wait3A_486, %dma_wait3A_487] : memref<6x200x64xf32, #tpu.memory_space<vmem>> -> memref<1x200x64xf32, #tpu.memory_space<vmem>>
    %dma_wait3A_489 = tpu.memref_squeeze %dma_wait3A_488 : memref<1x200x64xf32, #tpu.memory_space<vmem>> -> memref<200x64xf32, #tpu.memory_space<vmem>>
    %dma_wait3A_490 = arith.constant 0 : i32
    %dma_wait3A_491 = arith.constant 0 : i32
    %dma_wait3A_492 = tpu.memref_slice %arg5[%add3A_367, %dma_wait3A_490, %dma_wait3A_491] : memref<1024x200x128xf32, #tpu.memory_space<hbm>> -> memref<1x200x64xf32, #tpu.memory_space<hbm>>
    %dma_wait3A_493 = tpu.memref_squeeze %dma_wait3A_492 : memref<1x200x64xf32, #tpu.memory_space<hbm>> -> memref<200x64xf32, #tpu.memory_space<hbm>>
    %dma_wait3A_494 = tpu.memref_slice %arg12[%dma_wait3A_485] : memref<6x!tpu.dma_semaphore, #tpu.memory_space<semaphore_mem>> -> memref<1x!tpu.dma_semaphore, #tpu.memory_space<semaphore_mem>>
    %dma_wait3A_495 = tpu.memref_squeeze %dma_wait3A_494 : memref<1x!tpu.dma_semaphore, #tpu.memory_space<semaphore_mem>> -> memref<!tpu.dma_semaphore, #tpu.memory_space<semaphore_mem>>
    %dma_wait3A_496 = arith.constant 0 : i32
    %dma_wait3A_497 = arith.constant 0 : i32
    %dma_wait3A_498 = tpu.memref_slice %arg5[%add3A_367, %dma_wait3A_496, %dma_wait3A_497] : memref<1024x200x128xf32, #tpu.memory_space<hbm>> -> memref<1x200x64xf32, #tpu.memory_space<hbm>>
    %dma_wait3A_499 = tpu.memref_squeeze %dma_wait3A_498 : memref<1x200x64xf32, #tpu.memory_space<hbm>> -> memref<200x64xf32, #tpu.memory_space<hbm>>
    %dma_wait3A_500 = arith.constant 0 : i32
    %dma_wait3A_501 = arith.constant 0 : i32
    %dma_wait3A_502 = tpu.memref_slice %arg7[%dma_wait3A_484, %dma_wait3A_500, %dma_wait3A_501] : memref<6x200x64xf32, #tpu.memory_space<vmem>> -> memref<1x200x64xf32, #tpu.memory_space<vmem>>
    %dma_wait3A_503 = tpu.memref_squeeze %dma_wait3A_502 : memref<1x200x64xf32, #tpu.memory_space<vmem>> -> memref<200x64xf32, #tpu.memory_space<vmem>>
    tpu.wait_dma2 semaphore(%dma_wait3A_495 : memref<!tpu.dma_semaphore, #tpu.memory_space<semaphore_mem>>) src(%dma_wait3A_503 : memref<200x64xf32, #tpu.memory_space<vmem>>) dst(%dma_wait3A_499 : memref<200x64xf32, #tpu.memory_space<hbm>>)
    %dma_start3A_504 = arith.constant 2 : i32
    %dma_start3A_505 = arith.constant 2 : i32
    %dma_start3A_506 = arith.constant 0 : i32
    %dma_start3A_507 = arith.constant 0 : i32
    %dma_start3A_508 = tpu.memref_slice %arg7[%dma_start3A_504, %dma_start3A_506, %dma_start3A_507] : memref<6x200x64xf32, #tpu.memory_space<vmem>> -> memref<1x200x64xf32, #tpu.memory_space<vmem>>
    %dma_start3A_509 = tpu.memref_squeeze %dma_start3A_508 : memref<1x200x64xf32, #tpu.memory_space<vmem>> -> memref<200x64xf32, #tpu.memory_space<vmem>>
    %dma_start3A_510 = tpu.memref_slice %arg10[%dma_start3A_505] : memref<6x!tpu.dma_semaphore, #tpu.memory_space<semaphore_mem>> -> memref<1x!tpu.dma_semaphore, #tpu.memory_space<semaphore_mem>>
    %dma_start3A_511 = tpu.memref_squeeze %dma_start3A_510 : memref<1x!tpu.dma_semaphore, #tpu.memory_space<semaphore_mem>> -> memref<!tpu.dma_semaphore, #tpu.memory_space<semaphore_mem>>
    %dma_start3A_512 = arith.constant 0 : i32
    %dma_start3A_513 = arith.constant 0 : i32
    %dma_start3A_514 = tpu.memref_slice %arg7[%dma_start3A_504, %dma_start3A_512, %dma_start3A_513] : memref<6x200x64xf32, #tpu.memory_space<vmem>> -> memref<1x200x64xf32, #tpu.memory_space<vmem>>
    %dma_start3A_515 = tpu.memref_squeeze %dma_start3A_514 : memref<1x200x64xf32, #tpu.memory_space<vmem>> -> memref<200x64xf32, #tpu.memory_space<vmem>>
    tpu.enqueue_dma source(%arg8 : memref<200x64xf32, #tpu.memory_space<vmem_shared>>) target(%dma_start3A_515 : memref<200x64xf32, #tpu.memory_space<vmem>>) target_semaphore(%dma_start3A_511 : memref<!tpu.dma_semaphore, #tpu.memory_space<semaphore_mem>>)
    %dma_wait3A_516 = arith.constant 1 : i32
    %dma_wait3A_517 = arith.constant 1 : i32
    %dma_wait3A_518 = arith.constant 0 : i32
    %dma_wait3A_519 = arith.constant 0 : i32
    %dma_wait3A_520 = tpu.memref_slice %arg7[%dma_wait3A_516, %dma_wait3A_518, %dma_wait3A_519] : memref<6x200x64xf32, #tpu.memory_space<vmem>> -> memref<1x200x64xf32, #tpu.memory_space<vmem>>
    %dma_wait3A_521 = tpu.memref_squeeze %dma_wait3A_520 : memref<1x200x64xf32, #tpu.memory_space<vmem>> -> memref<200x64xf32, #tpu.memory_space<vmem>>
    %dma_wait3A_522 = tpu.memref_slice %arg10[%dma_wait3A_517] : memref<6x!tpu.dma_semaphore, #tpu.memory_space<semaphore_mem>> -> memref<1x!tpu.dma_semaphore, #tpu.memory_space<semaphore_mem>>
    %dma_wait3A_523 = tpu.memref_squeeze %dma_wait3A_522 : memref<1x!tpu.dma_semaphore, #tpu.memory_space<semaphore_mem>> -> memref<!tpu.dma_semaphore, #tpu.memory_space<semaphore_mem>>
    %dma_wait3A_524 = arith.constant 0 : i32
    %dma_wait3A_525 = arith.constant 0 : i32
    %dma_wait3A_526 = tpu.memref_slice %arg7[%dma_wait3A_516, %dma_wait3A_524, %dma_wait3A_525] : memref<6x200x64xf32, #tpu.memory_space<vmem>> -> memref<1x200x64xf32, #tpu.memory_space<vmem>>
    %dma_wait3A_527 = tpu.memref_squeeze %dma_wait3A_526 : memref<1x200x64xf32, #tpu.memory_space<vmem>> -> memref<200x64xf32, #tpu.memory_space<vmem>>
    tpu.wait_dma2 semaphore(%dma_wait3A_523 : memref<!tpu.dma_semaphore, #tpu.memory_space<semaphore_mem>>) src(%arg8 : memref<200x64xf32, #tpu.memory_space<vmem_shared>>) dst(%dma_wait3A_527 : memref<200x64xf32, #tpu.memory_space<vmem>>)
    %dma_start3A_528 = arith.constant 7 : i32
    %dma_start3A_529 = arith.constant 1 : i32
    %dma_start3A_530 = arith.constant 1 : i32
    %dma_start3A_531 = arith.constant 0 : i32
    %dma_start3A_532 = arith.constant 0 : i32
    %dma_start3A_533 = tpu.memref_slice %arg7[%dma_start3A_529, %dma_start3A_531, %dma_start3A_532] : memref<6x200x64xf32, #tpu.memory_space<vmem>> -> memref<1x200x64xf32, #tpu.memory_space<vmem>>
    %dma_start3A_534 = tpu.memref_squeeze %dma_start3A_533 : memref<1x200x64xf32, #tpu.memory_space<vmem>> -> memref<200x64xf32, #tpu.memory_space<vmem>>
    %dma_start3A_535 = arith.constant 0 : i32
    %dma_start3A_536 = tpu.memref_slice %arg6[%dma_start3A_528, %dma_start3A_535] : memref<32x200xi32, #tpu.memory_space<vmem>> -> memref<1x200xi32, #tpu.memory_space<vmem>>
    %dma_start3A_537 = tpu.memref_squeeze %dma_start3A_536 : memref<1x200xi32, #tpu.memory_space<vmem>> -> memref<200xi32, #tpu.memory_space<vmem>>
    %dma_start3A_538 = arith.constant 0 : i32
    %dma_start3A_539 = arith.constant 0 : i32
    %dma_start3A_540 = tpu.memref_slice %arg4[%dma_start3A_538, %dma_start3A_539] : memref<100000x64xf32, #tpu.memory_space<hbm>> -> memref<100000x64xf32, #tpu.memory_space<hbm>>
    %dma_start3A_541 = tpu.memref_slice %arg11[%dma_start3A_530] : memref<6x!tpu.dma_semaphore, #tpu.memory_space<semaphore_mem>> -> memref<1x!tpu.dma_semaphore, #tpu.memory_space<semaphore_mem>>
    %dma_start3A_542 = tpu.memref_squeeze %dma_start3A_541 : memref<1x!tpu.dma_semaphore, #tpu.memory_space<semaphore_mem>> -> memref<!tpu.dma_semaphore, #tpu.memory_space<semaphore_mem>>
    tpu.enqueue_indirect_dma source(%dma_start3A_540 : memref<100000x64xf32, #tpu.memory_space<hbm>>) target(%dma_start3A_534 : memref<200x64xf32, #tpu.memory_space<vmem>>) offsets(%dma_start3A_537 : memref<200xi32, #tpu.memory_space<vmem>>) semaphore(%dma_start3A_542 : memref<!tpu.dma_semaphore, #tpu.memory_space<semaphore_mem>>) {add = true}
    %dma_wait3A_543 = arith.constant 4 : i32
    %dma_wait3A_544 = arith.constant 4 : i32
    %dma_wait3A_545 = arith.constant 4 : i32
    %dma_wait3A_546 = arith.constant 0 : i32
    %dma_wait3A_547 = arith.constant 0 : i32
    %dma_wait3A_548 = tpu.memref_slice %arg7[%dma_wait3A_544, %dma_wait3A_546, %dma_wait3A_547] : memref<6x200x64xf32, #tpu.memory_space<vmem>> -> memref<1x200x64xf32, #tpu.memory_space<vmem>>
    %dma_wait3A_549 = tpu.memref_squeeze %dma_wait3A_548 : memref<1x200x64xf32, #tpu.memory_space<vmem>> -> memref<200x64xf32, #tpu.memory_space<vmem>>
    %dma_wait3A_550 = arith.constant 0 : i32
    %dma_wait3A_551 = tpu.memref_slice %arg6[%dma_wait3A_543, %dma_wait3A_550] : memref<32x200xi32, #tpu.memory_space<vmem>> -> memref<1x200xi32, #tpu.memory_space<vmem>>
    %dma_wait3A_552 = tpu.memref_squeeze %dma_wait3A_551 : memref<1x200xi32, #tpu.memory_space<vmem>> -> memref<200xi32, #tpu.memory_space<vmem>>
    %dma_wait3A_553 = arith.constant 0 : i32
    %dma_wait3A_554 = arith.constant 0 : i32
    %dma_wait3A_555 = tpu.memref_slice %arg4[%dma_wait3A_553, %dma_wait3A_554] : memref<100000x64xf32, #tpu.memory_space<hbm>> -> memref<100000x64xf32, #tpu.memory_space<hbm>>
    %dma_wait3A_556 = tpu.memref_slice %arg11[%dma_wait3A_545] : memref<6x!tpu.dma_semaphore, #tpu.memory_space<semaphore_mem>> -> memref<1x!tpu.dma_semaphore, #tpu.memory_space<semaphore_mem>>
    %dma_wait3A_557 = tpu.memref_squeeze %dma_wait3A_556 : memref<1x!tpu.dma_semaphore, #tpu.memory_space<semaphore_mem>> -> memref<!tpu.dma_semaphore, #tpu.memory_space<semaphore_mem>>
    tpu.wait_indirect_dma semaphore(%dma_wait3A_557 : memref<!tpu.dma_semaphore, #tpu.memory_space<semaphore_mem>>) src(%dma_wait3A_555 : memref<100000x64xf32, #tpu.memory_space<hbm>>) dst(%dma_wait3A_549 : memref<200x64xf32, #tpu.memory_space<vmem>>)
    %add3A_558 = arith.constant 4 : i32
    %add3A_559 = arith.addi %mul3A_2, %add3A_558 : i32
    %dma_start3A_560 = arith.constant 4 : i32
    %dma_start3A_561 = arith.constant 4 : i32
    %dma_start3A_562 = arith.constant 0 : i32
    %dma_start3A_563 = arith.constant 0 : i32
    %dma_start3A_564 = tpu.memref_slice %arg7[%dma_start3A_560, %dma_start3A_562, %dma_start3A_563] : memref<6x200x64xf32, #tpu.memory_space<vmem>> -> memref<1x200x64xf32, #tpu.memory_space<vmem>>
    %dma_start3A_565 = tpu.memref_squeeze %dma_start3A_564 : memref<1x200x64xf32, #tpu.memory_space<vmem>> -> memref<200x64xf32, #tpu.memory_space<vmem>>
    %dma_start3A_566 = arith.constant 0 : i32
    %dma_start3A_567 = arith.constant 0 : i32
    %dma_start3A_568 = tpu.memref_slice %arg5[%add3A_559, %dma_start3A_566, %dma_start3A_567] : memref<1024x200x128xf32, #tpu.memory_space<hbm>> -> memref<1x200x64xf32, #tpu.memory_space<hbm>>
    %dma_start3A_569 = tpu.memref_squeeze %dma_start3A_568 : memref<1x200x64xf32, #tpu.memory_space<hbm>> -> memref<200x64xf32, #tpu.memory_space<hbm>>
    %dma_start3A_570 = tpu.memref_slice %arg12[%dma_start3A_561] : memref<6x!tpu.dma_semaphore, #tpu.memory_space<semaphore_mem>> -> memref<1x!tpu.dma_semaphore, #tpu.memory_space<semaphore_mem>>
    %dma_start3A_571 = tpu.memref_squeeze %dma_start3A_570 : memref<1x!tpu.dma_semaphore, #tpu.memory_space<semaphore_mem>> -> memref<!tpu.dma_semaphore, #tpu.memory_space<semaphore_mem>>
    %dma_start3A_572 = arith.constant 0 : i32
    %dma_start3A_573 = arith.constant 0 : i32
    %dma_start3A_574 = tpu.memref_slice %arg5[%add3A_559, %dma_start3A_572, %dma_start3A_573] : memref<1024x200x128xf32, #tpu.memory_space<hbm>> -> memref<1x200x64xf32, #tpu.memory_space<hbm>>
    %dma_start3A_575 = tpu.memref_squeeze %dma_start3A_574 : memref<1x200x64xf32, #tpu.memory_space<hbm>> -> memref<200x64xf32, #tpu.memory_space<hbm>>
    %dma_start3A_576 = arith.constant 0 : i32
    %dma_start3A_577 = arith.constant 0 : i32
    %dma_start3A_578 = tpu.memref_slice %arg7[%dma_start3A_560, %dma_start3A_576, %dma_start3A_577] : memref<6x200x64xf32, #tpu.memory_space<vmem>> -> memref<1x200x64xf32, #tpu.memory_space<vmem>>
    %dma_start3A_579 = tpu.memref_squeeze %dma_start3A_578 : memref<1x200x64xf32, #tpu.memory_space<vmem>> -> memref<200x64xf32, #tpu.memory_space<vmem>>
    tpu.enqueue_dma source(%dma_start3A_579 : memref<200x64xf32, #tpu.memory_space<vmem>>) target(%dma_start3A_575 : memref<200x64xf32, #tpu.memory_space<hbm>>) target_semaphore(%dma_start3A_571 : memref<!tpu.dma_semaphore, #tpu.memory_space<semaphore_mem>>)
    %dma_wait3A_580 = arith.constant 3 : i32
    %dma_wait3A_581 = arith.constant 3 : i32
    %dma_wait3A_582 = arith.constant 0 : i32
    %dma_wait3A_583 = arith.constant 0 : i32
    %dma_wait3A_584 = tpu.memref_slice %arg7[%dma_wait3A_580, %dma_wait3A_582, %dma_wait3A_583] : memref<6x200x64xf32, #tpu.memory_space<vmem>> -> memref<1x200x64xf32, #tpu.memory_space<vmem>>
    %dma_wait3A_585 = tpu.memref_squeeze %dma_wait3A_584 : memref<1x200x64xf32, #tpu.memory_space<vmem>> -> memref<200x64xf32, #tpu.memory_space<vmem>>
    %dma_wait3A_586 = arith.constant 0 : i32
    %dma_wait3A_587 = arith.constant 0 : i32
    %dma_wait3A_588 = tpu.memref_slice %arg5[%add3A_463, %dma_wait3A_586, %dma_wait3A_587] : memref<1024x200x128xf32, #tpu.memory_space<hbm>> -> memref<1x200x64xf32, #tpu.memory_space<hbm>>
    %dma_wait3A_589 = tpu.memref_squeeze %dma_wait3A_588 : memref<1x200x64xf32, #tpu.memory_space<hbm>> -> memref<200x64xf32, #tpu.memory_space<hbm>>
    %dma_wait3A_590 = tpu.memref_slice %arg12[%dma_wait3A_581] : memref<6x!tpu.dma_semaphore, #tpu.memory_space<semaphore_mem>> -> memref<1x!tpu.dma_semaphore, #tpu.memory_space<semaphore_mem>>
    %dma_wait3A_591 = tpu.memref_squeeze %dma_wait3A_590 : memref<1x!tpu.dma_semaphore, #tpu.memory_space<semaphore_mem>> -> memref<!tpu.dma_semaphore, #tpu.memory_space<semaphore_mem>>
    %dma_wait3A_592 = arith.constant 0 : i32
    %dma_wait3A_593 = arith.constant 0 : i32
    %dma_wait3A_594 = tpu.memref_slice %arg5[%add3A_463, %dma_wait3A_592, %dma_wait3A_593] : memref<1024x200x128xf32, #tpu.memory_space<hbm>> -> memref<1x200x64xf32, #tpu.memory_space<hbm>>
    %dma_wait3A_595 = tpu.memref_squeeze %dma_wait3A_594 : memref<1x200x64xf32, #tpu.memory_space<hbm>> -> memref<200x64xf32, #tpu.memory_space<hbm>>
    %dma_wait3A_596 = arith.constant 0 : i32
    %dma_wait3A_597 = arith.constant 0 : i32
    %dma_wait3A_598 = tpu.memref_slice %arg7[%dma_wait3A_580, %dma_wait3A_596, %dma_wait3A_597] : memref<6x200x64xf32, #tpu.memory_space<vmem>> -> memref<1x200x64xf32, #tpu.memory_space<vmem>>
    %dma_wait3A_599 = tpu.memref_squeeze %dma_wait3A_598 : memref<1x200x64xf32, #tpu.memory_space<vmem>> -> memref<200x64xf32, #tpu.memory_space<vmem>>
    tpu.wait_dma2 semaphore(%dma_wait3A_591 : memref<!tpu.dma_semaphore, #tpu.memory_space<semaphore_mem>>) src(%dma_wait3A_599 : memref<200x64xf32, #tpu.memory_space<vmem>>) dst(%dma_wait3A_595 : memref<200x64xf32, #tpu.memory_space<hbm>>)
    %dma_start3A_600 = arith.constant 3 : i32
    %dma_start3A_601 = arith.constant 3 : i32
    %dma_start3A_602 = arith.constant 0 : i32
    %dma_start3A_603 = arith.constant 0 : i32
    %dma_start3A_604 = tpu.memref_slice %arg7[%dma_start3A_600, %dma_start3A_602, %dma_start3A_603] : memref<6x200x64xf32, #tpu.memory_space<vmem>> -> memref<1x200x64xf32, #tpu.memory_space<vmem>>
    %dma_start3A_605 = tpu.memref_squeeze %dma_start3A_604 : memref<1x200x64xf32, #tpu.memory_space<vmem>> -> memref<200x64xf32, #tpu.memory_space<vmem>>
    %dma_start3A_606 = tpu.memref_slice %arg10[%dma_start3A_601] : memref<6x!tpu.dma_semaphore, #tpu.memory_space<semaphore_mem>> -> memref<1x!tpu.dma_semaphore, #tpu.memory_space<semaphore_mem>>
    %dma_start3A_607 = tpu.memref_squeeze %dma_start3A_606 : memref<1x!tpu.dma_semaphore, #tpu.memory_space<semaphore_mem>> -> memref<!tpu.dma_semaphore, #tpu.memory_space<semaphore_mem>>
    %dma_start3A_608 = arith.constant 0 : i32
    %dma_start3A_609 = arith.constant 0 : i32
    %dma_start3A_610 = tpu.memref_slice %arg7[%dma_start3A_600, %dma_start3A_608, %dma_start3A_609] : memref<6x200x64xf32, #tpu.memory_space<vmem>> -> memref<1x200x64xf32, #tpu.memory_space<vmem>>
    %dma_start3A_611 = tpu.memref_squeeze %dma_start3A_610 : memref<1x200x64xf32, #tpu.memory_space<vmem>> -> memref<200x64xf32, #tpu.memory_space<vmem>>
    tpu.enqueue_dma source(%arg8 : memref<200x64xf32, #tpu.memory_space<vmem_shared>>) target(%dma_start3A_611 : memref<200x64xf32, #tpu.memory_space<vmem>>) target_semaphore(%dma_start3A_607 : memref<!tpu.dma_semaphore, #tpu.memory_space<semaphore_mem>>)
    %dma_wait3A_612 = arith.constant 2 : i32
    %dma_wait3A_613 = arith.constant 2 : i32
    %dma_wait3A_614 = arith.constant 0 : i32
    %dma_wait3A_615 = arith.constant 0 : i32
    %dma_wait3A_616 = tpu.memref_slice %arg7[%dma_wait3A_612, %dma_wait3A_614, %dma_wait3A_615] : memref<6x200x64xf32, #tpu.memory_space<vmem>> -> memref<1x200x64xf32, #tpu.memory_space<vmem>>
    %dma_wait3A_617 = tpu.memref_squeeze %dma_wait3A_616 : memref<1x200x64xf32, #tpu.memory_space<vmem>> -> memref<200x64xf32, #tpu.memory_space<vmem>>
    %dma_wait3A_618 = tpu.memref_slice %arg10[%dma_wait3A_613] : memref<6x!tpu.dma_semaphore, #tpu.memory_space<semaphore_mem>> -> memref<1x!tpu.dma_semaphore, #tpu.memory_space<semaphore_mem>>
    %dma_wait3A_619 = tpu.memref_squeeze %dma_wait3A_618 : memref<1x!tpu.dma_semaphore, #tpu.memory_space<semaphore_mem>> -> memref<!tpu.dma_semaphore, #tpu.memory_space<semaphore_mem>>
    %dma_wait3A_620 = arith.constant 0 : i32
    %dma_wait3A_621 = arith.constant 0 : i32
    %dma_wait3A_622 = tpu.memref_slice %arg7[%dma_wait3A_612, %dma_wait3A_620, %dma_wait3A_621] : memref<6x200x64xf32, #tpu.memory_space<vmem>> -> memref<1x200x64xf32, #tpu.memory_space<vmem>>
    %dma_wait3A_623 = tpu.memref_squeeze %dma_wait3A_622 : memref<1x200x64xf32, #tpu.memory_space<vmem>> -> memref<200x64xf32, #tpu.memory_space<vmem>>
    tpu.wait_dma2 semaphore(%dma_wait3A_619 : memref<!tpu.dma_semaphore, #tpu.memory_space<semaphore_mem>>) src(%arg8 : memref<200x64xf32, #tpu.memory_space<vmem_shared>>) dst(%dma_wait3A_623 : memref<200x64xf32, #tpu.memory_space<vmem>>)
    %dma_start3A_624 = arith.constant 8 : i32
    %dma_start3A_625 = arith.constant 2 : i32
    %dma_start3A_626 = arith.constant 2 : i32
    %dma_start3A_627 = arith.constant 0 : i32
    %dma_start3A_628 = arith.constant 0 : i32
    %dma_start3A_629 = tpu.memref_slice %arg7[%dma_start3A_625, %dma_start3A_627, %dma_start3A_628] : memref<6x200x64xf32, #tpu.memory_space<vmem>> -> memref<1x200x64xf32, #tpu.memory_space<vmem>>
    %dma_start3A_630 = tpu.memref_squeeze %dma_start3A_629 : memref<1x200x64xf32, #tpu.memory_space<vmem>> -> memref<200x64xf32, #tpu.memory_space<vmem>>
    %dma_start3A_631 = arith.constant 0 : i32
    %dma_start3A_632 = tpu.memref_slice %arg6[%dma_start3A_624, %dma_start3A_631] : memref<32x200xi32, #tpu.memory_space<vmem>> -> memref<1x200xi32, #tpu.memory_space<vmem>>
    %dma_start3A_633 = tpu.memref_squeeze %dma_start3A_632 : memref<1x200xi32, #tpu.memory_space<vmem>> -> memref<200xi32, #tpu.memory_space<vmem>>
    %dma_start3A_634 = arith.constant 0 : i32
    %dma_start3A_635 = arith.constant 0 : i32
    %dma_start3A_636 = tpu.memref_slice %arg4[%dma_start3A_634, %dma_start3A_635] : memref<100000x64xf32, #tpu.memory_space<hbm>> -> memref<100000x64xf32, #tpu.memory_space<hbm>>
    %dma_start3A_637 = tpu.memref_slice %arg11[%dma_start3A_626] : memref<6x!tpu.dma_semaphore, #tpu.memory_space<semaphore_mem>> -> memref<1x!tpu.dma_semaphore, #tpu.memory_space<semaphore_mem>>
    %dma_start3A_638 = tpu.memref_squeeze %dma_start3A_637 : memref<1x!tpu.dma_semaphore, #tpu.memory_space<semaphore_mem>> -> memref<!tpu.dma_semaphore, #tpu.memory_space<semaphore_mem>>
    tpu.enqueue_indirect_dma source(%dma_start3A_636 : memref<100000x64xf32, #tpu.memory_space<hbm>>) target(%dma_start3A_630 : memref<200x64xf32, #tpu.memory_space<vmem>>) offsets(%dma_start3A_633 : memref<200xi32, #tpu.memory_space<vmem>>) semaphore(%dma_start3A_638 : memref<!tpu.dma_semaphore, #tpu.memory_space<semaphore_mem>>) {add = true}
    %dma_wait3A_639 = arith.constant 5 : i32
    %dma_wait3A_640 = arith.constant 5 : i32
    %dma_wait3A_641 = arith.constant 5 : i32
    %dma_wait3A_642 = arith.constant 0 : i32
    %dma_wait3A_643 = arith.constant 0 : i32
    %dma_wait3A_644 = tpu.memref_slice %arg7[%dma_wait3A_640, %dma_wait3A_642, %dma_wait3A_643] : memref<6x200x64xf32, #tpu.memory_space<vmem>> -> memref<1x200x64xf32, #tpu.memory_space<vmem>>
    %dma_wait3A_645 = tpu.memref_squeeze %dma_wait3A_644 : memref<1x200x64xf32, #tpu.memory_space<vmem>> -> memref<200x64xf32, #tpu.memory_space<vmem>>
    %dma_wait3A_646 = arith.constant 0 : i32
    %dma_wait3A_647 = tpu.memref_slice %arg6[%dma_wait3A_639, %dma_wait3A_646] : memref<32x200xi32, #tpu.memory_space<vmem>> -> memref<1x200xi32, #tpu.memory_space<vmem>>
    %dma_wait3A_648 = tpu.memref_squeeze %dma_wait3A_647 : memref<1x200xi32, #tpu.memory_space<vmem>> -> memref<200xi32, #tpu.memory_space<vmem>>
    %dma_wait3A_649 = arith.constant 0 : i32
    %dma_wait3A_650 = arith.constant 0 : i32
    %dma_wait3A_651 = tpu.memref_slice %arg4[%dma_wait3A_649, %dma_wait3A_650] : memref<100000x64xf32, #tpu.memory_space<hbm>> -> memref<100000x64xf32, #tpu.memory_space<hbm>>
    %dma_wait3A_652 = tpu.memref_slice %arg11[%dma_wait3A_641] : memref<6x!tpu.dma_semaphore, #tpu.memory_space<semaphore_mem>> -> memref<1x!tpu.dma_semaphore, #tpu.memory_space<semaphore_mem>>
    %dma_wait3A_653 = tpu.memref_squeeze %dma_wait3A_652 : memref<1x!tpu.dma_semaphore, #tpu.memory_space<semaphore_mem>> -> memref<!tpu.dma_semaphore, #tpu.memory_space<semaphore_mem>>
    tpu.wait_indirect_dma semaphore(%dma_wait3A_653 : memref<!tpu.dma_semaphore, #tpu.memory_space<semaphore_mem>>) src(%dma_wait3A_651 : memref<100000x64xf32, #tpu.memory_space<hbm>>) dst(%dma_wait3A_645 : memref<200x64xf32, #tpu.memory_space<vmem>>)
    %add3A_654 = arith.constant 5 : i32
    %add3A_655 = arith.addi %mul3A_2, %add3A_654 : i32
    %dma_start3A_656 = arith.constant 5 : i32
    %dma_start3A_657 = arith.constant 5 : i32
    %dma_start3A_658 = arith.constant 0 : i32
    %dma_start3A_659 = arith.constant 0 : i32
    %dma_start3A_660 = tpu.memref_slice %arg7[%dma_start3A_656, %dma_start3A_658, %dma_start3A_659] : memref<6x200x64xf32, #tpu.memory_space<vmem>> -> memref<1x200x64xf32, #tpu.memory_space<vmem>>
    %dma_start3A_661 = tpu.memref_squeeze %dma_start3A_660 : memref<1x200x64xf32, #tpu.memory_space<vmem>> -> memref<200x64xf32, #tpu.memory_space<vmem>>
    %dma_start3A_662 = arith.constant 0 : i32
    %dma_start3A_663 = arith.constant 0 : i32
    %dma_start3A_664 = tpu.memref_slice %arg5[%add3A_655, %dma_start3A_662, %dma_start3A_663] : memref<1024x200x128xf32, #tpu.memory_space<hbm>> -> memref<1x200x64xf32, #tpu.memory_space<hbm>>
    %dma_start3A_665 = tpu.memref_squeeze %dma_start3A_664 : memref<1x200x64xf32, #tpu.memory_space<hbm>> -> memref<200x64xf32, #tpu.memory_space<hbm>>
    %dma_start3A_666 = tpu.memref_slice %arg12[%dma_start3A_657] : memref<6x!tpu.dma_semaphore, #tpu.memory_space<semaphore_mem>> -> memref<1x!tpu.dma_semaphore, #tpu.memory_space<semaphore_mem>>
    %dma_start3A_667 = tpu.memref_squeeze %dma_start3A_666 : memref<1x!tpu.dma_semaphore, #tpu.memory_space<semaphore_mem>> -> memref<!tpu.dma_semaphore, #tpu.memory_space<semaphore_mem>>
    %dma_start3A_668 = arith.constant 0 : i32
    %dma_start3A_669 = arith.constant 0 : i32
    %dma_start3A_670 = tpu.memref_slice %arg5[%add3A_655, %dma_start3A_668, %dma_start3A_669] : memref<1024x200x128xf32, #tpu.memory_space<hbm>> -> memref<1x200x64xf32, #tpu.memory_space<hbm>>
    %dma_start3A_671 = tpu.memref_squeeze %dma_start3A_670 : memref<1x200x64xf32, #tpu.memory_space<hbm>> -> memref<200x64xf32, #tpu.memory_space<hbm>>
    %dma_start3A_672 = arith.constant 0 : i32
    %dma_start3A_673 = arith.constant 0 : i32
    %dma_start3A_674 = tpu.memref_slice %arg7[%dma_start3A_656, %dma_start3A_672, %dma_start3A_673] : memref<6x200x64xf32, #tpu.memory_space<vmem>> -> memref<1x200x64xf32, #tpu.memory_space<vmem>>
    %dma_start3A_675 = tpu.memref_squeeze %dma_start3A_674 : memref<1x200x64xf32, #tpu.memory_space<vmem>> -> memref<200x64xf32, #tpu.memory_space<vmem>>
    tpu.enqueue_dma source(%dma_start3A_675 : memref<200x64xf32, #tpu.memory_space<vmem>>) target(%dma_start3A_671 : memref<200x64xf32, #tpu.memory_space<hbm>>) target_semaphore(%dma_start3A_667 : memref<!tpu.dma_semaphore, #tpu.memory_space<semaphore_mem>>)
    %dma_wait3A_676 = arith.constant 4 : i32
    %dma_wait3A_677 = arith.constant 4 : i32
    %dma_wait3A_678 = arith.constant 0 : i32
    %dma_wait3A_679 = arith.constant 0 : i32
    %dma_wait3A_680 = tpu.memref_slice %arg7[%dma_wait3A_676, %dma_wait3A_678, %dma_wait3A_679] : memref<6x200x64xf32, #tpu.memory_space<vmem>> -> memref<1x200x64xf32, #tpu.memory_space<vmem>>
    %dma_wait3A_681 = tpu.memref_squeeze %dma_wait3A_680 : memref<1x200x64xf32, #tpu.memory_space<vmem>> -> memref<200x64xf32, #tpu.memory_space<vmem>>
    %dma_wait3A_682 = arith.constant 0 : i32
    %dma_wait3A_683 = arith.constant 0 : i32
    %dma_wait3A_684 = tpu.memref_slice %arg5[%add3A_559, %dma_wait3A_682, %dma_wait3A_683] : memref<1024x200x128xf32, #tpu.memory_space<hbm>> -> memref<1x200x64xf32, #tpu.memory_space<hbm>>
    %dma_wait3A_685 = tpu.memref_squeeze %dma_wait3A_684 : memref<1x200x64xf32, #tpu.memory_space<hbm>> -> memref<200x64xf32, #tpu.memory_space<hbm>>
    %dma_wait3A_686 = tpu.memref_slice %arg12[%dma_wait3A_677] : memref<6x!tpu.dma_semaphore, #tpu.memory_space<semaphore_mem>> -> memref<1x!tpu.dma_semaphore, #tpu.memory_space<semaphore_mem>>
    %dma_wait3A_687 = tpu.memref_squeeze %dma_wait3A_686 : memref<1x!tpu.dma_semaphore, #tpu.memory_space<semaphore_mem>> -> memref<!tpu.dma_semaphore, #tpu.memory_space<semaphore_mem>>
    %dma_wait3A_688 = arith.constant 0 : i32
    %dma_wait3A_689 = arith.constant 0 : i32
    %dma_wait3A_690 = tpu.memref_slice %arg5[%add3A_559, %dma_wait3A_688, %dma_wait3A_689] : memref<1024x200x128xf32, #tpu.memory_space<hbm>> -> memref<1x200x64xf32, #tpu.memory_space<hbm>>
    %dma_wait3A_691 = tpu.memref_squeeze %dma_wait3A_690 : memref<1x200x64xf32, #tpu.memory_space<hbm>> -> memref<200x64xf32, #tpu.memory_space<hbm>>
    %dma_wait3A_692 = arith.constant 0 : i32
    %dma_wait3A_693 = arith.constant 0 : i32
    %dma_wait3A_694 = tpu.memref_slice %arg7[%dma_wait3A_676, %dma_wait3A_692, %dma_wait3A_693] : memref<6x200x64xf32, #tpu.memory_space<vmem>> -> memref<1x200x64xf32, #tpu.memory_space<vmem>>
    %dma_wait3A_695 = tpu.memref_squeeze %dma_wait3A_694 : memref<1x200x64xf32, #tpu.memory_space<vmem>> -> memref<200x64xf32, #tpu.memory_space<vmem>>
    tpu.wait_dma2 semaphore(%dma_wait3A_687 : memref<!tpu.dma_semaphore, #tpu.memory_space<semaphore_mem>>) src(%dma_wait3A_695 : memref<200x64xf32, #tpu.memory_space<vmem>>) dst(%dma_wait3A_691 : memref<200x64xf32, #tpu.memory_space<hbm>>)
    %dma_start3A_696 = arith.constant 4 : i32
    %dma_start3A_697 = arith.constant 4 : i32
    %dma_start3A_698 = arith.constant 0 : i32
    %dma_start3A_699 = arith.constant 0 : i32
    %dma_start3A_700 = tpu.memref_slice %arg7[%dma_start3A_696, %dma_start3A_698, %dma_start3A_699] : memref<6x200x64xf32, #tpu.memory_space<vmem>> -> memref<1x200x64xf32, #tpu.memory_space<vmem>>
    %dma_start3A_701 = tpu.memref_squeeze %dma_start3A_700 : memref<1x200x64xf32, #tpu.memory_space<vmem>> -> memref<200x64xf32, #tpu.memory_space<vmem>>
    %dma_start3A_702 = tpu.memref_slice %arg10[%dma_start3A_697] : memref<6x!tpu.dma_semaphore, #tpu.memory_space<semaphore_mem>> -> memref<1x!tpu.dma_semaphore, #tpu.memory_space<semaphore_mem>>
    %dma_start3A_703 = tpu.memref_squeeze %dma_start3A_702 : memref<1x!tpu.dma_semaphore, #tpu.memory_space<semaphore_mem>> -> memref<!tpu.dma_semaphore, #tpu.memory_space<semaphore_mem>>
    %dma_start3A_704 = arith.constant 0 : i32
    %dma_start3A_705 = arith.constant 0 : i32
    %dma_start3A_706 = tpu.memref_slice %arg7[%dma_start3A_696, %dma_start3A_704, %dma_start3A_705] : memref<6x200x64xf32, #tpu.memory_space<vmem>> -> memref<1x200x64xf32, #tpu.memory_space<vmem>>
    %dma_start3A_707 = tpu.memref_squeeze %dma_start3A_706 : memref<1x200x64xf32, #tpu.memory_space<vmem>> -> memref<200x64xf32, #tpu.memory_space<vmem>>
    tpu.enqueue_dma source(%arg8 : memref<200x64xf32, #tpu.memory_space<vmem_shared>>) target(%dma_start3A_707 : memref<200x64xf32, #tpu.memory_space<vmem>>) target_semaphore(%dma_start3A_703 : memref<!tpu.dma_semaphore, #tpu.memory_space<semaphore_mem>>)
    %dma_wait3A_708 = arith.constant 3 : i32
    %dma_wait3A_709 = arith.constant 3 : i32
    %dma_wait3A_710 = arith.constant 0 : i32
    %dma_wait3A_711 = arith.constant 0 : i32
    %dma_wait3A_712 = tpu.memref_slice %arg7[%dma_wait3A_708, %dma_wait3A_710, %dma_wait3A_711] : memref<6x200x64xf32, #tpu.memory_space<vmem>> -> memref<1x200x64xf32, #tpu.memory_space<vmem>>
    %dma_wait3A_713 = tpu.memref_squeeze %dma_wait3A_712 : memref<1x200x64xf32, #tpu.memory_space<vmem>> -> memref<200x64xf32, #tpu.memory_space<vmem>>
    %dma_wait3A_714 = tpu.memref_slice %arg10[%dma_wait3A_709] : memref<6x!tpu.dma_semaphore, #tpu.memory_space<semaphore_mem>> -> memref<1x!tpu.dma_semaphore, #tpu.memory_space<semaphore_mem>>
    %dma_wait3A_715 = tpu.memref_squeeze %dma_wait3A_714 : memref<1x!tpu.dma_semaphore, #tpu.memory_space<semaphore_mem>> -> memref<!tpu.dma_semaphore, #tpu.memory_space<semaphore_mem>>
    %dma_wait3A_716 = arith.constant 0 : i32
    %dma_wait3A_717 = arith.constant 0 : i32
    %dma_wait3A_718 = tpu.memref_slice %arg7[%dma_wait3A_708, %dma_wait3A_716, %dma_wait3A_717] : memref<6x200x64xf32, #tpu.memory_space<vmem>> -> memref<1x200x64xf32, #tpu.memory_space<vmem>>
    %dma_wait3A_719 = tpu.memref_squeeze %dma_wait3A_718 : memref<1x200x64xf32, #tpu.memory_space<vmem>> -> memref<200x64xf32, #tpu.memory_space<vmem>>
    tpu.wait_dma2 semaphore(%dma_wait3A_715 : memref<!tpu.dma_semaphore, #tpu.memory_space<semaphore_mem>>) src(%arg8 : memref<200x64xf32, #tpu.memory_space<vmem_shared>>) dst(%dma_wait3A_719 : memref<200x64xf32, #tpu.memory_space<vmem>>)
    %dma_start3A_720 = arith.constant 9 : i32
    %dma_start3A_721 = arith.constant 3 : i32
    %dma_start3A_722 = arith.constant 3 : i32
    %dma_start3A_723 = arith.constant 0 : i32
    %dma_start3A_724 = arith.constant 0 : i32
    %dma_start3A_725 = tpu.memref_slice %arg7[%dma_start3A_721, %dma_start3A_723, %dma_start3A_724] : memref<6x200x64xf32, #tpu.memory_space<vmem>> -> memref<1x200x64xf32, #tpu.memory_space<vmem>>
    %dma_start3A_726 = tpu.memref_squeeze %dma_start3A_725 : memref<1x200x64xf32, #tpu.memory_space<vmem>> -> memref<200x64xf32, #tpu.memory_space<vmem>>
    %dma_start3A_727 = arith.constant 0 : i32
    %dma_start3A_728 = tpu.memref_slice %arg6[%dma_start3A_720, %dma_start3A_727] : memref<32x200xi32, #tpu.memory_space<vmem>> -> memref<1x200xi32, #tpu.memory_space<vmem>>
    %dma_start3A_729 = tpu.memref_squeeze %dma_start3A_728 : memref<1x200xi32, #tpu.memory_space<vmem>> -> memref<200xi32, #tpu.memory_space<vmem>>
    %dma_start3A_730 = arith.constant 0 : i32
    %dma_start3A_731 = arith.constant 0 : i32
    %dma_start3A_732 = tpu.memref_slice %arg4[%dma_start3A_730, %dma_start3A_731] : memref<100000x64xf32, #tpu.memory_space<hbm>> -> memref<100000x64xf32, #tpu.memory_space<hbm>>
    %dma_start3A_733 = tpu.memref_slice %arg11[%dma_start3A_722] : memref<6x!tpu.dma_semaphore, #tpu.memory_space<semaphore_mem>> -> memref<1x!tpu.dma_semaphore, #tpu.memory_space<semaphore_mem>>
    %dma_start3A_734 = tpu.memref_squeeze %dma_start3A_733 : memref<1x!tpu.dma_semaphore, #tpu.memory_space<semaphore_mem>> -> memref<!tpu.dma_semaphore, #tpu.memory_space<semaphore_mem>>
    tpu.enqueue_indirect_dma source(%dma_start3A_732 : memref<100000x64xf32, #tpu.memory_space<hbm>>) target(%dma_start3A_726 : memref<200x64xf32, #tpu.memory_space<vmem>>) offsets(%dma_start3A_729 : memref<200xi32, #tpu.memory_space<vmem>>) semaphore(%dma_start3A_734 : memref<!tpu.dma_semaphore, #tpu.memory_space<semaphore_mem>>) {add = true}
    %dma_wait3A_735 = arith.constant 6 : i32
    %dma_wait3A_736 = arith.constant 0 : i32
    %dma_wait3A_737 = arith.constant 0 : i32
    %dma_wait3A_738 = arith.constant 0 : i32
    %dma_wait3A_739 = arith.constant 0 : i32
    %dma_wait3A_740 = tpu.memref_slice %arg7[%dma_wait3A_736, %dma_wait3A_738, %dma_wait3A_739] : memref<6x200x64xf32, #tpu.memory_space<vmem>> -> memref<1x200x64xf32, #tpu.memory_space<vmem>>
    %dma_wait3A_741 = tpu.memref_squeeze %dma_wait3A_740 : memref<1x200x64xf32, #tpu.memory_space<vmem>> -> memref<200x64xf32, #tpu.memory_space<vmem>>
    %dma_wait3A_742 = arith.constant 0 : i32
    %dma_wait3A_743 = tpu.memref_slice %arg6[%dma_wait3A_735, %dma_wait3A_742] : memref<32x200xi32, #tpu.memory_space<vmem>> -> memref<1x200xi32, #tpu.memory_space<vmem>>
    %dma_wait3A_744 = tpu.memref_squeeze %dma_wait3A_743 : memref<1x200xi32, #tpu.memory_space<vmem>> -> memref<200xi32, #tpu.memory_space<vmem>>
    %dma_wait3A_745 = arith.constant 0 : i32
    %dma_wait3A_746 = arith.constant 0 : i32
    %dma_wait3A_747 = tpu.memref_slice %arg4[%dma_wait3A_745, %dma_wait3A_746] : memref<100000x64xf32, #tpu.memory_space<hbm>> -> memref<100000x64xf32, #tpu.memory_space<hbm>>
    %dma_wait3A_748 = tpu.memref_slice %arg11[%dma_wait3A_737] : memref<6x!tpu.dma_semaphore, #tpu.memory_space<semaphore_mem>> -> memref<1x!tpu.dma_semaphore, #tpu.memory_space<semaphore_mem>>
    %dma_wait3A_749 = tpu.memref_squeeze %dma_wait3A_748 : memref<1x!tpu.dma_semaphore, #tpu.memory_space<semaphore_mem>> -> memref<!tpu.dma_semaphore, #tpu.memory_space<semaphore_mem>>
    tpu.wait_indirect_dma semaphore(%dma_wait3A_749 : memref<!tpu.dma_semaphore, #tpu.memory_space<semaphore_mem>>) src(%dma_wait3A_747 : memref<100000x64xf32, #tpu.memory_space<hbm>>) dst(%dma_wait3A_741 : memref<200x64xf32, #tpu.memory_space<vmem>>)
    %add3A_750 = arith.constant 6 : i32
    %add3A_751 = arith.addi %mul3A_2, %add3A_750 : i32
    %dma_start3A_752 = arith.constant 0 : i32
    %dma_start3A_753 = arith.constant 0 : i32
    %dma_start3A_754 = arith.constant 0 : i32
    %dma_start3A_755 = arith.constant 0 : i32
    %dma_start3A_756 = tpu.memref_slice %arg7[%dma_start3A_752, %dma_start3A_754, %dma_start3A_755] : memref<6x200x64xf32, #tpu.memory_space<vmem>> -> memref<1x200x64xf32, #tpu.memory_space<vmem>>
    %dma_start3A_757 = tpu.memref_squeeze %dma_start3A_756 : memref<1x200x64xf32, #tpu.memory_space<vmem>> -> memref<200x64xf32, #tpu.memory_space<vmem>>
    %dma_start3A_758 = arith.constant 0 : i32
    %dma_start3A_759 = arith.constant 0 : i32
    %dma_start3A_760 = tpu.memref_slice %arg5[%add3A_751, %dma_start3A_758, %dma_start3A_759] : memref<1024x200x128xf32, #tpu.memory_space<hbm>> -> memref<1x200x64xf32, #tpu.memory_space<hbm>>
    %dma_start3A_761 = tpu.memref_squeeze %dma_start3A_760 : memref<1x200x64xf32, #tpu.memory_space<hbm>> -> memref<200x64xf32, #tpu.memory_space<hbm>>
    %dma_start3A_762 = tpu.memref_slice %arg12[%dma_start3A_753] : memref<6x!tpu.dma_semaphore, #tpu.memory_space<semaphore_mem>> -> memref<1x!tpu.dma_semaphore, #tpu.memory_space<semaphore_mem>>
    %dma_start3A_763 = tpu.memref_squeeze %dma_start3A_762 : memref<1x!tpu.dma_semaphore, #tpu.memory_space<semaphore_mem>> -> memref<!tpu.dma_semaphore, #tpu.memory_space<semaphore_mem>>
    %dma_start3A_764 = arith.constant 0 : i32
    %dma_start3A_765 = arith.constant 0 : i32
    %dma_start3A_766 = tpu.memref_slice %arg5[%add3A_751, %dma_start3A_764, %dma_start3A_765] : memref<1024x200x128xf32, #tpu.memory_space<hbm>> -> memref<1x200x64xf32, #tpu.memory_space<hbm>>
    %dma_start3A_767 = tpu.memref_squeeze %dma_start3A_766 : memref<1x200x64xf32, #tpu.memory_space<hbm>> -> memref<200x64xf32, #tpu.memory_space<hbm>>
    %dma_start3A_768 = arith.constant 0 : i32
    %dma_start3A_769 = arith.constant 0 : i32
    %dma_start3A_770 = tpu.memref_slice %arg7[%dma_start3A_752, %dma_start3A_768, %dma_start3A_769] : memref<6x200x64xf32, #tpu.memory_space<vmem>> -> memref<1x200x64xf32, #tpu.memory_space<vmem>>
    %dma_start3A_771 = tpu.memref_squeeze %dma_start3A_770 : memref<1x200x64xf32, #tpu.memory_space<vmem>> -> memref<200x64xf32, #tpu.memory_space<vmem>>
    tpu.enqueue_dma source(%dma_start3A_771 : memref<200x64xf32, #tpu.memory_space<vmem>>) target(%dma_start3A_767 : memref<200x64xf32, #tpu.memory_space<hbm>>) target_semaphore(%dma_start3A_763 : memref<!tpu.dma_semaphore, #tpu.memory_space<semaphore_mem>>)
    %dma_wait3A_772 = arith.constant 5 : i32
    %dma_wait3A_773 = arith.constant 5 : i32
    %dma_wait3A_774 = arith.constant 0 : i32
    %dma_wait3A_775 = arith.constant 0 : i32
    %dma_wait3A_776 = tpu.memref_slice %arg7[%dma_wait3A_772, %dma_wait3A_774, %dma_wait3A_775] : memref<6x200x64xf32, #tpu.memory_space<vmem>> -> memref<1x200x64xf32, #tpu.memory_space<vmem>>
    %dma_wait3A_777 = tpu.memref_squeeze %dma_wait3A_776 : memref<1x200x64xf32, #tpu.memory_space<vmem>> -> memref<200x64xf32, #tpu.memory_space<vmem>>
    %dma_wait3A_778 = arith.constant 0 : i32
    %dma_wait3A_779 = arith.constant 0 : i32
    %dma_wait3A_780 = tpu.memref_slice %arg5[%add3A_655, %dma_wait3A_778, %dma_wait3A_779] : memref<1024x200x128xf32, #tpu.memory_space<hbm>> -> memref<1x200x64xf32, #tpu.memory_space<hbm>>
    %dma_wait3A_781 = tpu.memref_squeeze %dma_wait3A_780 : memref<1x200x64xf32, #tpu.memory_space<hbm>> -> memref<200x64xf32, #tpu.memory_space<hbm>>
    %dma_wait3A_782 = tpu.memref_slice %arg12[%dma_wait3A_773] : memref<6x!tpu.dma_semaphore, #tpu.memory_space<semaphore_mem>> -> memref<1x!tpu.dma_semaphore, #tpu.memory_space<semaphore_mem>>
    %dma_wait3A_783 = tpu.memref_squeeze %dma_wait3A_782 : memref<1x!tpu.dma_semaphore, #tpu.memory_space<semaphore_mem>> -> memref<!tpu.dma_semaphore, #tpu.memory_space<semaphore_mem>>
    %dma_wait3A_784 = arith.constant 0 : i32
    %dma_wait3A_785 = arith.constant 0 : i32
    %dma_wait3A_786 = tpu.memref_slice %arg5[%add3A_655, %dma_wait3A_784, %dma_wait3A_785] : memref<1024x200x128xf32, #tpu.memory_space<hbm>> -> memref<1x200x64xf32, #tpu.memory_space<hbm>>
    %dma_wait3A_787 = tpu.memref_squeeze %dma_wait3A_786 : memref<1x200x64xf32, #tpu.memory_space<hbm>> -> memref<200x64xf32, #tpu.memory_space<hbm>>
    %dma_wait3A_788 = arith.constant 0 : i32
    %dma_wait3A_789 = arith.constant 0 : i32
    %dma_wait3A_790 = tpu.memref_slice %arg7[%dma_wait3A_772, %dma_wait3A_788, %dma_wait3A_789] : memref<6x200x64xf32, #tpu.memory_space<vmem>> -> memref<1x200x64xf32, #tpu.memory_space<vmem>>
    %dma_wait3A_791 = tpu.memref_squeeze %dma_wait3A_790 : memref<1x200x64xf32, #tpu.memory_space<vmem>> -> memref<200x64xf32, #tpu.memory_space<vmem>>
    tpu.wait_dma2 semaphore(%dma_wait3A_783 : memref<!tpu.dma_semaphore, #tpu.memory_space<semaphore_mem>>) src(%dma_wait3A_791 : memref<200x64xf32, #tpu.memory_space<vmem>>) dst(%dma_wait3A_787 : memref<200x64xf32, #tpu.memory_space<hbm>>)
    %dma_start3A_792 = arith.constant 5 : i32
    %dma_start3A_793 = arith.constant 5 : i32
    %dma_start3A_794 = arith.constant 0 : i32
    %dma_start3A_795 = arith.constant 0 : i32
    %dma_start3A_796 = tpu.memref_slice %arg7[%dma_start3A_792, %dma_start3A_794, %dma_start3A_795] : memref<6x200x64xf32, #tpu.memory_space<vmem>> -> memref<1x200x64xf32, #tpu.memory_space<vmem>>
    %dma_start3A_797 = tpu.memref_squeeze %dma_start3A_796 : memref<1x200x64xf32, #tpu.memory_space<vmem>> -> memref<200x64xf32, #tpu.memory_space<vmem>>
    %dma_start3A_798 = tpu.memref_slice %arg10[%dma_start3A_793] : memref<6x!tpu.dma_semaphore, #tpu.memory_space<semaphore_mem>> -> memref<1x!tpu.dma_semaphore, #tpu.memory_space<semaphore_mem>>
    %dma_start3A_799 = tpu.memref_squeeze %dma_start3A_798 : memref<1x!tpu.dma_semaphore, #tpu.memory_space<semaphore_mem>> -> memref<!tpu.dma_semaphore, #tpu.memory_space<semaphore_mem>>
    %dma_start3A_800 = arith.constant 0 : i32
    %dma_start3A_801 = arith.constant 0 : i32
    %dma_start3A_802 = tpu.memref_slice %arg7[%dma_start3A_792, %dma_start3A_800, %dma_start3A_801] : memref<6x200x64xf32, #tpu.memory_space<vmem>> -> memref<1x200x64xf32, #tpu.memory_space<vmem>>
    %dma_start3A_803 = tpu.memref_squeeze %dma_start3A_802 : memref<1x200x64xf32, #tpu.memory_space<vmem>> -> memref<200x64xf32, #tpu.memory_space<vmem>>
    tpu.enqueue_dma source(%arg8 : memref<200x64xf32, #tpu.memory_space<vmem_shared>>) target(%dma_start3A_803 : memref<200x64xf32, #tpu.memory_space<vmem>>) target_semaphore(%dma_start3A_799 : memref<!tpu.dma_semaphore, #tpu.memory_space<semaphore_mem>>)
    %dma_wait3A_804 = arith.constant 4 : i32
    %dma_wait3A_805 = arith.constant 4 : i32
    %dma_wait3A_806 = arith.constant 0 : i32
    %dma_wait3A_807 = arith.constant 0 : i32
    %dma_wait3A_808 = tpu.memref_slice %arg7[%dma_wait3A_804, %dma_wait3A_806, %dma_wait3A_807] : memref<6x200x64xf32, #tpu.memory_space<vmem>> -> memref<1x200x64xf32, #tpu.memory_space<vmem>>
    %dma_wait3A_809 = tpu.memref_squeeze %dma_wait3A_808 : memref<1x200x64xf32, #tpu.memory_space<vmem>> -> memref<200x64xf32, #tpu.memory_space<vmem>>
    %dma_wait3A_810 = tpu.memref_slice %arg10[%dma_wait3A_805] : memref<6x!tpu.dma_semaphore, #tpu.memory_space<semaphore_mem>> -> memref<1x!tpu.dma_semaphore, #tpu.memory_space<semaphore_mem>>
    %dma_wait3A_811 = tpu.memref_squeeze %dma_wait3A_810 : memref<1x!tpu.dma_semaphore, #tpu.memory_space<semaphore_mem>> -> memref<!tpu.dma_semaphore, #tpu.memory_space<semaphore_mem>>
    %dma_wait3A_812 = arith.constant 0 : i32
    %dma_wait3A_813 = arith.constant 0 : i32
    %dma_wait3A_814 = tpu.memref_slice %arg7[%dma_wait3A_804, %dma_wait3A_812, %dma_wait3A_813] : memref<6x200x64xf32, #tpu.memory_space<vmem>> -> memref<1x200x64xf32, #tpu.memory_space<vmem>>
    %dma_wait3A_815 = tpu.memref_squeeze %dma_wait3A_814 : memref<1x200x64xf32, #tpu.memory_space<vmem>> -> memref<200x64xf32, #tpu.memory_space<vmem>>
    tpu.wait_dma2 semaphore(%dma_wait3A_811 : memref<!tpu.dma_semaphore, #tpu.memory_space<semaphore_mem>>) src(%arg8 : memref<200x64xf32, #tpu.memory_space<vmem_shared>>) dst(%dma_wait3A_815 : memref<200x64xf32, #tpu.memory_space<vmem>>)
    %dma_start3A_816 = arith.constant 10 : i32
    %dma_start3A_817 = arith.constant 4 : i32
    %dma_start3A_818 = arith.constant 4 : i32
    %dma_start3A_819 = arith.constant 0 : i32
    %dma_start3A_820 = arith.constant 0 : i32
    %dma_start3A_821 = tpu.memref_slice %arg7[%dma_start3A_817, %dma_start3A_819, %dma_start3A_820] : memref<6x200x64xf32, #tpu.memory_space<vmem>> -> memref<1x200x64xf32, #tpu.memory_space<vmem>>
    %dma_start3A_822 = tpu.memref_squeeze %dma_start3A_821 : memref<1x200x64xf32, #tpu.memory_space<vmem>> -> memref<200x64xf32, #tpu.memory_space<vmem>>
    %dma_start3A_823 = arith.constant 0 : i32
    %dma_start3A_824 = tpu.memref_slice %arg6[%dma_start3A_816, %dma_start3A_823] : memref<32x200xi32, #tpu.memory_space<vmem>> -> memref<1x200xi32, #tpu.memory_space<vmem>>
    %dma_start3A_825 = tpu.memref_squeeze %dma_start3A_824 : memref<1x200xi32, #tpu.memory_space<vmem>> -> memref<200xi32, #tpu.memory_space<vmem>>
    %dma_start3A_826 = arith.constant 0 : i32
    %dma_start3A_827 = arith.constant 0 : i32
    %dma_start3A_828 = tpu.memref_slice %arg4[%dma_start3A_826, %dma_start3A_827] : memref<100000x64xf32, #tpu.memory_space<hbm>> -> memref<100000x64xf32, #tpu.memory_space<hbm>>
    %dma_start3A_829 = tpu.memref_slice %arg11[%dma_start3A_818] : memref<6x!tpu.dma_semaphore, #tpu.memory_space<semaphore_mem>> -> memref<1x!tpu.dma_semaphore, #tpu.memory_space<semaphore_mem>>
    %dma_start3A_830 = tpu.memref_squeeze %dma_start3A_829 : memref<1x!tpu.dma_semaphore, #tpu.memory_space<semaphore_mem>> -> memref<!tpu.dma_semaphore, #tpu.memory_space<semaphore_mem>>
    tpu.enqueue_indirect_dma source(%dma_start3A_828 : memref<100000x64xf32, #tpu.memory_space<hbm>>) target(%dma_start3A_822 : memref<200x64xf32, #tpu.memory_space<vmem>>) offsets(%dma_start3A_825 : memref<200xi32, #tpu.memory_space<vmem>>) semaphore(%dma_start3A_830 : memref<!tpu.dma_semaphore, #tpu.memory_space<semaphore_mem>>) {add = true}
    %dma_wait3A_831 = arith.constant 7 : i32
    %dma_wait3A_832 = arith.constant 1 : i32
    %dma_wait3A_833 = arith.constant 1 : i32
    %dma_wait3A_834 = arith.constant 0 : i32
    %dma_wait3A_835 = arith.constant 0 : i32
    %dma_wait3A_836 = tpu.memref_slice %arg7[%dma_wait3A_832, %dma_wait3A_834, %dma_wait3A_835] : memref<6x200x64xf32, #tpu.memory_space<vmem>> -> memref<1x200x64xf32, #tpu.memory_space<vmem>>
    %dma_wait3A_837 = tpu.memref_squeeze %dma_wait3A_836 : memref<1x200x64xf32, #tpu.memory_space<vmem>> -> memref<200x64xf32, #tpu.memory_space<vmem>>
    %dma_wait3A_838 = arith.constant 0 : i32
    %dma_wait3A_839 = tpu.memref_slice %arg6[%dma_wait3A_831, %dma_wait3A_838] : memref<32x200xi32, #tpu.memory_space<vmem>> -> memref<1x200xi32, #tpu.memory_space<vmem>>
    %dma_wait3A_840 = tpu.memref_squeeze %dma_wait3A_839 : memref<1x200xi32, #tpu.memory_space<vmem>> -> memref<200xi32, #tpu.memory_space<vmem>>
    %dma_wait3A_841 = arith.constant 0 : i32
    %dma_wait3A_842 = arith.constant 0 : i32
    %dma_wait3A_843 = tpu.memref_slice %arg4[%dma_wait3A_841, %dma_wait3A_842] : memref<100000x64xf32, #tpu.memory_space<hbm>> -> memref<100000x64xf32, #tpu.memory_space<hbm>>
    %dma_wait3A_844 = tpu.memref_slice %arg11[%dma_wait3A_833] : memref<6x!tpu.dma_semaphore, #tpu.memory_space<semaphore_mem>> -> memref<1x!tpu.dma_semaphore, #tpu.memory_space<semaphore_mem>>
    %dma_wait3A_845 = tpu.memref_squeeze %dma_wait3A_844 : memref<1x!tpu.dma_semaphore, #tpu.memory_space<semaphore_mem>> -> memref<!tpu.dma_semaphore, #tpu.memory_space<semaphore_mem>>
    tpu.wait_indirect_dma semaphore(%dma_wait3A_845 : memref<!tpu.dma_semaphore, #tpu.memory_space<semaphore_mem>>) src(%dma_wait3A_843 : memref<100000x64xf32, #tpu.memory_space<hbm>>) dst(%dma_wait3A_837 : memref<200x64xf32, #tpu.memory_space<vmem>>)
    %add3A_846 = arith.constant 7 : i32
    %add3A_847 = arith.addi %mul3A_2, %add3A_846 : i32
    %dma_start3A_848 = arith.constant 1 : i32
    %dma_start3A_849 = arith.constant 1 : i32
    %dma_start3A_850 = arith.constant 0 : i32
    %dma_start3A_851 = arith.constant 0 : i32
    %dma_start3A_852 = tpu.memref_slice %arg7[%dma_start3A_848, %dma_start3A_850, %dma_start3A_851] : memref<6x200x64xf32, #tpu.memory_space<vmem>> -> memref<1x200x64xf32, #tpu.memory_space<vmem>>
    %dma_start3A_853 = tpu.memref_squeeze %dma_start3A_852 : memref<1x200x64xf32, #tpu.memory_space<vmem>> -> memref<200x64xf32, #tpu.memory_space<vmem>>
    %dma_start3A_854 = arith.constant 0 : i32
    %dma_start3A_855 = arith.constant 0 : i32
    %dma_start3A_856 = tpu.memref_slice %arg5[%add3A_847, %dma_start3A_854, %dma_start3A_855] : memref<1024x200x128xf32, #tpu.memory_space<hbm>> -> memref<1x200x64xf32, #tpu.memory_space<hbm>>
    %dma_start3A_857 = tpu.memref_squeeze %dma_start3A_856 : memref<1x200x64xf32, #tpu.memory_space<hbm>> -> memref<200x64xf32, #tpu.memory_space<hbm>>
    %dma_start3A_858 = tpu.memref_slice %arg12[%dma_start3A_849] : memref<6x!tpu.dma_semaphore, #tpu.memory_space<semaphore_mem>> -> memref<1x!tpu.dma_semaphore, #tpu.memory_space<semaphore_mem>>
    %dma_start3A_859 = tpu.memref_squeeze %dma_start3A_858 : memref<1x!tpu.dma_semaphore, #tpu.memory_space<semaphore_mem>> -> memref<!tpu.dma_semaphore, #tpu.memory_space<semaphore_mem>>
    %dma_start3A_860 = arith.constant 0 : i32
    %dma_start3A_861 = arith.constant 0 : i32
    %dma_start3A_862 = tpu.memref_slice %arg5[%add3A_847, %dma_start3A_860, %dma_start3A_861] : memref<1024x200x128xf32, #tpu.memory_space<hbm>> -> memref<1x200x64xf32, #tpu.memory_space<hbm>>
    %dma_start3A_863 = tpu.memref_squeeze %dma_start3A_862 : memref<1x200x64xf32, #tpu.memory_space<hbm>> -> memref<200x64xf32, #tpu.memory_space<hbm>>
    %dma_start3A_864 = arith.constant 0 : i32
    %dma_start3A_865 = arith.constant 0 : i32
    %dma_start3A_866 = tpu.memref_slice %arg7[%dma_start3A_848, %dma_start3A_864, %dma_start3A_865] : memref<6x200x64xf32, #tpu.memory_space<vmem>> -> memref<1x200x64xf32, #tpu.memory_space<vmem>>
    %dma_start3A_867 = tpu.memref_squeeze %dma_start3A_866 : memref<1x200x64xf32, #tpu.memory_space<vmem>> -> memref<200x64xf32, #tpu.memory_space<vmem>>
    tpu.enqueue_dma source(%dma_start3A_867 : memref<200x64xf32, #tpu.memory_space<vmem>>) target(%dma_start3A_863 : memref<200x64xf32, #tpu.memory_space<hbm>>) target_semaphore(%dma_start3A_859 : memref<!tpu.dma_semaphore, #tpu.memory_space<semaphore_mem>>)
    %dma_wait3A_868 = arith.constant 0 : i32
    %dma_wait3A_869 = arith.constant 0 : i32
    %dma_wait3A_870 = arith.constant 0 : i32
    %dma_wait3A_871 = arith.constant 0 : i32
    %dma_wait3A_872 = tpu.memref_slice %arg7[%dma_wait3A_868, %dma_wait3A_870, %dma_wait3A_871] : memref<6x200x64xf32, #tpu.memory_space<vmem>> -> memref<1x200x64xf32, #tpu.memory_space<vmem>>
    %dma_wait3A_873 = tpu.memref_squeeze %dma_wait3A_872 : memref<1x200x64xf32, #tpu.memory_space<vmem>> -> memref<200x64xf32, #tpu.memory_space<vmem>>
    %dma_wait3A_874 = arith.constant 0 : i32
    %dma_wait3A_875 = arith.constant 0 : i32
    %dma_wait3A_876 = tpu.memref_slice %arg5[%add3A_751, %dma_wait3A_874, %dma_wait3A_875] : memref<1024x200x128xf32, #tpu.memory_space<hbm>> -> memref<1x200x64xf32, #tpu.memory_space<hbm>>
    %dma_wait3A_877 = tpu.memref_squeeze %dma_wait3A_876 : memref<1x200x64xf32, #tpu.memory_space<hbm>> -> memref<200x64xf32, #tpu.memory_space<hbm>>
    %dma_wait3A_878 = tpu.memref_slice %arg12[%dma_wait3A_869] : memref<6x!tpu.dma_semaphore, #tpu.memory_space<semaphore_mem>> -> memref<1x!tpu.dma_semaphore, #tpu.memory_space<semaphore_mem>>
    %dma_wait3A_879 = tpu.memref_squeeze %dma_wait3A_878 : memref<1x!tpu.dma_semaphore, #tpu.memory_space<semaphore_mem>> -> memref<!tpu.dma_semaphore, #tpu.memory_space<semaphore_mem>>
    %dma_wait3A_880 = arith.constant 0 : i32
    %dma_wait3A_881 = arith.constant 0 : i32
    %dma_wait3A_882 = tpu.memref_slice %arg5[%add3A_751, %dma_wait3A_880, %dma_wait3A_881] : memref<1024x200x128xf32, #tpu.memory_space<hbm>> -> memref<1x200x64xf32, #tpu.memory_space<hbm>>
    %dma_wait3A_883 = tpu.memref_squeeze %dma_wait3A_882 : memref<1x200x64xf32, #tpu.memory_space<hbm>> -> memref<200x64xf32, #tpu.memory_space<hbm>>
    %dma_wait3A_884 = arith.constant 0 : i32
    %dma_wait3A_885 = arith.constant 0 : i32
    %dma_wait3A_886 = tpu.memref_slice %arg7[%dma_wait3A_868, %dma_wait3A_884, %dma_wait3A_885] : memref<6x200x64xf32, #tpu.memory_space<vmem>> -> memref<1x200x64xf32, #tpu.memory_space<vmem>>
    %dma_wait3A_887 = tpu.memref_squeeze %dma_wait3A_886 : memref<1x200x64xf32, #tpu.memory_space<vmem>> -> memref<200x64xf32, #tpu.memory_space<vmem>>
    tpu.wait_dma2 semaphore(%dma_wait3A_879 : memref<!tpu.dma_semaphore, #tpu.memory_space<semaphore_mem>>) src(%dma_wait3A_887 : memref<200x64xf32, #tpu.memory_space<vmem>>) dst(%dma_wait3A_883 : memref<200x64xf32, #tpu.memory_space<hbm>>)
    %dma_start3A_888 = arith.constant 0 : i32
    %dma_start3A_889 = arith.constant 0 : i32
    %dma_start3A_890 = arith.constant 0 : i32
    %dma_start3A_891 = arith.constant 0 : i32
    %dma_start3A_892 = tpu.memref_slice %arg7[%dma_start3A_888, %dma_start3A_890, %dma_start3A_891] : memref<6x200x64xf32, #tpu.memory_space<vmem>> -> memref<1x200x64xf32, #tpu.memory_space<vmem>>
    %dma_start3A_893 = tpu.memref_squeeze %dma_start3A_892 : memref<1x200x64xf32, #tpu.memory_space<vmem>> -> memref<200x64xf32, #tpu.memory_space<vmem>>
    %dma_start3A_894 = tpu.memref_slice %arg10[%dma_start3A_889] : memref<6x!tpu.dma_semaphore, #tpu.memory_space<semaphore_mem>> -> memref<1x!tpu.dma_semaphore, #tpu.memory_space<semaphore_mem>>
    %dma_start3A_895 = tpu.memref_squeeze %dma_start3A_894 : memref<1x!tpu.dma_semaphore, #tpu.memory_space<semaphore_mem>> -> memref<!tpu.dma_semaphore, #tpu.memory_space<semaphore_mem>>
    %dma_start3A_896 = arith.constant 0 : i32
    %dma_start3A_897 = arith.constant 0 : i32
    %dma_start3A_898 = tpu.memref_slice %arg7[%dma_start3A_888, %dma_start3A_896, %dma_start3A_897] : memref<6x200x64xf32, #tpu.memory_space<vmem>> -> memref<1x200x64xf32, #tpu.memory_space<vmem>>
    %dma_start3A_899 = tpu.memref_squeeze %dma_start3A_898 : memref<1x200x64xf32, #tpu.memory_space<vmem>> -> memref<200x64xf32, #tpu.memory_space<vmem>>
    tpu.enqueue_dma source(%arg8 : memref<200x64xf32, #tpu.memory_space<vmem_shared>>) target(%dma_start3A_899 : memref<200x64xf32, #tpu.memory_space<vmem>>) target_semaphore(%dma_start3A_895 : memref<!tpu.dma_semaphore, #tpu.memory_space<semaphore_mem>>)
    %dma_wait3A_900 = arith.constant 5 : i32
    %dma_wait3A_901 = arith.constant 5 : i32
    %dma_wait3A_902 = arith.constant 0 : i32
    %dma_wait3A_903 = arith.constant 0 : i32
    %dma_wait3A_904 = tpu.memref_slice %arg7[%dma_wait3A_900, %dma_wait3A_902, %dma_wait3A_903] : memref<6x200x64xf32, #tpu.memory_space<vmem>> -> memref<1x200x64xf32, #tpu.memory_space<vmem>>
    %dma_wait3A_905 = tpu.memref_squeeze %dma_wait3A_904 : memref<1x200x64xf32, #tpu.memory_space<vmem>> -> memref<200x64xf32, #tpu.memory_space<vmem>>
    %dma_wait3A_906 = tpu.memref_slice %arg10[%dma_wait3A_901] : memref<6x!tpu.dma_semaphore, #tpu.memory_space<semaphore_mem>> -> memref<1x!tpu.dma_semaphore, #tpu.memory_space<semaphore_mem>>
    %dma_wait3A_907 = tpu.memref_squeeze %dma_wait3A_906 : memref<1x!tpu.dma_semaphore, #tpu.memory_space<semaphore_mem>> -> memref<!tpu.dma_semaphore, #tpu.memory_space<semaphore_mem>>
    %dma_wait3A_908 = arith.constant 0 : i32
    %dma_wait3A_909 = arith.constant 0 : i32
    %dma_wait3A_910 = tpu.memref_slice %arg7[%dma_wait3A_900, %dma_wait3A_908, %dma_wait3A_909] : memref<6x200x64xf32, #tpu.memory_space<vmem>> -> memref<1x200x64xf32, #tpu.memory_space<vmem>>
    %dma_wait3A_911 = tpu.memref_squeeze %dma_wait3A_910 : memref<1x200x64xf32, #tpu.memory_space<vmem>> -> memref<200x64xf32, #tpu.memory_space<vmem>>
    tpu.wait_dma2 semaphore(%dma_wait3A_907 : memref<!tpu.dma_semaphore, #tpu.memory_space<semaphore_mem>>) src(%arg8 : memref<200x64xf32, #tpu.memory_space<vmem_shared>>) dst(%dma_wait3A_911 : memref<200x64xf32, #tpu.memory_space<vmem>>)
    %dma_start3A_912 = arith.constant 11 : i32
    %dma_start3A_913 = arith.constant 5 : i32
    %dma_start3A_914 = arith.constant 5 : i32
    %dma_start3A_915 = arith.constant 0 : i32
    %dma_start3A_916 = arith.constant 0 : i32
    %dma_start3A_917 = tpu.memref_slice %arg7[%dma_start3A_913, %dma_start3A_915, %dma_start3A_916] : memref<6x200x64xf32, #tpu.memory_space<vmem>> -> memref<1x200x64xf32, #tpu.memory_space<vmem>>
    %dma_start3A_918 = tpu.memref_squeeze %dma_start3A_917 : memref<1x200x64xf32, #tpu.memory_space<vmem>> -> memref<200x64xf32, #tpu.memory_space<vmem>>
    %dma_start3A_919 = arith.constant 0 : i32
    %dma_start3A_920 = tpu.memref_slice %arg6[%dma_start3A_912, %dma_start3A_919] : memref<32x200xi32, #tpu.memory_space<vmem>> -> memref<1x200xi32, #tpu.memory_space<vmem>>
    %dma_start3A_921 = tpu.memref_squeeze %dma_start3A_920 : memref<1x200xi32, #tpu.memory_space<vmem>> -> memref<200xi32, #tpu.memory_space<vmem>>
    %dma_start3A_922 = arith.constant 0 : i32
    %dma_start3A_923 = arith.constant 0 : i32
    %dma_start3A_924 = tpu.memref_slice %arg4[%dma_start3A_922, %dma_start3A_923] : memref<100000x64xf32, #tpu.memory_space<hbm>> -> memref<100000x64xf32, #tpu.memory_space<hbm>>
    %dma_start3A_925 = tpu.memref_slice %arg11[%dma_start3A_914] : memref<6x!tpu.dma_semaphore, #tpu.memory_space<semaphore_mem>> -> memref<1x!tpu.dma_semaphore, #tpu.memory_space<semaphore_mem>>
    %dma_start3A_926 = tpu.memref_squeeze %dma_start3A_925 : memref<1x!tpu.dma_semaphore, #tpu.memory_space<semaphore_mem>> -> memref<!tpu.dma_semaphore, #tpu.memory_space<semaphore_mem>>
    tpu.enqueue_indirect_dma source(%dma_start3A_924 : memref<100000x64xf32, #tpu.memory_space<hbm>>) target(%dma_start3A_918 : memref<200x64xf32, #tpu.memory_space<vmem>>) offsets(%dma_start3A_921 : memref<200xi32, #tpu.memory_space<vmem>>) semaphore(%dma_start3A_926 : memref<!tpu.dma_semaphore, #tpu.memory_space<semaphore_mem>>) {add = true}
    %dma_wait3A_927 = arith.constant 8 : i32
    %dma_wait3A_928 = arith.constant 2 : i32
    %dma_wait3A_929 = arith.constant 2 : i32
    %dma_wait3A_930 = arith.constant 0 : i32
    %dma_wait3A_931 = arith.constant 0 : i32
    %dma_wait3A_932 = tpu.memref_slice %arg7[%dma_wait3A_928, %dma_wait3A_930, %dma_wait3A_931] : memref<6x200x64xf32, #tpu.memory_space<vmem>> -> memref<1x200x64xf32, #tpu.memory_space<vmem>>
    %dma_wait3A_933 = tpu.memref_squeeze %dma_wait3A_932 : memref<1x200x64xf32, #tpu.memory_space<vmem>> -> memref<200x64xf32, #tpu.memory_space<vmem>>
    %dma_wait3A_934 = arith.constant 0 : i32
    %dma_wait3A_935 = tpu.memref_slice %arg6[%dma_wait3A_927, %dma_wait3A_934] : memref<32x200xi32, #tpu.memory_space<vmem>> -> memref<1x200xi32, #tpu.memory_space<vmem>>
    %dma_wait3A_936 = tpu.memref_squeeze %dma_wait3A_935 : memref<1x200xi32, #tpu.memory_space<vmem>> -> memref<200xi32, #tpu.memory_space<vmem>>
    %dma_wait3A_937 = arith.constant 0 : i32
    %dma_wait3A_938 = arith.constant 0 : i32
    %dma_wait3A_939 = tpu.memref_slice %arg4[%dma_wait3A_937, %dma_wait3A_938] : memref<100000x64xf32, #tpu.memory_space<hbm>> -> memref<100000x64xf32, #tpu.memory_space<hbm>>
    %dma_wait3A_940 = tpu.memref_slice %arg11[%dma_wait3A_929] : memref<6x!tpu.dma_semaphore, #tpu.memory_space<semaphore_mem>> -> memref<1x!tpu.dma_semaphore, #tpu.memory_space<semaphore_mem>>
    %dma_wait3A_941 = tpu.memref_squeeze %dma_wait3A_940 : memref<1x!tpu.dma_semaphore, #tpu.memory_space<semaphore_mem>> -> memref<!tpu.dma_semaphore, #tpu.memory_space<semaphore_mem>>
    tpu.wait_indirect_dma semaphore(%dma_wait3A_941 : memref<!tpu.dma_semaphore, #tpu.memory_space<semaphore_mem>>) src(%dma_wait3A_939 : memref<100000x64xf32, #tpu.memory_space<hbm>>) dst(%dma_wait3A_933 : memref<200x64xf32, #tpu.memory_space<vmem>>)
    %add3A_942 = arith.constant 8 : i32
    %add3A_943 = arith.addi %mul3A_2, %add3A_942 : i32
    %dma_start3A_944 = arith.constant 2 : i32
    %dma_start3A_945 = arith.constant 2 : i32
    %dma_start3A_946 = arith.constant 0 : i32
    %dma_start3A_947 = arith.constant 0 : i32
    %dma_start3A_948 = tpu.memref_slice %arg7[%dma_start3A_944, %dma_start3A_946, %dma_start3A_947] : memref<6x200x64xf32, #tpu.memory_space<vmem>> -> memref<1x200x64xf32, #tpu.memory_space<vmem>>
    %dma_start3A_949 = tpu.memref_squeeze %dma_start3A_948 : memref<1x200x64xf32, #tpu.memory_space<vmem>> -> memref<200x64xf32, #tpu.memory_space<vmem>>
    %dma_start3A_950 = arith.constant 0 : i32
    %dma_start3A_951 = arith.constant 0 : i32
    %dma_start3A_952 = tpu.memref_slice %arg5[%add3A_943, %dma_start3A_950, %dma_start3A_951] : memref<1024x200x128xf32, #tpu.memory_space<hbm>> -> memref<1x200x64xf32, #tpu.memory_space<hbm>>
    %dma_start3A_953 = tpu.memref_squeeze %dma_start3A_952 : memref<1x200x64xf32, #tpu.memory_space<hbm>> -> memref<200x64xf32, #tpu.memory_space<hbm>>
    %dma_start3A_954 = tpu.memref_slice %arg12[%dma_start3A_945] : memref<6x!tpu.dma_semaphore, #tpu.memory_space<semaphore_mem>> -> memref<1x!tpu.dma_semaphore, #tpu.memory_space<semaphore_mem>>
    %dma_start3A_955 = tpu.memref_squeeze %dma_start3A_954 : memref<1x!tpu.dma_semaphore, #tpu.memory_space<semaphore_mem>> -> memref<!tpu.dma_semaphore, #tpu.memory_space<semaphore_mem>>
    %dma_start3A_956 = arith.constant 0 : i32
    %dma_start3A_957 = arith.constant 0 : i32
    %dma_start3A_958 = tpu.memref_slice %arg5[%add3A_943, %dma_start3A_956, %dma_start3A_957] : memref<1024x200x128xf32, #tpu.memory_space<hbm>> -> memref<1x200x64xf32, #tpu.memory_space<hbm>>
    %dma_start3A_959 = tpu.memref_squeeze %dma_start3A_958 : memref<1x200x64xf32, #tpu.memory_space<hbm>> -> memref<200x64xf32, #tpu.memory_space<hbm>>
    %dma_start3A_960 = arith.constant 0 : i32
    %dma_start3A_961 = arith.constant 0 : i32
    %dma_start3A_962 = tpu.memref_slice %arg7[%dma_start3A_944, %dma_start3A_960, %dma_start3A_961] : memref<6x200x64xf32, #tpu.memory_space<vmem>> -> memref<1x200x64xf32, #tpu.memory_space<vmem>>
    %dma_start3A_963 = tpu.memref_squeeze %dma_start3A_962 : memref<1x200x64xf32, #tpu.memory_space<vmem>> -> memref<200x64xf32, #tpu.memory_space<vmem>>
    tpu.enqueue_dma source(%dma_start3A_963 : memref<200x64xf32, #tpu.memory_space<vmem>>) target(%dma_start3A_959 : memref<200x64xf32, #tpu.memory_space<hbm>>) target_semaphore(%dma_start3A_955 : memref<!tpu.dma_semaphore, #tpu.memory_space<semaphore_mem>>)
    %dma_wait3A_964 = arith.constant 1 : i32
    %dma_wait3A_965 = arith.constant 1 : i32
    %dma_wait3A_966 = arith.constant 0 : i32
    %dma_wait3A_967 = arith.constant 0 : i32
    %dma_wait3A_968 = tpu.memref_slice %arg7[%dma_wait3A_964, %dma_wait3A_966, %dma_wait3A_967] : memref<6x200x64xf32, #tpu.memory_space<vmem>> -> memref<1x200x64xf32, #tpu.memory_space<vmem>>
    %dma_wait3A_969 = tpu.memref_squeeze %dma_wait3A_968 : memref<1x200x64xf32, #tpu.memory_space<vmem>> -> memref<200x64xf32, #tpu.memory_space<vmem>>
    %dma_wait3A_970 = arith.constant 0 : i32
    %dma_wait3A_971 = arith.constant 0 : i32
    %dma_wait3A_972 = tpu.memref_slice %arg5[%add3A_847, %dma_wait3A_970, %dma_wait3A_971] : memref<1024x200x128xf32, #tpu.memory_space<hbm>> -> memref<1x200x64xf32, #tpu.memory_space<hbm>>
    %dma_wait3A_973 = tpu.memref_squeeze %dma_wait3A_972 : memref<1x200x64xf32, #tpu.memory_space<hbm>> -> memref<200x64xf32, #tpu.memory_space<hbm>>
    %dma_wait3A_974 = tpu.memref_slice %arg12[%dma_wait3A_965] : memref<6x!tpu.dma_semaphore, #tpu.memory_space<semaphore_mem>> -> memref<1x!tpu.dma_semaphore, #tpu.memory_space<semaphore_mem>>
    %dma_wait3A_975 = tpu.memref_squeeze %dma_wait3A_974 : memref<1x!tpu.dma_semaphore, #tpu.memory_space<semaphore_mem>> -> memref<!tpu.dma_semaphore, #tpu.memory_space<semaphore_mem>>
    %dma_wait3A_976 = arith.constant 0 : i32
    %dma_wait3A_977 = arith.constant 0 : i32
    %dma_wait3A_978 = tpu.memref_slice %arg5[%add3A_847, %dma_wait3A_976, %dma_wait3A_977] : memref<1024x200x128xf32, #tpu.memory_space<hbm>> -> memref<1x200x64xf32, #tpu.memory_space<hbm>>
    %dma_wait3A_979 = tpu.memref_squeeze %dma_wait3A_978 : memref<1x200x64xf32, #tpu.memory_space<hbm>> -> memref<200x64xf32, #tpu.memory_space<hbm>>
    %dma_wait3A_980 = arith.constant 0 : i32
    %dma_wait3A_981 = arith.constant 0 : i32
    %dma_wait3A_982 = tpu.memref_slice %arg7[%dma_wait3A_964, %dma_wait3A_980, %dma_wait3A_981] : memref<6x200x64xf32, #tpu.memory_space<vmem>> -> memref<1x200x64xf32, #tpu.memory_space<vmem>>
    %dma_wait3A_983 = tpu.memref_squeeze %dma_wait3A_982 : memref<1x200x64xf32, #tpu.memory_space<vmem>> -> memref<200x64xf32, #tpu.memory_space<vmem>>
    tpu.wait_dma2 semaphore(%dma_wait3A_975 : memref<!tpu.dma_semaphore, #tpu.memory_space<semaphore_mem>>) src(%dma_wait3A_983 : memref<200x64xf32, #tpu.memory_space<vmem>>) dst(%dma_wait3A_979 : memref<200x64xf32, #tpu.memory_space<hbm>>)
    %dma_start3A_984 = arith.constant 1 : i32
    %dma_start3A_985 = arith.constant 1 : i32
    %dma_start3A_986 = arith.constant 0 : i32
    %dma_start3A_987 = arith.constant 0 : i32
    %dma_start3A_988 = tpu.memref_slice %arg7[%dma_start3A_984, %dma_start3A_986, %dma_start3A_987] : memref<6x200x64xf32, #tpu.memory_space<vmem>> -> memref<1x200x64xf32, #tpu.memory_space<vmem>>
    %dma_start3A_989 = tpu.memref_squeeze %dma_start3A_988 : memref<1x200x64xf32, #tpu.memory_space<vmem>> -> memref<200x64xf32, #tpu.memory_space<vmem>>
    %dma_start3A_990 = tpu.memref_slice %arg10[%dma_start3A_985] : memref<6x!tpu.dma_semaphore, #tpu.memory_space<semaphore_mem>> -> memref<1x!tpu.dma_semaphore, #tpu.memory_space<semaphore_mem>>
    %dma_start3A_991 = tpu.memref_squeeze %dma_start3A_990 : memref<1x!tpu.dma_semaphore, #tpu.memory_space<semaphore_mem>> -> memref<!tpu.dma_semaphore, #tpu.memory_space<semaphore_mem>>
    %dma_start3A_992 = arith.constant 0 : i32
    %dma_start3A_993 = arith.constant 0 : i32
    %dma_start3A_994 = tpu.memref_slice %arg7[%dma_start3A_984, %dma_start3A_992, %dma_start3A_993] : memref<6x200x64xf32, #tpu.memory_space<vmem>> -> memref<1x200x64xf32, #tpu.memory_space<vmem>>
    %dma_start3A_995 = tpu.memref_squeeze %dma_start3A_994 : memref<1x200x64xf32, #tpu.memory_space<vmem>> -> memref<200x64xf32, #tpu.memory_space<vmem>>
    tpu.enqueue_dma source(%arg8 : memref<200x64xf32, #tpu.memory_space<vmem_shared>>) target(%dma_start3A_995 : memref<200x64xf32, #tpu.memory_space<vmem>>) target_semaphore(%dma_start3A_991 : memref<!tpu.dma_semaphore, #tpu.memory_space<semaphore_mem>>)
    %dma_wait3A_996 = arith.constant 0 : i32
    %dma_wait3A_997 = arith.constant 0 : i32
    %dma_wait3A_998 = arith.constant 0 : i32
    %dma_wait3A_999 = arith.constant 0 : i32
    %dma_wait3A_1000 = tpu.memref_slice %arg7[%dma_wait3A_996, %dma_wait3A_998, %dma_wait3A_999] : memref<6x200x64xf32, #tpu.memory_space<vmem>> -> memref<1x200x64xf32, #tpu.memory_space<vmem>>
    %dma_wait3A_1001 = tpu.memref_squeeze %dma_wait3A_1000 : memref<1x200x64xf32, #tpu.memory_space<vmem>> -> memref<200x64xf32, #tpu.memory_space<vmem>>
    %dma_wait3A_1002 = tpu.memref_slice %arg10[%dma_wait3A_997] : memref<6x!tpu.dma_semaphore, #tpu.memory_space<semaphore_mem>> -> memref<1x!tpu.dma_semaphore, #tpu.memory_space<semaphore_mem>>
    %dma_wait3A_1003 = tpu.memref_squeeze %dma_wait3A_1002 : memref<1x!tpu.dma_semaphore, #tpu.memory_space<semaphore_mem>> -> memref<!tpu.dma_semaphore, #tpu.memory_space<semaphore_mem>>
    %dma_wait3A_1004 = arith.constant 0 : i32
    %dma_wait3A_1005 = arith.constant 0 : i32
    %dma_wait3A_1006 = tpu.memref_slice %arg7[%dma_wait3A_996, %dma_wait3A_1004, %dma_wait3A_1005] : memref<6x200x64xf32, #tpu.memory_space<vmem>> -> memref<1x200x64xf32, #tpu.memory_space<vmem>>
    %dma_wait3A_1007 = tpu.memref_squeeze %dma_wait3A_1006 : memref<1x200x64xf32, #tpu.memory_space<vmem>> -> memref<200x64xf32, #tpu.memory_space<vmem>>
    tpu.wait_dma2 semaphore(%dma_wait3A_1003 : memref<!tpu.dma_semaphore, #tpu.memory_space<semaphore_mem>>) src(%arg8 : memref<200x64xf32, #tpu.memory_space<vmem_shared>>) dst(%dma_wait3A_1007 : memref<200x64xf32, #tpu.memory_space<vmem>>)
    %dma_start3A_1008 = arith.constant 12 : i32
    %dma_start3A_1009 = arith.constant 0 : i32
    %dma_start3A_1010 = arith.constant 0 : i32
    %dma_start3A_1011 = arith.constant 0 : i32
    %dma_start3A_1012 = arith.constant 0 : i32
    %dma_start3A_1013 = tpu.memref_slice %arg7[%dma_start3A_1009, %dma_start3A_1011, %dma_start3A_1012] : memref<6x200x64xf32, #tpu.memory_space<vmem>> -> memref<1x200x64xf32, #tpu.memory_space<vmem>>
    %dma_start3A_1014 = tpu.memref_squeeze %dma_start3A_1013 : memref<1x200x64xf32, #tpu.memory_space<vmem>> -> memref<200x64xf32, #tpu.memory_space<vmem>>
    %dma_start3A_1015 = arith.constant 0 : i32
    %dma_start3A_1016 = tpu.memref_slice %arg6[%dma_start3A_1008, %dma_start3A_1015] : memref<32x200xi32, #tpu.memory_space<vmem>> -> memref<1x200xi32, #tpu.memory_space<vmem>>
    %dma_start3A_1017 = tpu.memref_squeeze %dma_start3A_1016 : memref<1x200xi32, #tpu.memory_space<vmem>> -> memref<200xi32, #tpu.memory_space<vmem>>
    %dma_start3A_1018 = arith.constant 0 : i32
    %dma_start3A_1019 = arith.constant 0 : i32
    %dma_start3A_1020 = tpu.memref_slice %arg4[%dma_start3A_1018, %dma_start3A_1019] : memref<100000x64xf32, #tpu.memory_space<hbm>> -> memref<100000x64xf32, #tpu.memory_space<hbm>>
    %dma_start3A_1021 = tpu.memref_slice %arg11[%dma_start3A_1010] : memref<6x!tpu.dma_semaphore, #tpu.memory_space<semaphore_mem>> -> memref<1x!tpu.dma_semaphore, #tpu.memory_space<semaphore_mem>>
    %dma_start3A_1022 = tpu.memref_squeeze %dma_start3A_1021 : memref<1x!tpu.dma_semaphore, #tpu.memory_space<semaphore_mem>> -> memref<!tpu.dma_semaphore, #tpu.memory_space<semaphore_mem>>
    tpu.enqueue_indirect_dma source(%dma_start3A_1020 : memref<100000x64xf32, #tpu.memory_space<hbm>>) target(%dma_start3A_1014 : memref<200x64xf32, #tpu.memory_space<vmem>>) offsets(%dma_start3A_1017 : memref<200xi32, #tpu.memory_space<vmem>>) semaphore(%dma_start3A_1022 : memref<!tpu.dma_semaphore, #tpu.memory_space<semaphore_mem>>) {add = true}
    %dma_wait3A_1023 = arith.constant 9 : i32
    %dma_wait3A_1024 = arith.constant 3 : i32
    %dma_wait3A_1025 = arith.constant 3 : i32
    %dma_wait3A_1026 = arith.constant 0 : i32
    %dma_wait3A_1027 = arith.constant 0 : i32
    %dma_wait3A_1028 = tpu.memref_slice %arg7[%dma_wait3A_1024, %dma_wait3A_1026, %dma_wait3A_1027] : memref<6x200x64xf32, #tpu.memory_space<vmem>> -> memref<1x200x64xf32, #tpu.memory_space<vmem>>
    %dma_wait3A_1029 = tpu.memref_squeeze %dma_wait3A_1028 : memref<1x200x64xf32, #tpu.memory_space<vmem>> -> memref<200x64xf32, #tpu.memory_space<vmem>>
    %dma_wait3A_1030 = arith.constant 0 : i32
    %dma_wait3A_1031 = tpu.memref_slice %arg6[%dma_wait3A_1023, %dma_wait3A_1030] : memref<32x200xi32, #tpu.memory_space<vmem>> -> memref<1x200xi32, #tpu.memory_space<vmem>>
    %dma_wait3A_1032 = tpu.memref_squeeze %dma_wait3A_1031 : memref<1x200xi32, #tpu.memory_space<vmem>> -> memref<200xi32, #tpu.memory_space<vmem>>
    %dma_wait3A_1033 = arith.constant 0 : i32
    %dma_wait3A_1034 = arith.constant 0 : i32
    %dma_wait3A_1035 = tpu.memref_slice %arg4[%dma_wait3A_1033, %dma_wait3A_1034] : memref<100000x64xf32, #tpu.memory_space<hbm>> -> memref<100000x64xf32, #tpu.memory_space<hbm>>
    %dma_wait3A_1036 = tpu.memref_slice %arg11[%dma_wait3A_1025] : memref<6x!tpu.dma_semaphore, #tpu.memory_space<semaphore_mem>> -> memref<1x!tpu.dma_semaphore, #tpu.memory_space<semaphore_mem>>
    %dma_wait3A_1037 = tpu.memref_squeeze %dma_wait3A_1036 : memref<1x!tpu.dma_semaphore, #tpu.memory_space<semaphore_mem>> -> memref<!tpu.dma_semaphore, #tpu.memory_space<semaphore_mem>>
    tpu.wait_indirect_dma semaphore(%dma_wait3A_1037 : memref<!tpu.dma_semaphore, #tpu.memory_space<semaphore_mem>>) src(%dma_wait3A_1035 : memref<100000x64xf32, #tpu.memory_space<hbm>>) dst(%dma_wait3A_1029 : memref<200x64xf32, #tpu.memory_space<vmem>>)
    %add3A_1038 = arith.constant 9 : i32
    %add3A_1039 = arith.addi %mul3A_2, %add3A_1038 : i32
    %dma_start3A_1040 = arith.constant 3 : i32
    %dma_start3A_1041 = arith.constant 3 : i32
    %dma_start3A_1042 = arith.constant 0 : i32
    %dma_start3A_1043 = arith.constant 0 : i32
    %dma_start3A_1044 = tpu.memref_slice %arg7[%dma_start3A_1040, %dma_start3A_1042, %dma_start3A_1043] : memref<6x200x64xf32, #tpu.memory_space<vmem>> -> memref<1x200x64xf32, #tpu.memory_space<vmem>>
    %dma_start3A_1045 = tpu.memref_squeeze %dma_start3A_1044 : memref<1x200x64xf32, #tpu.memory_space<vmem>> -> memref<200x64xf32, #tpu.memory_space<vmem>>
    %dma_start3A_1046 = arith.constant 0 : i32
    %dma_start3A_1047 = arith.constant 0 : i32
    %dma_start3A_1048 = tpu.memref_slice %arg5[%add3A_1039, %dma_start3A_1046, %dma_start3A_1047] : memref<1024x200x128xf32, #tpu.memory_space<hbm>> -> memref<1x200x64xf32, #tpu.memory_space<hbm>>
    %dma_start3A_1049 = tpu.memref_squeeze %dma_start3A_1048 : memref<1x200x64xf32, #tpu.memory_space<hbm>> -> memref<200x64xf32, #tpu.memory_space<hbm>>
    %dma_start3A_1050 = tpu.memref_slice %arg12[%dma_start3A_1041] : memref<6x!tpu.dma_semaphore, #tpu.memory_space<semaphore_mem>> -> memref<1x!tpu.dma_semaphore, #tpu.memory_space<semaphore_mem>>
    %dma_start3A_1051 = tpu.memref_squeeze %dma_start3A_1050 : memref<1x!tpu.dma_semaphore, #tpu.memory_space<semaphore_mem>> -> memref<!tpu.dma_semaphore, #tpu.memory_space<semaphore_mem>>
    %dma_start3A_1052 = arith.constant 0 : i32
    %dma_start3A_1053 = arith.constant 0 : i32
    %dma_start3A_1054 = tpu.memref_slice %arg5[%add3A_1039, %dma_start3A_1052, %dma_start3A_1053] : memref<1024x200x128xf32, #tpu.memory_space<hbm>> -> memref<1x200x64xf32, #tpu.memory_space<hbm>>
    %dma_start3A_1055 = tpu.memref_squeeze %dma_start3A_1054 : memref<1x200x64xf32, #tpu.memory_space<hbm>> -> memref<200x64xf32, #tpu.memory_space<hbm>>
    %dma_start3A_1056 = arith.constant 0 : i32
    %dma_start3A_1057 = arith.constant 0 : i32
    %dma_start3A_1058 = tpu.memref_slice %arg7[%dma_start3A_1040, %dma_start3A_1056, %dma_start3A_1057] : memref<6x200x64xf32, #tpu.memory_space<vmem>> -> memref<1x200x64xf32, #tpu.memory_space<vmem>>
    %dma_start3A_1059 = tpu.memref_squeeze %dma_start3A_1058 : memref<1x200x64xf32, #tpu.memory_space<vmem>> -> memref<200x64xf32, #tpu.memory_space<vmem>>
    tpu.enqueue_dma source(%dma_start3A_1059 : memref<200x64xf32, #tpu.memory_space<vmem>>) target(%dma_start3A_1055 : memref<200x64xf32, #tpu.memory_space<hbm>>) target_semaphore(%dma_start3A_1051 : memref<!tpu.dma_semaphore, #tpu.memory_space<semaphore_mem>>)
    %dma_wait3A_1060 = arith.constant 2 : i32
    %dma_wait3A_1061 = arith.constant 2 : i32
    %dma_wait3A_1062 = arith.constant 0 : i32
    %dma_wait3A_1063 = arith.constant 0 : i32
    %dma_wait3A_1064 = tpu.memref_slice %arg7[%dma_wait3A_1060, %dma_wait3A_1062, %dma_wait3A_1063] : memref<6x200x64xf32, #tpu.memory_space<vmem>> -> memref<1x200x64xf32, #tpu.memory_space<vmem>>
    %dma_wait3A_1065 = tpu.memref_squeeze %dma_wait3A_1064 : memref<1x200x64xf32, #tpu.memory_space<vmem>> -> memref<200x64xf32, #tpu.memory_space<vmem>>
    %dma_wait3A_1066 = arith.constant 0 : i32
    %dma_wait3A_1067 = arith.constant 0 : i32
    %dma_wait3A_1068 = tpu.memref_slice %arg5[%add3A_943, %dma_wait3A_1066, %dma_wait3A_1067] : memref<1024x200x128xf32, #tpu.memory_space<hbm>> -> memref<1x200x64xf32, #tpu.memory_space<hbm>>
    %dma_wait3A_1069 = tpu.memref_squeeze %dma_wait3A_1068 : memref<1x200x64xf32, #tpu.memory_space<hbm>> -> memref<200x64xf32, #tpu.memory_space<hbm>>
    %dma_wait3A_1070 = tpu.memref_slice %arg12[%dma_wait3A_1061] : memref<6x!tpu.dma_semaphore, #tpu.memory_space<semaphore_mem>> -> memref<1x!tpu.dma_semaphore, #tpu.memory_space<semaphore_mem>>
    %dma_wait3A_1071 = tpu.memref_squeeze %dma_wait3A_1070 : memref<1x!tpu.dma_semaphore, #tpu.memory_space<semaphore_mem>> -> memref<!tpu.dma_semaphore, #tpu.memory_space<semaphore_mem>>
    %dma_wait3A_1072 = arith.constant 0 : i32
    %dma_wait3A_1073 = arith.constant 0 : i32
    %dma_wait3A_1074 = tpu.memref_slice %arg5[%add3A_943, %dma_wait3A_1072, %dma_wait3A_1073] : memref<1024x200x128xf32, #tpu.memory_space<hbm>> -> memref<1x200x64xf32, #tpu.memory_space<hbm>>
    %dma_wait3A_1075 = tpu.memref_squeeze %dma_wait3A_1074 : memref<1x200x64xf32, #tpu.memory_space<hbm>> -> memref<200x64xf32, #tpu.memory_space<hbm>>
    %dma_wait3A_1076 = arith.constant 0 : i32
    %dma_wait3A_1077 = arith.constant 0 : i32
    %dma_wait3A_1078 = tpu.memref_slice %arg7[%dma_wait3A_1060, %dma_wait3A_1076, %dma_wait3A_1077] : memref<6x200x64xf32, #tpu.memory_space<vmem>> -> memref<1x200x64xf32, #tpu.memory_space<vmem>>
    %dma_wait3A_1079 = tpu.memref_squeeze %dma_wait3A_1078 : memref<1x200x64xf32, #tpu.memory_space<vmem>> -> memref<200x64xf32, #tpu.memory_space<vmem>>
    tpu.wait_dma2 semaphore(%dma_wait3A_1071 : memref<!tpu.dma_semaphore, #tpu.memory_space<semaphore_mem>>) src(%dma_wait3A_1079 : memref<200x64xf32, #tpu.memory_space<vmem>>) dst(%dma_wait3A_1075 : memref<200x64xf32, #tpu.memory_space<hbm>>)
    %dma_start3A_1080 = arith.constant 2 : i32
    %dma_start3A_1081 = arith.constant 2 : i32
    %dma_start3A_1082 = arith.constant 0 : i32
    %dma_start3A_1083 = arith.constant 0 : i32
    %dma_start3A_1084 = tpu.memref_slice %arg7[%dma_start3A_1080, %dma_start3A_1082, %dma_start3A_1083] : memref<6x200x64xf32, #tpu.memory_space<vmem>> -> memref<1x200x64xf32, #tpu.memory_space<vmem>>
    %dma_start3A_1085 = tpu.memref_squeeze %dma_start3A_1084 : memref<1x200x64xf32, #tpu.memory_space<vmem>> -> memref<200x64xf32, #tpu.memory_space<vmem>>
    %dma_start3A_1086 = tpu.memref_slice %arg10[%dma_start3A_1081] : memref<6x!tpu.dma_semaphore, #tpu.memory_space<semaphore_mem>> -> memref<1x!tpu.dma_semaphore, #tpu.memory_space<semaphore_mem>>
    %dma_start3A_1087 = tpu.memref_squeeze %dma_start3A_1086 : memref<1x!tpu.dma_semaphore, #tpu.memory_space<semaphore_mem>> -> memref<!tpu.dma_semaphore, #tpu.memory_space<semaphore_mem>>
    %dma_start3A_1088 = arith.constant 0 : i32
    %dma_start3A_1089 = arith.constant 0 : i32
    %dma_start3A_1090 = tpu.memref_slice %arg7[%dma_start3A_1080, %dma_start3A_1088, %dma_start3A_1089] : memref<6x200x64xf32, #tpu.memory_space<vmem>> -> memref<1x200x64xf32, #tpu.memory_space<vmem>>
    %dma_start3A_1091 = tpu.memref_squeeze %dma_start3A_1090 : memref<1x200x64xf32, #tpu.memory_space<vmem>> -> memref<200x64xf32, #tpu.memory_space<vmem>>
    tpu.enqueue_dma source(%arg8 : memref<200x64xf32, #tpu.memory_space<vmem_shared>>) target(%dma_start3A_1091 : memref<200x64xf32, #tpu.memory_space<vmem>>) target_semaphore(%dma_start3A_1087 : memref<!tpu.dma_semaphore, #tpu.memory_space<semaphore_mem>>)
    %dma_wait3A_1092 = arith.constant 1 : i32
    %dma_wait3A_1093 = arith.constant 1 : i32
    %dma_wait3A_1094 = arith.constant 0 : i32
    %dma_wait3A_1095 = arith.constant 0 : i32
    %dma_wait3A_1096 = tpu.memref_slice %arg7[%dma_wait3A_1092, %dma_wait3A_1094, %dma_wait3A_1095] : memref<6x200x64xf32, #tpu.memory_space<vmem>> -> memref<1x200x64xf32, #tpu.memory_space<vmem>>
    %dma_wait3A_1097 = tpu.memref_squeeze %dma_wait3A_1096 : memref<1x200x64xf32, #tpu.memory_space<vmem>> -> memref<200x64xf32, #tpu.memory_space<vmem>>
    %dma_wait3A_1098 = tpu.memref_slice %arg10[%dma_wait3A_1093] : memref<6x!tpu.dma_semaphore, #tpu.memory_space<semaphore_mem>> -> memref<1x!tpu.dma_semaphore, #tpu.memory_space<semaphore_mem>>
    %dma_wait3A_1099 = tpu.memref_squeeze %dma_wait3A_1098 : memref<1x!tpu.dma_semaphore, #tpu.memory_space<semaphore_mem>> -> memref<!tpu.dma_semaphore, #tpu.memory_space<semaphore_mem>>
    %dma_wait3A_1100 = arith.constant 0 : i32
    %dma_wait3A_1101 = arith.constant 0 : i32
    %dma_wait3A_1102 = tpu.memref_slice %arg7[%dma_wait3A_1092, %dma_wait3A_1100, %dma_wait3A_1101] : memref<6x200x64xf32, #tpu.memory_space<vmem>> -> memref<1x200x64xf32, #tpu.memory_space<vmem>>
    %dma_wait3A_1103 = tpu.memref_squeeze %dma_wait3A_1102 : memref<1x200x64xf32, #tpu.memory_space<vmem>> -> memref<200x64xf32, #tpu.memory_space<vmem>>
    tpu.wait_dma2 semaphore(%dma_wait3A_1099 : memref<!tpu.dma_semaphore, #tpu.memory_space<semaphore_mem>>) src(%arg8 : memref<200x64xf32, #tpu.memory_space<vmem_shared>>) dst(%dma_wait3A_1103 : memref<200x64xf32, #tpu.memory_space<vmem>>)
    %dma_start3A_1104 = arith.constant 13 : i32
    %dma_start3A_1105 = arith.constant 1 : i32
    %dma_start3A_1106 = arith.constant 1 : i32
    %dma_start3A_1107 = arith.constant 0 : i32
    %dma_start3A_1108 = arith.constant 0 : i32
    %dma_start3A_1109 = tpu.memref_slice %arg7[%dma_start3A_1105, %dma_start3A_1107, %dma_start3A_1108] : memref<6x200x64xf32, #tpu.memory_space<vmem>> -> memref<1x200x64xf32, #tpu.memory_space<vmem>>
    %dma_start3A_1110 = tpu.memref_squeeze %dma_start3A_1109 : memref<1x200x64xf32, #tpu.memory_space<vmem>> -> memref<200x64xf32, #tpu.memory_space<vmem>>
    %dma_start3A_1111 = arith.constant 0 : i32
    %dma_start3A_1112 = tpu.memref_slice %arg6[%dma_start3A_1104, %dma_start3A_1111] : memref<32x200xi32, #tpu.memory_space<vmem>> -> memref<1x200xi32, #tpu.memory_space<vmem>>
    %dma_start3A_1113 = tpu.memref_squeeze %dma_start3A_1112 : memref<1x200xi32, #tpu.memory_space<vmem>> -> memref<200xi32, #tpu.memory_space<vmem>>
    %dma_start3A_1114 = arith.constant 0 : i32
    %dma_start3A_1115 = arith.constant 0 : i32
    %dma_start3A_1116 = tpu.memref_slice %arg4[%dma_start3A_1114, %dma_start3A_1115] : memref<100000x64xf32, #tpu.memory_space<hbm>> -> memref<100000x64xf32, #tpu.memory_space<hbm>>
    %dma_start3A_1117 = tpu.memref_slice %arg11[%dma_start3A_1106] : memref<6x!tpu.dma_semaphore, #tpu.memory_space<semaphore_mem>> -> memref<1x!tpu.dma_semaphore, #tpu.memory_space<semaphore_mem>>
    %dma_start3A_1118 = tpu.memref_squeeze %dma_start3A_1117 : memref<1x!tpu.dma_semaphore, #tpu.memory_space<semaphore_mem>> -> memref<!tpu.dma_semaphore, #tpu.memory_space<semaphore_mem>>
    tpu.enqueue_indirect_dma source(%dma_start3A_1116 : memref<100000x64xf32, #tpu.memory_space<hbm>>) target(%dma_start3A_1110 : memref<200x64xf32, #tpu.memory_space<vmem>>) offsets(%dma_start3A_1113 : memref<200xi32, #tpu.memory_space<vmem>>) semaphore(%dma_start3A_1118 : memref<!tpu.dma_semaphore, #tpu.memory_space<semaphore_mem>>) {add = true}
    %dma_wait3A_1119 = arith.constant 10 : i32
    %dma_wait3A_1120 = arith.constant 4 : i32
    %dma_wait3A_1121 = arith.constant 4 : i32
    %dma_wait3A_1122 = arith.constant 0 : i32
    %dma_wait3A_1123 = arith.constant 0 : i32
    %dma_wait3A_1124 = tpu.memref_slice %arg7[%dma_wait3A_1120, %dma_wait3A_1122, %dma_wait3A_1123] : memref<6x200x64xf32, #tpu.memory_space<vmem>> -> memref<1x200x64xf32, #tpu.memory_space<vmem>>
    %dma_wait3A_1125 = tpu.memref_squeeze %dma_wait3A_1124 : memref<1x200x64xf32, #tpu.memory_space<vmem>> -> memref<200x64xf32, #tpu.memory_space<vmem>>
    %dma_wait3A_1126 = arith.constant 0 : i32
    %dma_wait3A_1127 = tpu.memref_slice %arg6[%dma_wait3A_1119, %dma_wait3A_1126] : memref<32x200xi32, #tpu.memory_space<vmem>> -> memref<1x200xi32, #tpu.memory_space<vmem>>
    %dma_wait3A_1128 = tpu.memref_squeeze %dma_wait3A_1127 : memref<1x200xi32, #tpu.memory_space<vmem>> -> memref<200xi32, #tpu.memory_space<vmem>>
    %dma_wait3A_1129 = arith.constant 0 : i32
    %dma_wait3A_1130 = arith.constant 0 : i32
    %dma_wait3A_1131 = tpu.memref_slice %arg4[%dma_wait3A_1129, %dma_wait3A_1130] : memref<100000x64xf32, #tpu.memory_space<hbm>> -> memref<100000x64xf32, #tpu.memory_space<hbm>>
    %dma_wait3A_1132 = tpu.memref_slice %arg11[%dma_wait3A_1121] : memref<6x!tpu.dma_semaphore, #tpu.memory_space<semaphore_mem>> -> memref<1x!tpu.dma_semaphore, #tpu.memory_space<semaphore_mem>>
    %dma_wait3A_1133 = tpu.memref_squeeze %dma_wait3A_1132 : memref<1x!tpu.dma_semaphore, #tpu.memory_space<semaphore_mem>> -> memref<!tpu.dma_semaphore, #tpu.memory_space<semaphore_mem>>
    tpu.wait_indirect_dma semaphore(%dma_wait3A_1133 : memref<!tpu.dma_semaphore, #tpu.memory_space<semaphore_mem>>) src(%dma_wait3A_1131 : memref<100000x64xf32, #tpu.memory_space<hbm>>) dst(%dma_wait3A_1125 : memref<200x64xf32, #tpu.memory_space<vmem>>)
    %add3A_1134 = arith.constant 10 : i32
    %add3A_1135 = arith.addi %mul3A_2, %add3A_1134 : i32
    %dma_start3A_1136 = arith.constant 4 : i32
    %dma_start3A_1137 = arith.constant 4 : i32
    %dma_start3A_1138 = arith.constant 0 : i32
    %dma_start3A_1139 = arith.constant 0 : i32
    %dma_start3A_1140 = tpu.memref_slice %arg7[%dma_start3A_1136, %dma_start3A_1138, %dma_start3A_1139] : memref<6x200x64xf32, #tpu.memory_space<vmem>> -> memref<1x200x64xf32, #tpu.memory_space<vmem>>
    %dma_start3A_1141 = tpu.memref_squeeze %dma_start3A_1140 : memref<1x200x64xf32, #tpu.memory_space<vmem>> -> memref<200x64xf32, #tpu.memory_space<vmem>>
    %dma_start3A_1142 = arith.constant 0 : i32
    %dma_start3A_1143 = arith.constant 0 : i32
    %dma_start3A_1144 = tpu.memref_slice %arg5[%add3A_1135, %dma_start3A_1142, %dma_start3A_1143] : memref<1024x200x128xf32, #tpu.memory_space<hbm>> -> memref<1x200x64xf32, #tpu.memory_space<hbm>>
    %dma_start3A_1145 = tpu.memref_squeeze %dma_start3A_1144 : memref<1x200x64xf32, #tpu.memory_space<hbm>> -> memref<200x64xf32, #tpu.memory_space<hbm>>
    %dma_start3A_1146 = tpu.memref_slice %arg12[%dma_start3A_1137] : memref<6x!tpu.dma_semaphore, #tpu.memory_space<semaphore_mem>> -> memref<1x!tpu.dma_semaphore, #tpu.memory_space<semaphore_mem>>
    %dma_start3A_1147 = tpu.memref_squeeze %dma_start3A_1146 : memref<1x!tpu.dma_semaphore, #tpu.memory_space<semaphore_mem>> -> memref<!tpu.dma_semaphore, #tpu.memory_space<semaphore_mem>>
    %dma_start3A_1148 = arith.constant 0 : i32
    %dma_start3A_1149 = arith.constant 0 : i32
    %dma_start3A_1150 = tpu.memref_slice %arg5[%add3A_1135, %dma_start3A_1148, %dma_start3A_1149] : memref<1024x200x128xf32, #tpu.memory_space<hbm>> -> memref<1x200x64xf32, #tpu.memory_space<hbm>>
    %dma_start3A_1151 = tpu.memref_squeeze %dma_start3A_1150 : memref<1x200x64xf32, #tpu.memory_space<hbm>> -> memref<200x64xf32, #tpu.memory_space<hbm>>
    %dma_start3A_1152 = arith.constant 0 : i32
    %dma_start3A_1153 = arith.constant 0 : i32
    %dma_start3A_1154 = tpu.memref_slice %arg7[%dma_start3A_1136, %dma_start3A_1152, %dma_start3A_1153] : memref<6x200x64xf32, #tpu.memory_space<vmem>> -> memref<1x200x64xf32, #tpu.memory_space<vmem>>
    %dma_start3A_1155 = tpu.memref_squeeze %dma_start3A_1154 : memref<1x200x64xf32, #tpu.memory_space<vmem>> -> memref<200x64xf32, #tpu.memory_space<vmem>>
    tpu.enqueue_dma source(%dma_start3A_1155 : memref<200x64xf32, #tpu.memory_space<vmem>>) target(%dma_start3A_1151 : memref<200x64xf32, #tpu.memory_space<hbm>>) target_semaphore(%dma_start3A_1147 : memref<!tpu.dma_semaphore, #tpu.memory_space<semaphore_mem>>)
    %dma_wait3A_1156 = arith.constant 3 : i32
    %dma_wait3A_1157 = arith.constant 3 : i32
    %dma_wait3A_1158 = arith.constant 0 : i32
    %dma_wait3A_1159 = arith.constant 0 : i32
    %dma_wait3A_1160 = tpu.memref_slice %arg7[%dma_wait3A_1156, %dma_wait3A_1158, %dma_wait3A_1159] : memref<6x200x64xf32, #tpu.memory_space<vmem>> -> memref<1x200x64xf32, #tpu.memory_space<vmem>>
    %dma_wait3A_1161 = tpu.memref_squeeze %dma_wait3A_1160 : memref<1x200x64xf32, #tpu.memory_space<vmem>> -> memref<200x64xf32, #tpu.memory_space<vmem>>
    %dma_wait3A_1162 = arith.constant 0 : i32
    %dma_wait3A_1163 = arith.constant 0 : i32
    %dma_wait3A_1164 = tpu.memref_slice %arg5[%add3A_1039, %dma_wait3A_1162, %dma_wait3A_1163] : memref<1024x200x128xf32, #tpu.memory_space<hbm>> -> memref<1x200x64xf32, #tpu.memory_space<hbm>>
    %dma_wait3A_1165 = tpu.memref_squeeze %dma_wait3A_1164 : memref<1x200x64xf32, #tpu.memory_space<hbm>> -> memref<200x64xf32, #tpu.memory_space<hbm>>
    %dma_wait3A_1166 = tpu.memref_slice %arg12[%dma_wait3A_1157] : memref<6x!tpu.dma_semaphore, #tpu.memory_space<semaphore_mem>> -> memref<1x!tpu.dma_semaphore, #tpu.memory_space<semaphore_mem>>
    %dma_wait3A_1167 = tpu.memref_squeeze %dma_wait3A_1166 : memref<1x!tpu.dma_semaphore, #tpu.memory_space<semaphore_mem>> -> memref<!tpu.dma_semaphore, #tpu.memory_space<semaphore_mem>>
    %dma_wait3A_1168 = arith.constant 0 : i32
    %dma_wait3A_1169 = arith.constant 0 : i32
    %dma_wait3A_1170 = tpu.memref_slice %arg5[%add3A_1039, %dma_wait3A_1168, %dma_wait3A_1169] : memref<1024x200x128xf32, #tpu.memory_space<hbm>> -> memref<1x200x64xf32, #tpu.memory_space<hbm>>
    %dma_wait3A_1171 = tpu.memref_squeeze %dma_wait3A_1170 : memref<1x200x64xf32, #tpu.memory_space<hbm>> -> memref<200x64xf32, #tpu.memory_space<hbm>>
    %dma_wait3A_1172 = arith.constant 0 : i32
    %dma_wait3A_1173 = arith.constant 0 : i32
    %dma_wait3A_1174 = tpu.memref_slice %arg7[%dma_wait3A_1156, %dma_wait3A_1172, %dma_wait3A_1173] : memref<6x200x64xf32, #tpu.memory_space<vmem>> -> memref<1x200x64xf32, #tpu.memory_space<vmem>>
    %dma_wait3A_1175 = tpu.memref_squeeze %dma_wait3A_1174 : memref<1x200x64xf32, #tpu.memory_space<vmem>> -> memref<200x64xf32, #tpu.memory_space<vmem>>
    tpu.wait_dma2 semaphore(%dma_wait3A_1167 : memref<!tpu.dma_semaphore, #tpu.memory_space<semaphore_mem>>) src(%dma_wait3A_1175 : memref<200x64xf32, #tpu.memory_space<vmem>>) dst(%dma_wait3A_1171 : memref<200x64xf32, #tpu.memory_space<hbm>>)
    %dma_start3A_1176 = arith.constant 3 : i32
    %dma_start3A_1177 = arith.constant 3 : i32
    %dma_start3A_1178 = arith.constant 0 : i32
    %dma_start3A_1179 = arith.constant 0 : i32
    %dma_start3A_1180 = tpu.memref_slice %arg7[%dma_start3A_1176, %dma_start3A_1178, %dma_start3A_1179] : memref<6x200x64xf32, #tpu.memory_space<vmem>> -> memref<1x200x64xf32, #tpu.memory_space<vmem>>
    %dma_start3A_1181 = tpu.memref_squeeze %dma_start3A_1180 : memref<1x200x64xf32, #tpu.memory_space<vmem>> -> memref<200x64xf32, #tpu.memory_space<vmem>>
    %dma_start3A_1182 = tpu.memref_slice %arg10[%dma_start3A_1177] : memref<6x!tpu.dma_semaphore, #tpu.memory_space<semaphore_mem>> -> memref<1x!tpu.dma_semaphore, #tpu.memory_space<semaphore_mem>>
    %dma_start3A_1183 = tpu.memref_squeeze %dma_start3A_1182 : memref<1x!tpu.dma_semaphore, #tpu.memory_space<semaphore_mem>> -> memref<!tpu.dma_semaphore, #tpu.memory_space<semaphore_mem>>
    %dma_start3A_1184 = arith.constant 0 : i32
    %dma_start3A_1185 = arith.constant 0 : i32
    %dma_start3A_1186 = tpu.memref_slice %arg7[%dma_start3A_1176, %dma_start3A_1184, %dma_start3A_1185] : memref<6x200x64xf32, #tpu.memory_space<vmem>> -> memref<1x200x64xf32, #tpu.memory_space<vmem>>
    %dma_start3A_1187 = tpu.memref_squeeze %dma_start3A_1186 : memref<1x200x64xf32, #tpu.memory_space<vmem>> -> memref<200x64xf32, #tpu.memory_space<vmem>>
    tpu.enqueue_dma source(%arg8 : memref<200x64xf32, #tpu.memory_space<vmem_shared>>) target(%dma_start3A_1187 : memref<200x64xf32, #tpu.memory_space<vmem>>) target_semaphore(%dma_start3A_1183 : memref<!tpu.dma_semaphore, #tpu.memory_space<semaphore_mem>>)
    %dma_wait3A_1188 = arith.constant 2 : i32
    %dma_wait3A_1189 = arith.constant 2 : i32
    %dma_wait3A_1190 = arith.constant 0 : i32
    %dma_wait3A_1191 = arith.constant 0 : i32
    %dma_wait3A_1192 = tpu.memref_slice %arg7[%dma_wait3A_1188, %dma_wait3A_1190, %dma_wait3A_1191] : memref<6x200x64xf32, #tpu.memory_space<vmem>> -> memref<1x200x64xf32, #tpu.memory_space<vmem>>
    %dma_wait3A_1193 = tpu.memref_squeeze %dma_wait3A_1192 : memref<1x200x64xf32, #tpu.memory_space<vmem>> -> memref<200x64xf32, #tpu.memory_space<vmem>>
    %dma_wait3A_1194 = tpu.memref_slice %arg10[%dma_wait3A_1189] : memref<6x!tpu.dma_semaphore, #tpu.memory_space<semaphore_mem>> -> memref<1x!tpu.dma_semaphore, #tpu.memory_space<semaphore_mem>>
    %dma_wait3A_1195 = tpu.memref_squeeze %dma_wait3A_1194 : memref<1x!tpu.dma_semaphore, #tpu.memory_space<semaphore_mem>> -> memref<!tpu.dma_semaphore, #tpu.memory_space<semaphore_mem>>
    %dma_wait3A_1196 = arith.constant 0 : i32
    %dma_wait3A_1197 = arith.constant 0 : i32
    %dma_wait3A_1198 = tpu.memref_slice %arg7[%dma_wait3A_1188, %dma_wait3A_1196, %dma_wait3A_1197] : memref<6x200x64xf32, #tpu.memory_space<vmem>> -> memref<1x200x64xf32, #tpu.memory_space<vmem>>
    %dma_wait3A_1199 = tpu.memref_squeeze %dma_wait3A_1198 : memref<1x200x64xf32, #tpu.memory_space<vmem>> -> memref<200x64xf32, #tpu.memory_space<vmem>>
    tpu.wait_dma2 semaphore(%dma_wait3A_1195 : memref<!tpu.dma_semaphore, #tpu.memory_space<semaphore_mem>>) src(%arg8 : memref<200x64xf32, #tpu.memory_space<vmem_shared>>) dst(%dma_wait3A_1199 : memref<200x64xf32, #tpu.memory_space<vmem>>)
    %dma_start3A_1200 = arith.constant 14 : i32
    %dma_start3A_1201 = arith.constant 2 : i32
    %dma_start3A_1202 = arith.constant 2 : i32
    %dma_start3A_1203 = arith.constant 0 : i32
    %dma_start3A_1204 = arith.constant 0 : i32
    %dma_start3A_1205 = tpu.memref_slice %arg7[%dma_start3A_1201, %dma_start3A_1203, %dma_start3A_1204] : memref<6x200x64xf32, #tpu.memory_space<vmem>> -> memref<1x200x64xf32, #tpu.memory_space<vmem>>
    %dma_start3A_1206 = tpu.memref_squeeze %dma_start3A_1205 : memref<1x200x64xf32, #tpu.memory_space<vmem>> -> memref<200x64xf32, #tpu.memory_space<vmem>>
    %dma_start3A_1207 = arith.constant 0 : i32
    %dma_start3A_1208 = tpu.memref_slice %arg6[%dma_start3A_1200, %dma_start3A_1207] : memref<32x200xi32, #tpu.memory_space<vmem>> -> memref<1x200xi32, #tpu.memory_space<vmem>>
    %dma_start3A_1209 = tpu.memref_squeeze %dma_start3A_1208 : memref<1x200xi32, #tpu.memory_space<vmem>> -> memref<200xi32, #tpu.memory_space<vmem>>
    %dma_start3A_1210 = arith.constant 0 : i32
    %dma_start3A_1211 = arith.constant 0 : i32
    %dma_start3A_1212 = tpu.memref_slice %arg4[%dma_start3A_1210, %dma_start3A_1211] : memref<100000x64xf32, #tpu.memory_space<hbm>> -> memref<100000x64xf32, #tpu.memory_space<hbm>>
    %dma_start3A_1213 = tpu.memref_slice %arg11[%dma_start3A_1202] : memref<6x!tpu.dma_semaphore, #tpu.memory_space<semaphore_mem>> -> memref<1x!tpu.dma_semaphore, #tpu.memory_space<semaphore_mem>>
    %dma_start3A_1214 = tpu.memref_squeeze %dma_start3A_1213 : memref<1x!tpu.dma_semaphore, #tpu.memory_space<semaphore_mem>> -> memref<!tpu.dma_semaphore, #tpu.memory_space<semaphore_mem>>
    tpu.enqueue_indirect_dma source(%dma_start3A_1212 : memref<100000x64xf32, #tpu.memory_space<hbm>>) target(%dma_start3A_1206 : memref<200x64xf32, #tpu.memory_space<vmem>>) offsets(%dma_start3A_1209 : memref<200xi32, #tpu.memory_space<vmem>>) semaphore(%dma_start3A_1214 : memref<!tpu.dma_semaphore, #tpu.memory_space<semaphore_mem>>) {add = true}
    %dma_wait3A_1215 = arith.constant 11 : i32
    %dma_wait3A_1216 = arith.constant 5 : i32
    %dma_wait3A_1217 = arith.constant 5 : i32
    %dma_wait3A_1218 = arith.constant 0 : i32
    %dma_wait3A_1219 = arith.constant 0 : i32
    %dma_wait3A_1220 = tpu.memref_slice %arg7[%dma_wait3A_1216, %dma_wait3A_1218, %dma_wait3A_1219] : memref<6x200x64xf32, #tpu.memory_space<vmem>> -> memref<1x200x64xf32, #tpu.memory_space<vmem>>
    %dma_wait3A_1221 = tpu.memref_squeeze %dma_wait3A_1220 : memref<1x200x64xf32, #tpu.memory_space<vmem>> -> memref<200x64xf32, #tpu.memory_space<vmem>>
    %dma_wait3A_1222 = arith.constant 0 : i32
    %dma_wait3A_1223 = tpu.memref_slice %arg6[%dma_wait3A_1215, %dma_wait3A_1222] : memref<32x200xi32, #tpu.memory_space<vmem>> -> memref<1x200xi32, #tpu.memory_space<vmem>>
    %dma_wait3A_1224 = tpu.memref_squeeze %dma_wait3A_1223 : memref<1x200xi32, #tpu.memory_space<vmem>> -> memref<200xi32, #tpu.memory_space<vmem>>
    %dma_wait3A_1225 = arith.constant 0 : i32
    %dma_wait3A_1226 = arith.constant 0 : i32
    %dma_wait3A_1227 = tpu.memref_slice %arg4[%dma_wait3A_1225, %dma_wait3A_1226] : memref<100000x64xf32, #tpu.memory_space<hbm>> -> memref<100000x64xf32, #tpu.memory_space<hbm>>
    %dma_wait3A_1228 = tpu.memref_slice %arg11[%dma_wait3A_1217] : memref<6x!tpu.dma_semaphore, #tpu.memory_space<semaphore_mem>> -> memref<1x!tpu.dma_semaphore, #tpu.memory_space<semaphore_mem>>
    %dma_wait3A_1229 = tpu.memref_squeeze %dma_wait3A_1228 : memref<1x!tpu.dma_semaphore, #tpu.memory_space<semaphore_mem>> -> memref<!tpu.dma_semaphore, #tpu.memory_space<semaphore_mem>>
    tpu.wait_indirect_dma semaphore(%dma_wait3A_1229 : memref<!tpu.dma_semaphore, #tpu.memory_space<semaphore_mem>>) src(%dma_wait3A_1227 : memref<100000x64xf32, #tpu.memory_space<hbm>>) dst(%dma_wait3A_1221 : memref<200x64xf32, #tpu.memory_space<vmem>>)
    %add3A_1230 = arith.constant 11 : i32
    %add3A_1231 = arith.addi %mul3A_2, %add3A_1230 : i32
    %dma_start3A_1232 = arith.constant 5 : i32
    %dma_start3A_1233 = arith.constant 5 : i32
    %dma_start3A_1234 = arith.constant 0 : i32
    %dma_start3A_1235 = arith.constant 0 : i32
    %dma_start3A_1236 = tpu.memref_slice %arg7[%dma_start3A_1232, %dma_start3A_1234, %dma_start3A_1235] : memref<6x200x64xf32, #tpu.memory_space<vmem>> -> memref<1x200x64xf32, #tpu.memory_space<vmem>>
    %dma_start3A_1237 = tpu.memref_squeeze %dma_start3A_1236 : memref<1x200x64xf32, #tpu.memory_space<vmem>> -> memref<200x64xf32, #tpu.memory_space<vmem>>
    %dma_start3A_1238 = arith.constant 0 : i32
    %dma_start3A_1239 = arith.constant 0 : i32
    %dma_start3A_1240 = tpu.memref_slice %arg5[%add3A_1231, %dma_start3A_1238, %dma_start3A_1239] : memref<1024x200x128xf32, #tpu.memory_space<hbm>> -> memref<1x200x64xf32, #tpu.memory_space<hbm>>
    %dma_start3A_1241 = tpu.memref_squeeze %dma_start3A_1240 : memref<1x200x64xf32, #tpu.memory_space<hbm>> -> memref<200x64xf32, #tpu.memory_space<hbm>>
    %dma_start3A_1242 = tpu.memref_slice %arg12[%dma_start3A_1233] : memref<6x!tpu.dma_semaphore, #tpu.memory_space<semaphore_mem>> -> memref<1x!tpu.dma_semaphore, #tpu.memory_space<semaphore_mem>>
    %dma_start3A_1243 = tpu.memref_squeeze %dma_start3A_1242 : memref<1x!tpu.dma_semaphore, #tpu.memory_space<semaphore_mem>> -> memref<!tpu.dma_semaphore, #tpu.memory_space<semaphore_mem>>
    %dma_start3A_1244 = arith.constant 0 : i32
    %dma_start3A_1245 = arith.constant 0 : i32
    %dma_start3A_1246 = tpu.memref_slice %arg5[%add3A_1231, %dma_start3A_1244, %dma_start3A_1245] : memref<1024x200x128xf32, #tpu.memory_space<hbm>> -> memref<1x200x64xf32, #tpu.memory_space<hbm>>
    %dma_start3A_1247 = tpu.memref_squeeze %dma_start3A_1246 : memref<1x200x64xf32, #tpu.memory_space<hbm>> -> memref<200x64xf32, #tpu.memory_space<hbm>>
    %dma_start3A_1248 = arith.constant 0 : i32
    %dma_start3A_1249 = arith.constant 0 : i32
    %dma_start3A_1250 = tpu.memref_slice %arg7[%dma_start3A_1232, %dma_start3A_1248, %dma_start3A_1249] : memref<6x200x64xf32, #tpu.memory_space<vmem>> -> memref<1x200x64xf32, #tpu.memory_space<vmem>>
    %dma_start3A_1251 = tpu.memref_squeeze %dma_start3A_1250 : memref<1x200x64xf32, #tpu.memory_space<vmem>> -> memref<200x64xf32, #tpu.memory_space<vmem>>
    tpu.enqueue_dma source(%dma_start3A_1251 : memref<200x64xf32, #tpu.memory_space<vmem>>) target(%dma_start3A_1247 : memref<200x64xf32, #tpu.memory_space<hbm>>) target_semaphore(%dma_start3A_1243 : memref<!tpu.dma_semaphore, #tpu.memory_space<semaphore_mem>>)
    %dma_wait3A_1252 = arith.constant 4 : i32
    %dma_wait3A_1253 = arith.constant 4 : i32
    %dma_wait3A_1254 = arith.constant 0 : i32
    %dma_wait3A_1255 = arith.constant 0 : i32
    %dma_wait3A_1256 = tpu.memref_slice %arg7[%dma_wait3A_1252, %dma_wait3A_1254, %dma_wait3A_1255] : memref<6x200x64xf32, #tpu.memory_space<vmem>> -> memref<1x200x64xf32, #tpu.memory_space<vmem>>
    %dma_wait3A_1257 = tpu.memref_squeeze %dma_wait3A_1256 : memref<1x200x64xf32, #tpu.memory_space<vmem>> -> memref<200x64xf32, #tpu.memory_space<vmem>>
    %dma_wait3A_1258 = arith.constant 0 : i32
    %dma_wait3A_1259 = arith.constant 0 : i32
    %dma_wait3A_1260 = tpu.memref_slice %arg5[%add3A_1135, %dma_wait3A_1258, %dma_wait3A_1259] : memref<1024x200x128xf32, #tpu.memory_space<hbm>> -> memref<1x200x64xf32, #tpu.memory_space<hbm>>
    %dma_wait3A_1261 = tpu.memref_squeeze %dma_wait3A_1260 : memref<1x200x64xf32, #tpu.memory_space<hbm>> -> memref<200x64xf32, #tpu.memory_space<hbm>>
    %dma_wait3A_1262 = tpu.memref_slice %arg12[%dma_wait3A_1253] : memref<6x!tpu.dma_semaphore, #tpu.memory_space<semaphore_mem>> -> memref<1x!tpu.dma_semaphore, #tpu.memory_space<semaphore_mem>>
    %dma_wait3A_1263 = tpu.memref_squeeze %dma_wait3A_1262 : memref<1x!tpu.dma_semaphore, #tpu.memory_space<semaphore_mem>> -> memref<!tpu.dma_semaphore, #tpu.memory_space<semaphore_mem>>
    %dma_wait3A_1264 = arith.constant 0 : i32
    %dma_wait3A_1265 = arith.constant 0 : i32
    %dma_wait3A_1266 = tpu.memref_slice %arg5[%add3A_1135, %dma_wait3A_1264, %dma_wait3A_1265] : memref<1024x200x128xf32, #tpu.memory_space<hbm>> -> memref<1x200x64xf32, #tpu.memory_space<hbm>>
    %dma_wait3A_1267 = tpu.memref_squeeze %dma_wait3A_1266 : memref<1x200x64xf32, #tpu.memory_space<hbm>> -> memref<200x64xf32, #tpu.memory_space<hbm>>
    %dma_wait3A_1268 = arith.constant 0 : i32
    %dma_wait3A_1269 = arith.constant 0 : i32
    %dma_wait3A_1270 = tpu.memref_slice %arg7[%dma_wait3A_1252, %dma_wait3A_1268, %dma_wait3A_1269] : memref<6x200x64xf32, #tpu.memory_space<vmem>> -> memref<1x200x64xf32, #tpu.memory_space<vmem>>
    %dma_wait3A_1271 = tpu.memref_squeeze %dma_wait3A_1270 : memref<1x200x64xf32, #tpu.memory_space<vmem>> -> memref<200x64xf32, #tpu.memory_space<vmem>>
    tpu.wait_dma2 semaphore(%dma_wait3A_1263 : memref<!tpu.dma_semaphore, #tpu.memory_space<semaphore_mem>>) src(%dma_wait3A_1271 : memref<200x64xf32, #tpu.memory_space<vmem>>) dst(%dma_wait3A_1267 : memref<200x64xf32, #tpu.memory_space<hbm>>)
    %dma_start3A_1272 = arith.constant 4 : i32
    %dma_start3A_1273 = arith.constant 4 : i32
    %dma_start3A_1274 = arith.constant 0 : i32
    %dma_start3A_1275 = arith.constant 0 : i32
    %dma_start3A_1276 = tpu.memref_slice %arg7[%dma_start3A_1272, %dma_start3A_1274, %dma_start3A_1275] : memref<6x200x64xf32, #tpu.memory_space<vmem>> -> memref<1x200x64xf32, #tpu.memory_space<vmem>>
    %dma_start3A_1277 = tpu.memref_squeeze %dma_start3A_1276 : memref<1x200x64xf32, #tpu.memory_space<vmem>> -> memref<200x64xf32, #tpu.memory_space<vmem>>
    %dma_start3A_1278 = tpu.memref_slice %arg10[%dma_start3A_1273] : memref<6x!tpu.dma_semaphore, #tpu.memory_space<semaphore_mem>> -> memref<1x!tpu.dma_semaphore, #tpu.memory_space<semaphore_mem>>
    %dma_start3A_1279 = tpu.memref_squeeze %dma_start3A_1278 : memref<1x!tpu.dma_semaphore, #tpu.memory_space<semaphore_mem>> -> memref<!tpu.dma_semaphore, #tpu.memory_space<semaphore_mem>>
    %dma_start3A_1280 = arith.constant 0 : i32
    %dma_start3A_1281 = arith.constant 0 : i32
    %dma_start3A_1282 = tpu.memref_slice %arg7[%dma_start3A_1272, %dma_start3A_1280, %dma_start3A_1281] : memref<6x200x64xf32, #tpu.memory_space<vmem>> -> memref<1x200x64xf32, #tpu.memory_space<vmem>>
    %dma_start3A_1283 = tpu.memref_squeeze %dma_start3A_1282 : memref<1x200x64xf32, #tpu.memory_space<vmem>> -> memref<200x64xf32, #tpu.memory_space<vmem>>
    tpu.enqueue_dma source(%arg8 : memref<200x64xf32, #tpu.memory_space<vmem_shared>>) target(%dma_start3A_1283 : memref<200x64xf32, #tpu.memory_space<vmem>>) target_semaphore(%dma_start3A_1279 : memref<!tpu.dma_semaphore, #tpu.memory_space<semaphore_mem>>)
    %dma_wait3A_1284 = arith.constant 3 : i32
    %dma_wait3A_1285 = arith.constant 3 : i32
    %dma_wait3A_1286 = arith.constant 0 : i32
    %dma_wait3A_1287 = arith.constant 0 : i32
    %dma_wait3A_1288 = tpu.memref_slice %arg7[%dma_wait3A_1284, %dma_wait3A_1286, %dma_wait3A_1287] : memref<6x200x64xf32, #tpu.memory_space<vmem>> -> memref<1x200x64xf32, #tpu.memory_space<vmem>>
    %dma_wait3A_1289 = tpu.memref_squeeze %dma_wait3A_1288 : memref<1x200x64xf32, #tpu.memory_space<vmem>> -> memref<200x64xf32, #tpu.memory_space<vmem>>
    %dma_wait3A_1290 = tpu.memref_slice %arg10[%dma_wait3A_1285] : memref<6x!tpu.dma_semaphore, #tpu.memory_space<semaphore_mem>> -> memref<1x!tpu.dma_semaphore, #tpu.memory_space<semaphore_mem>>
    %dma_wait3A_1291 = tpu.memref_squeeze %dma_wait3A_1290 : memref<1x!tpu.dma_semaphore, #tpu.memory_space<semaphore_mem>> -> memref<!tpu.dma_semaphore, #tpu.memory_space<semaphore_mem>>
    %dma_wait3A_1292 = arith.constant 0 : i32
    %dma_wait3A_1293 = arith.constant 0 : i32
    %dma_wait3A_1294 = tpu.memref_slice %arg7[%dma_wait3A_1284, %dma_wait3A_1292, %dma_wait3A_1293] : memref<6x200x64xf32, #tpu.memory_space<vmem>> -> memref<1x200x64xf32, #tpu.memory_space<vmem>>
    %dma_wait3A_1295 = tpu.memref_squeeze %dma_wait3A_1294 : memref<1x200x64xf32, #tpu.memory_space<vmem>> -> memref<200x64xf32, #tpu.memory_space<vmem>>
    tpu.wait_dma2 semaphore(%dma_wait3A_1291 : memref<!tpu.dma_semaphore, #tpu.memory_space<semaphore_mem>>) src(%arg8 : memref<200x64xf32, #tpu.memory_space<vmem_shared>>) dst(%dma_wait3A_1295 : memref<200x64xf32, #tpu.memory_space<vmem>>)
    %dma_start3A_1296 = arith.constant 15 : i32
    %dma_start3A_1297 = arith.constant 3 : i32
    %dma_start3A_1298 = arith.constant 3 : i32
    %dma_start3A_1299 = arith.constant 0 : i32
    %dma_start3A_1300 = arith.constant 0 : i32
    %dma_start3A_1301 = tpu.memref_slice %arg7[%dma_start3A_1297, %dma_start3A_1299, %dma_start3A_1300] : memref<6x200x64xf32, #tpu.memory_space<vmem>> -> memref<1x200x64xf32, #tpu.memory_space<vmem>>
    %dma_start3A_1302 = tpu.memref_squeeze %dma_start3A_1301 : memref<1x200x64xf32, #tpu.memory_space<vmem>> -> memref<200x64xf32, #tpu.memory_space<vmem>>
    %dma_start3A_1303 = arith.constant 0 : i32
    %dma_start3A_1304 = tpu.memref_slice %arg6[%dma_start3A_1296, %dma_start3A_1303] : memref<32x200xi32, #tpu.memory_space<vmem>> -> memref<1x200xi32, #tpu.memory_space<vmem>>
    %dma_start3A_1305 = tpu.memref_squeeze %dma_start3A_1304 : memref<1x200xi32, #tpu.memory_space<vmem>> -> memref<200xi32, #tpu.memory_space<vmem>>
    %dma_start3A_1306 = arith.constant 0 : i32
    %dma_start3A_1307 = arith.constant 0 : i32
    %dma_start3A_1308 = tpu.memref_slice %arg4[%dma_start3A_1306, %dma_start3A_1307] : memref<100000x64xf32, #tpu.memory_space<hbm>> -> memref<100000x64xf32, #tpu.memory_space<hbm>>
    %dma_start3A_1309 = tpu.memref_slice %arg11[%dma_start3A_1298] : memref<6x!tpu.dma_semaphore, #tpu.memory_space<semaphore_mem>> -> memref<1x!tpu.dma_semaphore, #tpu.memory_space<semaphore_mem>>
    %dma_start3A_1310 = tpu.memref_squeeze %dma_start3A_1309 : memref<1x!tpu.dma_semaphore, #tpu.memory_space<semaphore_mem>> -> memref<!tpu.dma_semaphore, #tpu.memory_space<semaphore_mem>>
    tpu.enqueue_indirect_dma source(%dma_start3A_1308 : memref<100000x64xf32, #tpu.memory_space<hbm>>) target(%dma_start3A_1302 : memref<200x64xf32, #tpu.memory_space<vmem>>) offsets(%dma_start3A_1305 : memref<200xi32, #tpu.memory_space<vmem>>) semaphore(%dma_start3A_1310 : memref<!tpu.dma_semaphore, #tpu.memory_space<semaphore_mem>>) {add = true}
    %dma_wait3A_1311 = arith.constant 12 : i32
    %dma_wait3A_1312 = arith.constant 0 : i32
    %dma_wait3A_1313 = arith.constant 0 : i32
    %dma_wait3A_1314 = arith.constant 0 : i32
    %dma_wait3A_1315 = arith.constant 0 : i32
    %dma_wait3A_1316 = tpu.memref_slice %arg7[%dma_wait3A_1312, %dma_wait3A_1314, %dma_wait3A_1315] : memref<6x200x64xf32, #tpu.memory_space<vmem>> -> memref<1x200x64xf32, #tpu.memory_space<vmem>>
    %dma_wait3A_1317 = tpu.memref_squeeze %dma_wait3A_1316 : memref<1x200x64xf32, #tpu.memory_space<vmem>> -> memref<200x64xf32, #tpu.memory_space<vmem>>
    %dma_wait3A_1318 = arith.constant 0 : i32
    %dma_wait3A_1319 = tpu.memref_slice %arg6[%dma_wait3A_1311, %dma_wait3A_1318] : memref<32x200xi32, #tpu.memory_space<vmem>> -> memref<1x200xi32, #tpu.memory_space<vmem>>
    %dma_wait3A_1320 = tpu.memref_squeeze %dma_wait3A_1319 : memref<1x200xi32, #tpu.memory_space<vmem>> -> memref<200xi32, #tpu.memory_space<vmem>>
    %dma_wait3A_1321 = arith.constant 0 : i32
    %dma_wait3A_1322 = arith.constant 0 : i32
    %dma_wait3A_1323 = tpu.memref_slice %arg4[%dma_wait3A_1321, %dma_wait3A_1322] : memref<100000x64xf32, #tpu.memory_space<hbm>> -> memref<100000x64xf32, #tpu.memory_space<hbm>>
    %dma_wait3A_1324 = tpu.memref_slice %arg11[%dma_wait3A_1313] : memref<6x!tpu.dma_semaphore, #tpu.memory_space<semaphore_mem>> -> memref<1x!tpu.dma_semaphore, #tpu.memory_space<semaphore_mem>>
    %dma_wait3A_1325 = tpu.memref_squeeze %dma_wait3A_1324 : memref<1x!tpu.dma_semaphore, #tpu.memory_space<semaphore_mem>> -> memref<!tpu.dma_semaphore, #tpu.memory_space<semaphore_mem>>
    tpu.wait_indirect_dma semaphore(%dma_wait3A_1325 : memref<!tpu.dma_semaphore, #tpu.memory_space<semaphore_mem>>) src(%dma_wait3A_1323 : memref<100000x64xf32, #tpu.memory_space<hbm>>) dst(%dma_wait3A_1317 : memref<200x64xf32, #tpu.memory_space<vmem>>)
    %add3A_1326 = arith.constant 12 : i32
    %add3A_1327 = arith.addi %mul3A_2, %add3A_1326 : i32
    %dma_start3A_1328 = arith.constant 0 : i32
    %dma_start3A_1329 = arith.constant 0 : i32
    %dma_start3A_1330 = arith.constant 0 : i32
    %dma_start3A_1331 = arith.constant 0 : i32
    %dma_start3A_1332 = tpu.memref_slice %arg7[%dma_start3A_1328, %dma_start3A_1330, %dma_start3A_1331] : memref<6x200x64xf32, #tpu.memory_space<vmem>> -> memref<1x200x64xf32, #tpu.memory_space<vmem>>
    %dma_start3A_1333 = tpu.memref_squeeze %dma_start3A_1332 : memref<1x200x64xf32, #tpu.memory_space<vmem>> -> memref<200x64xf32, #tpu.memory_space<vmem>>
    %dma_start3A_1334 = arith.constant 0 : i32
    %dma_start3A_1335 = arith.constant 0 : i32
    %dma_start3A_1336 = tpu.memref_slice %arg5[%add3A_1327, %dma_start3A_1334, %dma_start3A_1335] : memref<1024x200x128xf32, #tpu.memory_space<hbm>> -> memref<1x200x64xf32, #tpu.memory_space<hbm>>
    %dma_start3A_1337 = tpu.memref_squeeze %dma_start3A_1336 : memref<1x200x64xf32, #tpu.memory_space<hbm>> -> memref<200x64xf32, #tpu.memory_space<hbm>>
    %dma_start3A_1338 = tpu.memref_slice %arg12[%dma_start3A_1329] : memref<6x!tpu.dma_semaphore, #tpu.memory_space<semaphore_mem>> -> memref<1x!tpu.dma_semaphore, #tpu.memory_space<semaphore_mem>>
    %dma_start3A_1339 = tpu.memref_squeeze %dma_start3A_1338 : memref<1x!tpu.dma_semaphore, #tpu.memory_space<semaphore_mem>> -> memref<!tpu.dma_semaphore, #tpu.memory_space<semaphore_mem>>
    %dma_start3A_1340 = arith.constant 0 : i32
    %dma_start3A_1341 = arith.constant 0 : i32
    %dma_start3A_1342 = tpu.memref_slice %arg5[%add3A_1327, %dma_start3A_1340, %dma_start3A_1341] : memref<1024x200x128xf32, #tpu.memory_space<hbm>> -> memref<1x200x64xf32, #tpu.memory_space<hbm>>
    %dma_start3A_1343 = tpu.memref_squeeze %dma_start3A_1342 : memref<1x200x64xf32, #tpu.memory_space<hbm>> -> memref<200x64xf32, #tpu.memory_space<hbm>>
    %dma_start3A_1344 = arith.constant 0 : i32
    %dma_start3A_1345 = arith.constant 0 : i32
    %dma_start3A_1346 = tpu.memref_slice %arg7[%dma_start3A_1328, %dma_start3A_1344, %dma_start3A_1345] : memref<6x200x64xf32, #tpu.memory_space<vmem>> -> memref<1x200x64xf32, #tpu.memory_space<vmem>>
    %dma_start3A_1347 = tpu.memref_squeeze %dma_start3A_1346 : memref<1x200x64xf32, #tpu.memory_space<vmem>> -> memref<200x64xf32, #tpu.memory_space<vmem>>
    tpu.enqueue_dma source(%dma_start3A_1347 : memref<200x64xf32, #tpu.memory_space<vmem>>) target(%dma_start3A_1343 : memref<200x64xf32, #tpu.memory_space<hbm>>) target_semaphore(%dma_start3A_1339 : memref<!tpu.dma_semaphore, #tpu.memory_space<semaphore_mem>>)
    %dma_wait3A_1348 = arith.constant 5 : i32
    %dma_wait3A_1349 = arith.constant 5 : i32
    %dma_wait3A_1350 = arith.constant 0 : i32
    %dma_wait3A_1351 = arith.constant 0 : i32
    %dma_wait3A_1352 = tpu.memref_slice %arg7[%dma_wait3A_1348, %dma_wait3A_1350, %dma_wait3A_1351] : memref<6x200x64xf32, #tpu.memory_space<vmem>> -> memref<1x200x64xf32, #tpu.memory_space<vmem>>
    %dma_wait3A_1353 = tpu.memref_squeeze %dma_wait3A_1352 : memref<1x200x64xf32, #tpu.memory_space<vmem>> -> memref<200x64xf32, #tpu.memory_space<vmem>>
    %dma_wait3A_1354 = arith.constant 0 : i32
    %dma_wait3A_1355 = arith.constant 0 : i32
    %dma_wait3A_1356 = tpu.memref_slice %arg5[%add3A_1231, %dma_wait3A_1354, %dma_wait3A_1355] : memref<1024x200x128xf32, #tpu.memory_space<hbm>> -> memref<1x200x64xf32, #tpu.memory_space<hbm>>
    %dma_wait3A_1357 = tpu.memref_squeeze %dma_wait3A_1356 : memref<1x200x64xf32, #tpu.memory_space<hbm>> -> memref<200x64xf32, #tpu.memory_space<hbm>>
    %dma_wait3A_1358 = tpu.memref_slice %arg12[%dma_wait3A_1349] : memref<6x!tpu.dma_semaphore, #tpu.memory_space<semaphore_mem>> -> memref<1x!tpu.dma_semaphore, #tpu.memory_space<semaphore_mem>>
    %dma_wait3A_1359 = tpu.memref_squeeze %dma_wait3A_1358 : memref<1x!tpu.dma_semaphore, #tpu.memory_space<semaphore_mem>> -> memref<!tpu.dma_semaphore, #tpu.memory_space<semaphore_mem>>
    %dma_wait3A_1360 = arith.constant 0 : i32
    %dma_wait3A_1361 = arith.constant 0 : i32
    %dma_wait3A_1362 = tpu.memref_slice %arg5[%add3A_1231, %dma_wait3A_1360, %dma_wait3A_1361] : memref<1024x200x128xf32, #tpu.memory_space<hbm>> -> memref<1x200x64xf32, #tpu.memory_space<hbm>>
    %dma_wait3A_1363 = tpu.memref_squeeze %dma_wait3A_1362 : memref<1x200x64xf32, #tpu.memory_space<hbm>> -> memref<200x64xf32, #tpu.memory_space<hbm>>
    %dma_wait3A_1364 = arith.constant 0 : i32
    %dma_wait3A_1365 = arith.constant 0 : i32
    %dma_wait3A_1366 = tpu.memref_slice %arg7[%dma_wait3A_1348, %dma_wait3A_1364, %dma_wait3A_1365] : memref<6x200x64xf32, #tpu.memory_space<vmem>> -> memref<1x200x64xf32, #tpu.memory_space<vmem>>
    %dma_wait3A_1367 = tpu.memref_squeeze %dma_wait3A_1366 : memref<1x200x64xf32, #tpu.memory_space<vmem>> -> memref<200x64xf32, #tpu.memory_space<vmem>>
    tpu.wait_dma2 semaphore(%dma_wait3A_1359 : memref<!tpu.dma_semaphore, #tpu.memory_space<semaphore_mem>>) src(%dma_wait3A_1367 : memref<200x64xf32, #tpu.memory_space<vmem>>) dst(%dma_wait3A_1363 : memref<200x64xf32, #tpu.memory_space<hbm>>)
    %dma_start3A_1368 = arith.constant 5 : i32
    %dma_start3A_1369 = arith.constant 5 : i32
    %dma_start3A_1370 = arith.constant 0 : i32
    %dma_start3A_1371 = arith.constant 0 : i32
    %dma_start3A_1372 = tpu.memref_slice %arg7[%dma_start3A_1368, %dma_start3A_1370, %dma_start3A_1371] : memref<6x200x64xf32, #tpu.memory_space<vmem>> -> memref<1x200x64xf32, #tpu.memory_space<vmem>>
    %dma_start3A_1373 = tpu.memref_squeeze %dma_start3A_1372 : memref<1x200x64xf32, #tpu.memory_space<vmem>> -> memref<200x64xf32, #tpu.memory_space<vmem>>
    %dma_start3A_1374 = tpu.memref_slice %arg10[%dma_start3A_1369] : memref<6x!tpu.dma_semaphore, #tpu.memory_space<semaphore_mem>> -> memref<1x!tpu.dma_semaphore, #tpu.memory_space<semaphore_mem>>
    %dma_start3A_1375 = tpu.memref_squeeze %dma_start3A_1374 : memref<1x!tpu.dma_semaphore, #tpu.memory_space<semaphore_mem>> -> memref<!tpu.dma_semaphore, #tpu.memory_space<semaphore_mem>>
    %dma_start3A_1376 = arith.constant 0 : i32
    %dma_start3A_1377 = arith.constant 0 : i32
    %dma_start3A_1378 = tpu.memref_slice %arg7[%dma_start3A_1368, %dma_start3A_1376, %dma_start3A_1377] : memref<6x200x64xf32, #tpu.memory_space<vmem>> -> memref<1x200x64xf32, #tpu.memory_space<vmem>>
    %dma_start3A_1379 = tpu.memref_squeeze %dma_start3A_1378 : memref<1x200x64xf32, #tpu.memory_space<vmem>> -> memref<200x64xf32, #tpu.memory_space<vmem>>
    tpu.enqueue_dma source(%arg8 : memref<200x64xf32, #tpu.memory_space<vmem_shared>>) target(%dma_start3A_1379 : memref<200x64xf32, #tpu.memory_space<vmem>>) target_semaphore(%dma_start3A_1375 : memref<!tpu.dma_semaphore, #tpu.memory_space<semaphore_mem>>)
    %dma_wait3A_1380 = arith.constant 4 : i32
    %dma_wait3A_1381 = arith.constant 4 : i32
    %dma_wait3A_1382 = arith.constant 0 : i32
    %dma_wait3A_1383 = arith.constant 0 : i32
    %dma_wait3A_1384 = tpu.memref_slice %arg7[%dma_wait3A_1380, %dma_wait3A_1382, %dma_wait3A_1383] : memref<6x200x64xf32, #tpu.memory_space<vmem>> -> memref<1x200x64xf32, #tpu.memory_space<vmem>>
    %dma_wait3A_1385 = tpu.memref_squeeze %dma_wait3A_1384 : memref<1x200x64xf32, #tpu.memory_space<vmem>> -> memref<200x64xf32, #tpu.memory_space<vmem>>
    %dma_wait3A_1386 = tpu.memref_slice %arg10[%dma_wait3A_1381] : memref<6x!tpu.dma_semaphore, #tpu.memory_space<semaphore_mem>> -> memref<1x!tpu.dma_semaphore, #tpu.memory_space<semaphore_mem>>
    %dma_wait3A_1387 = tpu.memref_squeeze %dma_wait3A_1386 : memref<1x!tpu.dma_semaphore, #tpu.memory_space<semaphore_mem>> -> memref<!tpu.dma_semaphore, #tpu.memory_space<semaphore_mem>>
    %dma_wait3A_1388 = arith.constant 0 : i32
    %dma_wait3A_1389 = arith.constant 0 : i32
    %dma_wait3A_1390 = tpu.memref_slice %arg7[%dma_wait3A_1380, %dma_wait3A_1388, %dma_wait3A_1389] : memref<6x200x64xf32, #tpu.memory_space<vmem>> -> memref<1x200x64xf32, #tpu.memory_space<vmem>>
    %dma_wait3A_1391 = tpu.memref_squeeze %dma_wait3A_1390 : memref<1x200x64xf32, #tpu.memory_space<vmem>> -> memref<200x64xf32, #tpu.memory_space<vmem>>
    tpu.wait_dma2 semaphore(%dma_wait3A_1387 : memref<!tpu.dma_semaphore, #tpu.memory_space<semaphore_mem>>) src(%arg8 : memref<200x64xf32, #tpu.memory_space<vmem_shared>>) dst(%dma_wait3A_1391 : memref<200x64xf32, #tpu.memory_space<vmem>>)
    %dma_start3A_1392 = arith.constant 16 : i32
    %dma_start3A_1393 = arith.constant 4 : i32
    %dma_start3A_1394 = arith.constant 4 : i32
    %dma_start3A_1395 = arith.constant 0 : i32
    %dma_start3A_1396 = arith.constant 0 : i32
    %dma_start3A_1397 = tpu.memref_slice %arg7[%dma_start3A_1393, %dma_start3A_1395, %dma_start3A_1396] : memref<6x200x64xf32, #tpu.memory_space<vmem>> -> memref<1x200x64xf32, #tpu.memory_space<vmem>>
    %dma_start3A_1398 = tpu.memref_squeeze %dma_start3A_1397 : memref<1x200x64xf32, #tpu.memory_space<vmem>> -> memref<200x64xf32, #tpu.memory_space<vmem>>
    %dma_start3A_1399 = arith.constant 0 : i32
    %dma_start3A_1400 = tpu.memref_slice %arg6[%dma_start3A_1392, %dma_start3A_1399] : memref<32x200xi32, #tpu.memory_space<vmem>> -> memref<1x200xi32, #tpu.memory_space<vmem>>
    %dma_start3A_1401 = tpu.memref_squeeze %dma_start3A_1400 : memref<1x200xi32, #tpu.memory_space<vmem>> -> memref<200xi32, #tpu.memory_space<vmem>>
    %dma_start3A_1402 = arith.constant 0 : i32
    %dma_start3A_1403 = arith.constant 0 : i32
    %dma_start3A_1404 = tpu.memref_slice %arg4[%dma_start3A_1402, %dma_start3A_1403] : memref<100000x64xf32, #tpu.memory_space<hbm>> -> memref<100000x64xf32, #tpu.memory_space<hbm>>
    %dma_start3A_1405 = tpu.memref_slice %arg11[%dma_start3A_1394] : memref<6x!tpu.dma_semaphore, #tpu.memory_space<semaphore_mem>> -> memref<1x!tpu.dma_semaphore, #tpu.memory_space<semaphore_mem>>
    %dma_start3A_1406 = tpu.memref_squeeze %dma_start3A_1405 : memref<1x!tpu.dma_semaphore, #tpu.memory_space<semaphore_mem>> -> memref<!tpu.dma_semaphore, #tpu.memory_space<semaphore_mem>>
    tpu.enqueue_indirect_dma source(%dma_start3A_1404 : memref<100000x64xf32, #tpu.memory_space<hbm>>) target(%dma_start3A_1398 : memref<200x64xf32, #tpu.memory_space<vmem>>) offsets(%dma_start3A_1401 : memref<200xi32, #tpu.memory_space<vmem>>) semaphore(%dma_start3A_1406 : memref<!tpu.dma_semaphore, #tpu.memory_space<semaphore_mem>>) {add = true}
    %dma_wait3A_1407 = arith.constant 13 : i32
    %dma_wait3A_1408 = arith.constant 1 : i32
    %dma_wait3A_1409 = arith.constant 1 : i32
    %dma_wait3A_1410 = arith.constant 0 : i32
    %dma_wait3A_1411 = arith.constant 0 : i32
    %dma_wait3A_1412 = tpu.memref_slice %arg7[%dma_wait3A_1408, %dma_wait3A_1410, %dma_wait3A_1411] : memref<6x200x64xf32, #tpu.memory_space<vmem>> -> memref<1x200x64xf32, #tpu.memory_space<vmem>>
    %dma_wait3A_1413 = tpu.memref_squeeze %dma_wait3A_1412 : memref<1x200x64xf32, #tpu.memory_space<vmem>> -> memref<200x64xf32, #tpu.memory_space<vmem>>
    %dma_wait3A_1414 = arith.constant 0 : i32
    %dma_wait3A_1415 = tpu.memref_slice %arg6[%dma_wait3A_1407, %dma_wait3A_1414] : memref<32x200xi32, #tpu.memory_space<vmem>> -> memref<1x200xi32, #tpu.memory_space<vmem>>
    %dma_wait3A_1416 = tpu.memref_squeeze %dma_wait3A_1415 : memref<1x200xi32, #tpu.memory_space<vmem>> -> memref<200xi32, #tpu.memory_space<vmem>>
    %dma_wait3A_1417 = arith.constant 0 : i32
    %dma_wait3A_1418 = arith.constant 0 : i32
    %dma_wait3A_1419 = tpu.memref_slice %arg4[%dma_wait3A_1417, %dma_wait3A_1418] : memref<100000x64xf32, #tpu.memory_space<hbm>> -> memref<100000x64xf32, #tpu.memory_space<hbm>>
    %dma_wait3A_1420 = tpu.memref_slice %arg11[%dma_wait3A_1409] : memref<6x!tpu.dma_semaphore, #tpu.memory_space<semaphore_mem>> -> memref<1x!tpu.dma_semaphore, #tpu.memory_space<semaphore_mem>>
    %dma_wait3A_1421 = tpu.memref_squeeze %dma_wait3A_1420 : memref<1x!tpu.dma_semaphore, #tpu.memory_space<semaphore_mem>> -> memref<!tpu.dma_semaphore, #tpu.memory_space<semaphore_mem>>
    tpu.wait_indirect_dma semaphore(%dma_wait3A_1421 : memref<!tpu.dma_semaphore, #tpu.memory_space<semaphore_mem>>) src(%dma_wait3A_1419 : memref<100000x64xf32, #tpu.memory_space<hbm>>) dst(%dma_wait3A_1413 : memref<200x64xf32, #tpu.memory_space<vmem>>)
    %add3A_1422 = arith.constant 13 : i32
    %add3A_1423 = arith.addi %mul3A_2, %add3A_1422 : i32
    %dma_start3A_1424 = arith.constant 1 : i32
    %dma_start3A_1425 = arith.constant 1 : i32
    %dma_start3A_1426 = arith.constant 0 : i32
    %dma_start3A_1427 = arith.constant 0 : i32
    %dma_start3A_1428 = tpu.memref_slice %arg7[%dma_start3A_1424, %dma_start3A_1426, %dma_start3A_1427] : memref<6x200x64xf32, #tpu.memory_space<vmem>> -> memref<1x200x64xf32, #tpu.memory_space<vmem>>
    %dma_start3A_1429 = tpu.memref_squeeze %dma_start3A_1428 : memref<1x200x64xf32, #tpu.memory_space<vmem>> -> memref<200x64xf32, #tpu.memory_space<vmem>>
    %dma_start3A_1430 = arith.constant 0 : i32
    %dma_start3A_1431 = arith.constant 0 : i32
    %dma_start3A_1432 = tpu.memref_slice %arg5[%add3A_1423, %dma_start3A_1430, %dma_start3A_1431] : memref<1024x200x128xf32, #tpu.memory_space<hbm>> -> memref<1x200x64xf32, #tpu.memory_space<hbm>>
    %dma_start3A_1433 = tpu.memref_squeeze %dma_start3A_1432 : memref<1x200x64xf32, #tpu.memory_space<hbm>> -> memref<200x64xf32, #tpu.memory_space<hbm>>
    %dma_start3A_1434 = tpu.memref_slice %arg12[%dma_start3A_1425] : memref<6x!tpu.dma_semaphore, #tpu.memory_space<semaphore_mem>> -> memref<1x!tpu.dma_semaphore, #tpu.memory_space<semaphore_mem>>
    %dma_start3A_1435 = tpu.memref_squeeze %dma_start3A_1434 : memref<1x!tpu.dma_semaphore, #tpu.memory_space<semaphore_mem>> -> memref<!tpu.dma_semaphore, #tpu.memory_space<semaphore_mem>>
    %dma_start3A_1436 = arith.constant 0 : i32
    %dma_start3A_1437 = arith.constant 0 : i32
    %dma_start3A_1438 = tpu.memref_slice %arg5[%add3A_1423, %dma_start3A_1436, %dma_start3A_1437] : memref<1024x200x128xf32, #tpu.memory_space<hbm>> -> memref<1x200x64xf32, #tpu.memory_space<hbm>>
    %dma_start3A_1439 = tpu.memref_squeeze %dma_start3A_1438 : memref<1x200x64xf32, #tpu.memory_space<hbm>> -> memref<200x64xf32, #tpu.memory_space<hbm>>
    %dma_start3A_1440 = arith.constant 0 : i32
    %dma_start3A_1441 = arith.constant 0 : i32
    %dma_start3A_1442 = tpu.memref_slice %arg7[%dma_start3A_1424, %dma_start3A_1440, %dma_start3A_1441] : memref<6x200x64xf32, #tpu.memory_space<vmem>> -> memref<1x200x64xf32, #tpu.memory_space<vmem>>
    %dma_start3A_1443 = tpu.memref_squeeze %dma_start3A_1442 : memref<1x200x64xf32, #tpu.memory_space<vmem>> -> memref<200x64xf32, #tpu.memory_space<vmem>>
    tpu.enqueue_dma source(%dma_start3A_1443 : memref<200x64xf32, #tpu.memory_space<vmem>>) target(%dma_start3A_1439 : memref<200x64xf32, #tpu.memory_space<hbm>>) target_semaphore(%dma_start3A_1435 : memref<!tpu.dma_semaphore, #tpu.memory_space<semaphore_mem>>)
    %dma_wait3A_1444 = arith.constant 0 : i32
    %dma_wait3A_1445 = arith.constant 0 : i32
    %dma_wait3A_1446 = arith.constant 0 : i32
    %dma_wait3A_1447 = arith.constant 0 : i32
    %dma_wait3A_1448 = tpu.memref_slice %arg7[%dma_wait3A_1444, %dma_wait3A_1446, %dma_wait3A_1447] : memref<6x200x64xf32, #tpu.memory_space<vmem>> -> memref<1x200x64xf32, #tpu.memory_space<vmem>>
    %dma_wait3A_1449 = tpu.memref_squeeze %dma_wait3A_1448 : memref<1x200x64xf32, #tpu.memory_space<vmem>> -> memref<200x64xf32, #tpu.memory_space<vmem>>
    %dma_wait3A_1450 = arith.constant 0 : i32
    %dma_wait3A_1451 = arith.constant 0 : i32
    %dma_wait3A_1452 = tpu.memref_slice %arg5[%add3A_1327, %dma_wait3A_1450, %dma_wait3A_1451] : memref<1024x200x128xf32, #tpu.memory_space<hbm>> -> memref<1x200x64xf32, #tpu.memory_space<hbm>>
    %dma_wait3A_1453 = tpu.memref_squeeze %dma_wait3A_1452 : memref<1x200x64xf32, #tpu.memory_space<hbm>> -> memref<200x64xf32, #tpu.memory_space<hbm>>
    %dma_wait3A_1454 = tpu.memref_slice %arg12[%dma_wait3A_1445] : memref<6x!tpu.dma_semaphore, #tpu.memory_space<semaphore_mem>> -> memref<1x!tpu.dma_semaphore, #tpu.memory_space<semaphore_mem>>
    %dma_wait3A_1455 = tpu.memref_squeeze %dma_wait3A_1454 : memref<1x!tpu.dma_semaphore, #tpu.memory_space<semaphore_mem>> -> memref<!tpu.dma_semaphore, #tpu.memory_space<semaphore_mem>>
    %dma_wait3A_1456 = arith.constant 0 : i32
    %dma_wait3A_1457 = arith.constant 0 : i32
    %dma_wait3A_1458 = tpu.memref_slice %arg5[%add3A_1327, %dma_wait3A_1456, %dma_wait3A_1457] : memref<1024x200x128xf32, #tpu.memory_space<hbm>> -> memref<1x200x64xf32, #tpu.memory_space<hbm>>
    %dma_wait3A_1459 = tpu.memref_squeeze %dma_wait3A_1458 : memref<1x200x64xf32, #tpu.memory_space<hbm>> -> memref<200x64xf32, #tpu.memory_space<hbm>>
    %dma_wait3A_1460 = arith.constant 0 : i32
    %dma_wait3A_1461 = arith.constant 0 : i32
    %dma_wait3A_1462 = tpu.memref_slice %arg7[%dma_wait3A_1444, %dma_wait3A_1460, %dma_wait3A_1461] : memref<6x200x64xf32, #tpu.memory_space<vmem>> -> memref<1x200x64xf32, #tpu.memory_space<vmem>>
    %dma_wait3A_1463 = tpu.memref_squeeze %dma_wait3A_1462 : memref<1x200x64xf32, #tpu.memory_space<vmem>> -> memref<200x64xf32, #tpu.memory_space<vmem>>
    tpu.wait_dma2 semaphore(%dma_wait3A_1455 : memref<!tpu.dma_semaphore, #tpu.memory_space<semaphore_mem>>) src(%dma_wait3A_1463 : memref<200x64xf32, #tpu.memory_space<vmem>>) dst(%dma_wait3A_1459 : memref<200x64xf32, #tpu.memory_space<hbm>>)
    %dma_start3A_1464 = arith.constant 0 : i32
    %dma_start3A_1465 = arith.constant 0 : i32
    %dma_start3A_1466 = arith.constant 0 : i32
    %dma_start3A_1467 = arith.constant 0 : i32
    %dma_start3A_1468 = tpu.memref_slice %arg7[%dma_start3A_1464, %dma_start3A_1466, %dma_start3A_1467] : memref<6x200x64xf32, #tpu.memory_space<vmem>> -> memref<1x200x64xf32, #tpu.memory_space<vmem>>
    %dma_start3A_1469 = tpu.memref_squeeze %dma_start3A_1468 : memref<1x200x64xf32, #tpu.memory_space<vmem>> -> memref<200x64xf32, #tpu.memory_space<vmem>>
    %dma_start3A_1470 = tpu.memref_slice %arg10[%dma_start3A_1465] : memref<6x!tpu.dma_semaphore, #tpu.memory_space<semaphore_mem>> -> memref<1x!tpu.dma_semaphore, #tpu.memory_space<semaphore_mem>>
    %dma_start3A_1471 = tpu.memref_squeeze %dma_start3A_1470 : memref<1x!tpu.dma_semaphore, #tpu.memory_space<semaphore_mem>> -> memref<!tpu.dma_semaphore, #tpu.memory_space<semaphore_mem>>
    %dma_start3A_1472 = arith.constant 0 : i32
    %dma_start3A_1473 = arith.constant 0 : i32
    %dma_start3A_1474 = tpu.memref_slice %arg7[%dma_start3A_1464, %dma_start3A_1472, %dma_start3A_1473] : memref<6x200x64xf32, #tpu.memory_space<vmem>> -> memref<1x200x64xf32, #tpu.memory_space<vmem>>
    %dma_start3A_1475 = tpu.memref_squeeze %dma_start3A_1474 : memref<1x200x64xf32, #tpu.memory_space<vmem>> -> memref<200x64xf32, #tpu.memory_space<vmem>>
    tpu.enqueue_dma source(%arg8 : memref<200x64xf32, #tpu.memory_space<vmem_shared>>) target(%dma_start3A_1475 : memref<200x64xf32, #tpu.memory_space<vmem>>) target_semaphore(%dma_start3A_1471 : memref<!tpu.dma_semaphore, #tpu.memory_space<semaphore_mem>>)
    %dma_wait3A_1476 = arith.constant 5 : i32
    %dma_wait3A_1477 = arith.constant 5 : i32
    %dma_wait3A_1478 = arith.constant 0 : i32
    %dma_wait3A_1479 = arith.constant 0 : i32
    %dma_wait3A_1480 = tpu.memref_slice %arg7[%dma_wait3A_1476, %dma_wait3A_1478, %dma_wait3A_1479] : memref<6x200x64xf32, #tpu.memory_space<vmem>> -> memref<1x200x64xf32, #tpu.memory_space<vmem>>
    %dma_wait3A_1481 = tpu.memref_squeeze %dma_wait3A_1480 : memref<1x200x64xf32, #tpu.memory_space<vmem>> -> memref<200x64xf32, #tpu.memory_space<vmem>>
    %dma_wait3A_1482 = tpu.memref_slice %arg10[%dma_wait3A_1477] : memref<6x!tpu.dma_semaphore, #tpu.memory_space<semaphore_mem>> -> memref<1x!tpu.dma_semaphore, #tpu.memory_space<semaphore_mem>>
    %dma_wait3A_1483 = tpu.memref_squeeze %dma_wait3A_1482 : memref<1x!tpu.dma_semaphore, #tpu.memory_space<semaphore_mem>> -> memref<!tpu.dma_semaphore, #tpu.memory_space<semaphore_mem>>
    %dma_wait3A_1484 = arith.constant 0 : i32
    %dma_wait3A_1485 = arith.constant 0 : i32
    %dma_wait3A_1486 = tpu.memref_slice %arg7[%dma_wait3A_1476, %dma_wait3A_1484, %dma_wait3A_1485] : memref<6x200x64xf32, #tpu.memory_space<vmem>> -> memref<1x200x64xf32, #tpu.memory_space<vmem>>
    %dma_wait3A_1487 = tpu.memref_squeeze %dma_wait3A_1486 : memref<1x200x64xf32, #tpu.memory_space<vmem>> -> memref<200x64xf32, #tpu.memory_space<vmem>>
    tpu.wait_dma2 semaphore(%dma_wait3A_1483 : memref<!tpu.dma_semaphore, #tpu.memory_space<semaphore_mem>>) src(%arg8 : memref<200x64xf32, #tpu.memory_space<vmem_shared>>) dst(%dma_wait3A_1487 : memref<200x64xf32, #tpu.memory_space<vmem>>)
    %dma_start3A_1488 = arith.constant 17 : i32
    %dma_start3A_1489 = arith.constant 5 : i32
    %dma_start3A_1490 = arith.constant 5 : i32
    %dma_start3A_1491 = arith.constant 0 : i32
    %dma_start3A_1492 = arith.constant 0 : i32
    %dma_start3A_1493 = tpu.memref_slice %arg7[%dma_start3A_1489, %dma_start3A_1491, %dma_start3A_1492] : memref<6x200x64xf32, #tpu.memory_space<vmem>> -> memref<1x200x64xf32, #tpu.memory_space<vmem>>
    %dma_start3A_1494 = tpu.memref_squeeze %dma_start3A_1493 : memref<1x200x64xf32, #tpu.memory_space<vmem>> -> memref<200x64xf32, #tpu.memory_space<vmem>>
    %dma_start3A_1495 = arith.constant 0 : i32
    %dma_start3A_1496 = tpu.memref_slice %arg6[%dma_start3A_1488, %dma_start3A_1495] : memref<32x200xi32, #tpu.memory_space<vmem>> -> memref<1x200xi32, #tpu.memory_space<vmem>>
    %dma_start3A_1497 = tpu.memref_squeeze %dma_start3A_1496 : memref<1x200xi32, #tpu.memory_space<vmem>> -> memref<200xi32, #tpu.memory_space<vmem>>
    %dma_start3A_1498 = arith.constant 0 : i32
    %dma_start3A_1499 = arith.constant 0 : i32
    %dma_start3A_1500 = tpu.memref_slice %arg4[%dma_start3A_1498, %dma_start3A_1499] : memref<100000x64xf32, #tpu.memory_space<hbm>> -> memref<100000x64xf32, #tpu.memory_space<hbm>>
    %dma_start3A_1501 = tpu.memref_slice %arg11[%dma_start3A_1490] : memref<6x!tpu.dma_semaphore, #tpu.memory_space<semaphore_mem>> -> memref<1x!tpu.dma_semaphore, #tpu.memory_space<semaphore_mem>>
    %dma_start3A_1502 = tpu.memref_squeeze %dma_start3A_1501 : memref<1x!tpu.dma_semaphore, #tpu.memory_space<semaphore_mem>> -> memref<!tpu.dma_semaphore, #tpu.memory_space<semaphore_mem>>
    tpu.enqueue_indirect_dma source(%dma_start3A_1500 : memref<100000x64xf32, #tpu.memory_space<hbm>>) target(%dma_start3A_1494 : memref<200x64xf32, #tpu.memory_space<vmem>>) offsets(%dma_start3A_1497 : memref<200xi32, #tpu.memory_space<vmem>>) semaphore(%dma_start3A_1502 : memref<!tpu.dma_semaphore, #tpu.memory_space<semaphore_mem>>) {add = true}
    %dma_wait3A_1503 = arith.constant 14 : i32
    %dma_wait3A_1504 = arith.constant 2 : i32
    %dma_wait3A_1505 = arith.constant 2 : i32
    %dma_wait3A_1506 = arith.constant 0 : i32
    %dma_wait3A_1507 = arith.constant 0 : i32
    %dma_wait3A_1508 = tpu.memref_slice %arg7[%dma_wait3A_1504, %dma_wait3A_1506, %dma_wait3A_1507] : memref<6x200x64xf32, #tpu.memory_space<vmem>> -> memref<1x200x64xf32, #tpu.memory_space<vmem>>
    %dma_wait3A_1509 = tpu.memref_squeeze %dma_wait3A_1508 : memref<1x200x64xf32, #tpu.memory_space<vmem>> -> memref<200x64xf32, #tpu.memory_space<vmem>>
    %dma_wait3A_1510 = arith.constant 0 : i32
    %dma_wait3A_1511 = tpu.memref_slice %arg6[%dma_wait3A_1503, %dma_wait3A_1510] : memref<32x200xi32, #tpu.memory_space<vmem>> -> memref<1x200xi32, #tpu.memory_space<vmem>>
    %dma_wait3A_1512 = tpu.memref_squeeze %dma_wait3A_1511 : memref<1x200xi32, #tpu.memory_space<vmem>> -> memref<200xi32, #tpu.memory_space<vmem>>
    %dma_wait3A_1513 = arith.constant 0 : i32
    %dma_wait3A_1514 = arith.constant 0 : i32
    %dma_wait3A_1515 = tpu.memref_slice %arg4[%dma_wait3A_1513, %dma_wait3A_1514] : memref<100000x64xf32, #tpu.memory_space<hbm>> -> memref<100000x64xf32, #tpu.memory_space<hbm>>
    %dma_wait3A_1516 = tpu.memref_slice %arg11[%dma_wait3A_1505] : memref<6x!tpu.dma_semaphore, #tpu.memory_space<semaphore_mem>> -> memref<1x!tpu.dma_semaphore, #tpu.memory_space<semaphore_mem>>
    %dma_wait3A_1517 = tpu.memref_squeeze %dma_wait3A_1516 : memref<1x!tpu.dma_semaphore, #tpu.memory_space<semaphore_mem>> -> memref<!tpu.dma_semaphore, #tpu.memory_space<semaphore_mem>>
    tpu.wait_indirect_dma semaphore(%dma_wait3A_1517 : memref<!tpu.dma_semaphore, #tpu.memory_space<semaphore_mem>>) src(%dma_wait3A_1515 : memref<100000x64xf32, #tpu.memory_space<hbm>>) dst(%dma_wait3A_1509 : memref<200x64xf32, #tpu.memory_space<vmem>>)
    %add3A_1518 = arith.constant 14 : i32
    %add3A_1519 = arith.addi %mul3A_2, %add3A_1518 : i32
    %dma_start3A_1520 = arith.constant 2 : i32
    %dma_start3A_1521 = arith.constant 2 : i32
    %dma_start3A_1522 = arith.constant 0 : i32
    %dma_start3A_1523 = arith.constant 0 : i32
    %dma_start3A_1524 = tpu.memref_slice %arg7[%dma_start3A_1520, %dma_start3A_1522, %dma_start3A_1523] : memref<6x200x64xf32, #tpu.memory_space<vmem>> -> memref<1x200x64xf32, #tpu.memory_space<vmem>>
    %dma_start3A_1525 = tpu.memref_squeeze %dma_start3A_1524 : memref<1x200x64xf32, #tpu.memory_space<vmem>> -> memref<200x64xf32, #tpu.memory_space<vmem>>
    %dma_start3A_1526 = arith.constant 0 : i32
    %dma_start3A_1527 = arith.constant 0 : i32
    %dma_start3A_1528 = tpu.memref_slice %arg5[%add3A_1519, %dma_start3A_1526, %dma_start3A_1527] : memref<1024x200x128xf32, #tpu.memory_space<hbm>> -> memref<1x200x64xf32, #tpu.memory_space<hbm>>
    %dma_start3A_1529 = tpu.memref_squeeze %dma_start3A_1528 : memref<1x200x64xf32, #tpu.memory_space<hbm>> -> memref<200x64xf32, #tpu.memory_space<hbm>>
    %dma_start3A_1530 = tpu.memref_slice %arg12[%dma_start3A_1521] : memref<6x!tpu.dma_semaphore, #tpu.memory_space<semaphore_mem>> -> memref<1x!tpu.dma_semaphore, #tpu.memory_space<semaphore_mem>>
    %dma_start3A_1531 = tpu.memref_squeeze %dma_start3A_1530 : memref<1x!tpu.dma_semaphore, #tpu.memory_space<semaphore_mem>> -> memref<!tpu.dma_semaphore, #tpu.memory_space<semaphore_mem>>
    %dma_start3A_1532 = arith.constant 0 : i32
    %dma_start3A_1533 = arith.constant 0 : i32
    %dma_start3A_1534 = tpu.memref_slice %arg5[%add3A_1519, %dma_start3A_1532, %dma_start3A_1533] : memref<1024x200x128xf32, #tpu.memory_space<hbm>> -> memref<1x200x64xf32, #tpu.memory_space<hbm>>
    %dma_start3A_1535 = tpu.memref_squeeze %dma_start3A_1534 : memref<1x200x64xf32, #tpu.memory_space<hbm>> -> memref<200x64xf32, #tpu.memory_space<hbm>>
    %dma_start3A_1536 = arith.constant 0 : i32
    %dma_start3A_1537 = arith.constant 0 : i32
    %dma_start3A_1538 = tpu.memref_slice %arg7[%dma_start3A_1520, %dma_start3A_1536, %dma_start3A_1537] : memref<6x200x64xf32, #tpu.memory_space<vmem>> -> memref<1x200x64xf32, #tpu.memory_space<vmem>>
    %dma_start3A_1539 = tpu.memref_squeeze %dma_start3A_1538 : memref<1x200x64xf32, #tpu.memory_space<vmem>> -> memref<200x64xf32, #tpu.memory_space<vmem>>
    tpu.enqueue_dma source(%dma_start3A_1539 : memref<200x64xf32, #tpu.memory_space<vmem>>) target(%dma_start3A_1535 : memref<200x64xf32, #tpu.memory_space<hbm>>) target_semaphore(%dma_start3A_1531 : memref<!tpu.dma_semaphore, #tpu.memory_space<semaphore_mem>>)
    %dma_wait3A_1540 = arith.constant 1 : i32
    %dma_wait3A_1541 = arith.constant 1 : i32
    %dma_wait3A_1542 = arith.constant 0 : i32
    %dma_wait3A_1543 = arith.constant 0 : i32
    %dma_wait3A_1544 = tpu.memref_slice %arg7[%dma_wait3A_1540, %dma_wait3A_1542, %dma_wait3A_1543] : memref<6x200x64xf32, #tpu.memory_space<vmem>> -> memref<1x200x64xf32, #tpu.memory_space<vmem>>
    %dma_wait3A_1545 = tpu.memref_squeeze %dma_wait3A_1544 : memref<1x200x64xf32, #tpu.memory_space<vmem>> -> memref<200x64xf32, #tpu.memory_space<vmem>>
    %dma_wait3A_1546 = arith.constant 0 : i32
    %dma_wait3A_1547 = arith.constant 0 : i32
    %dma_wait3A_1548 = tpu.memref_slice %arg5[%add3A_1423, %dma_wait3A_1546, %dma_wait3A_1547] : memref<1024x200x128xf32, #tpu.memory_space<hbm>> -> memref<1x200x64xf32, #tpu.memory_space<hbm>>
    %dma_wait3A_1549 = tpu.memref_squeeze %dma_wait3A_1548 : memref<1x200x64xf32, #tpu.memory_space<hbm>> -> memref<200x64xf32, #tpu.memory_space<hbm>>
    %dma_wait3A_1550 = tpu.memref_slice %arg12[%dma_wait3A_1541] : memref<6x!tpu.dma_semaphore, #tpu.memory_space<semaphore_mem>> -> memref<1x!tpu.dma_semaphore, #tpu.memory_space<semaphore_mem>>
    %dma_wait3A_1551 = tpu.memref_squeeze %dma_wait3A_1550 : memref<1x!tpu.dma_semaphore, #tpu.memory_space<semaphore_mem>> -> memref<!tpu.dma_semaphore, #tpu.memory_space<semaphore_mem>>
    %dma_wait3A_1552 = arith.constant 0 : i32
    %dma_wait3A_1553 = arith.constant 0 : i32
    %dma_wait3A_1554 = tpu.memref_slice %arg5[%add3A_1423, %dma_wait3A_1552, %dma_wait3A_1553] : memref<1024x200x128xf32, #tpu.memory_space<hbm>> -> memref<1x200x64xf32, #tpu.memory_space<hbm>>
    %dma_wait3A_1555 = tpu.memref_squeeze %dma_wait3A_1554 : memref<1x200x64xf32, #tpu.memory_space<hbm>> -> memref<200x64xf32, #tpu.memory_space<hbm>>
    %dma_wait3A_1556 = arith.constant 0 : i32
    %dma_wait3A_1557 = arith.constant 0 : i32
    %dma_wait3A_1558 = tpu.memref_slice %arg7[%dma_wait3A_1540, %dma_wait3A_1556, %dma_wait3A_1557] : memref<6x200x64xf32, #tpu.memory_space<vmem>> -> memref<1x200x64xf32, #tpu.memory_space<vmem>>
    %dma_wait3A_1559 = tpu.memref_squeeze %dma_wait3A_1558 : memref<1x200x64xf32, #tpu.memory_space<vmem>> -> memref<200x64xf32, #tpu.memory_space<vmem>>
    tpu.wait_dma2 semaphore(%dma_wait3A_1551 : memref<!tpu.dma_semaphore, #tpu.memory_space<semaphore_mem>>) src(%dma_wait3A_1559 : memref<200x64xf32, #tpu.memory_space<vmem>>) dst(%dma_wait3A_1555 : memref<200x64xf32, #tpu.memory_space<hbm>>)
    %dma_start3A_1560 = arith.constant 1 : i32
    %dma_start3A_1561 = arith.constant 1 : i32
    %dma_start3A_1562 = arith.constant 0 : i32
    %dma_start3A_1563 = arith.constant 0 : i32
    %dma_start3A_1564 = tpu.memref_slice %arg7[%dma_start3A_1560, %dma_start3A_1562, %dma_start3A_1563] : memref<6x200x64xf32, #tpu.memory_space<vmem>> -> memref<1x200x64xf32, #tpu.memory_space<vmem>>
    %dma_start3A_1565 = tpu.memref_squeeze %dma_start3A_1564 : memref<1x200x64xf32, #tpu.memory_space<vmem>> -> memref<200x64xf32, #tpu.memory_space<vmem>>
    %dma_start3A_1566 = tpu.memref_slice %arg10[%dma_start3A_1561] : memref<6x!tpu.dma_semaphore, #tpu.memory_space<semaphore_mem>> -> memref<1x!tpu.dma_semaphore, #tpu.memory_space<semaphore_mem>>
    %dma_start3A_1567 = tpu.memref_squeeze %dma_start3A_1566 : memref<1x!tpu.dma_semaphore, #tpu.memory_space<semaphore_mem>> -> memref<!tpu.dma_semaphore, #tpu.memory_space<semaphore_mem>>
    %dma_start3A_1568 = arith.constant 0 : i32
    %dma_start3A_1569 = arith.constant 0 : i32
    %dma_start3A_1570 = tpu.memref_slice %arg7[%dma_start3A_1560, %dma_start3A_1568, %dma_start3A_1569] : memref<6x200x64xf32, #tpu.memory_space<vmem>> -> memref<1x200x64xf32, #tpu.memory_space<vmem>>
    %dma_start3A_1571 = tpu.memref_squeeze %dma_start3A_1570 : memref<1x200x64xf32, #tpu.memory_space<vmem>> -> memref<200x64xf32, #tpu.memory_space<vmem>>
    tpu.enqueue_dma source(%arg8 : memref<200x64xf32, #tpu.memory_space<vmem_shared>>) target(%dma_start3A_1571 : memref<200x64xf32, #tpu.memory_space<vmem>>) target_semaphore(%dma_start3A_1567 : memref<!tpu.dma_semaphore, #tpu.memory_space<semaphore_mem>>)
    %dma_wait3A_1572 = arith.constant 0 : i32
    %dma_wait3A_1573 = arith.constant 0 : i32
    %dma_wait3A_1574 = arith.constant 0 : i32
    %dma_wait3A_1575 = arith.constant 0 : i32
    %dma_wait3A_1576 = tpu.memref_slice %arg7[%dma_wait3A_1572, %dma_wait3A_1574, %dma_wait3A_1575] : memref<6x200x64xf32, #tpu.memory_space<vmem>> -> memref<1x200x64xf32, #tpu.memory_space<vmem>>
    %dma_wait3A_1577 = tpu.memref_squeeze %dma_wait3A_1576 : memref<1x200x64xf32, #tpu.memory_space<vmem>> -> memref<200x64xf32, #tpu.memory_space<vmem>>
    %dma_wait3A_1578 = tpu.memref_slice %arg10[%dma_wait3A_1573] : memref<6x!tpu.dma_semaphore, #tpu.memory_space<semaphore_mem>> -> memref<1x!tpu.dma_semaphore, #tpu.memory_space<semaphore_mem>>
    %dma_wait3A_1579 = tpu.memref_squeeze %dma_wait3A_1578 : memref<1x!tpu.dma_semaphore, #tpu.memory_space<semaphore_mem>> -> memref<!tpu.dma_semaphore, #tpu.memory_space<semaphore_mem>>
    %dma_wait3A_1580 = arith.constant 0 : i32
    %dma_wait3A_1581 = arith.constant 0 : i32
    %dma_wait3A_1582 = tpu.memref_slice %arg7[%dma_wait3A_1572, %dma_wait3A_1580, %dma_wait3A_1581] : memref<6x200x64xf32, #tpu.memory_space<vmem>> -> memref<1x200x64xf32, #tpu.memory_space<vmem>>
    %dma_wait3A_1583 = tpu.memref_squeeze %dma_wait3A_1582 : memref<1x200x64xf32, #tpu.memory_space<vmem>> -> memref<200x64xf32, #tpu.memory_space<vmem>>
    tpu.wait_dma2 semaphore(%dma_wait3A_1579 : memref<!tpu.dma_semaphore, #tpu.memory_space<semaphore_mem>>) src(%arg8 : memref<200x64xf32, #tpu.memory_space<vmem_shared>>) dst(%dma_wait3A_1583 : memref<200x64xf32, #tpu.memory_space<vmem>>)
    %dma_start3A_1584 = arith.constant 18 : i32
    %dma_start3A_1585 = arith.constant 0 : i32
    %dma_start3A_1586 = arith.constant 0 : i32
    %dma_start3A_1587 = arith.constant 0 : i32
    %dma_start3A_1588 = arith.constant 0 : i32
    %dma_start3A_1589 = tpu.memref_slice %arg7[%dma_start3A_1585, %dma_start3A_1587, %dma_start3A_1588] : memref<6x200x64xf32, #tpu.memory_space<vmem>> -> memref<1x200x64xf32, #tpu.memory_space<vmem>>
    %dma_start3A_1590 = tpu.memref_squeeze %dma_start3A_1589 : memref<1x200x64xf32, #tpu.memory_space<vmem>> -> memref<200x64xf32, #tpu.memory_space<vmem>>
    %dma_start3A_1591 = arith.constant 0 : i32
    %dma_start3A_1592 = tpu.memref_slice %arg6[%dma_start3A_1584, %dma_start3A_1591] : memref<32x200xi32, #tpu.memory_space<vmem>> -> memref<1x200xi32, #tpu.memory_space<vmem>>
    %dma_start3A_1593 = tpu.memref_squeeze %dma_start3A_1592 : memref<1x200xi32, #tpu.memory_space<vmem>> -> memref<200xi32, #tpu.memory_space<vmem>>
    %dma_start3A_1594 = arith.constant 0 : i32
    %dma_start3A_1595 = arith.constant 0 : i32
    %dma_start3A_1596 = tpu.memref_slice %arg4[%dma_start3A_1594, %dma_start3A_1595] : memref<100000x64xf32, #tpu.memory_space<hbm>> -> memref<100000x64xf32, #tpu.memory_space<hbm>>
    %dma_start3A_1597 = tpu.memref_slice %arg11[%dma_start3A_1586] : memref<6x!tpu.dma_semaphore, #tpu.memory_space<semaphore_mem>> -> memref<1x!tpu.dma_semaphore, #tpu.memory_space<semaphore_mem>>
    %dma_start3A_1598 = tpu.memref_squeeze %dma_start3A_1597 : memref<1x!tpu.dma_semaphore, #tpu.memory_space<semaphore_mem>> -> memref<!tpu.dma_semaphore, #tpu.memory_space<semaphore_mem>>
    tpu.enqueue_indirect_dma source(%dma_start3A_1596 : memref<100000x64xf32, #tpu.memory_space<hbm>>) target(%dma_start3A_1590 : memref<200x64xf32, #tpu.memory_space<vmem>>) offsets(%dma_start3A_1593 : memref<200xi32, #tpu.memory_space<vmem>>) semaphore(%dma_start3A_1598 : memref<!tpu.dma_semaphore, #tpu.memory_space<semaphore_mem>>) {add = true}
    %dma_wait3A_1599 = arith.constant 15 : i32
    %dma_wait3A_1600 = arith.constant 3 : i32
    %dma_wait3A_1601 = arith.constant 3 : i32
    %dma_wait3A_1602 = arith.constant 0 : i32
    %dma_wait3A_1603 = arith.constant 0 : i32
    %dma_wait3A_1604 = tpu.memref_slice %arg7[%dma_wait3A_1600, %dma_wait3A_1602, %dma_wait3A_1603] : memref<6x200x64xf32, #tpu.memory_space<vmem>> -> memref<1x200x64xf32, #tpu.memory_space<vmem>>
    %dma_wait3A_1605 = tpu.memref_squeeze %dma_wait3A_1604 : memref<1x200x64xf32, #tpu.memory_space<vmem>> -> memref<200x64xf32, #tpu.memory_space<vmem>>
    %dma_wait3A_1606 = arith.constant 0 : i32
    %dma_wait3A_1607 = tpu.memref_slice %arg6[%dma_wait3A_1599, %dma_wait3A_1606] : memref<32x200xi32, #tpu.memory_space<vmem>> -> memref<1x200xi32, #tpu.memory_space<vmem>>
    %dma_wait3A_1608 = tpu.memref_squeeze %dma_wait3A_1607 : memref<1x200xi32, #tpu.memory_space<vmem>> -> memref<200xi32, #tpu.memory_space<vmem>>
    %dma_wait3A_1609 = arith.constant 0 : i32
    %dma_wait3A_1610 = arith.constant 0 : i32
    %dma_wait3A_1611 = tpu.memref_slice %arg4[%dma_wait3A_1609, %dma_wait3A_1610] : memref<100000x64xf32, #tpu.memory_space<hbm>> -> memref<100000x64xf32, #tpu.memory_space<hbm>>
    %dma_wait3A_1612 = tpu.memref_slice %arg11[%dma_wait3A_1601] : memref<6x!tpu.dma_semaphore, #tpu.memory_space<semaphore_mem>> -> memref<1x!tpu.dma_semaphore, #tpu.memory_space<semaphore_mem>>
    %dma_wait3A_1613 = tpu.memref_squeeze %dma_wait3A_1612 : memref<1x!tpu.dma_semaphore, #tpu.memory_space<semaphore_mem>> -> memref<!tpu.dma_semaphore, #tpu.memory_space<semaphore_mem>>
    tpu.wait_indirect_dma semaphore(%dma_wait3A_1613 : memref<!tpu.dma_semaphore, #tpu.memory_space<semaphore_mem>>) src(%dma_wait3A_1611 : memref<100000x64xf32, #tpu.memory_space<hbm>>) dst(%dma_wait3A_1605 : memref<200x64xf32, #tpu.memory_space<vmem>>)
    %add3A_1614 = arith.constant 15 : i32
    %add3A_1615 = arith.addi %mul3A_2, %add3A_1614 : i32
    %dma_start3A_1616 = arith.constant 3 : i32
    %dma_start3A_1617 = arith.constant 3 : i32
    %dma_start3A_1618 = arith.constant 0 : i32
    %dma_start3A_1619 = arith.constant 0 : i32
    %dma_start3A_1620 = tpu.memref_slice %arg7[%dma_start3A_1616, %dma_start3A_1618, %dma_start3A_1619] : memref<6x200x64xf32, #tpu.memory_space<vmem>> -> memref<1x200x64xf32, #tpu.memory_space<vmem>>
    %dma_start3A_1621 = tpu.memref_squeeze %dma_start3A_1620 : memref<1x200x64xf32, #tpu.memory_space<vmem>> -> memref<200x64xf32, #tpu.memory_space<vmem>>
    %dma_start3A_1622 = arith.constant 0 : i32
    %dma_start3A_1623 = arith.constant 0 : i32
    %dma_start3A_1624 = tpu.memref_slice %arg5[%add3A_1615, %dma_start3A_1622, %dma_start3A_1623] : memref<1024x200x128xf32, #tpu.memory_space<hbm>> -> memref<1x200x64xf32, #tpu.memory_space<hbm>>
    %dma_start3A_1625 = tpu.memref_squeeze %dma_start3A_1624 : memref<1x200x64xf32, #tpu.memory_space<hbm>> -> memref<200x64xf32, #tpu.memory_space<hbm>>
    %dma_start3A_1626 = tpu.memref_slice %arg12[%dma_start3A_1617] : memref<6x!tpu.dma_semaphore, #tpu.memory_space<semaphore_mem>> -> memref<1x!tpu.dma_semaphore, #tpu.memory_space<semaphore_mem>>
    %dma_start3A_1627 = tpu.memref_squeeze %dma_start3A_1626 : memref<1x!tpu.dma_semaphore, #tpu.memory_space<semaphore_mem>> -> memref<!tpu.dma_semaphore, #tpu.memory_space<semaphore_mem>>
    %dma_start3A_1628 = arith.constant 0 : i32
    %dma_start3A_1629 = arith.constant 0 : i32
    %dma_start3A_1630 = tpu.memref_slice %arg5[%add3A_1615, %dma_start3A_1628, %dma_start3A_1629] : memref<1024x200x128xf32, #tpu.memory_space<hbm>> -> memref<1x200x64xf32, #tpu.memory_space<hbm>>
    %dma_start3A_1631 = tpu.memref_squeeze %dma_start3A_1630 : memref<1x200x64xf32, #tpu.memory_space<hbm>> -> memref<200x64xf32, #tpu.memory_space<hbm>>
    %dma_start3A_1632 = arith.constant 0 : i32
    %dma_start3A_1633 = arith.constant 0 : i32
    %dma_start3A_1634 = tpu.memref_slice %arg7[%dma_start3A_1616, %dma_start3A_1632, %dma_start3A_1633] : memref<6x200x64xf32, #tpu.memory_space<vmem>> -> memref<1x200x64xf32, #tpu.memory_space<vmem>>
    %dma_start3A_1635 = tpu.memref_squeeze %dma_start3A_1634 : memref<1x200x64xf32, #tpu.memory_space<vmem>> -> memref<200x64xf32, #tpu.memory_space<vmem>>
    tpu.enqueue_dma source(%dma_start3A_1635 : memref<200x64xf32, #tpu.memory_space<vmem>>) target(%dma_start3A_1631 : memref<200x64xf32, #tpu.memory_space<hbm>>) target_semaphore(%dma_start3A_1627 : memref<!tpu.dma_semaphore, #tpu.memory_space<semaphore_mem>>)
    %dma_wait3A_1636 = arith.constant 2 : i32
    %dma_wait3A_1637 = arith.constant 2 : i32
    %dma_wait3A_1638 = arith.constant 0 : i32
    %dma_wait3A_1639 = arith.constant 0 : i32
    %dma_wait3A_1640 = tpu.memref_slice %arg7[%dma_wait3A_1636, %dma_wait3A_1638, %dma_wait3A_1639] : memref<6x200x64xf32, #tpu.memory_space<vmem>> -> memref<1x200x64xf32, #tpu.memory_space<vmem>>
    %dma_wait3A_1641 = tpu.memref_squeeze %dma_wait3A_1640 : memref<1x200x64xf32, #tpu.memory_space<vmem>> -> memref<200x64xf32, #tpu.memory_space<vmem>>
    %dma_wait3A_1642 = arith.constant 0 : i32
    %dma_wait3A_1643 = arith.constant 0 : i32
    %dma_wait3A_1644 = tpu.memref_slice %arg5[%add3A_1519, %dma_wait3A_1642, %dma_wait3A_1643] : memref<1024x200x128xf32, #tpu.memory_space<hbm>> -> memref<1x200x64xf32, #tpu.memory_space<hbm>>
    %dma_wait3A_1645 = tpu.memref_squeeze %dma_wait3A_1644 : memref<1x200x64xf32, #tpu.memory_space<hbm>> -> memref<200x64xf32, #tpu.memory_space<hbm>>
    %dma_wait3A_1646 = tpu.memref_slice %arg12[%dma_wait3A_1637] : memref<6x!tpu.dma_semaphore, #tpu.memory_space<semaphore_mem>> -> memref<1x!tpu.dma_semaphore, #tpu.memory_space<semaphore_mem>>
    %dma_wait3A_1647 = tpu.memref_squeeze %dma_wait3A_1646 : memref<1x!tpu.dma_semaphore, #tpu.memory_space<semaphore_mem>> -> memref<!tpu.dma_semaphore, #tpu.memory_space<semaphore_mem>>
    %dma_wait3A_1648 = arith.constant 0 : i32
    %dma_wait3A_1649 = arith.constant 0 : i32
    %dma_wait3A_1650 = tpu.memref_slice %arg5[%add3A_1519, %dma_wait3A_1648, %dma_wait3A_1649] : memref<1024x200x128xf32, #tpu.memory_space<hbm>> -> memref<1x200x64xf32, #tpu.memory_space<hbm>>
    %dma_wait3A_1651 = tpu.memref_squeeze %dma_wait3A_1650 : memref<1x200x64xf32, #tpu.memory_space<hbm>> -> memref<200x64xf32, #tpu.memory_space<hbm>>
    %dma_wait3A_1652 = arith.constant 0 : i32
    %dma_wait3A_1653 = arith.constant 0 : i32
    %dma_wait3A_1654 = tpu.memref_slice %arg7[%dma_wait3A_1636, %dma_wait3A_1652, %dma_wait3A_1653] : memref<6x200x64xf32, #tpu.memory_space<vmem>> -> memref<1x200x64xf32, #tpu.memory_space<vmem>>
    %dma_wait3A_1655 = tpu.memref_squeeze %dma_wait3A_1654 : memref<1x200x64xf32, #tpu.memory_space<vmem>> -> memref<200x64xf32, #tpu.memory_space<vmem>>
    tpu.wait_dma2 semaphore(%dma_wait3A_1647 : memref<!tpu.dma_semaphore, #tpu.memory_space<semaphore_mem>>) src(%dma_wait3A_1655 : memref<200x64xf32, #tpu.memory_space<vmem>>) dst(%dma_wait3A_1651 : memref<200x64xf32, #tpu.memory_space<hbm>>)
    %dma_start3A_1656 = arith.constant 2 : i32
    %dma_start3A_1657 = arith.constant 2 : i32
    %dma_start3A_1658 = arith.constant 0 : i32
    %dma_start3A_1659 = arith.constant 0 : i32
    %dma_start3A_1660 = tpu.memref_slice %arg7[%dma_start3A_1656, %dma_start3A_1658, %dma_start3A_1659] : memref<6x200x64xf32, #tpu.memory_space<vmem>> -> memref<1x200x64xf32, #tpu.memory_space<vmem>>
    %dma_start3A_1661 = tpu.memref_squeeze %dma_start3A_1660 : memref<1x200x64xf32, #tpu.memory_space<vmem>> -> memref<200x64xf32, #tpu.memory_space<vmem>>
    %dma_start3A_1662 = tpu.memref_slice %arg10[%dma_start3A_1657] : memref<6x!tpu.dma_semaphore, #tpu.memory_space<semaphore_mem>> -> memref<1x!tpu.dma_semaphore, #tpu.memory_space<semaphore_mem>>
    %dma_start3A_1663 = tpu.memref_squeeze %dma_start3A_1662 : memref<1x!tpu.dma_semaphore, #tpu.memory_space<semaphore_mem>> -> memref<!tpu.dma_semaphore, #tpu.memory_space<semaphore_mem>>
    %dma_start3A_1664 = arith.constant 0 : i32
    %dma_start3A_1665 = arith.constant 0 : i32
    %dma_start3A_1666 = tpu.memref_slice %arg7[%dma_start3A_1656, %dma_start3A_1664, %dma_start3A_1665] : memref<6x200x64xf32, #tpu.memory_space<vmem>> -> memref<1x200x64xf32, #tpu.memory_space<vmem>>
    %dma_start3A_1667 = tpu.memref_squeeze %dma_start3A_1666 : memref<1x200x64xf32, #tpu.memory_space<vmem>> -> memref<200x64xf32, #tpu.memory_space<vmem>>
    tpu.enqueue_dma source(%arg8 : memref<200x64xf32, #tpu.memory_space<vmem_shared>>) target(%dma_start3A_1667 : memref<200x64xf32, #tpu.memory_space<vmem>>) target_semaphore(%dma_start3A_1663 : memref<!tpu.dma_semaphore, #tpu.memory_space<semaphore_mem>>)
    %dma_wait3A_1668 = arith.constant 1 : i32
    %dma_wait3A_1669 = arith.constant 1 : i32
    %dma_wait3A_1670 = arith.constant 0 : i32
    %dma_wait3A_1671 = arith.constant 0 : i32
    %dma_wait3A_1672 = tpu.memref_slice %arg7[%dma_wait3A_1668, %dma_wait3A_1670, %dma_wait3A_1671] : memref<6x200x64xf32, #tpu.memory_space<vmem>> -> memref<1x200x64xf32, #tpu.memory_space<vmem>>
    %dma_wait3A_1673 = tpu.memref_squeeze %dma_wait3A_1672 : memref<1x200x64xf32, #tpu.memory_space<vmem>> -> memref<200x64xf32, #tpu.memory_space<vmem>>
    %dma_wait3A_1674 = tpu.memref_slice %arg10[%dma_wait3A_1669] : memref<6x!tpu.dma_semaphore, #tpu.memory_space<semaphore_mem>> -> memref<1x!tpu.dma_semaphore, #tpu.memory_space<semaphore_mem>>
    %dma_wait3A_1675 = tpu.memref_squeeze %dma_wait3A_1674 : memref<1x!tpu.dma_semaphore, #tpu.memory_space<semaphore_mem>> -> memref<!tpu.dma_semaphore, #tpu.memory_space<semaphore_mem>>
    %dma_wait3A_1676 = arith.constant 0 : i32
    %dma_wait3A_1677 = arith.constant 0 : i32
    %dma_wait3A_1678 = tpu.memref_slice %arg7[%dma_wait3A_1668, %dma_wait3A_1676, %dma_wait3A_1677] : memref<6x200x64xf32, #tpu.memory_space<vmem>> -> memref<1x200x64xf32, #tpu.memory_space<vmem>>
    %dma_wait3A_1679 = tpu.memref_squeeze %dma_wait3A_1678 : memref<1x200x64xf32, #tpu.memory_space<vmem>> -> memref<200x64xf32, #tpu.memory_space<vmem>>
    tpu.wait_dma2 semaphore(%dma_wait3A_1675 : memref<!tpu.dma_semaphore, #tpu.memory_space<semaphore_mem>>) src(%arg8 : memref<200x64xf32, #tpu.memory_space<vmem_shared>>) dst(%dma_wait3A_1679 : memref<200x64xf32, #tpu.memory_space<vmem>>)
    %dma_start3A_1680 = arith.constant 19 : i32
    %dma_start3A_1681 = arith.constant 1 : i32
    %dma_start3A_1682 = arith.constant 1 : i32
    %dma_start3A_1683 = arith.constant 0 : i32
    %dma_start3A_1684 = arith.constant 0 : i32
    %dma_start3A_1685 = tpu.memref_slice %arg7[%dma_start3A_1681, %dma_start3A_1683, %dma_start3A_1684] : memref<6x200x64xf32, #tpu.memory_space<vmem>> -> memref<1x200x64xf32, #tpu.memory_space<vmem>>
    %dma_start3A_1686 = tpu.memref_squeeze %dma_start3A_1685 : memref<1x200x64xf32, #tpu.memory_space<vmem>> -> memref<200x64xf32, #tpu.memory_space<vmem>>
    %dma_start3A_1687 = arith.constant 0 : i32
    %dma_start3A_1688 = tpu.memref_slice %arg6[%dma_start3A_1680, %dma_start3A_1687] : memref<32x200xi32, #tpu.memory_space<vmem>> -> memref<1x200xi32, #tpu.memory_space<vmem>>
    %dma_start3A_1689 = tpu.memref_squeeze %dma_start3A_1688 : memref<1x200xi32, #tpu.memory_space<vmem>> -> memref<200xi32, #tpu.memory_space<vmem>>
    %dma_start3A_1690 = arith.constant 0 : i32
    %dma_start3A_1691 = arith.constant 0 : i32
    %dma_start3A_1692 = tpu.memref_slice %arg4[%dma_start3A_1690, %dma_start3A_1691] : memref<100000x64xf32, #tpu.memory_space<hbm>> -> memref<100000x64xf32, #tpu.memory_space<hbm>>
    %dma_start3A_1693 = tpu.memref_slice %arg11[%dma_start3A_1682] : memref<6x!tpu.dma_semaphore, #tpu.memory_space<semaphore_mem>> -> memref<1x!tpu.dma_semaphore, #tpu.memory_space<semaphore_mem>>
    %dma_start3A_1694 = tpu.memref_squeeze %dma_start3A_1693 : memref<1x!tpu.dma_semaphore, #tpu.memory_space<semaphore_mem>> -> memref<!tpu.dma_semaphore, #tpu.memory_space<semaphore_mem>>
    tpu.enqueue_indirect_dma source(%dma_start3A_1692 : memref<100000x64xf32, #tpu.memory_space<hbm>>) target(%dma_start3A_1686 : memref<200x64xf32, #tpu.memory_space<vmem>>) offsets(%dma_start3A_1689 : memref<200xi32, #tpu.memory_space<vmem>>) semaphore(%dma_start3A_1694 : memref<!tpu.dma_semaphore, #tpu.memory_space<semaphore_mem>>) {add = true}
    %dma_wait3A_1695 = arith.constant 16 : i32
    %dma_wait3A_1696 = arith.constant 4 : i32
    %dma_wait3A_1697 = arith.constant 4 : i32
    %dma_wait3A_1698 = arith.constant 0 : i32
    %dma_wait3A_1699 = arith.constant 0 : i32
    %dma_wait3A_1700 = tpu.memref_slice %arg7[%dma_wait3A_1696, %dma_wait3A_1698, %dma_wait3A_1699] : memref<6x200x64xf32, #tpu.memory_space<vmem>> -> memref<1x200x64xf32, #tpu.memory_space<vmem>>
    %dma_wait3A_1701 = tpu.memref_squeeze %dma_wait3A_1700 : memref<1x200x64xf32, #tpu.memory_space<vmem>> -> memref<200x64xf32, #tpu.memory_space<vmem>>
    %dma_wait3A_1702 = arith.constant 0 : i32
    %dma_wait3A_1703 = tpu.memref_slice %arg6[%dma_wait3A_1695, %dma_wait3A_1702] : memref<32x200xi32, #tpu.memory_space<vmem>> -> memref<1x200xi32, #tpu.memory_space<vmem>>
    %dma_wait3A_1704 = tpu.memref_squeeze %dma_wait3A_1703 : memref<1x200xi32, #tpu.memory_space<vmem>> -> memref<200xi32, #tpu.memory_space<vmem>>
    %dma_wait3A_1705 = arith.constant 0 : i32
    %dma_wait3A_1706 = arith.constant 0 : i32
    %dma_wait3A_1707 = tpu.memref_slice %arg4[%dma_wait3A_1705, %dma_wait3A_1706] : memref<100000x64xf32, #tpu.memory_space<hbm>> -> memref<100000x64xf32, #tpu.memory_space<hbm>>
    %dma_wait3A_1708 = tpu.memref_slice %arg11[%dma_wait3A_1697] : memref<6x!tpu.dma_semaphore, #tpu.memory_space<semaphore_mem>> -> memref<1x!tpu.dma_semaphore, #tpu.memory_space<semaphore_mem>>
    %dma_wait3A_1709 = tpu.memref_squeeze %dma_wait3A_1708 : memref<1x!tpu.dma_semaphore, #tpu.memory_space<semaphore_mem>> -> memref<!tpu.dma_semaphore, #tpu.memory_space<semaphore_mem>>
    tpu.wait_indirect_dma semaphore(%dma_wait3A_1709 : memref<!tpu.dma_semaphore, #tpu.memory_space<semaphore_mem>>) src(%dma_wait3A_1707 : memref<100000x64xf32, #tpu.memory_space<hbm>>) dst(%dma_wait3A_1701 : memref<200x64xf32, #tpu.memory_space<vmem>>)
    %add3A_1710 = arith.constant 16 : i32
    %add3A_1711 = arith.addi %mul3A_2, %add3A_1710 : i32
    %dma_start3A_1712 = arith.constant 4 : i32
    %dma_start3A_1713 = arith.constant 4 : i32
    %dma_start3A_1714 = arith.constant 0 : i32
    %dma_start3A_1715 = arith.constant 0 : i32
    %dma_start3A_1716 = tpu.memref_slice %arg7[%dma_start3A_1712, %dma_start3A_1714, %dma_start3A_1715] : memref<6x200x64xf32, #tpu.memory_space<vmem>> -> memref<1x200x64xf32, #tpu.memory_space<vmem>>
    %dma_start3A_1717 = tpu.memref_squeeze %dma_start3A_1716 : memref<1x200x64xf32, #tpu.memory_space<vmem>> -> memref<200x64xf32, #tpu.memory_space<vmem>>
    %dma_start3A_1718 = arith.constant 0 : i32
    %dma_start3A_1719 = arith.constant 0 : i32
    %dma_start3A_1720 = tpu.memref_slice %arg5[%add3A_1711, %dma_start3A_1718, %dma_start3A_1719] : memref<1024x200x128xf32, #tpu.memory_space<hbm>> -> memref<1x200x64xf32, #tpu.memory_space<hbm>>
    %dma_start3A_1721 = tpu.memref_squeeze %dma_start3A_1720 : memref<1x200x64xf32, #tpu.memory_space<hbm>> -> memref<200x64xf32, #tpu.memory_space<hbm>>
    %dma_start3A_1722 = tpu.memref_slice %arg12[%dma_start3A_1713] : memref<6x!tpu.dma_semaphore, #tpu.memory_space<semaphore_mem>> -> memref<1x!tpu.dma_semaphore, #tpu.memory_space<semaphore_mem>>
    %dma_start3A_1723 = tpu.memref_squeeze %dma_start3A_1722 : memref<1x!tpu.dma_semaphore, #tpu.memory_space<semaphore_mem>> -> memref<!tpu.dma_semaphore, #tpu.memory_space<semaphore_mem>>
    %dma_start3A_1724 = arith.constant 0 : i32
    %dma_start3A_1725 = arith.constant 0 : i32
    %dma_start3A_1726 = tpu.memref_slice %arg5[%add3A_1711, %dma_start3A_1724, %dma_start3A_1725] : memref<1024x200x128xf32, #tpu.memory_space<hbm>> -> memref<1x200x64xf32, #tpu.memory_space<hbm>>
    %dma_start3A_1727 = tpu.memref_squeeze %dma_start3A_1726 : memref<1x200x64xf32, #tpu.memory_space<hbm>> -> memref<200x64xf32, #tpu.memory_space<hbm>>
    %dma_start3A_1728 = arith.constant 0 : i32
    %dma_start3A_1729 = arith.constant 0 : i32
    %dma_start3A_1730 = tpu.memref_slice %arg7[%dma_start3A_1712, %dma_start3A_1728, %dma_start3A_1729] : memref<6x200x64xf32, #tpu.memory_space<vmem>> -> memref<1x200x64xf32, #tpu.memory_space<vmem>>
    %dma_start3A_1731 = tpu.memref_squeeze %dma_start3A_1730 : memref<1x200x64xf32, #tpu.memory_space<vmem>> -> memref<200x64xf32, #tpu.memory_space<vmem>>
    tpu.enqueue_dma source(%dma_start3A_1731 : memref<200x64xf32, #tpu.memory_space<vmem>>) target(%dma_start3A_1727 : memref<200x64xf32, #tpu.memory_space<hbm>>) target_semaphore(%dma_start3A_1723 : memref<!tpu.dma_semaphore, #tpu.memory_space<semaphore_mem>>)
    %dma_wait3A_1732 = arith.constant 3 : i32
    %dma_wait3A_1733 = arith.constant 3 : i32
    %dma_wait3A_1734 = arith.constant 0 : i32
    %dma_wait3A_1735 = arith.constant 0 : i32
    %dma_wait3A_1736 = tpu.memref_slice %arg7[%dma_wait3A_1732, %dma_wait3A_1734, %dma_wait3A_1735] : memref<6x200x64xf32, #tpu.memory_space<vmem>> -> memref<1x200x64xf32, #tpu.memory_space<vmem>>
    %dma_wait3A_1737 = tpu.memref_squeeze %dma_wait3A_1736 : memref<1x200x64xf32, #tpu.memory_space<vmem>> -> memref<200x64xf32, #tpu.memory_space<vmem>>
    %dma_wait3A_1738 = arith.constant 0 : i32
    %dma_wait3A_1739 = arith.constant 0 : i32
    %dma_wait3A_1740 = tpu.memref_slice %arg5[%add3A_1615, %dma_wait3A_1738, %dma_wait3A_1739] : memref<1024x200x128xf32, #tpu.memory_space<hbm>> -> memref<1x200x64xf32, #tpu.memory_space<hbm>>
    %dma_wait3A_1741 = tpu.memref_squeeze %dma_wait3A_1740 : memref<1x200x64xf32, #tpu.memory_space<hbm>> -> memref<200x64xf32, #tpu.memory_space<hbm>>
    %dma_wait3A_1742 = tpu.memref_slice %arg12[%dma_wait3A_1733] : memref<6x!tpu.dma_semaphore, #tpu.memory_space<semaphore_mem>> -> memref<1x!tpu.dma_semaphore, #tpu.memory_space<semaphore_mem>>
    %dma_wait3A_1743 = tpu.memref_squeeze %dma_wait3A_1742 : memref<1x!tpu.dma_semaphore, #tpu.memory_space<semaphore_mem>> -> memref<!tpu.dma_semaphore, #tpu.memory_space<semaphore_mem>>
    %dma_wait3A_1744 = arith.constant 0 : i32
    %dma_wait3A_1745 = arith.constant 0 : i32
    %dma_wait3A_1746 = tpu.memref_slice %arg5[%add3A_1615, %dma_wait3A_1744, %dma_wait3A_1745] : memref<1024x200x128xf32, #tpu.memory_space<hbm>> -> memref<1x200x64xf32, #tpu.memory_space<hbm>>
    %dma_wait3A_1747 = tpu.memref_squeeze %dma_wait3A_1746 : memref<1x200x64xf32, #tpu.memory_space<hbm>> -> memref<200x64xf32, #tpu.memory_space<hbm>>
    %dma_wait3A_1748 = arith.constant 0 : i32
    %dma_wait3A_1749 = arith.constant 0 : i32
    %dma_wait3A_1750 = tpu.memref_slice %arg7[%dma_wait3A_1732, %dma_wait3A_1748, %dma_wait3A_1749] : memref<6x200x64xf32, #tpu.memory_space<vmem>> -> memref<1x200x64xf32, #tpu.memory_space<vmem>>
    %dma_wait3A_1751 = tpu.memref_squeeze %dma_wait3A_1750 : memref<1x200x64xf32, #tpu.memory_space<vmem>> -> memref<200x64xf32, #tpu.memory_space<vmem>>
    tpu.wait_dma2 semaphore(%dma_wait3A_1743 : memref<!tpu.dma_semaphore, #tpu.memory_space<semaphore_mem>>) src(%dma_wait3A_1751 : memref<200x64xf32, #tpu.memory_space<vmem>>) dst(%dma_wait3A_1747 : memref<200x64xf32, #tpu.memory_space<hbm>>)
    %dma_start3A_1752 = arith.constant 3 : i32
    %dma_start3A_1753 = arith.constant 3 : i32
    %dma_start3A_1754 = arith.constant 0 : i32
    %dma_start3A_1755 = arith.constant 0 : i32
    %dma_start3A_1756 = tpu.memref_slice %arg7[%dma_start3A_1752, %dma_start3A_1754, %dma_start3A_1755] : memref<6x200x64xf32, #tpu.memory_space<vmem>> -> memref<1x200x64xf32, #tpu.memory_space<vmem>>
    %dma_start3A_1757 = tpu.memref_squeeze %dma_start3A_1756 : memref<1x200x64xf32, #tpu.memory_space<vmem>> -> memref<200x64xf32, #tpu.memory_space<vmem>>
    %dma_start3A_1758 = tpu.memref_slice %arg10[%dma_start3A_1753] : memref<6x!tpu.dma_semaphore, #tpu.memory_space<semaphore_mem>> -> memref<1x!tpu.dma_semaphore, #tpu.memory_space<semaphore_mem>>
    %dma_start3A_1759 = tpu.memref_squeeze %dma_start3A_1758 : memref<1x!tpu.dma_semaphore, #tpu.memory_space<semaphore_mem>> -> memref<!tpu.dma_semaphore, #tpu.memory_space<semaphore_mem>>
    %dma_start3A_1760 = arith.constant 0 : i32
    %dma_start3A_1761 = arith.constant 0 : i32
    %dma_start3A_1762 = tpu.memref_slice %arg7[%dma_start3A_1752, %dma_start3A_1760, %dma_start3A_1761] : memref<6x200x64xf32, #tpu.memory_space<vmem>> -> memref<1x200x64xf32, #tpu.memory_space<vmem>>
    %dma_start3A_1763 = tpu.memref_squeeze %dma_start3A_1762 : memref<1x200x64xf32, #tpu.memory_space<vmem>> -> memref<200x64xf32, #tpu.memory_space<vmem>>
    tpu.enqueue_dma source(%arg8 : memref<200x64xf32, #tpu.memory_space<vmem_shared>>) target(%dma_start3A_1763 : memref<200x64xf32, #tpu.memory_space<vmem>>) target_semaphore(%dma_start3A_1759 : memref<!tpu.dma_semaphore, #tpu.memory_space<semaphore_mem>>)
    %dma_wait3A_1764 = arith.constant 2 : i32
    %dma_wait3A_1765 = arith.constant 2 : i32
    %dma_wait3A_1766 = arith.constant 0 : i32
    %dma_wait3A_1767 = arith.constant 0 : i32
    %dma_wait3A_1768 = tpu.memref_slice %arg7[%dma_wait3A_1764, %dma_wait3A_1766, %dma_wait3A_1767] : memref<6x200x64xf32, #tpu.memory_space<vmem>> -> memref<1x200x64xf32, #tpu.memory_space<vmem>>
    %dma_wait3A_1769 = tpu.memref_squeeze %dma_wait3A_1768 : memref<1x200x64xf32, #tpu.memory_space<vmem>> -> memref<200x64xf32, #tpu.memory_space<vmem>>
    %dma_wait3A_1770 = tpu.memref_slice %arg10[%dma_wait3A_1765] : memref<6x!tpu.dma_semaphore, #tpu.memory_space<semaphore_mem>> -> memref<1x!tpu.dma_semaphore, #tpu.memory_space<semaphore_mem>>
    %dma_wait3A_1771 = tpu.memref_squeeze %dma_wait3A_1770 : memref<1x!tpu.dma_semaphore, #tpu.memory_space<semaphore_mem>> -> memref<!tpu.dma_semaphore, #tpu.memory_space<semaphore_mem>>
    %dma_wait3A_1772 = arith.constant 0 : i32
    %dma_wait3A_1773 = arith.constant 0 : i32
    %dma_wait3A_1774 = tpu.memref_slice %arg7[%dma_wait3A_1764, %dma_wait3A_1772, %dma_wait3A_1773] : memref<6x200x64xf32, #tpu.memory_space<vmem>> -> memref<1x200x64xf32, #tpu.memory_space<vmem>>
    %dma_wait3A_1775 = tpu.memref_squeeze %dma_wait3A_1774 : memref<1x200x64xf32, #tpu.memory_space<vmem>> -> memref<200x64xf32, #tpu.memory_space<vmem>>
    tpu.wait_dma2 semaphore(%dma_wait3A_1771 : memref<!tpu.dma_semaphore, #tpu.memory_space<semaphore_mem>>) src(%arg8 : memref<200x64xf32, #tpu.memory_space<vmem_shared>>) dst(%dma_wait3A_1775 : memref<200x64xf32, #tpu.memory_space<vmem>>)
    %dma_start3A_1776 = arith.constant 20 : i32
    %dma_start3A_1777 = arith.constant 2 : i32
    %dma_start3A_1778 = arith.constant 2 : i32
    %dma_start3A_1779 = arith.constant 0 : i32
    %dma_start3A_1780 = arith.constant 0 : i32
    %dma_start3A_1781 = tpu.memref_slice %arg7[%dma_start3A_1777, %dma_start3A_1779, %dma_start3A_1780] : memref<6x200x64xf32, #tpu.memory_space<vmem>> -> memref<1x200x64xf32, #tpu.memory_space<vmem>>
    %dma_start3A_1782 = tpu.memref_squeeze %dma_start3A_1781 : memref<1x200x64xf32, #tpu.memory_space<vmem>> -> memref<200x64xf32, #tpu.memory_space<vmem>>
    %dma_start3A_1783 = arith.constant 0 : i32
    %dma_start3A_1784 = tpu.memref_slice %arg6[%dma_start3A_1776, %dma_start3A_1783] : memref<32x200xi32, #tpu.memory_space<vmem>> -> memref<1x200xi32, #tpu.memory_space<vmem>>
    %dma_start3A_1785 = tpu.memref_squeeze %dma_start3A_1784 : memref<1x200xi32, #tpu.memory_space<vmem>> -> memref<200xi32, #tpu.memory_space<vmem>>
    %dma_start3A_1786 = arith.constant 0 : i32
    %dma_start3A_1787 = arith.constant 0 : i32
    %dma_start3A_1788 = tpu.memref_slice %arg4[%dma_start3A_1786, %dma_start3A_1787] : memref<100000x64xf32, #tpu.memory_space<hbm>> -> memref<100000x64xf32, #tpu.memory_space<hbm>>
    %dma_start3A_1789 = tpu.memref_slice %arg11[%dma_start3A_1778] : memref<6x!tpu.dma_semaphore, #tpu.memory_space<semaphore_mem>> -> memref<1x!tpu.dma_semaphore, #tpu.memory_space<semaphore_mem>>
    %dma_start3A_1790 = tpu.memref_squeeze %dma_start3A_1789 : memref<1x!tpu.dma_semaphore, #tpu.memory_space<semaphore_mem>> -> memref<!tpu.dma_semaphore, #tpu.memory_space<semaphore_mem>>
    tpu.enqueue_indirect_dma source(%dma_start3A_1788 : memref<100000x64xf32, #tpu.memory_space<hbm>>) target(%dma_start3A_1782 : memref<200x64xf32, #tpu.memory_space<vmem>>) offsets(%dma_start3A_1785 : memref<200xi32, #tpu.memory_space<vmem>>) semaphore(%dma_start3A_1790 : memref<!tpu.dma_semaphore, #tpu.memory_space<semaphore_mem>>) {add = true}
    %dma_wait3A_1791 = arith.constant 17 : i32
    %dma_wait3A_1792 = arith.constant 5 : i32
    %dma_wait3A_1793 = arith.constant 5 : i32
    %dma_wait3A_1794 = arith.constant 0 : i32
    %dma_wait3A_1795 = arith.constant 0 : i32
    %dma_wait3A_1796 = tpu.memref_slice %arg7[%dma_wait3A_1792, %dma_wait3A_1794, %dma_wait3A_1795] : memref<6x200x64xf32, #tpu.memory_space<vmem>> -> memref<1x200x64xf32, #tpu.memory_space<vmem>>
    %dma_wait3A_1797 = tpu.memref_squeeze %dma_wait3A_1796 : memref<1x200x64xf32, #tpu.memory_space<vmem>> -> memref<200x64xf32, #tpu.memory_space<vmem>>
    %dma_wait3A_1798 = arith.constant 0 : i32
    %dma_wait3A_1799 = tpu.memref_slice %arg6[%dma_wait3A_1791, %dma_wait3A_1798] : memref<32x200xi32, #tpu.memory_space<vmem>> -> memref<1x200xi32, #tpu.memory_space<vmem>>
    %dma_wait3A_1800 = tpu.memref_squeeze %dma_wait3A_1799 : memref<1x200xi32, #tpu.memory_space<vmem>> -> memref<200xi32, #tpu.memory_space<vmem>>
    %dma_wait3A_1801 = arith.constant 0 : i32
    %dma_wait3A_1802 = arith.constant 0 : i32
    %dma_wait3A_1803 = tpu.memref_slice %arg4[%dma_wait3A_1801, %dma_wait3A_1802] : memref<100000x64xf32, #tpu.memory_space<hbm>> -> memref<100000x64xf32, #tpu.memory_space<hbm>>
    %dma_wait3A_1804 = tpu.memref_slice %arg11[%dma_wait3A_1793] : memref<6x!tpu.dma_semaphore, #tpu.memory_space<semaphore_mem>> -> memref<1x!tpu.dma_semaphore, #tpu.memory_space<semaphore_mem>>
    %dma_wait3A_1805 = tpu.memref_squeeze %dma_wait3A_1804 : memref<1x!tpu.dma_semaphore, #tpu.memory_space<semaphore_mem>> -> memref<!tpu.dma_semaphore, #tpu.memory_space<semaphore_mem>>
    tpu.wait_indirect_dma semaphore(%dma_wait3A_1805 : memref<!tpu.dma_semaphore, #tpu.memory_space<semaphore_mem>>) src(%dma_wait3A_1803 : memref<100000x64xf32, #tpu.memory_space<hbm>>) dst(%dma_wait3A_1797 : memref<200x64xf32, #tpu.memory_space<vmem>>)
    %add3A_1806 = arith.constant 17 : i32
    %add3A_1807 = arith.addi %mul3A_2, %add3A_1806 : i32
    %dma_start3A_1808 = arith.constant 5 : i32
    %dma_start3A_1809 = arith.constant 5 : i32
    %dma_start3A_1810 = arith.constant 0 : i32
    %dma_start3A_1811 = arith.constant 0 : i32
    %dma_start3A_1812 = tpu.memref_slice %arg7[%dma_start3A_1808, %dma_start3A_1810, %dma_start3A_1811] : memref<6x200x64xf32, #tpu.memory_space<vmem>> -> memref<1x200x64xf32, #tpu.memory_space<vmem>>
    %dma_start3A_1813 = tpu.memref_squeeze %dma_start3A_1812 : memref<1x200x64xf32, #tpu.memory_space<vmem>> -> memref<200x64xf32, #tpu.memory_space<vmem>>
    %dma_start3A_1814 = arith.constant 0 : i32
    %dma_start3A_1815 = arith.constant 0 : i32
    %dma_start3A_1816 = tpu.memref_slice %arg5[%add3A_1807, %dma_start3A_1814, %dma_start3A_1815] : memref<1024x200x128xf32, #tpu.memory_space<hbm>> -> memref<1x200x64xf32, #tpu.memory_space<hbm>>
    %dma_start3A_1817 = tpu.memref_squeeze %dma_start3A_1816 : memref<1x200x64xf32, #tpu.memory_space<hbm>> -> memref<200x64xf32, #tpu.memory_space<hbm>>
    %dma_start3A_1818 = tpu.memref_slice %arg12[%dma_start3A_1809] : memref<6x!tpu.dma_semaphore, #tpu.memory_space<semaphore_mem>> -> memref<1x!tpu.dma_semaphore, #tpu.memory_space<semaphore_mem>>
    %dma_start3A_1819 = tpu.memref_squeeze %dma_start3A_1818 : memref<1x!tpu.dma_semaphore, #tpu.memory_space<semaphore_mem>> -> memref<!tpu.dma_semaphore, #tpu.memory_space<semaphore_mem>>
    %dma_start3A_1820 = arith.constant 0 : i32
    %dma_start3A_1821 = arith.constant 0 : i32
    %dma_start3A_1822 = tpu.memref_slice %arg5[%add3A_1807, %dma_start3A_1820, %dma_start3A_1821] : memref<1024x200x128xf32, #tpu.memory_space<hbm>> -> memref<1x200x64xf32, #tpu.memory_space<hbm>>
    %dma_start3A_1823 = tpu.memref_squeeze %dma_start3A_1822 : memref<1x200x64xf32, #tpu.memory_space<hbm>> -> memref<200x64xf32, #tpu.memory_space<hbm>>
    %dma_start3A_1824 = arith.constant 0 : i32
    %dma_start3A_1825 = arith.constant 0 : i32
    %dma_start3A_1826 = tpu.memref_slice %arg7[%dma_start3A_1808, %dma_start3A_1824, %dma_start3A_1825] : memref<6x200x64xf32, #tpu.memory_space<vmem>> -> memref<1x200x64xf32, #tpu.memory_space<vmem>>
    %dma_start3A_1827 = tpu.memref_squeeze %dma_start3A_1826 : memref<1x200x64xf32, #tpu.memory_space<vmem>> -> memref<200x64xf32, #tpu.memory_space<vmem>>
    tpu.enqueue_dma source(%dma_start3A_1827 : memref<200x64xf32, #tpu.memory_space<vmem>>) target(%dma_start3A_1823 : memref<200x64xf32, #tpu.memory_space<hbm>>) target_semaphore(%dma_start3A_1819 : memref<!tpu.dma_semaphore, #tpu.memory_space<semaphore_mem>>)
    %dma_wait3A_1828 = arith.constant 4 : i32
    %dma_wait3A_1829 = arith.constant 4 : i32
    %dma_wait3A_1830 = arith.constant 0 : i32
    %dma_wait3A_1831 = arith.constant 0 : i32
    %dma_wait3A_1832 = tpu.memref_slice %arg7[%dma_wait3A_1828, %dma_wait3A_1830, %dma_wait3A_1831] : memref<6x200x64xf32, #tpu.memory_space<vmem>> -> memref<1x200x64xf32, #tpu.memory_space<vmem>>
    %dma_wait3A_1833 = tpu.memref_squeeze %dma_wait3A_1832 : memref<1x200x64xf32, #tpu.memory_space<vmem>> -> memref<200x64xf32, #tpu.memory_space<vmem>>
    %dma_wait3A_1834 = arith.constant 0 : i32
    %dma_wait3A_1835 = arith.constant 0 : i32
    %dma_wait3A_1836 = tpu.memref_slice %arg5[%add3A_1711, %dma_wait3A_1834, %dma_wait3A_1835] : memref<1024x200x128xf32, #tpu.memory_space<hbm>> -> memref<1x200x64xf32, #tpu.memory_space<hbm>>
    %dma_wait3A_1837 = tpu.memref_squeeze %dma_wait3A_1836 : memref<1x200x64xf32, #tpu.memory_space<hbm>> -> memref<200x64xf32, #tpu.memory_space<hbm>>
    %dma_wait3A_1838 = tpu.memref_slice %arg12[%dma_wait3A_1829] : memref<6x!tpu.dma_semaphore, #tpu.memory_space<semaphore_mem>> -> memref<1x!tpu.dma_semaphore, #tpu.memory_space<semaphore_mem>>
    %dma_wait3A_1839 = tpu.memref_squeeze %dma_wait3A_1838 : memref<1x!tpu.dma_semaphore, #tpu.memory_space<semaphore_mem>> -> memref<!tpu.dma_semaphore, #tpu.memory_space<semaphore_mem>>
    %dma_wait3A_1840 = arith.constant 0 : i32
    %dma_wait3A_1841 = arith.constant 0 : i32
    %dma_wait3A_1842 = tpu.memref_slice %arg5[%add3A_1711, %dma_wait3A_1840, %dma_wait3A_1841] : memref<1024x200x128xf32, #tpu.memory_space<hbm>> -> memref<1x200x64xf32, #tpu.memory_space<hbm>>
    %dma_wait3A_1843 = tpu.memref_squeeze %dma_wait3A_1842 : memref<1x200x64xf32, #tpu.memory_space<hbm>> -> memref<200x64xf32, #tpu.memory_space<hbm>>
    %dma_wait3A_1844 = arith.constant 0 : i32
    %dma_wait3A_1845 = arith.constant 0 : i32
    %dma_wait3A_1846 = tpu.memref_slice %arg7[%dma_wait3A_1828, %dma_wait3A_1844, %dma_wait3A_1845] : memref<6x200x64xf32, #tpu.memory_space<vmem>> -> memref<1x200x64xf32, #tpu.memory_space<vmem>>
    %dma_wait3A_1847 = tpu.memref_squeeze %dma_wait3A_1846 : memref<1x200x64xf32, #tpu.memory_space<vmem>> -> memref<200x64xf32, #tpu.memory_space<vmem>>
    tpu.wait_dma2 semaphore(%dma_wait3A_1839 : memref<!tpu.dma_semaphore, #tpu.memory_space<semaphore_mem>>) src(%dma_wait3A_1847 : memref<200x64xf32, #tpu.memory_space<vmem>>) dst(%dma_wait3A_1843 : memref<200x64xf32, #tpu.memory_space<hbm>>)
    %dma_start3A_1848 = arith.constant 4 : i32
    %dma_start3A_1849 = arith.constant 4 : i32
    %dma_start3A_1850 = arith.constant 0 : i32
    %dma_start3A_1851 = arith.constant 0 : i32
    %dma_start3A_1852 = tpu.memref_slice %arg7[%dma_start3A_1848, %dma_start3A_1850, %dma_start3A_1851] : memref<6x200x64xf32, #tpu.memory_space<vmem>> -> memref<1x200x64xf32, #tpu.memory_space<vmem>>
    %dma_start3A_1853 = tpu.memref_squeeze %dma_start3A_1852 : memref<1x200x64xf32, #tpu.memory_space<vmem>> -> memref<200x64xf32, #tpu.memory_space<vmem>>
    %dma_start3A_1854 = tpu.memref_slice %arg10[%dma_start3A_1849] : memref<6x!tpu.dma_semaphore, #tpu.memory_space<semaphore_mem>> -> memref<1x!tpu.dma_semaphore, #tpu.memory_space<semaphore_mem>>
    %dma_start3A_1855 = tpu.memref_squeeze %dma_start3A_1854 : memref<1x!tpu.dma_semaphore, #tpu.memory_space<semaphore_mem>> -> memref<!tpu.dma_semaphore, #tpu.memory_space<semaphore_mem>>
    %dma_start3A_1856 = arith.constant 0 : i32
    %dma_start3A_1857 = arith.constant 0 : i32
    %dma_start3A_1858 = tpu.memref_slice %arg7[%dma_start3A_1848, %dma_start3A_1856, %dma_start3A_1857] : memref<6x200x64xf32, #tpu.memory_space<vmem>> -> memref<1x200x64xf32, #tpu.memory_space<vmem>>
    %dma_start3A_1859 = tpu.memref_squeeze %dma_start3A_1858 : memref<1x200x64xf32, #tpu.memory_space<vmem>> -> memref<200x64xf32, #tpu.memory_space<vmem>>
    tpu.enqueue_dma source(%arg8 : memref<200x64xf32, #tpu.memory_space<vmem_shared>>) target(%dma_start3A_1859 : memref<200x64xf32, #tpu.memory_space<vmem>>) target_semaphore(%dma_start3A_1855 : memref<!tpu.dma_semaphore, #tpu.memory_space<semaphore_mem>>)
    %dma_wait3A_1860 = arith.constant 3 : i32
    %dma_wait3A_1861 = arith.constant 3 : i32
    %dma_wait3A_1862 = arith.constant 0 : i32
    %dma_wait3A_1863 = arith.constant 0 : i32
    %dma_wait3A_1864 = tpu.memref_slice %arg7[%dma_wait3A_1860, %dma_wait3A_1862, %dma_wait3A_1863] : memref<6x200x64xf32, #tpu.memory_space<vmem>> -> memref<1x200x64xf32, #tpu.memory_space<vmem>>
    %dma_wait3A_1865 = tpu.memref_squeeze %dma_wait3A_1864 : memref<1x200x64xf32, #tpu.memory_space<vmem>> -> memref<200x64xf32, #tpu.memory_space<vmem>>
    %dma_wait3A_1866 = tpu.memref_slice %arg10[%dma_wait3A_1861] : memref<6x!tpu.dma_semaphore, #tpu.memory_space<semaphore_mem>> -> memref<1x!tpu.dma_semaphore, #tpu.memory_space<semaphore_mem>>
    %dma_wait3A_1867 = tpu.memref_squeeze %dma_wait3A_1866 : memref<1x!tpu.dma_semaphore, #tpu.memory_space<semaphore_mem>> -> memref<!tpu.dma_semaphore, #tpu.memory_space<semaphore_mem>>
    %dma_wait3A_1868 = arith.constant 0 : i32
    %dma_wait3A_1869 = arith.constant 0 : i32
    %dma_wait3A_1870 = tpu.memref_slice %arg7[%dma_wait3A_1860, %dma_wait3A_1868, %dma_wait3A_1869] : memref<6x200x64xf32, #tpu.memory_space<vmem>> -> memref<1x200x64xf32, #tpu.memory_space<vmem>>
    %dma_wait3A_1871 = tpu.memref_squeeze %dma_wait3A_1870 : memref<1x200x64xf32, #tpu.memory_space<vmem>> -> memref<200x64xf32, #tpu.memory_space<vmem>>
    tpu.wait_dma2 semaphore(%dma_wait3A_1867 : memref<!tpu.dma_semaphore, #tpu.memory_space<semaphore_mem>>) src(%arg8 : memref<200x64xf32, #tpu.memory_space<vmem_shared>>) dst(%dma_wait3A_1871 : memref<200x64xf32, #tpu.memory_space<vmem>>)
    %dma_start3A_1872 = arith.constant 21 : i32
    %dma_start3A_1873 = arith.constant 3 : i32
    %dma_start3A_1874 = arith.constant 3 : i32
    %dma_start3A_1875 = arith.constant 0 : i32
    %dma_start3A_1876 = arith.constant 0 : i32
    %dma_start3A_1877 = tpu.memref_slice %arg7[%dma_start3A_1873, %dma_start3A_1875, %dma_start3A_1876] : memref<6x200x64xf32, #tpu.memory_space<vmem>> -> memref<1x200x64xf32, #tpu.memory_space<vmem>>
    %dma_start3A_1878 = tpu.memref_squeeze %dma_start3A_1877 : memref<1x200x64xf32, #tpu.memory_space<vmem>> -> memref<200x64xf32, #tpu.memory_space<vmem>>
    %dma_start3A_1879 = arith.constant 0 : i32
    %dma_start3A_1880 = tpu.memref_slice %arg6[%dma_start3A_1872, %dma_start3A_1879] : memref<32x200xi32, #tpu.memory_space<vmem>> -> memref<1x200xi32, #tpu.memory_space<vmem>>
    %dma_start3A_1881 = tpu.memref_squeeze %dma_start3A_1880 : memref<1x200xi32, #tpu.memory_space<vmem>> -> memref<200xi32, #tpu.memory_space<vmem>>
    %dma_start3A_1882 = arith.constant 0 : i32
    %dma_start3A_1883 = arith.constant 0 : i32
    %dma_start3A_1884 = tpu.memref_slice %arg4[%dma_start3A_1882, %dma_start3A_1883] : memref<100000x64xf32, #tpu.memory_space<hbm>> -> memref<100000x64xf32, #tpu.memory_space<hbm>>
    %dma_start3A_1885 = tpu.memref_slice %arg11[%dma_start3A_1874] : memref<6x!tpu.dma_semaphore, #tpu.memory_space<semaphore_mem>> -> memref<1x!tpu.dma_semaphore, #tpu.memory_space<semaphore_mem>>
    %dma_start3A_1886 = tpu.memref_squeeze %dma_start3A_1885 : memref<1x!tpu.dma_semaphore, #tpu.memory_space<semaphore_mem>> -> memref<!tpu.dma_semaphore, #tpu.memory_space<semaphore_mem>>
    tpu.enqueue_indirect_dma source(%dma_start3A_1884 : memref<100000x64xf32, #tpu.memory_space<hbm>>) target(%dma_start3A_1878 : memref<200x64xf32, #tpu.memory_space<vmem>>) offsets(%dma_start3A_1881 : memref<200xi32, #tpu.memory_space<vmem>>) semaphore(%dma_start3A_1886 : memref<!tpu.dma_semaphore, #tpu.memory_space<semaphore_mem>>) {add = true}
    %dma_wait3A_1887 = arith.constant 18 : i32
    %dma_wait3A_1888 = arith.constant 0 : i32
    %dma_wait3A_1889 = arith.constant 0 : i32
    %dma_wait3A_1890 = arith.constant 0 : i32
    %dma_wait3A_1891 = arith.constant 0 : i32
    %dma_wait3A_1892 = tpu.memref_slice %arg7[%dma_wait3A_1888, %dma_wait3A_1890, %dma_wait3A_1891] : memref<6x200x64xf32, #tpu.memory_space<vmem>> -> memref<1x200x64xf32, #tpu.memory_space<vmem>>
    %dma_wait3A_1893 = tpu.memref_squeeze %dma_wait3A_1892 : memref<1x200x64xf32, #tpu.memory_space<vmem>> -> memref<200x64xf32, #tpu.memory_space<vmem>>
    %dma_wait3A_1894 = arith.constant 0 : i32
    %dma_wait3A_1895 = tpu.memref_slice %arg6[%dma_wait3A_1887, %dma_wait3A_1894] : memref<32x200xi32, #tpu.memory_space<vmem>> -> memref<1x200xi32, #tpu.memory_space<vmem>>
    %dma_wait3A_1896 = tpu.memref_squeeze %dma_wait3A_1895 : memref<1x200xi32, #tpu.memory_space<vmem>> -> memref<200xi32, #tpu.memory_space<vmem>>
    %dma_wait3A_1897 = arith.constant 0 : i32
    %dma_wait3A_1898 = arith.constant 0 : i32
    %dma_wait3A_1899 = tpu.memref_slice %arg4[%dma_wait3A_1897, %dma_wait3A_1898] : memref<100000x64xf32, #tpu.memory_space<hbm>> -> memref<100000x64xf32, #tpu.memory_space<hbm>>
    %dma_wait3A_1900 = tpu.memref_slice %arg11[%dma_wait3A_1889] : memref<6x!tpu.dma_semaphore, #tpu.memory_space<semaphore_mem>> -> memref<1x!tpu.dma_semaphore, #tpu.memory_space<semaphore_mem>>
    %dma_wait3A_1901 = tpu.memref_squeeze %dma_wait3A_1900 : memref<1x!tpu.dma_semaphore, #tpu.memory_space<semaphore_mem>> -> memref<!tpu.dma_semaphore, #tpu.memory_space<semaphore_mem>>
    tpu.wait_indirect_dma semaphore(%dma_wait3A_1901 : memref<!tpu.dma_semaphore, #tpu.memory_space<semaphore_mem>>) src(%dma_wait3A_1899 : memref<100000x64xf32, #tpu.memory_space<hbm>>) dst(%dma_wait3A_1893 : memref<200x64xf32, #tpu.memory_space<vmem>>)
    %add3A_1902 = arith.constant 18 : i32
    %add3A_1903 = arith.addi %mul3A_2, %add3A_1902 : i32
    %dma_start3A_1904 = arith.constant 0 : i32
    %dma_start3A_1905 = arith.constant 0 : i32
    %dma_start3A_1906 = arith.constant 0 : i32
    %dma_start3A_1907 = arith.constant 0 : i32
    %dma_start3A_1908 = tpu.memref_slice %arg7[%dma_start3A_1904, %dma_start3A_1906, %dma_start3A_1907] : memref<6x200x64xf32, #tpu.memory_space<vmem>> -> memref<1x200x64xf32, #tpu.memory_space<vmem>>
    %dma_start3A_1909 = tpu.memref_squeeze %dma_start3A_1908 : memref<1x200x64xf32, #tpu.memory_space<vmem>> -> memref<200x64xf32, #tpu.memory_space<vmem>>
    %dma_start3A_1910 = arith.constant 0 : i32
    %dma_start3A_1911 = arith.constant 0 : i32
    %dma_start3A_1912 = tpu.memref_slice %arg5[%add3A_1903, %dma_start3A_1910, %dma_start3A_1911] : memref<1024x200x128xf32, #tpu.memory_space<hbm>> -> memref<1x200x64xf32, #tpu.memory_space<hbm>>
    %dma_start3A_1913 = tpu.memref_squeeze %dma_start3A_1912 : memref<1x200x64xf32, #tpu.memory_space<hbm>> -> memref<200x64xf32, #tpu.memory_space<hbm>>
    %dma_start3A_1914 = tpu.memref_slice %arg12[%dma_start3A_1905] : memref<6x!tpu.dma_semaphore, #tpu.memory_space<semaphore_mem>> -> memref<1x!tpu.dma_semaphore, #tpu.memory_space<semaphore_mem>>
    %dma_start3A_1915 = tpu.memref_squeeze %dma_start3A_1914 : memref<1x!tpu.dma_semaphore, #tpu.memory_space<semaphore_mem>> -> memref<!tpu.dma_semaphore, #tpu.memory_space<semaphore_mem>>
    %dma_start3A_1916 = arith.constant 0 : i32
    %dma_start3A_1917 = arith.constant 0 : i32
    %dma_start3A_1918 = tpu.memref_slice %arg5[%add3A_1903, %dma_start3A_1916, %dma_start3A_1917] : memref<1024x200x128xf32, #tpu.memory_space<hbm>> -> memref<1x200x64xf32, #tpu.memory_space<hbm>>
    %dma_start3A_1919 = tpu.memref_squeeze %dma_start3A_1918 : memref<1x200x64xf32, #tpu.memory_space<hbm>> -> memref<200x64xf32, #tpu.memory_space<hbm>>
    %dma_start3A_1920 = arith.constant 0 : i32
    %dma_start3A_1921 = arith.constant 0 : i32
    %dma_start3A_1922 = tpu.memref_slice %arg7[%dma_start3A_1904, %dma_start3A_1920, %dma_start3A_1921] : memref<6x200x64xf32, #tpu.memory_space<vmem>> -> memref<1x200x64xf32, #tpu.memory_space<vmem>>
    %dma_start3A_1923 = tpu.memref_squeeze %dma_start3A_1922 : memref<1x200x64xf32, #tpu.memory_space<vmem>> -> memref<200x64xf32, #tpu.memory_space<vmem>>
    tpu.enqueue_dma source(%dma_start3A_1923 : memref<200x64xf32, #tpu.memory_space<vmem>>) target(%dma_start3A_1919 : memref<200x64xf32, #tpu.memory_space<hbm>>) target_semaphore(%dma_start3A_1915 : memref<!tpu.dma_semaphore, #tpu.memory_space<semaphore_mem>>)
    %dma_wait3A_1924 = arith.constant 5 : i32
    %dma_wait3A_1925 = arith.constant 5 : i32
    %dma_wait3A_1926 = arith.constant 0 : i32
    %dma_wait3A_1927 = arith.constant 0 : i32
    %dma_wait3A_1928 = tpu.memref_slice %arg7[%dma_wait3A_1924, %dma_wait3A_1926, %dma_wait3A_1927] : memref<6x200x64xf32, #tpu.memory_space<vmem>> -> memref<1x200x64xf32, #tpu.memory_space<vmem>>
    %dma_wait3A_1929 = tpu.memref_squeeze %dma_wait3A_1928 : memref<1x200x64xf32, #tpu.memory_space<vmem>> -> memref<200x64xf32, #tpu.memory_space<vmem>>
    %dma_wait3A_1930 = arith.constant 0 : i32
    %dma_wait3A_1931 = arith.constant 0 : i32
    %dma_wait3A_1932 = tpu.memref_slice %arg5[%add3A_1807, %dma_wait3A_1930, %dma_wait3A_1931] : memref<1024x200x128xf32, #tpu.memory_space<hbm>> -> memref<1x200x64xf32, #tpu.memory_space<hbm>>
    %dma_wait3A_1933 = tpu.memref_squeeze %dma_wait3A_1932 : memref<1x200x64xf32, #tpu.memory_space<hbm>> -> memref<200x64xf32, #tpu.memory_space<hbm>>
    %dma_wait3A_1934 = tpu.memref_slice %arg12[%dma_wait3A_1925] : memref<6x!tpu.dma_semaphore, #tpu.memory_space<semaphore_mem>> -> memref<1x!tpu.dma_semaphore, #tpu.memory_space<semaphore_mem>>
    %dma_wait3A_1935 = tpu.memref_squeeze %dma_wait3A_1934 : memref<1x!tpu.dma_semaphore, #tpu.memory_space<semaphore_mem>> -> memref<!tpu.dma_semaphore, #tpu.memory_space<semaphore_mem>>
    %dma_wait3A_1936 = arith.constant 0 : i32
    %dma_wait3A_1937 = arith.constant 0 : i32
    %dma_wait3A_1938 = tpu.memref_slice %arg5[%add3A_1807, %dma_wait3A_1936, %dma_wait3A_1937] : memref<1024x200x128xf32, #tpu.memory_space<hbm>> -> memref<1x200x64xf32, #tpu.memory_space<hbm>>
    %dma_wait3A_1939 = tpu.memref_squeeze %dma_wait3A_1938 : memref<1x200x64xf32, #tpu.memory_space<hbm>> -> memref<200x64xf32, #tpu.memory_space<hbm>>
    %dma_wait3A_1940 = arith.constant 0 : i32
    %dma_wait3A_1941 = arith.constant 0 : i32
    %dma_wait3A_1942 = tpu.memref_slice %arg7[%dma_wait3A_1924, %dma_wait3A_1940, %dma_wait3A_1941] : memref<6x200x64xf32, #tpu.memory_space<vmem>> -> memref<1x200x64xf32, #tpu.memory_space<vmem>>
    %dma_wait3A_1943 = tpu.memref_squeeze %dma_wait3A_1942 : memref<1x200x64xf32, #tpu.memory_space<vmem>> -> memref<200x64xf32, #tpu.memory_space<vmem>>
    tpu.wait_dma2 semaphore(%dma_wait3A_1935 : memref<!tpu.dma_semaphore, #tpu.memory_space<semaphore_mem>>) src(%dma_wait3A_1943 : memref<200x64xf32, #tpu.memory_space<vmem>>) dst(%dma_wait3A_1939 : memref<200x64xf32, #tpu.memory_space<hbm>>)
    %dma_start3A_1944 = arith.constant 5 : i32
    %dma_start3A_1945 = arith.constant 5 : i32
    %dma_start3A_1946 = arith.constant 0 : i32
    %dma_start3A_1947 = arith.constant 0 : i32
    %dma_start3A_1948 = tpu.memref_slice %arg7[%dma_start3A_1944, %dma_start3A_1946, %dma_start3A_1947] : memref<6x200x64xf32, #tpu.memory_space<vmem>> -> memref<1x200x64xf32, #tpu.memory_space<vmem>>
    %dma_start3A_1949 = tpu.memref_squeeze %dma_start3A_1948 : memref<1x200x64xf32, #tpu.memory_space<vmem>> -> memref<200x64xf32, #tpu.memory_space<vmem>>
    %dma_start3A_1950 = tpu.memref_slice %arg10[%dma_start3A_1945] : memref<6x!tpu.dma_semaphore, #tpu.memory_space<semaphore_mem>> -> memref<1x!tpu.dma_semaphore, #tpu.memory_space<semaphore_mem>>
    %dma_start3A_1951 = tpu.memref_squeeze %dma_start3A_1950 : memref<1x!tpu.dma_semaphore, #tpu.memory_space<semaphore_mem>> -> memref<!tpu.dma_semaphore, #tpu.memory_space<semaphore_mem>>
    %dma_start3A_1952 = arith.constant 0 : i32
    %dma_start3A_1953 = arith.constant 0 : i32
    %dma_start3A_1954 = tpu.memref_slice %arg7[%dma_start3A_1944, %dma_start3A_1952, %dma_start3A_1953] : memref<6x200x64xf32, #tpu.memory_space<vmem>> -> memref<1x200x64xf32, #tpu.memory_space<vmem>>
    %dma_start3A_1955 = tpu.memref_squeeze %dma_start3A_1954 : memref<1x200x64xf32, #tpu.memory_space<vmem>> -> memref<200x64xf32, #tpu.memory_space<vmem>>
    tpu.enqueue_dma source(%arg8 : memref<200x64xf32, #tpu.memory_space<vmem_shared>>) target(%dma_start3A_1955 : memref<200x64xf32, #tpu.memory_space<vmem>>) target_semaphore(%dma_start3A_1951 : memref<!tpu.dma_semaphore, #tpu.memory_space<semaphore_mem>>)
    %dma_wait3A_1956 = arith.constant 4 : i32
    %dma_wait3A_1957 = arith.constant 4 : i32
    %dma_wait3A_1958 = arith.constant 0 : i32
    %dma_wait3A_1959 = arith.constant 0 : i32
    %dma_wait3A_1960 = tpu.memref_slice %arg7[%dma_wait3A_1956, %dma_wait3A_1958, %dma_wait3A_1959] : memref<6x200x64xf32, #tpu.memory_space<vmem>> -> memref<1x200x64xf32, #tpu.memory_space<vmem>>
    %dma_wait3A_1961 = tpu.memref_squeeze %dma_wait3A_1960 : memref<1x200x64xf32, #tpu.memory_space<vmem>> -> memref<200x64xf32, #tpu.memory_space<vmem>>
    %dma_wait3A_1962 = tpu.memref_slice %arg10[%dma_wait3A_1957] : memref<6x!tpu.dma_semaphore, #tpu.memory_space<semaphore_mem>> -> memref<1x!tpu.dma_semaphore, #tpu.memory_space<semaphore_mem>>
    %dma_wait3A_1963 = tpu.memref_squeeze %dma_wait3A_1962 : memref<1x!tpu.dma_semaphore, #tpu.memory_space<semaphore_mem>> -> memref<!tpu.dma_semaphore, #tpu.memory_space<semaphore_mem>>
    %dma_wait3A_1964 = arith.constant 0 : i32
    %dma_wait3A_1965 = arith.constant 0 : i32
    %dma_wait3A_1966 = tpu.memref_slice %arg7[%dma_wait3A_1956, %dma_wait3A_1964, %dma_wait3A_1965] : memref<6x200x64xf32, #tpu.memory_space<vmem>> -> memref<1x200x64xf32, #tpu.memory_space<vmem>>
    %dma_wait3A_1967 = tpu.memref_squeeze %dma_wait3A_1966 : memref<1x200x64xf32, #tpu.memory_space<vmem>> -> memref<200x64xf32, #tpu.memory_space<vmem>>
    tpu.wait_dma2 semaphore(%dma_wait3A_1963 : memref<!tpu.dma_semaphore, #tpu.memory_space<semaphore_mem>>) src(%arg8 : memref<200x64xf32, #tpu.memory_space<vmem_shared>>) dst(%dma_wait3A_1967 : memref<200x64xf32, #tpu.memory_space<vmem>>)
    %dma_start3A_1968 = arith.constant 22 : i32
    %dma_start3A_1969 = arith.constant 4 : i32
    %dma_start3A_1970 = arith.constant 4 : i32
    %dma_start3A_1971 = arith.constant 0 : i32
    %dma_start3A_1972 = arith.constant 0 : i32
    %dma_start3A_1973 = tpu.memref_slice %arg7[%dma_start3A_1969, %dma_start3A_1971, %dma_start3A_1972] : memref<6x200x64xf32, #tpu.memory_space<vmem>> -> memref<1x200x64xf32, #tpu.memory_space<vmem>>
    %dma_start3A_1974 = tpu.memref_squeeze %dma_start3A_1973 : memref<1x200x64xf32, #tpu.memory_space<vmem>> -> memref<200x64xf32, #tpu.memory_space<vmem>>
    %dma_start3A_1975 = arith.constant 0 : i32
    %dma_start3A_1976 = tpu.memref_slice %arg6[%dma_start3A_1968, %dma_start3A_1975] : memref<32x200xi32, #tpu.memory_space<vmem>> -> memref<1x200xi32, #tpu.memory_space<vmem>>
    %dma_start3A_1977 = tpu.memref_squeeze %dma_start3A_1976 : memref<1x200xi32, #tpu.memory_space<vmem>> -> memref<200xi32, #tpu.memory_space<vmem>>
    %dma_start3A_1978 = arith.constant 0 : i32
    %dma_start3A_1979 = arith.constant 0 : i32
    %dma_start3A_1980 = tpu.memref_slice %arg4[%dma_start3A_1978, %dma_start3A_1979] : memref<100000x64xf32, #tpu.memory_space<hbm>> -> memref<100000x64xf32, #tpu.memory_space<hbm>>
    %dma_start3A_1981 = tpu.memref_slice %arg11[%dma_start3A_1970] : memref<6x!tpu.dma_semaphore, #tpu.memory_space<semaphore_mem>> -> memref<1x!tpu.dma_semaphore, #tpu.memory_space<semaphore_mem>>
    %dma_start3A_1982 = tpu.memref_squeeze %dma_start3A_1981 : memref<1x!tpu.dma_semaphore, #tpu.memory_space<semaphore_mem>> -> memref<!tpu.dma_semaphore, #tpu.memory_space<semaphore_mem>>
    tpu.enqueue_indirect_dma source(%dma_start3A_1980 : memref<100000x64xf32, #tpu.memory_space<hbm>>) target(%dma_start3A_1974 : memref<200x64xf32, #tpu.memory_space<vmem>>) offsets(%dma_start3A_1977 : memref<200xi32, #tpu.memory_space<vmem>>) semaphore(%dma_start3A_1982 : memref<!tpu.dma_semaphore, #tpu.memory_space<semaphore_mem>>) {add = true}
    %dma_wait3A_1983 = arith.constant 19 : i32
    %dma_wait3A_1984 = arith.constant 1 : i32
    %dma_wait3A_1985 = arith.constant 1 : i32
    %dma_wait3A_1986 = arith.constant 0 : i32
    %dma_wait3A_1987 = arith.constant 0 : i32
    %dma_wait3A_1988 = tpu.memref_slice %arg7[%dma_wait3A_1984, %dma_wait3A_1986, %dma_wait3A_1987] : memref<6x200x64xf32, #tpu.memory_space<vmem>> -> memref<1x200x64xf32, #tpu.memory_space<vmem>>
    %dma_wait3A_1989 = tpu.memref_squeeze %dma_wait3A_1988 : memref<1x200x64xf32, #tpu.memory_space<vmem>> -> memref<200x64xf32, #tpu.memory_space<vmem>>
    %dma_wait3A_1990 = arith.constant 0 : i32
    %dma_wait3A_1991 = tpu.memref_slice %arg6[%dma_wait3A_1983, %dma_wait3A_1990] : memref<32x200xi32, #tpu.memory_space<vmem>> -> memref<1x200xi32, #tpu.memory_space<vmem>>
    %dma_wait3A_1992 = tpu.memref_squeeze %dma_wait3A_1991 : memref<1x200xi32, #tpu.memory_space<vmem>> -> memref<200xi32, #tpu.memory_space<vmem>>
    %dma_wait3A_1993 = arith.constant 0 : i32
    %dma_wait3A_1994 = arith.constant 0 : i32
    %dma_wait3A_1995 = tpu.memref_slice %arg4[%dma_wait3A_1993, %dma_wait3A_1994] : memref<100000x64xf32, #tpu.memory_space<hbm>> -> memref<100000x64xf32, #tpu.memory_space<hbm>>
    %dma_wait3A_1996 = tpu.memref_slice %arg11[%dma_wait3A_1985] : memref<6x!tpu.dma_semaphore, #tpu.memory_space<semaphore_mem>> -> memref<1x!tpu.dma_semaphore, #tpu.memory_space<semaphore_mem>>
    %dma_wait3A_1997 = tpu.memref_squeeze %dma_wait3A_1996 : memref<1x!tpu.dma_semaphore, #tpu.memory_space<semaphore_mem>> -> memref<!tpu.dma_semaphore, #tpu.memory_space<semaphore_mem>>
    tpu.wait_indirect_dma semaphore(%dma_wait3A_1997 : memref<!tpu.dma_semaphore, #tpu.memory_space<semaphore_mem>>) src(%dma_wait3A_1995 : memref<100000x64xf32, #tpu.memory_space<hbm>>) dst(%dma_wait3A_1989 : memref<200x64xf32, #tpu.memory_space<vmem>>)
    %add3A_1998 = arith.constant 19 : i32
    %add3A_1999 = arith.addi %mul3A_2, %add3A_1998 : i32
    %dma_start3A_2000 = arith.constant 1 : i32
    %dma_start3A_2001 = arith.constant 1 : i32
    %dma_start3A_2002 = arith.constant 0 : i32
    %dma_start3A_2003 = arith.constant 0 : i32
    %dma_start3A_2004 = tpu.memref_slice %arg7[%dma_start3A_2000, %dma_start3A_2002, %dma_start3A_2003] : memref<6x200x64xf32, #tpu.memory_space<vmem>> -> memref<1x200x64xf32, #tpu.memory_space<vmem>>
    %dma_start3A_2005 = tpu.memref_squeeze %dma_start3A_2004 : memref<1x200x64xf32, #tpu.memory_space<vmem>> -> memref<200x64xf32, #tpu.memory_space<vmem>>
    %dma_start3A_2006 = arith.constant 0 : i32
    %dma_start3A_2007 = arith.constant 0 : i32
    %dma_start3A_2008 = tpu.memref_slice %arg5[%add3A_1999, %dma_start3A_2006, %dma_start3A_2007] : memref<1024x200x128xf32, #tpu.memory_space<hbm>> -> memref<1x200x64xf32, #tpu.memory_space<hbm>>
    %dma_start3A_2009 = tpu.memref_squeeze %dma_start3A_2008 : memref<1x200x64xf32, #tpu.memory_space<hbm>> -> memref<200x64xf32, #tpu.memory_space<hbm>>
    %dma_start3A_2010 = tpu.memref_slice %arg12[%dma_start3A_2001] : memref<6x!tpu.dma_semaphore, #tpu.memory_space<semaphore_mem>> -> memref<1x!tpu.dma_semaphore, #tpu.memory_space<semaphore_mem>>
    %dma_start3A_2011 = tpu.memref_squeeze %dma_start3A_2010 : memref<1x!tpu.dma_semaphore, #tpu.memory_space<semaphore_mem>> -> memref<!tpu.dma_semaphore, #tpu.memory_space<semaphore_mem>>
    %dma_start3A_2012 = arith.constant 0 : i32
    %dma_start3A_2013 = arith.constant 0 : i32
    %dma_start3A_2014 = tpu.memref_slice %arg5[%add3A_1999, %dma_start3A_2012, %dma_start3A_2013] : memref<1024x200x128xf32, #tpu.memory_space<hbm>> -> memref<1x200x64xf32, #tpu.memory_space<hbm>>
    %dma_start3A_2015 = tpu.memref_squeeze %dma_start3A_2014 : memref<1x200x64xf32, #tpu.memory_space<hbm>> -> memref<200x64xf32, #tpu.memory_space<hbm>>
    %dma_start3A_2016 = arith.constant 0 : i32
    %dma_start3A_2017 = arith.constant 0 : i32
    %dma_start3A_2018 = tpu.memref_slice %arg7[%dma_start3A_2000, %dma_start3A_2016, %dma_start3A_2017] : memref<6x200x64xf32, #tpu.memory_space<vmem>> -> memref<1x200x64xf32, #tpu.memory_space<vmem>>
    %dma_start3A_2019 = tpu.memref_squeeze %dma_start3A_2018 : memref<1x200x64xf32, #tpu.memory_space<vmem>> -> memref<200x64xf32, #tpu.memory_space<vmem>>
    tpu.enqueue_dma source(%dma_start3A_2019 : memref<200x64xf32, #tpu.memory_space<vmem>>) target(%dma_start3A_2015 : memref<200x64xf32, #tpu.memory_space<hbm>>) target_semaphore(%dma_start3A_2011 : memref<!tpu.dma_semaphore, #tpu.memory_space<semaphore_mem>>)
    %dma_wait3A_2020 = arith.constant 0 : i32
    %dma_wait3A_2021 = arith.constant 0 : i32
    %dma_wait3A_2022 = arith.constant 0 : i32
    %dma_wait3A_2023 = arith.constant 0 : i32
    %dma_wait3A_2024 = tpu.memref_slice %arg7[%dma_wait3A_2020, %dma_wait3A_2022, %dma_wait3A_2023] : memref<6x200x64xf32, #tpu.memory_space<vmem>> -> memref<1x200x64xf32, #tpu.memory_space<vmem>>
    %dma_wait3A_2025 = tpu.memref_squeeze %dma_wait3A_2024 : memref<1x200x64xf32, #tpu.memory_space<vmem>> -> memref<200x64xf32, #tpu.memory_space<vmem>>
    %dma_wait3A_2026 = arith.constant 0 : i32
    %dma_wait3A_2027 = arith.constant 0 : i32
    %dma_wait3A_2028 = tpu.memref_slice %arg5[%add3A_1903, %dma_wait3A_2026, %dma_wait3A_2027] : memref<1024x200x128xf32, #tpu.memory_space<hbm>> -> memref<1x200x64xf32, #tpu.memory_space<hbm>>
    %dma_wait3A_2029 = tpu.memref_squeeze %dma_wait3A_2028 : memref<1x200x64xf32, #tpu.memory_space<hbm>> -> memref<200x64xf32, #tpu.memory_space<hbm>>
    %dma_wait3A_2030 = tpu.memref_slice %arg12[%dma_wait3A_2021] : memref<6x!tpu.dma_semaphore, #tpu.memory_space<semaphore_mem>> -> memref<1x!tpu.dma_semaphore, #tpu.memory_space<semaphore_mem>>
    %dma_wait3A_2031 = tpu.memref_squeeze %dma_wait3A_2030 : memref<1x!tpu.dma_semaphore, #tpu.memory_space<semaphore_mem>> -> memref<!tpu.dma_semaphore, #tpu.memory_space<semaphore_mem>>
    %dma_wait3A_2032 = arith.constant 0 : i32
    %dma_wait3A_2033 = arith.constant 0 : i32
    %dma_wait3A_2034 = tpu.memref_slice %arg5[%add3A_1903, %dma_wait3A_2032, %dma_wait3A_2033] : memref<1024x200x128xf32, #tpu.memory_space<hbm>> -> memref<1x200x64xf32, #tpu.memory_space<hbm>>
    %dma_wait3A_2035 = tpu.memref_squeeze %dma_wait3A_2034 : memref<1x200x64xf32, #tpu.memory_space<hbm>> -> memref<200x64xf32, #tpu.memory_space<hbm>>
    %dma_wait3A_2036 = arith.constant 0 : i32
    %dma_wait3A_2037 = arith.constant 0 : i32
    %dma_wait3A_2038 = tpu.memref_slice %arg7[%dma_wait3A_2020, %dma_wait3A_2036, %dma_wait3A_2037] : memref<6x200x64xf32, #tpu.memory_space<vmem>> -> memref<1x200x64xf32, #tpu.memory_space<vmem>>
    %dma_wait3A_2039 = tpu.memref_squeeze %dma_wait3A_2038 : memref<1x200x64xf32, #tpu.memory_space<vmem>> -> memref<200x64xf32, #tpu.memory_space<vmem>>
    tpu.wait_dma2 semaphore(%dma_wait3A_2031 : memref<!tpu.dma_semaphore, #tpu.memory_space<semaphore_mem>>) src(%dma_wait3A_2039 : memref<200x64xf32, #tpu.memory_space<vmem>>) dst(%dma_wait3A_2035 : memref<200x64xf32, #tpu.memory_space<hbm>>)
    %dma_start3A_2040 = arith.constant 0 : i32
    %dma_start3A_2041 = arith.constant 0 : i32
    %dma_start3A_2042 = arith.constant 0 : i32
    %dma_start3A_2043 = arith.constant 0 : i32
    %dma_start3A_2044 = tpu.memref_slice %arg7[%dma_start3A_2040, %dma_start3A_2042, %dma_start3A_2043] : memref<6x200x64xf32, #tpu.memory_space<vmem>> -> memref<1x200x64xf32, #tpu.memory_space<vmem>>
    %dma_start3A_2045 = tpu.memref_squeeze %dma_start3A_2044 : memref<1x200x64xf32, #tpu.memory_space<vmem>> -> memref<200x64xf32, #tpu.memory_space<vmem>>
    %dma_start3A_2046 = tpu.memref_slice %arg10[%dma_start3A_2041] : memref<6x!tpu.dma_semaphore, #tpu.memory_space<semaphore_mem>> -> memref<1x!tpu.dma_semaphore, #tpu.memory_space<semaphore_mem>>
    %dma_start3A_2047 = tpu.memref_squeeze %dma_start3A_2046 : memref<1x!tpu.dma_semaphore, #tpu.memory_space<semaphore_mem>> -> memref<!tpu.dma_semaphore, #tpu.memory_space<semaphore_mem>>
    %dma_start3A_2048 = arith.constant 0 : i32
    %dma_start3A_2049 = arith.constant 0 : i32
    %dma_start3A_2050 = tpu.memref_slice %arg7[%dma_start3A_2040, %dma_start3A_2048, %dma_start3A_2049] : memref<6x200x64xf32, #tpu.memory_space<vmem>> -> memref<1x200x64xf32, #tpu.memory_space<vmem>>
    %dma_start3A_2051 = tpu.memref_squeeze %dma_start3A_2050 : memref<1x200x64xf32, #tpu.memory_space<vmem>> -> memref<200x64xf32, #tpu.memory_space<vmem>>
    tpu.enqueue_dma source(%arg8 : memref<200x64xf32, #tpu.memory_space<vmem_shared>>) target(%dma_start3A_2051 : memref<200x64xf32, #tpu.memory_space<vmem>>) target_semaphore(%dma_start3A_2047 : memref<!tpu.dma_semaphore, #tpu.memory_space<semaphore_mem>>)
    %dma_wait3A_2052 = arith.constant 5 : i32
    %dma_wait3A_2053 = arith.constant 5 : i32
    %dma_wait3A_2054 = arith.constant 0 : i32
    %dma_wait3A_2055 = arith.constant 0 : i32
    %dma_wait3A_2056 = tpu.memref_slice %arg7[%dma_wait3A_2052, %dma_wait3A_2054, %dma_wait3A_2055] : memref<6x200x64xf32, #tpu.memory_space<vmem>> -> memref<1x200x64xf32, #tpu.memory_space<vmem>>
    %dma_wait3A_2057 = tpu.memref_squeeze %dma_wait3A_2056 : memref<1x200x64xf32, #tpu.memory_space<vmem>> -> memref<200x64xf32, #tpu.memory_space<vmem>>
    %dma_wait3A_2058 = tpu.memref_slice %arg10[%dma_wait3A_2053] : memref<6x!tpu.dma_semaphore, #tpu.memory_space<semaphore_mem>> -> memref<1x!tpu.dma_semaphore, #tpu.memory_space<semaphore_mem>>
    %dma_wait3A_2059 = tpu.memref_squeeze %dma_wait3A_2058 : memref<1x!tpu.dma_semaphore, #tpu.memory_space<semaphore_mem>> -> memref<!tpu.dma_semaphore, #tpu.memory_space<semaphore_mem>>
    %dma_wait3A_2060 = arith.constant 0 : i32
    %dma_wait3A_2061 = arith.constant 0 : i32
    %dma_wait3A_2062 = tpu.memref_slice %arg7[%dma_wait3A_2052, %dma_wait3A_2060, %dma_wait3A_2061] : memref<6x200x64xf32, #tpu.memory_space<vmem>> -> memref<1x200x64xf32, #tpu.memory_space<vmem>>
    %dma_wait3A_2063 = tpu.memref_squeeze %dma_wait3A_2062 : memref<1x200x64xf32, #tpu.memory_space<vmem>> -> memref<200x64xf32, #tpu.memory_space<vmem>>
    tpu.wait_dma2 semaphore(%dma_wait3A_2059 : memref<!tpu.dma_semaphore, #tpu.memory_space<semaphore_mem>>) src(%arg8 : memref<200x64xf32, #tpu.memory_space<vmem_shared>>) dst(%dma_wait3A_2063 : memref<200x64xf32, #tpu.memory_space<vmem>>)
    %dma_start3A_2064 = arith.constant 23 : i32
    %dma_start3A_2065 = arith.constant 5 : i32
    %dma_start3A_2066 = arith.constant 5 : i32
    %dma_start3A_2067 = arith.constant 0 : i32
    %dma_start3A_2068 = arith.constant 0 : i32
    %dma_start3A_2069 = tpu.memref_slice %arg7[%dma_start3A_2065, %dma_start3A_2067, %dma_start3A_2068] : memref<6x200x64xf32, #tpu.memory_space<vmem>> -> memref<1x200x64xf32, #tpu.memory_space<vmem>>
    %dma_start3A_2070 = tpu.memref_squeeze %dma_start3A_2069 : memref<1x200x64xf32, #tpu.memory_space<vmem>> -> memref<200x64xf32, #tpu.memory_space<vmem>>
    %dma_start3A_2071 = arith.constant 0 : i32
    %dma_start3A_2072 = tpu.memref_slice %arg6[%dma_start3A_2064, %dma_start3A_2071] : memref<32x200xi32, #tpu.memory_space<vmem>> -> memref<1x200xi32, #tpu.memory_space<vmem>>
    %dma_start3A_2073 = tpu.memref_squeeze %dma_start3A_2072 : memref<1x200xi32, #tpu.memory_space<vmem>> -> memref<200xi32, #tpu.memory_space<vmem>>
    %dma_start3A_2074 = arith.constant 0 : i32
    %dma_start3A_2075 = arith.constant 0 : i32
    %dma_start3A_2076 = tpu.memref_slice %arg4[%dma_start3A_2074, %dma_start3A_2075] : memref<100000x64xf32, #tpu.memory_space<hbm>> -> memref<100000x64xf32, #tpu.memory_space<hbm>>
    %dma_start3A_2077 = tpu.memref_slice %arg11[%dma_start3A_2066] : memref<6x!tpu.dma_semaphore, #tpu.memory_space<semaphore_mem>> -> memref<1x!tpu.dma_semaphore, #tpu.memory_space<semaphore_mem>>
    %dma_start3A_2078 = tpu.memref_squeeze %dma_start3A_2077 : memref<1x!tpu.dma_semaphore, #tpu.memory_space<semaphore_mem>> -> memref<!tpu.dma_semaphore, #tpu.memory_space<semaphore_mem>>
    tpu.enqueue_indirect_dma source(%dma_start3A_2076 : memref<100000x64xf32, #tpu.memory_space<hbm>>) target(%dma_start3A_2070 : memref<200x64xf32, #tpu.memory_space<vmem>>) offsets(%dma_start3A_2073 : memref<200xi32, #tpu.memory_space<vmem>>) semaphore(%dma_start3A_2078 : memref<!tpu.dma_semaphore, #tpu.memory_space<semaphore_mem>>) {add = true}
    %dma_wait3A_2079 = arith.constant 20 : i32
    %dma_wait3A_2080 = arith.constant 2 : i32
    %dma_wait3A_2081 = arith.constant 2 : i32
    %dma_wait3A_2082 = arith.constant 0 : i32
    %dma_wait3A_2083 = arith.constant 0 : i32
    %dma_wait3A_2084 = tpu.memref_slice %arg7[%dma_wait3A_2080, %dma_wait3A_2082, %dma_wait3A_2083] : memref<6x200x64xf32, #tpu.memory_space<vmem>> -> memref<1x200x64xf32, #tpu.memory_space<vmem>>
    %dma_wait3A_2085 = tpu.memref_squeeze %dma_wait3A_2084 : memref<1x200x64xf32, #tpu.memory_space<vmem>> -> memref<200x64xf32, #tpu.memory_space<vmem>>
    %dma_wait3A_2086 = arith.constant 0 : i32
    %dma_wait3A_2087 = tpu.memref_slice %arg6[%dma_wait3A_2079, %dma_wait3A_2086] : memref<32x200xi32, #tpu.memory_space<vmem>> -> memref<1x200xi32, #tpu.memory_space<vmem>>
    %dma_wait3A_2088 = tpu.memref_squeeze %dma_wait3A_2087 : memref<1x200xi32, #tpu.memory_space<vmem>> -> memref<200xi32, #tpu.memory_space<vmem>>
    %dma_wait3A_2089 = arith.constant 0 : i32
    %dma_wait3A_2090 = arith.constant 0 : i32
    %dma_wait3A_2091 = tpu.memref_slice %arg4[%dma_wait3A_2089, %dma_wait3A_2090] : memref<100000x64xf32, #tpu.memory_space<hbm>> -> memref<100000x64xf32, #tpu.memory_space<hbm>>
    %dma_wait3A_2092 = tpu.memref_slice %arg11[%dma_wait3A_2081] : memref<6x!tpu.dma_semaphore, #tpu.memory_space<semaphore_mem>> -> memref<1x!tpu.dma_semaphore, #tpu.memory_space<semaphore_mem>>
    %dma_wait3A_2093 = tpu.memref_squeeze %dma_wait3A_2092 : memref<1x!tpu.dma_semaphore, #tpu.memory_space<semaphore_mem>> -> memref<!tpu.dma_semaphore, #tpu.memory_space<semaphore_mem>>
    tpu.wait_indirect_dma semaphore(%dma_wait3A_2093 : memref<!tpu.dma_semaphore, #tpu.memory_space<semaphore_mem>>) src(%dma_wait3A_2091 : memref<100000x64xf32, #tpu.memory_space<hbm>>) dst(%dma_wait3A_2085 : memref<200x64xf32, #tpu.memory_space<vmem>>)
    %add3A_2094 = arith.constant 20 : i32
    %add3A_2095 = arith.addi %mul3A_2, %add3A_2094 : i32
    %dma_start3A_2096 = arith.constant 2 : i32
    %dma_start3A_2097 = arith.constant 2 : i32
    %dma_start3A_2098 = arith.constant 0 : i32
    %dma_start3A_2099 = arith.constant 0 : i32
    %dma_start3A_2100 = tpu.memref_slice %arg7[%dma_start3A_2096, %dma_start3A_2098, %dma_start3A_2099] : memref<6x200x64xf32, #tpu.memory_space<vmem>> -> memref<1x200x64xf32, #tpu.memory_space<vmem>>
    %dma_start3A_2101 = tpu.memref_squeeze %dma_start3A_2100 : memref<1x200x64xf32, #tpu.memory_space<vmem>> -> memref<200x64xf32, #tpu.memory_space<vmem>>
    %dma_start3A_2102 = arith.constant 0 : i32
    %dma_start3A_2103 = arith.constant 0 : i32
    %dma_start3A_2104 = tpu.memref_slice %arg5[%add3A_2095, %dma_start3A_2102, %dma_start3A_2103] : memref<1024x200x128xf32, #tpu.memory_space<hbm>> -> memref<1x200x64xf32, #tpu.memory_space<hbm>>
    %dma_start3A_2105 = tpu.memref_squeeze %dma_start3A_2104 : memref<1x200x64xf32, #tpu.memory_space<hbm>> -> memref<200x64xf32, #tpu.memory_space<hbm>>
    %dma_start3A_2106 = tpu.memref_slice %arg12[%dma_start3A_2097] : memref<6x!tpu.dma_semaphore, #tpu.memory_space<semaphore_mem>> -> memref<1x!tpu.dma_semaphore, #tpu.memory_space<semaphore_mem>>
    %dma_start3A_2107 = tpu.memref_squeeze %dma_start3A_2106 : memref<1x!tpu.dma_semaphore, #tpu.memory_space<semaphore_mem>> -> memref<!tpu.dma_semaphore, #tpu.memory_space<semaphore_mem>>
    %dma_start3A_2108 = arith.constant 0 : i32
    %dma_start3A_2109 = arith.constant 0 : i32
    %dma_start3A_2110 = tpu.memref_slice %arg5[%add3A_2095, %dma_start3A_2108, %dma_start3A_2109] : memref<1024x200x128xf32, #tpu.memory_space<hbm>> -> memref<1x200x64xf32, #tpu.memory_space<hbm>>
    %dma_start3A_2111 = tpu.memref_squeeze %dma_start3A_2110 : memref<1x200x64xf32, #tpu.memory_space<hbm>> -> memref<200x64xf32, #tpu.memory_space<hbm>>
    %dma_start3A_2112 = arith.constant 0 : i32
    %dma_start3A_2113 = arith.constant 0 : i32
    %dma_start3A_2114 = tpu.memref_slice %arg7[%dma_start3A_2096, %dma_start3A_2112, %dma_start3A_2113] : memref<6x200x64xf32, #tpu.memory_space<vmem>> -> memref<1x200x64xf32, #tpu.memory_space<vmem>>
    %dma_start3A_2115 = tpu.memref_squeeze %dma_start3A_2114 : memref<1x200x64xf32, #tpu.memory_space<vmem>> -> memref<200x64xf32, #tpu.memory_space<vmem>>
    tpu.enqueue_dma source(%dma_start3A_2115 : memref<200x64xf32, #tpu.memory_space<vmem>>) target(%dma_start3A_2111 : memref<200x64xf32, #tpu.memory_space<hbm>>) target_semaphore(%dma_start3A_2107 : memref<!tpu.dma_semaphore, #tpu.memory_space<semaphore_mem>>)
    %dma_wait3A_2116 = arith.constant 1 : i32
    %dma_wait3A_2117 = arith.constant 1 : i32
    %dma_wait3A_2118 = arith.constant 0 : i32
    %dma_wait3A_2119 = arith.constant 0 : i32
    %dma_wait3A_2120 = tpu.memref_slice %arg7[%dma_wait3A_2116, %dma_wait3A_2118, %dma_wait3A_2119] : memref<6x200x64xf32, #tpu.memory_space<vmem>> -> memref<1x200x64xf32, #tpu.memory_space<vmem>>
    %dma_wait3A_2121 = tpu.memref_squeeze %dma_wait3A_2120 : memref<1x200x64xf32, #tpu.memory_space<vmem>> -> memref<200x64xf32, #tpu.memory_space<vmem>>
    %dma_wait3A_2122 = arith.constant 0 : i32
    %dma_wait3A_2123 = arith.constant 0 : i32
    %dma_wait3A_2124 = tpu.memref_slice %arg5[%add3A_1999, %dma_wait3A_2122, %dma_wait3A_2123] : memref<1024x200x128xf32, #tpu.memory_space<hbm>> -> memref<1x200x64xf32, #tpu.memory_space<hbm>>
    %dma_wait3A_2125 = tpu.memref_squeeze %dma_wait3A_2124 : memref<1x200x64xf32, #tpu.memory_space<hbm>> -> memref<200x64xf32, #tpu.memory_space<hbm>>
    %dma_wait3A_2126 = tpu.memref_slice %arg12[%dma_wait3A_2117] : memref<6x!tpu.dma_semaphore, #tpu.memory_space<semaphore_mem>> -> memref<1x!tpu.dma_semaphore, #tpu.memory_space<semaphore_mem>>
    %dma_wait3A_2127 = tpu.memref_squeeze %dma_wait3A_2126 : memref<1x!tpu.dma_semaphore, #tpu.memory_space<semaphore_mem>> -> memref<!tpu.dma_semaphore, #tpu.memory_space<semaphore_mem>>
    %dma_wait3A_2128 = arith.constant 0 : i32
    %dma_wait3A_2129 = arith.constant 0 : i32
    %dma_wait3A_2130 = tpu.memref_slice %arg5[%add3A_1999, %dma_wait3A_2128, %dma_wait3A_2129] : memref<1024x200x128xf32, #tpu.memory_space<hbm>> -> memref<1x200x64xf32, #tpu.memory_space<hbm>>
    %dma_wait3A_2131 = tpu.memref_squeeze %dma_wait3A_2130 : memref<1x200x64xf32, #tpu.memory_space<hbm>> -> memref<200x64xf32, #tpu.memory_space<hbm>>
    %dma_wait3A_2132 = arith.constant 0 : i32
    %dma_wait3A_2133 = arith.constant 0 : i32
    %dma_wait3A_2134 = tpu.memref_slice %arg7[%dma_wait3A_2116, %dma_wait3A_2132, %dma_wait3A_2133] : memref<6x200x64xf32, #tpu.memory_space<vmem>> -> memref<1x200x64xf32, #tpu.memory_space<vmem>>
    %dma_wait3A_2135 = tpu.memref_squeeze %dma_wait3A_2134 : memref<1x200x64xf32, #tpu.memory_space<vmem>> -> memref<200x64xf32, #tpu.memory_space<vmem>>
    tpu.wait_dma2 semaphore(%dma_wait3A_2127 : memref<!tpu.dma_semaphore, #tpu.memory_space<semaphore_mem>>) src(%dma_wait3A_2135 : memref<200x64xf32, #tpu.memory_space<vmem>>) dst(%dma_wait3A_2131 : memref<200x64xf32, #tpu.memory_space<hbm>>)
    %dma_start3A_2136 = arith.constant 1 : i32
    %dma_start3A_2137 = arith.constant 1 : i32
    %dma_start3A_2138 = arith.constant 0 : i32
    %dma_start3A_2139 = arith.constant 0 : i32
    %dma_start3A_2140 = tpu.memref_slice %arg7[%dma_start3A_2136, %dma_start3A_2138, %dma_start3A_2139] : memref<6x200x64xf32, #tpu.memory_space<vmem>> -> memref<1x200x64xf32, #tpu.memory_space<vmem>>
    %dma_start3A_2141 = tpu.memref_squeeze %dma_start3A_2140 : memref<1x200x64xf32, #tpu.memory_space<vmem>> -> memref<200x64xf32, #tpu.memory_space<vmem>>
    %dma_start3A_2142 = tpu.memref_slice %arg10[%dma_start3A_2137] : memref<6x!tpu.dma_semaphore, #tpu.memory_space<semaphore_mem>> -> memref<1x!tpu.dma_semaphore, #tpu.memory_space<semaphore_mem>>
    %dma_start3A_2143 = tpu.memref_squeeze %dma_start3A_2142 : memref<1x!tpu.dma_semaphore, #tpu.memory_space<semaphore_mem>> -> memref<!tpu.dma_semaphore, #tpu.memory_space<semaphore_mem>>
    %dma_start3A_2144 = arith.constant 0 : i32
    %dma_start3A_2145 = arith.constant 0 : i32
    %dma_start3A_2146 = tpu.memref_slice %arg7[%dma_start3A_2136, %dma_start3A_2144, %dma_start3A_2145] : memref<6x200x64xf32, #tpu.memory_space<vmem>> -> memref<1x200x64xf32, #tpu.memory_space<vmem>>
    %dma_start3A_2147 = tpu.memref_squeeze %dma_start3A_2146 : memref<1x200x64xf32, #tpu.memory_space<vmem>> -> memref<200x64xf32, #tpu.memory_space<vmem>>
    tpu.enqueue_dma source(%arg8 : memref<200x64xf32, #tpu.memory_space<vmem_shared>>) target(%dma_start3A_2147 : memref<200x64xf32, #tpu.memory_space<vmem>>) target_semaphore(%dma_start3A_2143 : memref<!tpu.dma_semaphore, #tpu.memory_space<semaphore_mem>>)
    %dma_wait3A_2148 = arith.constant 0 : i32
    %dma_wait3A_2149 = arith.constant 0 : i32
    %dma_wait3A_2150 = arith.constant 0 : i32
    %dma_wait3A_2151 = arith.constant 0 : i32
    %dma_wait3A_2152 = tpu.memref_slice %arg7[%dma_wait3A_2148, %dma_wait3A_2150, %dma_wait3A_2151] : memref<6x200x64xf32, #tpu.memory_space<vmem>> -> memref<1x200x64xf32, #tpu.memory_space<vmem>>
    %dma_wait3A_2153 = tpu.memref_squeeze %dma_wait3A_2152 : memref<1x200x64xf32, #tpu.memory_space<vmem>> -> memref<200x64xf32, #tpu.memory_space<vmem>>
    %dma_wait3A_2154 = tpu.memref_slice %arg10[%dma_wait3A_2149] : memref<6x!tpu.dma_semaphore, #tpu.memory_space<semaphore_mem>> -> memref<1x!tpu.dma_semaphore, #tpu.memory_space<semaphore_mem>>
    %dma_wait3A_2155 = tpu.memref_squeeze %dma_wait3A_2154 : memref<1x!tpu.dma_semaphore, #tpu.memory_space<semaphore_mem>> -> memref<!tpu.dma_semaphore, #tpu.memory_space<semaphore_mem>>
    %dma_wait3A_2156 = arith.constant 0 : i32
    %dma_wait3A_2157 = arith.constant 0 : i32
    %dma_wait3A_2158 = tpu.memref_slice %arg7[%dma_wait3A_2148, %dma_wait3A_2156, %dma_wait3A_2157] : memref<6x200x64xf32, #tpu.memory_space<vmem>> -> memref<1x200x64xf32, #tpu.memory_space<vmem>>
    %dma_wait3A_2159 = tpu.memref_squeeze %dma_wait3A_2158 : memref<1x200x64xf32, #tpu.memory_space<vmem>> -> memref<200x64xf32, #tpu.memory_space<vmem>>
    tpu.wait_dma2 semaphore(%dma_wait3A_2155 : memref<!tpu.dma_semaphore, #tpu.memory_space<semaphore_mem>>) src(%arg8 : memref<200x64xf32, #tpu.memory_space<vmem_shared>>) dst(%dma_wait3A_2159 : memref<200x64xf32, #tpu.memory_space<vmem>>)
    %dma_start3A_2160 = arith.constant 24 : i32
    %dma_start3A_2161 = arith.constant 0 : i32
    %dma_start3A_2162 = arith.constant 0 : i32
    %dma_start3A_2163 = arith.constant 0 : i32
    %dma_start3A_2164 = arith.constant 0 : i32
    %dma_start3A_2165 = tpu.memref_slice %arg7[%dma_start3A_2161, %dma_start3A_2163, %dma_start3A_2164] : memref<6x200x64xf32, #tpu.memory_space<vmem>> -> memref<1x200x64xf32, #tpu.memory_space<vmem>>
    %dma_start3A_2166 = tpu.memref_squeeze %dma_start3A_2165 : memref<1x200x64xf32, #tpu.memory_space<vmem>> -> memref<200x64xf32, #tpu.memory_space<vmem>>
    %dma_start3A_2167 = arith.constant 0 : i32
    %dma_start3A_2168 = tpu.memref_slice %arg6[%dma_start3A_2160, %dma_start3A_2167] : memref<32x200xi32, #tpu.memory_space<vmem>> -> memref<1x200xi32, #tpu.memory_space<vmem>>
    %dma_start3A_2169 = tpu.memref_squeeze %dma_start3A_2168 : memref<1x200xi32, #tpu.memory_space<vmem>> -> memref<200xi32, #tpu.memory_space<vmem>>
    %dma_start3A_2170 = arith.constant 0 : i32
    %dma_start3A_2171 = arith.constant 0 : i32
    %dma_start3A_2172 = tpu.memref_slice %arg4[%dma_start3A_2170, %dma_start3A_2171] : memref<100000x64xf32, #tpu.memory_space<hbm>> -> memref<100000x64xf32, #tpu.memory_space<hbm>>
    %dma_start3A_2173 = tpu.memref_slice %arg11[%dma_start3A_2162] : memref<6x!tpu.dma_semaphore, #tpu.memory_space<semaphore_mem>> -> memref<1x!tpu.dma_semaphore, #tpu.memory_space<semaphore_mem>>
    %dma_start3A_2174 = tpu.memref_squeeze %dma_start3A_2173 : memref<1x!tpu.dma_semaphore, #tpu.memory_space<semaphore_mem>> -> memref<!tpu.dma_semaphore, #tpu.memory_space<semaphore_mem>>
    tpu.enqueue_indirect_dma source(%dma_start3A_2172 : memref<100000x64xf32, #tpu.memory_space<hbm>>) target(%dma_start3A_2166 : memref<200x64xf32, #tpu.memory_space<vmem>>) offsets(%dma_start3A_2169 : memref<200xi32, #tpu.memory_space<vmem>>) semaphore(%dma_start3A_2174 : memref<!tpu.dma_semaphore, #tpu.memory_space<semaphore_mem>>) {add = true}
    %dma_wait3A_2175 = arith.constant 21 : i32
    %dma_wait3A_2176 = arith.constant 3 : i32
    %dma_wait3A_2177 = arith.constant 3 : i32
    %dma_wait3A_2178 = arith.constant 0 : i32
    %dma_wait3A_2179 = arith.constant 0 : i32
    %dma_wait3A_2180 = tpu.memref_slice %arg7[%dma_wait3A_2176, %dma_wait3A_2178, %dma_wait3A_2179] : memref<6x200x64xf32, #tpu.memory_space<vmem>> -> memref<1x200x64xf32, #tpu.memory_space<vmem>>
    %dma_wait3A_2181 = tpu.memref_squeeze %dma_wait3A_2180 : memref<1x200x64xf32, #tpu.memory_space<vmem>> -> memref<200x64xf32, #tpu.memory_space<vmem>>
    %dma_wait3A_2182 = arith.constant 0 : i32
    %dma_wait3A_2183 = tpu.memref_slice %arg6[%dma_wait3A_2175, %dma_wait3A_2182] : memref<32x200xi32, #tpu.memory_space<vmem>> -> memref<1x200xi32, #tpu.memory_space<vmem>>
    %dma_wait3A_2184 = tpu.memref_squeeze %dma_wait3A_2183 : memref<1x200xi32, #tpu.memory_space<vmem>> -> memref<200xi32, #tpu.memory_space<vmem>>
    %dma_wait3A_2185 = arith.constant 0 : i32
    %dma_wait3A_2186 = arith.constant 0 : i32
    %dma_wait3A_2187 = tpu.memref_slice %arg4[%dma_wait3A_2185, %dma_wait3A_2186] : memref<100000x64xf32, #tpu.memory_space<hbm>> -> memref<100000x64xf32, #tpu.memory_space<hbm>>
    %dma_wait3A_2188 = tpu.memref_slice %arg11[%dma_wait3A_2177] : memref<6x!tpu.dma_semaphore, #tpu.memory_space<semaphore_mem>> -> memref<1x!tpu.dma_semaphore, #tpu.memory_space<semaphore_mem>>
    %dma_wait3A_2189 = tpu.memref_squeeze %dma_wait3A_2188 : memref<1x!tpu.dma_semaphore, #tpu.memory_space<semaphore_mem>> -> memref<!tpu.dma_semaphore, #tpu.memory_space<semaphore_mem>>
    tpu.wait_indirect_dma semaphore(%dma_wait3A_2189 : memref<!tpu.dma_semaphore, #tpu.memory_space<semaphore_mem>>) src(%dma_wait3A_2187 : memref<100000x64xf32, #tpu.memory_space<hbm>>) dst(%dma_wait3A_2181 : memref<200x64xf32, #tpu.memory_space<vmem>>)
    %add3A_2190 = arith.constant 21 : i32
    %add3A_2191 = arith.addi %mul3A_2, %add3A_2190 : i32
    %dma_start3A_2192 = arith.constant 3 : i32
    %dma_start3A_2193 = arith.constant 3 : i32
    %dma_start3A_2194 = arith.constant 0 : i32
    %dma_start3A_2195 = arith.constant 0 : i32
    %dma_start3A_2196 = tpu.memref_slice %arg7[%dma_start3A_2192, %dma_start3A_2194, %dma_start3A_2195] : memref<6x200x64xf32, #tpu.memory_space<vmem>> -> memref<1x200x64xf32, #tpu.memory_space<vmem>>
    %dma_start3A_2197 = tpu.memref_squeeze %dma_start3A_2196 : memref<1x200x64xf32, #tpu.memory_space<vmem>> -> memref<200x64xf32, #tpu.memory_space<vmem>>
    %dma_start3A_2198 = arith.constant 0 : i32
    %dma_start3A_2199 = arith.constant 0 : i32
    %dma_start3A_2200 = tpu.memref_slice %arg5[%add3A_2191, %dma_start3A_2198, %dma_start3A_2199] : memref<1024x200x128xf32, #tpu.memory_space<hbm>> -> memref<1x200x64xf32, #tpu.memory_space<hbm>>
    %dma_start3A_2201 = tpu.memref_squeeze %dma_start3A_2200 : memref<1x200x64xf32, #tpu.memory_space<hbm>> -> memref<200x64xf32, #tpu.memory_space<hbm>>
    %dma_start3A_2202 = tpu.memref_slice %arg12[%dma_start3A_2193] : memref<6x!tpu.dma_semaphore, #tpu.memory_space<semaphore_mem>> -> memref<1x!tpu.dma_semaphore, #tpu.memory_space<semaphore_mem>>
    %dma_start3A_2203 = tpu.memref_squeeze %dma_start3A_2202 : memref<1x!tpu.dma_semaphore, #tpu.memory_space<semaphore_mem>> -> memref<!tpu.dma_semaphore, #tpu.memory_space<semaphore_mem>>
    %dma_start3A_2204 = arith.constant 0 : i32
    %dma_start3A_2205 = arith.constant 0 : i32
    %dma_start3A_2206 = tpu.memref_slice %arg5[%add3A_2191, %dma_start3A_2204, %dma_start3A_2205] : memref<1024x200x128xf32, #tpu.memory_space<hbm>> -> memref<1x200x64xf32, #tpu.memory_space<hbm>>
    %dma_start3A_2207 = tpu.memref_squeeze %dma_start3A_2206 : memref<1x200x64xf32, #tpu.memory_space<hbm>> -> memref<200x64xf32, #tpu.memory_space<hbm>>
    %dma_start3A_2208 = arith.constant 0 : i32
    %dma_start3A_2209 = arith.constant 0 : i32
    %dma_start3A_2210 = tpu.memref_slice %arg7[%dma_start3A_2192, %dma_start3A_2208, %dma_start3A_2209] : memref<6x200x64xf32, #tpu.memory_space<vmem>> -> memref<1x200x64xf32, #tpu.memory_space<vmem>>
    %dma_start3A_2211 = tpu.memref_squeeze %dma_start3A_2210 : memref<1x200x64xf32, #tpu.memory_space<vmem>> -> memref<200x64xf32, #tpu.memory_space<vmem>>
    tpu.enqueue_dma source(%dma_start3A_2211 : memref<200x64xf32, #tpu.memory_space<vmem>>) target(%dma_start3A_2207 : memref<200x64xf32, #tpu.memory_space<hbm>>) target_semaphore(%dma_start3A_2203 : memref<!tpu.dma_semaphore, #tpu.memory_space<semaphore_mem>>)
    %dma_wait3A_2212 = arith.constant 2 : i32
    %dma_wait3A_2213 = arith.constant 2 : i32
    %dma_wait3A_2214 = arith.constant 0 : i32
    %dma_wait3A_2215 = arith.constant 0 : i32
    %dma_wait3A_2216 = tpu.memref_slice %arg7[%dma_wait3A_2212, %dma_wait3A_2214, %dma_wait3A_2215] : memref<6x200x64xf32, #tpu.memory_space<vmem>> -> memref<1x200x64xf32, #tpu.memory_space<vmem>>
    %dma_wait3A_2217 = tpu.memref_squeeze %dma_wait3A_2216 : memref<1x200x64xf32, #tpu.memory_space<vmem>> -> memref<200x64xf32, #tpu.memory_space<vmem>>
    %dma_wait3A_2218 = arith.constant 0 : i32
    %dma_wait3A_2219 = arith.constant 0 : i32
    %dma_wait3A_2220 = tpu.memref_slice %arg5[%add3A_2095, %dma_wait3A_2218, %dma_wait3A_2219] : memref<1024x200x128xf32, #tpu.memory_space<hbm>> -> memref<1x200x64xf32, #tpu.memory_space<hbm>>
    %dma_wait3A_2221 = tpu.memref_squeeze %dma_wait3A_2220 : memref<1x200x64xf32, #tpu.memory_space<hbm>> -> memref<200x64xf32, #tpu.memory_space<hbm>>
    %dma_wait3A_2222 = tpu.memref_slice %arg12[%dma_wait3A_2213] : memref<6x!tpu.dma_semaphore, #tpu.memory_space<semaphore_mem>> -> memref<1x!tpu.dma_semaphore, #tpu.memory_space<semaphore_mem>>
    %dma_wait3A_2223 = tpu.memref_squeeze %dma_wait3A_2222 : memref<1x!tpu.dma_semaphore, #tpu.memory_space<semaphore_mem>> -> memref<!tpu.dma_semaphore, #tpu.memory_space<semaphore_mem>>
    %dma_wait3A_2224 = arith.constant 0 : i32
    %dma_wait3A_2225 = arith.constant 0 : i32
    %dma_wait3A_2226 = tpu.memref_slice %arg5[%add3A_2095, %dma_wait3A_2224, %dma_wait3A_2225] : memref<1024x200x128xf32, #tpu.memory_space<hbm>> -> memref<1x200x64xf32, #tpu.memory_space<hbm>>
    %dma_wait3A_2227 = tpu.memref_squeeze %dma_wait3A_2226 : memref<1x200x64xf32, #tpu.memory_space<hbm>> -> memref<200x64xf32, #tpu.memory_space<hbm>>
    %dma_wait3A_2228 = arith.constant 0 : i32
    %dma_wait3A_2229 = arith.constant 0 : i32
    %dma_wait3A_2230 = tpu.memref_slice %arg7[%dma_wait3A_2212, %dma_wait3A_2228, %dma_wait3A_2229] : memref<6x200x64xf32, #tpu.memory_space<vmem>> -> memref<1x200x64xf32, #tpu.memory_space<vmem>>
    %dma_wait3A_2231 = tpu.memref_squeeze %dma_wait3A_2230 : memref<1x200x64xf32, #tpu.memory_space<vmem>> -> memref<200x64xf32, #tpu.memory_space<vmem>>
    tpu.wait_dma2 semaphore(%dma_wait3A_2223 : memref<!tpu.dma_semaphore, #tpu.memory_space<semaphore_mem>>) src(%dma_wait3A_2231 : memref<200x64xf32, #tpu.memory_space<vmem>>) dst(%dma_wait3A_2227 : memref<200x64xf32, #tpu.memory_space<hbm>>)
    %dma_start3A_2232 = arith.constant 2 : i32
    %dma_start3A_2233 = arith.constant 2 : i32
    %dma_start3A_2234 = arith.constant 0 : i32
    %dma_start3A_2235 = arith.constant 0 : i32
    %dma_start3A_2236 = tpu.memref_slice %arg7[%dma_start3A_2232, %dma_start3A_2234, %dma_start3A_2235] : memref<6x200x64xf32, #tpu.memory_space<vmem>> -> memref<1x200x64xf32, #tpu.memory_space<vmem>>
    %dma_start3A_2237 = tpu.memref_squeeze %dma_start3A_2236 : memref<1x200x64xf32, #tpu.memory_space<vmem>> -> memref<200x64xf32, #tpu.memory_space<vmem>>
    %dma_start3A_2238 = tpu.memref_slice %arg10[%dma_start3A_2233] : memref<6x!tpu.dma_semaphore, #tpu.memory_space<semaphore_mem>> -> memref<1x!tpu.dma_semaphore, #tpu.memory_space<semaphore_mem>>
    %dma_start3A_2239 = tpu.memref_squeeze %dma_start3A_2238 : memref<1x!tpu.dma_semaphore, #tpu.memory_space<semaphore_mem>> -> memref<!tpu.dma_semaphore, #tpu.memory_space<semaphore_mem>>
    %dma_start3A_2240 = arith.constant 0 : i32
    %dma_start3A_2241 = arith.constant 0 : i32
    %dma_start3A_2242 = tpu.memref_slice %arg7[%dma_start3A_2232, %dma_start3A_2240, %dma_start3A_2241] : memref<6x200x64xf32, #tpu.memory_space<vmem>> -> memref<1x200x64xf32, #tpu.memory_space<vmem>>
    %dma_start3A_2243 = tpu.memref_squeeze %dma_start3A_2242 : memref<1x200x64xf32, #tpu.memory_space<vmem>> -> memref<200x64xf32, #tpu.memory_space<vmem>>
    tpu.enqueue_dma source(%arg8 : memref<200x64xf32, #tpu.memory_space<vmem_shared>>) target(%dma_start3A_2243 : memref<200x64xf32, #tpu.memory_space<vmem>>) target_semaphore(%dma_start3A_2239 : memref<!tpu.dma_semaphore, #tpu.memory_space<semaphore_mem>>)
    %dma_wait3A_2244 = arith.constant 1 : i32
    %dma_wait3A_2245 = arith.constant 1 : i32
    %dma_wait3A_2246 = arith.constant 0 : i32
    %dma_wait3A_2247 = arith.constant 0 : i32
    %dma_wait3A_2248 = tpu.memref_slice %arg7[%dma_wait3A_2244, %dma_wait3A_2246, %dma_wait3A_2247] : memref<6x200x64xf32, #tpu.memory_space<vmem>> -> memref<1x200x64xf32, #tpu.memory_space<vmem>>
    %dma_wait3A_2249 = tpu.memref_squeeze %dma_wait3A_2248 : memref<1x200x64xf32, #tpu.memory_space<vmem>> -> memref<200x64xf32, #tpu.memory_space<vmem>>
    %dma_wait3A_2250 = tpu.memref_slice %arg10[%dma_wait3A_2245] : memref<6x!tpu.dma_semaphore, #tpu.memory_space<semaphore_mem>> -> memref<1x!tpu.dma_semaphore, #tpu.memory_space<semaphore_mem>>
    %dma_wait3A_2251 = tpu.memref_squeeze %dma_wait3A_2250 : memref<1x!tpu.dma_semaphore, #tpu.memory_space<semaphore_mem>> -> memref<!tpu.dma_semaphore, #tpu.memory_space<semaphore_mem>>
    %dma_wait3A_2252 = arith.constant 0 : i32
    %dma_wait3A_2253 = arith.constant 0 : i32
    %dma_wait3A_2254 = tpu.memref_slice %arg7[%dma_wait3A_2244, %dma_wait3A_2252, %dma_wait3A_2253] : memref<6x200x64xf32, #tpu.memory_space<vmem>> -> memref<1x200x64xf32, #tpu.memory_space<vmem>>
    %dma_wait3A_2255 = tpu.memref_squeeze %dma_wait3A_2254 : memref<1x200x64xf32, #tpu.memory_space<vmem>> -> memref<200x64xf32, #tpu.memory_space<vmem>>
    tpu.wait_dma2 semaphore(%dma_wait3A_2251 : memref<!tpu.dma_semaphore, #tpu.memory_space<semaphore_mem>>) src(%arg8 : memref<200x64xf32, #tpu.memory_space<vmem_shared>>) dst(%dma_wait3A_2255 : memref<200x64xf32, #tpu.memory_space<vmem>>)
    %dma_start3A_2256 = arith.constant 25 : i32
    %dma_start3A_2257 = arith.constant 1 : i32
    %dma_start3A_2258 = arith.constant 1 : i32
    %dma_start3A_2259 = arith.constant 0 : i32
    %dma_start3A_2260 = arith.constant 0 : i32
    %dma_start3A_2261 = tpu.memref_slice %arg7[%dma_start3A_2257, %dma_start3A_2259, %dma_start3A_2260] : memref<6x200x64xf32, #tpu.memory_space<vmem>> -> memref<1x200x64xf32, #tpu.memory_space<vmem>>
    %dma_start3A_2262 = tpu.memref_squeeze %dma_start3A_2261 : memref<1x200x64xf32, #tpu.memory_space<vmem>> -> memref<200x64xf32, #tpu.memory_space<vmem>>
    %dma_start3A_2263 = arith.constant 0 : i32
    %dma_start3A_2264 = tpu.memref_slice %arg6[%dma_start3A_2256, %dma_start3A_2263] : memref<32x200xi32, #tpu.memory_space<vmem>> -> memref<1x200xi32, #tpu.memory_space<vmem>>
    %dma_start3A_2265 = tpu.memref_squeeze %dma_start3A_2264 : memref<1x200xi32, #tpu.memory_space<vmem>> -> memref<200xi32, #tpu.memory_space<vmem>>
    %dma_start3A_2266 = arith.constant 0 : i32
    %dma_start3A_2267 = arith.constant 0 : i32
    %dma_start3A_2268 = tpu.memref_slice %arg4[%dma_start3A_2266, %dma_start3A_2267] : memref<100000x64xf32, #tpu.memory_space<hbm>> -> memref<100000x64xf32, #tpu.memory_space<hbm>>
    %dma_start3A_2269 = tpu.memref_slice %arg11[%dma_start3A_2258] : memref<6x!tpu.dma_semaphore, #tpu.memory_space<semaphore_mem>> -> memref<1x!tpu.dma_semaphore, #tpu.memory_space<semaphore_mem>>
    %dma_start3A_2270 = tpu.memref_squeeze %dma_start3A_2269 : memref<1x!tpu.dma_semaphore, #tpu.memory_space<semaphore_mem>> -> memref<!tpu.dma_semaphore, #tpu.memory_space<semaphore_mem>>
    tpu.enqueue_indirect_dma source(%dma_start3A_2268 : memref<100000x64xf32, #tpu.memory_space<hbm>>) target(%dma_start3A_2262 : memref<200x64xf32, #tpu.memory_space<vmem>>) offsets(%dma_start3A_2265 : memref<200xi32, #tpu.memory_space<vmem>>) semaphore(%dma_start3A_2270 : memref<!tpu.dma_semaphore, #tpu.memory_space<semaphore_mem>>) {add = true}
    %dma_wait3A_2271 = arith.constant 22 : i32
    %dma_wait3A_2272 = arith.constant 4 : i32
    %dma_wait3A_2273 = arith.constant 4 : i32
    %dma_wait3A_2274 = arith.constant 0 : i32
    %dma_wait3A_2275 = arith.constant 0 : i32
    %dma_wait3A_2276 = tpu.memref_slice %arg7[%dma_wait3A_2272, %dma_wait3A_2274, %dma_wait3A_2275] : memref<6x200x64xf32, #tpu.memory_space<vmem>> -> memref<1x200x64xf32, #tpu.memory_space<vmem>>
    %dma_wait3A_2277 = tpu.memref_squeeze %dma_wait3A_2276 : memref<1x200x64xf32, #tpu.memory_space<vmem>> -> memref<200x64xf32, #tpu.memory_space<vmem>>
    %dma_wait3A_2278 = arith.constant 0 : i32
    %dma_wait3A_2279 = tpu.memref_slice %arg6[%dma_wait3A_2271, %dma_wait3A_2278] : memref<32x200xi32, #tpu.memory_space<vmem>> -> memref<1x200xi32, #tpu.memory_space<vmem>>
    %dma_wait3A_2280 = tpu.memref_squeeze %dma_wait3A_2279 : memref<1x200xi32, #tpu.memory_space<vmem>> -> memref<200xi32, #tpu.memory_space<vmem>>
    %dma_wait3A_2281 = arith.constant 0 : i32
    %dma_wait3A_2282 = arith.constant 0 : i32
    %dma_wait3A_2283 = tpu.memref_slice %arg4[%dma_wait3A_2281, %dma_wait3A_2282] : memref<100000x64xf32, #tpu.memory_space<hbm>> -> memref<100000x64xf32, #tpu.memory_space<hbm>>
    %dma_wait3A_2284 = tpu.memref_slice %arg11[%dma_wait3A_2273] : memref<6x!tpu.dma_semaphore, #tpu.memory_space<semaphore_mem>> -> memref<1x!tpu.dma_semaphore, #tpu.memory_space<semaphore_mem>>
    %dma_wait3A_2285 = tpu.memref_squeeze %dma_wait3A_2284 : memref<1x!tpu.dma_semaphore, #tpu.memory_space<semaphore_mem>> -> memref<!tpu.dma_semaphore, #tpu.memory_space<semaphore_mem>>
    tpu.wait_indirect_dma semaphore(%dma_wait3A_2285 : memref<!tpu.dma_semaphore, #tpu.memory_space<semaphore_mem>>) src(%dma_wait3A_2283 : memref<100000x64xf32, #tpu.memory_space<hbm>>) dst(%dma_wait3A_2277 : memref<200x64xf32, #tpu.memory_space<vmem>>)
    %add3A_2286 = arith.constant 22 : i32
    %add3A_2287 = arith.addi %mul3A_2, %add3A_2286 : i32
    %dma_start3A_2288 = arith.constant 4 : i32
    %dma_start3A_2289 = arith.constant 4 : i32
    %dma_start3A_2290 = arith.constant 0 : i32
    %dma_start3A_2291 = arith.constant 0 : i32
    %dma_start3A_2292 = tpu.memref_slice %arg7[%dma_start3A_2288, %dma_start3A_2290, %dma_start3A_2291] : memref<6x200x64xf32, #tpu.memory_space<vmem>> -> memref<1x200x64xf32, #tpu.memory_space<vmem>>
    %dma_start3A_2293 = tpu.memref_squeeze %dma_start3A_2292 : memref<1x200x64xf32, #tpu.memory_space<vmem>> -> memref<200x64xf32, #tpu.memory_space<vmem>>
    %dma_start3A_2294 = arith.constant 0 : i32
    %dma_start3A_2295 = arith.constant 0 : i32
    %dma_start3A_2296 = tpu.memref_slice %arg5[%add3A_2287, %dma_start3A_2294, %dma_start3A_2295] : memref<1024x200x128xf32, #tpu.memory_space<hbm>> -> memref<1x200x64xf32, #tpu.memory_space<hbm>>
    %dma_start3A_2297 = tpu.memref_squeeze %dma_start3A_2296 : memref<1x200x64xf32, #tpu.memory_space<hbm>> -> memref<200x64xf32, #tpu.memory_space<hbm>>
    %dma_start3A_2298 = tpu.memref_slice %arg12[%dma_start3A_2289] : memref<6x!tpu.dma_semaphore, #tpu.memory_space<semaphore_mem>> -> memref<1x!tpu.dma_semaphore, #tpu.memory_space<semaphore_mem>>
    %dma_start3A_2299 = tpu.memref_squeeze %dma_start3A_2298 : memref<1x!tpu.dma_semaphore, #tpu.memory_space<semaphore_mem>> -> memref<!tpu.dma_semaphore, #tpu.memory_space<semaphore_mem>>
    %dma_start3A_2300 = arith.constant 0 : i32
    %dma_start3A_2301 = arith.constant 0 : i32
    %dma_start3A_2302 = tpu.memref_slice %arg5[%add3A_2287, %dma_start3A_2300, %dma_start3A_2301] : memref<1024x200x128xf32, #tpu.memory_space<hbm>> -> memref<1x200x64xf32, #tpu.memory_space<hbm>>
    %dma_start3A_2303 = tpu.memref_squeeze %dma_start3A_2302 : memref<1x200x64xf32, #tpu.memory_space<hbm>> -> memref<200x64xf32, #tpu.memory_space<hbm>>
    %dma_start3A_2304 = arith.constant 0 : i32
    %dma_start3A_2305 = arith.constant 0 : i32
    %dma_start3A_2306 = tpu.memref_slice %arg7[%dma_start3A_2288, %dma_start3A_2304, %dma_start3A_2305] : memref<6x200x64xf32, #tpu.memory_space<vmem>> -> memref<1x200x64xf32, #tpu.memory_space<vmem>>
    %dma_start3A_2307 = tpu.memref_squeeze %dma_start3A_2306 : memref<1x200x64xf32, #tpu.memory_space<vmem>> -> memref<200x64xf32, #tpu.memory_space<vmem>>
    tpu.enqueue_dma source(%dma_start3A_2307 : memref<200x64xf32, #tpu.memory_space<vmem>>) target(%dma_start3A_2303 : memref<200x64xf32, #tpu.memory_space<hbm>>) target_semaphore(%dma_start3A_2299 : memref<!tpu.dma_semaphore, #tpu.memory_space<semaphore_mem>>)
    %dma_wait3A_2308 = arith.constant 3 : i32
    %dma_wait3A_2309 = arith.constant 3 : i32
    %dma_wait3A_2310 = arith.constant 0 : i32
    %dma_wait3A_2311 = arith.constant 0 : i32
    %dma_wait3A_2312 = tpu.memref_slice %arg7[%dma_wait3A_2308, %dma_wait3A_2310, %dma_wait3A_2311] : memref<6x200x64xf32, #tpu.memory_space<vmem>> -> memref<1x200x64xf32, #tpu.memory_space<vmem>>
    %dma_wait3A_2313 = tpu.memref_squeeze %dma_wait3A_2312 : memref<1x200x64xf32, #tpu.memory_space<vmem>> -> memref<200x64xf32, #tpu.memory_space<vmem>>
    %dma_wait3A_2314 = arith.constant 0 : i32
    %dma_wait3A_2315 = arith.constant 0 : i32
    %dma_wait3A_2316 = tpu.memref_slice %arg5[%add3A_2191, %dma_wait3A_2314, %dma_wait3A_2315] : memref<1024x200x128xf32, #tpu.memory_space<hbm>> -> memref<1x200x64xf32, #tpu.memory_space<hbm>>
    %dma_wait3A_2317 = tpu.memref_squeeze %dma_wait3A_2316 : memref<1x200x64xf32, #tpu.memory_space<hbm>> -> memref<200x64xf32, #tpu.memory_space<hbm>>
    %dma_wait3A_2318 = tpu.memref_slice %arg12[%dma_wait3A_2309] : memref<6x!tpu.dma_semaphore, #tpu.memory_space<semaphore_mem>> -> memref<1x!tpu.dma_semaphore, #tpu.memory_space<semaphore_mem>>
    %dma_wait3A_2319 = tpu.memref_squeeze %dma_wait3A_2318 : memref<1x!tpu.dma_semaphore, #tpu.memory_space<semaphore_mem>> -> memref<!tpu.dma_semaphore, #tpu.memory_space<semaphore_mem>>
    %dma_wait3A_2320 = arith.constant 0 : i32
    %dma_wait3A_2321 = arith.constant 0 : i32
    %dma_wait3A_2322 = tpu.memref_slice %arg5[%add3A_2191, %dma_wait3A_2320, %dma_wait3A_2321] : memref<1024x200x128xf32, #tpu.memory_space<hbm>> -> memref<1x200x64xf32, #tpu.memory_space<hbm>>
    %dma_wait3A_2323 = tpu.memref_squeeze %dma_wait3A_2322 : memref<1x200x64xf32, #tpu.memory_space<hbm>> -> memref<200x64xf32, #tpu.memory_space<hbm>>
    %dma_wait3A_2324 = arith.constant 0 : i32
    %dma_wait3A_2325 = arith.constant 0 : i32
    %dma_wait3A_2326 = tpu.memref_slice %arg7[%dma_wait3A_2308, %dma_wait3A_2324, %dma_wait3A_2325] : memref<6x200x64xf32, #tpu.memory_space<vmem>> -> memref<1x200x64xf32, #tpu.memory_space<vmem>>
    %dma_wait3A_2327 = tpu.memref_squeeze %dma_wait3A_2326 : memref<1x200x64xf32, #tpu.memory_space<vmem>> -> memref<200x64xf32, #tpu.memory_space<vmem>>
    tpu.wait_dma2 semaphore(%dma_wait3A_2319 : memref<!tpu.dma_semaphore, #tpu.memory_space<semaphore_mem>>) src(%dma_wait3A_2327 : memref<200x64xf32, #tpu.memory_space<vmem>>) dst(%dma_wait3A_2323 : memref<200x64xf32, #tpu.memory_space<hbm>>)
    %dma_start3A_2328 = arith.constant 3 : i32
    %dma_start3A_2329 = arith.constant 3 : i32
    %dma_start3A_2330 = arith.constant 0 : i32
    %dma_start3A_2331 = arith.constant 0 : i32
    %dma_start3A_2332 = tpu.memref_slice %arg7[%dma_start3A_2328, %dma_start3A_2330, %dma_start3A_2331] : memref<6x200x64xf32, #tpu.memory_space<vmem>> -> memref<1x200x64xf32, #tpu.memory_space<vmem>>
    %dma_start3A_2333 = tpu.memref_squeeze %dma_start3A_2332 : memref<1x200x64xf32, #tpu.memory_space<vmem>> -> memref<200x64xf32, #tpu.memory_space<vmem>>
    %dma_start3A_2334 = tpu.memref_slice %arg10[%dma_start3A_2329] : memref<6x!tpu.dma_semaphore, #tpu.memory_space<semaphore_mem>> -> memref<1x!tpu.dma_semaphore, #tpu.memory_space<semaphore_mem>>
    %dma_start3A_2335 = tpu.memref_squeeze %dma_start3A_2334 : memref<1x!tpu.dma_semaphore, #tpu.memory_space<semaphore_mem>> -> memref<!tpu.dma_semaphore, #tpu.memory_space<semaphore_mem>>
    %dma_start3A_2336 = arith.constant 0 : i32
    %dma_start3A_2337 = arith.constant 0 : i32
    %dma_start3A_2338 = tpu.memref_slice %arg7[%dma_start3A_2328, %dma_start3A_2336, %dma_start3A_2337] : memref<6x200x64xf32, #tpu.memory_space<vmem>> -> memref<1x200x64xf32, #tpu.memory_space<vmem>>
    %dma_start3A_2339 = tpu.memref_squeeze %dma_start3A_2338 : memref<1x200x64xf32, #tpu.memory_space<vmem>> -> memref<200x64xf32, #tpu.memory_space<vmem>>
    tpu.enqueue_dma source(%arg8 : memref<200x64xf32, #tpu.memory_space<vmem_shared>>) target(%dma_start3A_2339 : memref<200x64xf32, #tpu.memory_space<vmem>>) target_semaphore(%dma_start3A_2335 : memref<!tpu.dma_semaphore, #tpu.memory_space<semaphore_mem>>)
    %dma_wait3A_2340 = arith.constant 2 : i32
    %dma_wait3A_2341 = arith.constant 2 : i32
    %dma_wait3A_2342 = arith.constant 0 : i32
    %dma_wait3A_2343 = arith.constant 0 : i32
    %dma_wait3A_2344 = tpu.memref_slice %arg7[%dma_wait3A_2340, %dma_wait3A_2342, %dma_wait3A_2343] : memref<6x200x64xf32, #tpu.memory_space<vmem>> -> memref<1x200x64xf32, #tpu.memory_space<vmem>>
    %dma_wait3A_2345 = tpu.memref_squeeze %dma_wait3A_2344 : memref<1x200x64xf32, #tpu.memory_space<vmem>> -> memref<200x64xf32, #tpu.memory_space<vmem>>
    %dma_wait3A_2346 = tpu.memref_slice %arg10[%dma_wait3A_2341] : memref<6x!tpu.dma_semaphore, #tpu.memory_space<semaphore_mem>> -> memref<1x!tpu.dma_semaphore, #tpu.memory_space<semaphore_mem>>
    %dma_wait3A_2347 = tpu.memref_squeeze %dma_wait3A_2346 : memref<1x!tpu.dma_semaphore, #tpu.memory_space<semaphore_mem>> -> memref<!tpu.dma_semaphore, #tpu.memory_space<semaphore_mem>>
    %dma_wait3A_2348 = arith.constant 0 : i32
    %dma_wait3A_2349 = arith.constant 0 : i32
    %dma_wait3A_2350 = tpu.memref_slice %arg7[%dma_wait3A_2340, %dma_wait3A_2348, %dma_wait3A_2349] : memref<6x200x64xf32, #tpu.memory_space<vmem>> -> memref<1x200x64xf32, #tpu.memory_space<vmem>>
    %dma_wait3A_2351 = tpu.memref_squeeze %dma_wait3A_2350 : memref<1x200x64xf32, #tpu.memory_space<vmem>> -> memref<200x64xf32, #tpu.memory_space<vmem>>
    tpu.wait_dma2 semaphore(%dma_wait3A_2347 : memref<!tpu.dma_semaphore, #tpu.memory_space<semaphore_mem>>) src(%arg8 : memref<200x64xf32, #tpu.memory_space<vmem_shared>>) dst(%dma_wait3A_2351 : memref<200x64xf32, #tpu.memory_space<vmem>>)
    %dma_start3A_2352 = arith.constant 26 : i32
    %dma_start3A_2353 = arith.constant 2 : i32
    %dma_start3A_2354 = arith.constant 2 : i32
    %dma_start3A_2355 = arith.constant 0 : i32
    %dma_start3A_2356 = arith.constant 0 : i32
    %dma_start3A_2357 = tpu.memref_slice %arg7[%dma_start3A_2353, %dma_start3A_2355, %dma_start3A_2356] : memref<6x200x64xf32, #tpu.memory_space<vmem>> -> memref<1x200x64xf32, #tpu.memory_space<vmem>>
    %dma_start3A_2358 = tpu.memref_squeeze %dma_start3A_2357 : memref<1x200x64xf32, #tpu.memory_space<vmem>> -> memref<200x64xf32, #tpu.memory_space<vmem>>
    %dma_start3A_2359 = arith.constant 0 : i32
    %dma_start3A_2360 = tpu.memref_slice %arg6[%dma_start3A_2352, %dma_start3A_2359] : memref<32x200xi32, #tpu.memory_space<vmem>> -> memref<1x200xi32, #tpu.memory_space<vmem>>
    %dma_start3A_2361 = tpu.memref_squeeze %dma_start3A_2360 : memref<1x200xi32, #tpu.memory_space<vmem>> -> memref<200xi32, #tpu.memory_space<vmem>>
    %dma_start3A_2362 = arith.constant 0 : i32
    %dma_start3A_2363 = arith.constant 0 : i32
    %dma_start3A_2364 = tpu.memref_slice %arg4[%dma_start3A_2362, %dma_start3A_2363] : memref<100000x64xf32, #tpu.memory_space<hbm>> -> memref<100000x64xf32, #tpu.memory_space<hbm>>
    %dma_start3A_2365 = tpu.memref_slice %arg11[%dma_start3A_2354] : memref<6x!tpu.dma_semaphore, #tpu.memory_space<semaphore_mem>> -> memref<1x!tpu.dma_semaphore, #tpu.memory_space<semaphore_mem>>
    %dma_start3A_2366 = tpu.memref_squeeze %dma_start3A_2365 : memref<1x!tpu.dma_semaphore, #tpu.memory_space<semaphore_mem>> -> memref<!tpu.dma_semaphore, #tpu.memory_space<semaphore_mem>>
    tpu.enqueue_indirect_dma source(%dma_start3A_2364 : memref<100000x64xf32, #tpu.memory_space<hbm>>) target(%dma_start3A_2358 : memref<200x64xf32, #tpu.memory_space<vmem>>) offsets(%dma_start3A_2361 : memref<200xi32, #tpu.memory_space<vmem>>) semaphore(%dma_start3A_2366 : memref<!tpu.dma_semaphore, #tpu.memory_space<semaphore_mem>>) {add = true}
    %dma_wait3A_2367 = arith.constant 23 : i32
    %dma_wait3A_2368 = arith.constant 5 : i32
    %dma_wait3A_2369 = arith.constant 5 : i32
    %dma_wait3A_2370 = arith.constant 0 : i32
    %dma_wait3A_2371 = arith.constant 0 : i32
    %dma_wait3A_2372 = tpu.memref_slice %arg7[%dma_wait3A_2368, %dma_wait3A_2370, %dma_wait3A_2371] : memref<6x200x64xf32, #tpu.memory_space<vmem>> -> memref<1x200x64xf32, #tpu.memory_space<vmem>>
    %dma_wait3A_2373 = tpu.memref_squeeze %dma_wait3A_2372 : memref<1x200x64xf32, #tpu.memory_space<vmem>> -> memref<200x64xf32, #tpu.memory_space<vmem>>
    %dma_wait3A_2374 = arith.constant 0 : i32
    %dma_wait3A_2375 = tpu.memref_slice %arg6[%dma_wait3A_2367, %dma_wait3A_2374] : memref<32x200xi32, #tpu.memory_space<vmem>> -> memref<1x200xi32, #tpu.memory_space<vmem>>
    %dma_wait3A_2376 = tpu.memref_squeeze %dma_wait3A_2375 : memref<1x200xi32, #tpu.memory_space<vmem>> -> memref<200xi32, #tpu.memory_space<vmem>>
    %dma_wait3A_2377 = arith.constant 0 : i32
    %dma_wait3A_2378 = arith.constant 0 : i32
    %dma_wait3A_2379 = tpu.memref_slice %arg4[%dma_wait3A_2377, %dma_wait3A_2378] : memref<100000x64xf32, #tpu.memory_space<hbm>> -> memref<100000x64xf32, #tpu.memory_space<hbm>>
    %dma_wait3A_2380 = tpu.memref_slice %arg11[%dma_wait3A_2369] : memref<6x!tpu.dma_semaphore, #tpu.memory_space<semaphore_mem>> -> memref<1x!tpu.dma_semaphore, #tpu.memory_space<semaphore_mem>>
    %dma_wait3A_2381 = tpu.memref_squeeze %dma_wait3A_2380 : memref<1x!tpu.dma_semaphore, #tpu.memory_space<semaphore_mem>> -> memref<!tpu.dma_semaphore, #tpu.memory_space<semaphore_mem>>
    tpu.wait_indirect_dma semaphore(%dma_wait3A_2381 : memref<!tpu.dma_semaphore, #tpu.memory_space<semaphore_mem>>) src(%dma_wait3A_2379 : memref<100000x64xf32, #tpu.memory_space<hbm>>) dst(%dma_wait3A_2373 : memref<200x64xf32, #tpu.memory_space<vmem>>)
    %add3A_2382 = arith.constant 23 : i32
    %add3A_2383 = arith.addi %mul3A_2, %add3A_2382 : i32
    %dma_start3A_2384 = arith.constant 5 : i32
    %dma_start3A_2385 = arith.constant 5 : i32
    %dma_start3A_2386 = arith.constant 0 : i32
    %dma_start3A_2387 = arith.constant 0 : i32
    %dma_start3A_2388 = tpu.memref_slice %arg7[%dma_start3A_2384, %dma_start3A_2386, %dma_start3A_2387] : memref<6x200x64xf32, #tpu.memory_space<vmem>> -> memref<1x200x64xf32, #tpu.memory_space<vmem>>
    %dma_start3A_2389 = tpu.memref_squeeze %dma_start3A_2388 : memref<1x200x64xf32, #tpu.memory_space<vmem>> -> memref<200x64xf32, #tpu.memory_space<vmem>>
    %dma_start3A_2390 = arith.constant 0 : i32
    %dma_start3A_2391 = arith.constant 0 : i32
    %dma_start3A_2392 = tpu.memref_slice %arg5[%add3A_2383, %dma_start3A_2390, %dma_start3A_2391] : memref<1024x200x128xf32, #tpu.memory_space<hbm>> -> memref<1x200x64xf32, #tpu.memory_space<hbm>>
    %dma_start3A_2393 = tpu.memref_squeeze %dma_start3A_2392 : memref<1x200x64xf32, #tpu.memory_space<hbm>> -> memref<200x64xf32, #tpu.memory_space<hbm>>
    %dma_start3A_2394 = tpu.memref_slice %arg12[%dma_start3A_2385] : memref<6x!tpu.dma_semaphore, #tpu.memory_space<semaphore_mem>> -> memref<1x!tpu.dma_semaphore, #tpu.memory_space<semaphore_mem>>
    %dma_start3A_2395 = tpu.memref_squeeze %dma_start3A_2394 : memref<1x!tpu.dma_semaphore, #tpu.memory_space<semaphore_mem>> -> memref<!tpu.dma_semaphore, #tpu.memory_space<semaphore_mem>>
    %dma_start3A_2396 = arith.constant 0 : i32
    %dma_start3A_2397 = arith.constant 0 : i32
    %dma_start3A_2398 = tpu.memref_slice %arg5[%add3A_2383, %dma_start3A_2396, %dma_start3A_2397] : memref<1024x200x128xf32, #tpu.memory_space<hbm>> -> memref<1x200x64xf32, #tpu.memory_space<hbm>>
    %dma_start3A_2399 = tpu.memref_squeeze %dma_start3A_2398 : memref<1x200x64xf32, #tpu.memory_space<hbm>> -> memref<200x64xf32, #tpu.memory_space<hbm>>
    %dma_start3A_2400 = arith.constant 0 : i32
    %dma_start3A_2401 = arith.constant 0 : i32
    %dma_start3A_2402 = tpu.memref_slice %arg7[%dma_start3A_2384, %dma_start3A_2400, %dma_start3A_2401] : memref<6x200x64xf32, #tpu.memory_space<vmem>> -> memref<1x200x64xf32, #tpu.memory_space<vmem>>
    %dma_start3A_2403 = tpu.memref_squeeze %dma_start3A_2402 : memref<1x200x64xf32, #tpu.memory_space<vmem>> -> memref<200x64xf32, #tpu.memory_space<vmem>>
    tpu.enqueue_dma source(%dma_start3A_2403 : memref<200x64xf32, #tpu.memory_space<vmem>>) target(%dma_start3A_2399 : memref<200x64xf32, #tpu.memory_space<hbm>>) target_semaphore(%dma_start3A_2395 : memref<!tpu.dma_semaphore, #tpu.memory_space<semaphore_mem>>)
    %dma_wait3A_2404 = arith.constant 4 : i32
    %dma_wait3A_2405 = arith.constant 4 : i32
    %dma_wait3A_2406 = arith.constant 0 : i32
    %dma_wait3A_2407 = arith.constant 0 : i32
    %dma_wait3A_2408 = tpu.memref_slice %arg7[%dma_wait3A_2404, %dma_wait3A_2406, %dma_wait3A_2407] : memref<6x200x64xf32, #tpu.memory_space<vmem>> -> memref<1x200x64xf32, #tpu.memory_space<vmem>>
    %dma_wait3A_2409 = tpu.memref_squeeze %dma_wait3A_2408 : memref<1x200x64xf32, #tpu.memory_space<vmem>> -> memref<200x64xf32, #tpu.memory_space<vmem>>
    %dma_wait3A_2410 = arith.constant 0 : i32
    %dma_wait3A_2411 = arith.constant 0 : i32
    %dma_wait3A_2412 = tpu.memref_slice %arg5[%add3A_2287, %dma_wait3A_2410, %dma_wait3A_2411] : memref<1024x200x128xf32, #tpu.memory_space<hbm>> -> memref<1x200x64xf32, #tpu.memory_space<hbm>>
    %dma_wait3A_2413 = tpu.memref_squeeze %dma_wait3A_2412 : memref<1x200x64xf32, #tpu.memory_space<hbm>> -> memref<200x64xf32, #tpu.memory_space<hbm>>
    %dma_wait3A_2414 = tpu.memref_slice %arg12[%dma_wait3A_2405] : memref<6x!tpu.dma_semaphore, #tpu.memory_space<semaphore_mem>> -> memref<1x!tpu.dma_semaphore, #tpu.memory_space<semaphore_mem>>
    %dma_wait3A_2415 = tpu.memref_squeeze %dma_wait3A_2414 : memref<1x!tpu.dma_semaphore, #tpu.memory_space<semaphore_mem>> -> memref<!tpu.dma_semaphore, #tpu.memory_space<semaphore_mem>>
    %dma_wait3A_2416 = arith.constant 0 : i32
    %dma_wait3A_2417 = arith.constant 0 : i32
    %dma_wait3A_2418 = tpu.memref_slice %arg5[%add3A_2287, %dma_wait3A_2416, %dma_wait3A_2417] : memref<1024x200x128xf32, #tpu.memory_space<hbm>> -> memref<1x200x64xf32, #tpu.memory_space<hbm>>
    %dma_wait3A_2419 = tpu.memref_squeeze %dma_wait3A_2418 : memref<1x200x64xf32, #tpu.memory_space<hbm>> -> memref<200x64xf32, #tpu.memory_space<hbm>>
    %dma_wait3A_2420 = arith.constant 0 : i32
    %dma_wait3A_2421 = arith.constant 0 : i32
    %dma_wait3A_2422 = tpu.memref_slice %arg7[%dma_wait3A_2404, %dma_wait3A_2420, %dma_wait3A_2421] : memref<6x200x64xf32, #tpu.memory_space<vmem>> -> memref<1x200x64xf32, #tpu.memory_space<vmem>>
    %dma_wait3A_2423 = tpu.memref_squeeze %dma_wait3A_2422 : memref<1x200x64xf32, #tpu.memory_space<vmem>> -> memref<200x64xf32, #tpu.memory_space<vmem>>
    tpu.wait_dma2 semaphore(%dma_wait3A_2415 : memref<!tpu.dma_semaphore, #tpu.memory_space<semaphore_mem>>) src(%dma_wait3A_2423 : memref<200x64xf32, #tpu.memory_space<vmem>>) dst(%dma_wait3A_2419 : memref<200x64xf32, #tpu.memory_space<hbm>>)
    %dma_start3A_2424 = arith.constant 4 : i32
    %dma_start3A_2425 = arith.constant 4 : i32
    %dma_start3A_2426 = arith.constant 0 : i32
    %dma_start3A_2427 = arith.constant 0 : i32
    %dma_start3A_2428 = tpu.memref_slice %arg7[%dma_start3A_2424, %dma_start3A_2426, %dma_start3A_2427] : memref<6x200x64xf32, #tpu.memory_space<vmem>> -> memref<1x200x64xf32, #tpu.memory_space<vmem>>
    %dma_start3A_2429 = tpu.memref_squeeze %dma_start3A_2428 : memref<1x200x64xf32, #tpu.memory_space<vmem>> -> memref<200x64xf32, #tpu.memory_space<vmem>>
    %dma_start3A_2430 = tpu.memref_slice %arg10[%dma_start3A_2425] : memref<6x!tpu.dma_semaphore, #tpu.memory_space<semaphore_mem>> -> memref<1x!tpu.dma_semaphore, #tpu.memory_space<semaphore_mem>>
    %dma_start3A_2431 = tpu.memref_squeeze %dma_start3A_2430 : memref<1x!tpu.dma_semaphore, #tpu.memory_space<semaphore_mem>> -> memref<!tpu.dma_semaphore, #tpu.memory_space<semaphore_mem>>
    %dma_start3A_2432 = arith.constant 0 : i32
    %dma_start3A_2433 = arith.constant 0 : i32
    %dma_start3A_2434 = tpu.memref_slice %arg7[%dma_start3A_2424, %dma_start3A_2432, %dma_start3A_2433] : memref<6x200x64xf32, #tpu.memory_space<vmem>> -> memref<1x200x64xf32, #tpu.memory_space<vmem>>
    %dma_start3A_2435 = tpu.memref_squeeze %dma_start3A_2434 : memref<1x200x64xf32, #tpu.memory_space<vmem>> -> memref<200x64xf32, #tpu.memory_space<vmem>>
    tpu.enqueue_dma source(%arg8 : memref<200x64xf32, #tpu.memory_space<vmem_shared>>) target(%dma_start3A_2435 : memref<200x64xf32, #tpu.memory_space<vmem>>) target_semaphore(%dma_start3A_2431 : memref<!tpu.dma_semaphore, #tpu.memory_space<semaphore_mem>>)
    %dma_wait3A_2436 = arith.constant 3 : i32
    %dma_wait3A_2437 = arith.constant 3 : i32
    %dma_wait3A_2438 = arith.constant 0 : i32
    %dma_wait3A_2439 = arith.constant 0 : i32
    %dma_wait3A_2440 = tpu.memref_slice %arg7[%dma_wait3A_2436, %dma_wait3A_2438, %dma_wait3A_2439] : memref<6x200x64xf32, #tpu.memory_space<vmem>> -> memref<1x200x64xf32, #tpu.memory_space<vmem>>
    %dma_wait3A_2441 = tpu.memref_squeeze %dma_wait3A_2440 : memref<1x200x64xf32, #tpu.memory_space<vmem>> -> memref<200x64xf32, #tpu.memory_space<vmem>>
    %dma_wait3A_2442 = tpu.memref_slice %arg10[%dma_wait3A_2437] : memref<6x!tpu.dma_semaphore, #tpu.memory_space<semaphore_mem>> -> memref<1x!tpu.dma_semaphore, #tpu.memory_space<semaphore_mem>>
    %dma_wait3A_2443 = tpu.memref_squeeze %dma_wait3A_2442 : memref<1x!tpu.dma_semaphore, #tpu.memory_space<semaphore_mem>> -> memref<!tpu.dma_semaphore, #tpu.memory_space<semaphore_mem>>
    %dma_wait3A_2444 = arith.constant 0 : i32
    %dma_wait3A_2445 = arith.constant 0 : i32
    %dma_wait3A_2446 = tpu.memref_slice %arg7[%dma_wait3A_2436, %dma_wait3A_2444, %dma_wait3A_2445] : memref<6x200x64xf32, #tpu.memory_space<vmem>> -> memref<1x200x64xf32, #tpu.memory_space<vmem>>
    %dma_wait3A_2447 = tpu.memref_squeeze %dma_wait3A_2446 : memref<1x200x64xf32, #tpu.memory_space<vmem>> -> memref<200x64xf32, #tpu.memory_space<vmem>>
    tpu.wait_dma2 semaphore(%dma_wait3A_2443 : memref<!tpu.dma_semaphore, #tpu.memory_space<semaphore_mem>>) src(%arg8 : memref<200x64xf32, #tpu.memory_space<vmem_shared>>) dst(%dma_wait3A_2447 : memref<200x64xf32, #tpu.memory_space<vmem>>)
    %dma_start3A_2448 = arith.constant 27 : i32
    %dma_start3A_2449 = arith.constant 3 : i32
    %dma_start3A_2450 = arith.constant 3 : i32
    %dma_start3A_2451 = arith.constant 0 : i32
    %dma_start3A_2452 = arith.constant 0 : i32
    %dma_start3A_2453 = tpu.memref_slice %arg7[%dma_start3A_2449, %dma_start3A_2451, %dma_start3A_2452] : memref<6x200x64xf32, #tpu.memory_space<vmem>> -> memref<1x200x64xf32, #tpu.memory_space<vmem>>
    %dma_start3A_2454 = tpu.memref_squeeze %dma_start3A_2453 : memref<1x200x64xf32, #tpu.memory_space<vmem>> -> memref<200x64xf32, #tpu.memory_space<vmem>>
    %dma_start3A_2455 = arith.constant 0 : i32
    %dma_start3A_2456 = tpu.memref_slice %arg6[%dma_start3A_2448, %dma_start3A_2455] : memref<32x200xi32, #tpu.memory_space<vmem>> -> memref<1x200xi32, #tpu.memory_space<vmem>>
    %dma_start3A_2457 = tpu.memref_squeeze %dma_start3A_2456 : memref<1x200xi32, #tpu.memory_space<vmem>> -> memref<200xi32, #tpu.memory_space<vmem>>
    %dma_start3A_2458 = arith.constant 0 : i32
    %dma_start3A_2459 = arith.constant 0 : i32
    %dma_start3A_2460 = tpu.memref_slice %arg4[%dma_start3A_2458, %dma_start3A_2459] : memref<100000x64xf32, #tpu.memory_space<hbm>> -> memref<100000x64xf32, #tpu.memory_space<hbm>>
    %dma_start3A_2461 = tpu.memref_slice %arg11[%dma_start3A_2450] : memref<6x!tpu.dma_semaphore, #tpu.memory_space<semaphore_mem>> -> memref<1x!tpu.dma_semaphore, #tpu.memory_space<semaphore_mem>>
    %dma_start3A_2462 = tpu.memref_squeeze %dma_start3A_2461 : memref<1x!tpu.dma_semaphore, #tpu.memory_space<semaphore_mem>> -> memref<!tpu.dma_semaphore, #tpu.memory_space<semaphore_mem>>
    tpu.enqueue_indirect_dma source(%dma_start3A_2460 : memref<100000x64xf32, #tpu.memory_space<hbm>>) target(%dma_start3A_2454 : memref<200x64xf32, #tpu.memory_space<vmem>>) offsets(%dma_start3A_2457 : memref<200xi32, #tpu.memory_space<vmem>>) semaphore(%dma_start3A_2462 : memref<!tpu.dma_semaphore, #tpu.memory_space<semaphore_mem>>) {add = true}
    %dma_wait3A_2463 = arith.constant 24 : i32
    %dma_wait3A_2464 = arith.constant 0 : i32
    %dma_wait3A_2465 = arith.constant 0 : i32
    %dma_wait3A_2466 = arith.constant 0 : i32
    %dma_wait3A_2467 = arith.constant 0 : i32
    %dma_wait3A_2468 = tpu.memref_slice %arg7[%dma_wait3A_2464, %dma_wait3A_2466, %dma_wait3A_2467] : memref<6x200x64xf32, #tpu.memory_space<vmem>> -> memref<1x200x64xf32, #tpu.memory_space<vmem>>
    %dma_wait3A_2469 = tpu.memref_squeeze %dma_wait3A_2468 : memref<1x200x64xf32, #tpu.memory_space<vmem>> -> memref<200x64xf32, #tpu.memory_space<vmem>>
    %dma_wait3A_2470 = arith.constant 0 : i32
    %dma_wait3A_2471 = tpu.memref_slice %arg6[%dma_wait3A_2463, %dma_wait3A_2470] : memref<32x200xi32, #tpu.memory_space<vmem>> -> memref<1x200xi32, #tpu.memory_space<vmem>>
    %dma_wait3A_2472 = tpu.memref_squeeze %dma_wait3A_2471 : memref<1x200xi32, #tpu.memory_space<vmem>> -> memref<200xi32, #tpu.memory_space<vmem>>
    %dma_wait3A_2473 = arith.constant 0 : i32
    %dma_wait3A_2474 = arith.constant 0 : i32
    %dma_wait3A_2475 = tpu.memref_slice %arg4[%dma_wait3A_2473, %dma_wait3A_2474] : memref<100000x64xf32, #tpu.memory_space<hbm>> -> memref<100000x64xf32, #tpu.memory_space<hbm>>
    %dma_wait3A_2476 = tpu.memref_slice %arg11[%dma_wait3A_2465] : memref<6x!tpu.dma_semaphore, #tpu.memory_space<semaphore_mem>> -> memref<1x!tpu.dma_semaphore, #tpu.memory_space<semaphore_mem>>
    %dma_wait3A_2477 = tpu.memref_squeeze %dma_wait3A_2476 : memref<1x!tpu.dma_semaphore, #tpu.memory_space<semaphore_mem>> -> memref<!tpu.dma_semaphore, #tpu.memory_space<semaphore_mem>>
    tpu.wait_indirect_dma semaphore(%dma_wait3A_2477 : memref<!tpu.dma_semaphore, #tpu.memory_space<semaphore_mem>>) src(%dma_wait3A_2475 : memref<100000x64xf32, #tpu.memory_space<hbm>>) dst(%dma_wait3A_2469 : memref<200x64xf32, #tpu.memory_space<vmem>>)
    %add3A_2478 = arith.constant 24 : i32
    %add3A_2479 = arith.addi %mul3A_2, %add3A_2478 : i32
    %dma_start3A_2480 = arith.constant 0 : i32
    %dma_start3A_2481 = arith.constant 0 : i32
    %dma_start3A_2482 = arith.constant 0 : i32
    %dma_start3A_2483 = arith.constant 0 : i32
    %dma_start3A_2484 = tpu.memref_slice %arg7[%dma_start3A_2480, %dma_start3A_2482, %dma_start3A_2483] : memref<6x200x64xf32, #tpu.memory_space<vmem>> -> memref<1x200x64xf32, #tpu.memory_space<vmem>>
    %dma_start3A_2485 = tpu.memref_squeeze %dma_start3A_2484 : memref<1x200x64xf32, #tpu.memory_space<vmem>> -> memref<200x64xf32, #tpu.memory_space<vmem>>
    %dma_start3A_2486 = arith.constant 0 : i32
    %dma_start3A_2487 = arith.constant 0 : i32
    %dma_start3A_2488 = tpu.memref_slice %arg5[%add3A_2479, %dma_start3A_2486, %dma_start3A_2487] : memref<1024x200x128xf32, #tpu.memory_space<hbm>> -> memref<1x200x64xf32, #tpu.memory_space<hbm>>
    %dma_start3A_2489 = tpu.memref_squeeze %dma_start3A_2488 : memref<1x200x64xf32, #tpu.memory_space<hbm>> -> memref<200x64xf32, #tpu.memory_space<hbm>>
    %dma_start3A_2490 = tpu.memref_slice %arg12[%dma_start3A_2481] : memref<6x!tpu.dma_semaphore, #tpu.memory_space<semaphore_mem>> -> memref<1x!tpu.dma_semaphore, #tpu.memory_space<semaphore_mem>>
    %dma_start3A_2491 = tpu.memref_squeeze %dma_start3A_2490 : memref<1x!tpu.dma_semaphore, #tpu.memory_space<semaphore_mem>> -> memref<!tpu.dma_semaphore, #tpu.memory_space<semaphore_mem>>
    %dma_start3A_2492 = arith.constant 0 : i32
    %dma_start3A_2493 = arith.constant 0 : i32
    %dma_start3A_2494 = tpu.memref_slice %arg5[%add3A_2479, %dma_start3A_2492, %dma_start3A_2493] : memref<1024x200x128xf32, #tpu.memory_space<hbm>> -> memref<1x200x64xf32, #tpu.memory_space<hbm>>
    %dma_start3A_2495 = tpu.memref_squeeze %dma_start3A_2494 : memref<1x200x64xf32, #tpu.memory_space<hbm>> -> memref<200x64xf32, #tpu.memory_space<hbm>>
    %dma_start3A_2496 = arith.constant 0 : i32
    %dma_start3A_2497 = arith.constant 0 : i32
    %dma_start3A_2498 = tpu.memref_slice %arg7[%dma_start3A_2480, %dma_start3A_2496, %dma_start3A_2497] : memref<6x200x64xf32, #tpu.memory_space<vmem>> -> memref<1x200x64xf32, #tpu.memory_space<vmem>>
    %dma_start3A_2499 = tpu.memref_squeeze %dma_start3A_2498 : memref<1x200x64xf32, #tpu.memory_space<vmem>> -> memref<200x64xf32, #tpu.memory_space<vmem>>
    tpu.enqueue_dma source(%dma_start3A_2499 : memref<200x64xf32, #tpu.memory_space<vmem>>) target(%dma_start3A_2495 : memref<200x64xf32, #tpu.memory_space<hbm>>) target_semaphore(%dma_start3A_2491 : memref<!tpu.dma_semaphore, #tpu.memory_space<semaphore_mem>>)
    %dma_wait3A_2500 = arith.constant 5 : i32
    %dma_wait3A_2501 = arith.constant 5 : i32
    %dma_wait3A_2502 = arith.constant 0 : i32
    %dma_wait3A_2503 = arith.constant 0 : i32
    %dma_wait3A_2504 = tpu.memref_slice %arg7[%dma_wait3A_2500, %dma_wait3A_2502, %dma_wait3A_2503] : memref<6x200x64xf32, #tpu.memory_space<vmem>> -> memref<1x200x64xf32, #tpu.memory_space<vmem>>
    %dma_wait3A_2505 = tpu.memref_squeeze %dma_wait3A_2504 : memref<1x200x64xf32, #tpu.memory_space<vmem>> -> memref<200x64xf32, #tpu.memory_space<vmem>>
    %dma_wait3A_2506 = arith.constant 0 : i32
    %dma_wait3A_2507 = arith.constant 0 : i32
    %dma_wait3A_2508 = tpu.memref_slice %arg5[%add3A_2383, %dma_wait3A_2506, %dma_wait3A_2507] : memref<1024x200x128xf32, #tpu.memory_space<hbm>> -> memref<1x200x64xf32, #tpu.memory_space<hbm>>
    %dma_wait3A_2509 = tpu.memref_squeeze %dma_wait3A_2508 : memref<1x200x64xf32, #tpu.memory_space<hbm>> -> memref<200x64xf32, #tpu.memory_space<hbm>>
    %dma_wait3A_2510 = tpu.memref_slice %arg12[%dma_wait3A_2501] : memref<6x!tpu.dma_semaphore, #tpu.memory_space<semaphore_mem>> -> memref<1x!tpu.dma_semaphore, #tpu.memory_space<semaphore_mem>>
    %dma_wait3A_2511 = tpu.memref_squeeze %dma_wait3A_2510 : memref<1x!tpu.dma_semaphore, #tpu.memory_space<semaphore_mem>> -> memref<!tpu.dma_semaphore, #tpu.memory_space<semaphore_mem>>
    %dma_wait3A_2512 = arith.constant 0 : i32
    %dma_wait3A_2513 = arith.constant 0 : i32
    %dma_wait3A_2514 = tpu.memref_slice %arg5[%add3A_2383, %dma_wait3A_2512, %dma_wait3A_2513] : memref<1024x200x128xf32, #tpu.memory_space<hbm>> -> memref<1x200x64xf32, #tpu.memory_space<hbm>>
    %dma_wait3A_2515 = tpu.memref_squeeze %dma_wait3A_2514 : memref<1x200x64xf32, #tpu.memory_space<hbm>> -> memref<200x64xf32, #tpu.memory_space<hbm>>
    %dma_wait3A_2516 = arith.constant 0 : i32
    %dma_wait3A_2517 = arith.constant 0 : i32
    %dma_wait3A_2518 = tpu.memref_slice %arg7[%dma_wait3A_2500, %dma_wait3A_2516, %dma_wait3A_2517] : memref<6x200x64xf32, #tpu.memory_space<vmem>> -> memref<1x200x64xf32, #tpu.memory_space<vmem>>
    %dma_wait3A_2519 = tpu.memref_squeeze %dma_wait3A_2518 : memref<1x200x64xf32, #tpu.memory_space<vmem>> -> memref<200x64xf32, #tpu.memory_space<vmem>>
    tpu.wait_dma2 semaphore(%dma_wait3A_2511 : memref<!tpu.dma_semaphore, #tpu.memory_space<semaphore_mem>>) src(%dma_wait3A_2519 : memref<200x64xf32, #tpu.memory_space<vmem>>) dst(%dma_wait3A_2515 : memref<200x64xf32, #tpu.memory_space<hbm>>)
    %dma_start3A_2520 = arith.constant 5 : i32
    %dma_start3A_2521 = arith.constant 5 : i32
    %dma_start3A_2522 = arith.constant 0 : i32
    %dma_start3A_2523 = arith.constant 0 : i32
    %dma_start3A_2524 = tpu.memref_slice %arg7[%dma_start3A_2520, %dma_start3A_2522, %dma_start3A_2523] : memref<6x200x64xf32, #tpu.memory_space<vmem>> -> memref<1x200x64xf32, #tpu.memory_space<vmem>>
    %dma_start3A_2525 = tpu.memref_squeeze %dma_start3A_2524 : memref<1x200x64xf32, #tpu.memory_space<vmem>> -> memref<200x64xf32, #tpu.memory_space<vmem>>
    %dma_start3A_2526 = tpu.memref_slice %arg10[%dma_start3A_2521] : memref<6x!tpu.dma_semaphore, #tpu.memory_space<semaphore_mem>> -> memref<1x!tpu.dma_semaphore, #tpu.memory_space<semaphore_mem>>
    %dma_start3A_2527 = tpu.memref_squeeze %dma_start3A_2526 : memref<1x!tpu.dma_semaphore, #tpu.memory_space<semaphore_mem>> -> memref<!tpu.dma_semaphore, #tpu.memory_space<semaphore_mem>>
    %dma_start3A_2528 = arith.constant 0 : i32
    %dma_start3A_2529 = arith.constant 0 : i32
    %dma_start3A_2530 = tpu.memref_slice %arg7[%dma_start3A_2520, %dma_start3A_2528, %dma_start3A_2529] : memref<6x200x64xf32, #tpu.memory_space<vmem>> -> memref<1x200x64xf32, #tpu.memory_space<vmem>>
    %dma_start3A_2531 = tpu.memref_squeeze %dma_start3A_2530 : memref<1x200x64xf32, #tpu.memory_space<vmem>> -> memref<200x64xf32, #tpu.memory_space<vmem>>
    tpu.enqueue_dma source(%arg8 : memref<200x64xf32, #tpu.memory_space<vmem_shared>>) target(%dma_start3A_2531 : memref<200x64xf32, #tpu.memory_space<vmem>>) target_semaphore(%dma_start3A_2527 : memref<!tpu.dma_semaphore, #tpu.memory_space<semaphore_mem>>)
    %dma_wait3A_2532 = arith.constant 4 : i32
    %dma_wait3A_2533 = arith.constant 4 : i32
    %dma_wait3A_2534 = arith.constant 0 : i32
    %dma_wait3A_2535 = arith.constant 0 : i32
    %dma_wait3A_2536 = tpu.memref_slice %arg7[%dma_wait3A_2532, %dma_wait3A_2534, %dma_wait3A_2535] : memref<6x200x64xf32, #tpu.memory_space<vmem>> -> memref<1x200x64xf32, #tpu.memory_space<vmem>>
    %dma_wait3A_2537 = tpu.memref_squeeze %dma_wait3A_2536 : memref<1x200x64xf32, #tpu.memory_space<vmem>> -> memref<200x64xf32, #tpu.memory_space<vmem>>
    %dma_wait3A_2538 = tpu.memref_slice %arg10[%dma_wait3A_2533] : memref<6x!tpu.dma_semaphore, #tpu.memory_space<semaphore_mem>> -> memref<1x!tpu.dma_semaphore, #tpu.memory_space<semaphore_mem>>
    %dma_wait3A_2539 = tpu.memref_squeeze %dma_wait3A_2538 : memref<1x!tpu.dma_semaphore, #tpu.memory_space<semaphore_mem>> -> memref<!tpu.dma_semaphore, #tpu.memory_space<semaphore_mem>>
    %dma_wait3A_2540 = arith.constant 0 : i32
    %dma_wait3A_2541 = arith.constant 0 : i32
    %dma_wait3A_2542 = tpu.memref_slice %arg7[%dma_wait3A_2532, %dma_wait3A_2540, %dma_wait3A_2541] : memref<6x200x64xf32, #tpu.memory_space<vmem>> -> memref<1x200x64xf32, #tpu.memory_space<vmem>>
    %dma_wait3A_2543 = tpu.memref_squeeze %dma_wait3A_2542 : memref<1x200x64xf32, #tpu.memory_space<vmem>> -> memref<200x64xf32, #tpu.memory_space<vmem>>
    tpu.wait_dma2 semaphore(%dma_wait3A_2539 : memref<!tpu.dma_semaphore, #tpu.memory_space<semaphore_mem>>) src(%arg8 : memref<200x64xf32, #tpu.memory_space<vmem_shared>>) dst(%dma_wait3A_2543 : memref<200x64xf32, #tpu.memory_space<vmem>>)
    %dma_start3A_2544 = arith.constant 28 : i32
    %dma_start3A_2545 = arith.constant 4 : i32
    %dma_start3A_2546 = arith.constant 4 : i32
    %dma_start3A_2547 = arith.constant 0 : i32
    %dma_start3A_2548 = arith.constant 0 : i32
    %dma_start3A_2549 = tpu.memref_slice %arg7[%dma_start3A_2545, %dma_start3A_2547, %dma_start3A_2548] : memref<6x200x64xf32, #tpu.memory_space<vmem>> -> memref<1x200x64xf32, #tpu.memory_space<vmem>>
    %dma_start3A_2550 = tpu.memref_squeeze %dma_start3A_2549 : memref<1x200x64xf32, #tpu.memory_space<vmem>> -> memref<200x64xf32, #tpu.memory_space<vmem>>
    %dma_start3A_2551 = arith.constant 0 : i32
    %dma_start3A_2552 = tpu.memref_slice %arg6[%dma_start3A_2544, %dma_start3A_2551] : memref<32x200xi32, #tpu.memory_space<vmem>> -> memref<1x200xi32, #tpu.memory_space<vmem>>
    %dma_start3A_2553 = tpu.memref_squeeze %dma_start3A_2552 : memref<1x200xi32, #tpu.memory_space<vmem>> -> memref<200xi32, #tpu.memory_space<vmem>>
    %dma_start3A_2554 = arith.constant 0 : i32
    %dma_start3A_2555 = arith.constant 0 : i32
    %dma_start3A_2556 = tpu.memref_slice %arg4[%dma_start3A_2554, %dma_start3A_2555] : memref<100000x64xf32, #tpu.memory_space<hbm>> -> memref<100000x64xf32, #tpu.memory_space<hbm>>
    %dma_start3A_2557 = tpu.memref_slice %arg11[%dma_start3A_2546] : memref<6x!tpu.dma_semaphore, #tpu.memory_space<semaphore_mem>> -> memref<1x!tpu.dma_semaphore, #tpu.memory_space<semaphore_mem>>
    %dma_start3A_2558 = tpu.memref_squeeze %dma_start3A_2557 : memref<1x!tpu.dma_semaphore, #tpu.memory_space<semaphore_mem>> -> memref<!tpu.dma_semaphore, #tpu.memory_space<semaphore_mem>>
    tpu.enqueue_indirect_dma source(%dma_start3A_2556 : memref<100000x64xf32, #tpu.memory_space<hbm>>) target(%dma_start3A_2550 : memref<200x64xf32, #tpu.memory_space<vmem>>) offsets(%dma_start3A_2553 : memref<200xi32, #tpu.memory_space<vmem>>) semaphore(%dma_start3A_2558 : memref<!tpu.dma_semaphore, #tpu.memory_space<semaphore_mem>>) {add = true}
    %dma_wait3A_2559 = arith.constant 25 : i32
    %dma_wait3A_2560 = arith.constant 1 : i32
    %dma_wait3A_2561 = arith.constant 1 : i32
    %dma_wait3A_2562 = arith.constant 0 : i32
    %dma_wait3A_2563 = arith.constant 0 : i32
    %dma_wait3A_2564 = tpu.memref_slice %arg7[%dma_wait3A_2560, %dma_wait3A_2562, %dma_wait3A_2563] : memref<6x200x64xf32, #tpu.memory_space<vmem>> -> memref<1x200x64xf32, #tpu.memory_space<vmem>>
    %dma_wait3A_2565 = tpu.memref_squeeze %dma_wait3A_2564 : memref<1x200x64xf32, #tpu.memory_space<vmem>> -> memref<200x64xf32, #tpu.memory_space<vmem>>
    %dma_wait3A_2566 = arith.constant 0 : i32
    %dma_wait3A_2567 = tpu.memref_slice %arg6[%dma_wait3A_2559, %dma_wait3A_2566] : memref<32x200xi32, #tpu.memory_space<vmem>> -> memref<1x200xi32, #tpu.memory_space<vmem>>
    %dma_wait3A_2568 = tpu.memref_squeeze %dma_wait3A_2567 : memref<1x200xi32, #tpu.memory_space<vmem>> -> memref<200xi32, #tpu.memory_space<vmem>>
    %dma_wait3A_2569 = arith.constant 0 : i32
    %dma_wait3A_2570 = arith.constant 0 : i32
    %dma_wait3A_2571 = tpu.memref_slice %arg4[%dma_wait3A_2569, %dma_wait3A_2570] : memref<100000x64xf32, #tpu.memory_space<hbm>> -> memref<100000x64xf32, #tpu.memory_space<hbm>>
    %dma_wait3A_2572 = tpu.memref_slice %arg11[%dma_wait3A_2561] : memref<6x!tpu.dma_semaphore, #tpu.memory_space<semaphore_mem>> -> memref<1x!tpu.dma_semaphore, #tpu.memory_space<semaphore_mem>>
    %dma_wait3A_2573 = tpu.memref_squeeze %dma_wait3A_2572 : memref<1x!tpu.dma_semaphore, #tpu.memory_space<semaphore_mem>> -> memref<!tpu.dma_semaphore, #tpu.memory_space<semaphore_mem>>
    tpu.wait_indirect_dma semaphore(%dma_wait3A_2573 : memref<!tpu.dma_semaphore, #tpu.memory_space<semaphore_mem>>) src(%dma_wait3A_2571 : memref<100000x64xf32, #tpu.memory_space<hbm>>) dst(%dma_wait3A_2565 : memref<200x64xf32, #tpu.memory_space<vmem>>)
    %add3A_2574 = arith.constant 25 : i32
    %add3A_2575 = arith.addi %mul3A_2, %add3A_2574 : i32
    %dma_start3A_2576 = arith.constant 1 : i32
    %dma_start3A_2577 = arith.constant 1 : i32
    %dma_start3A_2578 = arith.constant 0 : i32
    %dma_start3A_2579 = arith.constant 0 : i32
    %dma_start3A_2580 = tpu.memref_slice %arg7[%dma_start3A_2576, %dma_start3A_2578, %dma_start3A_2579] : memref<6x200x64xf32, #tpu.memory_space<vmem>> -> memref<1x200x64xf32, #tpu.memory_space<vmem>>
    %dma_start3A_2581 = tpu.memref_squeeze %dma_start3A_2580 : memref<1x200x64xf32, #tpu.memory_space<vmem>> -> memref<200x64xf32, #tpu.memory_space<vmem>>
    %dma_start3A_2582 = arith.constant 0 : i32
    %dma_start3A_2583 = arith.constant 0 : i32
    %dma_start3A_2584 = tpu.memref_slice %arg5[%add3A_2575, %dma_start3A_2582, %dma_start3A_2583] : memref<1024x200x128xf32, #tpu.memory_space<hbm>> -> memref<1x200x64xf32, #tpu.memory_space<hbm>>
    %dma_start3A_2585 = tpu.memref_squeeze %dma_start3A_2584 : memref<1x200x64xf32, #tpu.memory_space<hbm>> -> memref<200x64xf32, #tpu.memory_space<hbm>>
    %dma_start3A_2586 = tpu.memref_slice %arg12[%dma_start3A_2577] : memref<6x!tpu.dma_semaphore, #tpu.memory_space<semaphore_mem>> -> memref<1x!tpu.dma_semaphore, #tpu.memory_space<semaphore_mem>>
    %dma_start3A_2587 = tpu.memref_squeeze %dma_start3A_2586 : memref<1x!tpu.dma_semaphore, #tpu.memory_space<semaphore_mem>> -> memref<!tpu.dma_semaphore, #tpu.memory_space<semaphore_mem>>
    %dma_start3A_2588 = arith.constant 0 : i32
    %dma_start3A_2589 = arith.constant 0 : i32
    %dma_start3A_2590 = tpu.memref_slice %arg5[%add3A_2575, %dma_start3A_2588, %dma_start3A_2589] : memref<1024x200x128xf32, #tpu.memory_space<hbm>> -> memref<1x200x64xf32, #tpu.memory_space<hbm>>
    %dma_start3A_2591 = tpu.memref_squeeze %dma_start3A_2590 : memref<1x200x64xf32, #tpu.memory_space<hbm>> -> memref<200x64xf32, #tpu.memory_space<hbm>>
    %dma_start3A_2592 = arith.constant 0 : i32
    %dma_start3A_2593 = arith.constant 0 : i32
    %dma_start3A_2594 = tpu.memref_slice %arg7[%dma_start3A_2576, %dma_start3A_2592, %dma_start3A_2593] : memref<6x200x64xf32, #tpu.memory_space<vmem>> -> memref<1x200x64xf32, #tpu.memory_space<vmem>>
    %dma_start3A_2595 = tpu.memref_squeeze %dma_start3A_2594 : memref<1x200x64xf32, #tpu.memory_space<vmem>> -> memref<200x64xf32, #tpu.memory_space<vmem>>
    tpu.enqueue_dma source(%dma_start3A_2595 : memref<200x64xf32, #tpu.memory_space<vmem>>) target(%dma_start3A_2591 : memref<200x64xf32, #tpu.memory_space<hbm>>) target_semaphore(%dma_start3A_2587 : memref<!tpu.dma_semaphore, #tpu.memory_space<semaphore_mem>>)
    %dma_wait3A_2596 = arith.constant 0 : i32
    %dma_wait3A_2597 = arith.constant 0 : i32
    %dma_wait3A_2598 = arith.constant 0 : i32
    %dma_wait3A_2599 = arith.constant 0 : i32
    %dma_wait3A_2600 = tpu.memref_slice %arg7[%dma_wait3A_2596, %dma_wait3A_2598, %dma_wait3A_2599] : memref<6x200x64xf32, #tpu.memory_space<vmem>> -> memref<1x200x64xf32, #tpu.memory_space<vmem>>
    %dma_wait3A_2601 = tpu.memref_squeeze %dma_wait3A_2600 : memref<1x200x64xf32, #tpu.memory_space<vmem>> -> memref<200x64xf32, #tpu.memory_space<vmem>>
    %dma_wait3A_2602 = arith.constant 0 : i32
    %dma_wait3A_2603 = arith.constant 0 : i32
    %dma_wait3A_2604 = tpu.memref_slice %arg5[%add3A_2479, %dma_wait3A_2602, %dma_wait3A_2603] : memref<1024x200x128xf32, #tpu.memory_space<hbm>> -> memref<1x200x64xf32, #tpu.memory_space<hbm>>
    %dma_wait3A_2605 = tpu.memref_squeeze %dma_wait3A_2604 : memref<1x200x64xf32, #tpu.memory_space<hbm>> -> memref<200x64xf32, #tpu.memory_space<hbm>>
    %dma_wait3A_2606 = tpu.memref_slice %arg12[%dma_wait3A_2597] : memref<6x!tpu.dma_semaphore, #tpu.memory_space<semaphore_mem>> -> memref<1x!tpu.dma_semaphore, #tpu.memory_space<semaphore_mem>>
    %dma_wait3A_2607 = tpu.memref_squeeze %dma_wait3A_2606 : memref<1x!tpu.dma_semaphore, #tpu.memory_space<semaphore_mem>> -> memref<!tpu.dma_semaphore, #tpu.memory_space<semaphore_mem>>
    %dma_wait3A_2608 = arith.constant 0 : i32
    %dma_wait3A_2609 = arith.constant 0 : i32
    %dma_wait3A_2610 = tpu.memref_slice %arg5[%add3A_2479, %dma_wait3A_2608, %dma_wait3A_2609] : memref<1024x200x128xf32, #tpu.memory_space<hbm>> -> memref<1x200x64xf32, #tpu.memory_space<hbm>>
    %dma_wait3A_2611 = tpu.memref_squeeze %dma_wait3A_2610 : memref<1x200x64xf32, #tpu.memory_space<hbm>> -> memref<200x64xf32, #tpu.memory_space<hbm>>
    %dma_wait3A_2612 = arith.constant 0 : i32
    %dma_wait3A_2613 = arith.constant 0 : i32
    %dma_wait3A_2614 = tpu.memref_slice %arg7[%dma_wait3A_2596, %dma_wait3A_2612, %dma_wait3A_2613] : memref<6x200x64xf32, #tpu.memory_space<vmem>> -> memref<1x200x64xf32, #tpu.memory_space<vmem>>
    %dma_wait3A_2615 = tpu.memref_squeeze %dma_wait3A_2614 : memref<1x200x64xf32, #tpu.memory_space<vmem>> -> memref<200x64xf32, #tpu.memory_space<vmem>>
    tpu.wait_dma2 semaphore(%dma_wait3A_2607 : memref<!tpu.dma_semaphore, #tpu.memory_space<semaphore_mem>>) src(%dma_wait3A_2615 : memref<200x64xf32, #tpu.memory_space<vmem>>) dst(%dma_wait3A_2611 : memref<200x64xf32, #tpu.memory_space<hbm>>)
    %dma_start3A_2616 = arith.constant 0 : i32
    %dma_start3A_2617 = arith.constant 0 : i32
    %dma_start3A_2618 = arith.constant 0 : i32
    %dma_start3A_2619 = arith.constant 0 : i32
    %dma_start3A_2620 = tpu.memref_slice %arg7[%dma_start3A_2616, %dma_start3A_2618, %dma_start3A_2619] : memref<6x200x64xf32, #tpu.memory_space<vmem>> -> memref<1x200x64xf32, #tpu.memory_space<vmem>>
    %dma_start3A_2621 = tpu.memref_squeeze %dma_start3A_2620 : memref<1x200x64xf32, #tpu.memory_space<vmem>> -> memref<200x64xf32, #tpu.memory_space<vmem>>
    %dma_start3A_2622 = tpu.memref_slice %arg10[%dma_start3A_2617] : memref<6x!tpu.dma_semaphore, #tpu.memory_space<semaphore_mem>> -> memref<1x!tpu.dma_semaphore, #tpu.memory_space<semaphore_mem>>
    %dma_start3A_2623 = tpu.memref_squeeze %dma_start3A_2622 : memref<1x!tpu.dma_semaphore, #tpu.memory_space<semaphore_mem>> -> memref<!tpu.dma_semaphore, #tpu.memory_space<semaphore_mem>>
    %dma_start3A_2624 = arith.constant 0 : i32
    %dma_start3A_2625 = arith.constant 0 : i32
    %dma_start3A_2626 = tpu.memref_slice %arg7[%dma_start3A_2616, %dma_start3A_2624, %dma_start3A_2625] : memref<6x200x64xf32, #tpu.memory_space<vmem>> -> memref<1x200x64xf32, #tpu.memory_space<vmem>>
    %dma_start3A_2627 = tpu.memref_squeeze %dma_start3A_2626 : memref<1x200x64xf32, #tpu.memory_space<vmem>> -> memref<200x64xf32, #tpu.memory_space<vmem>>
    tpu.enqueue_dma source(%arg8 : memref<200x64xf32, #tpu.memory_space<vmem_shared>>) target(%dma_start3A_2627 : memref<200x64xf32, #tpu.memory_space<vmem>>) target_semaphore(%dma_start3A_2623 : memref<!tpu.dma_semaphore, #tpu.memory_space<semaphore_mem>>)
    %dma_wait3A_2628 = arith.constant 5 : i32
    %dma_wait3A_2629 = arith.constant 5 : i32
    %dma_wait3A_2630 = arith.constant 0 : i32
    %dma_wait3A_2631 = arith.constant 0 : i32
    %dma_wait3A_2632 = tpu.memref_slice %arg7[%dma_wait3A_2628, %dma_wait3A_2630, %dma_wait3A_2631] : memref<6x200x64xf32, #tpu.memory_space<vmem>> -> memref<1x200x64xf32, #tpu.memory_space<vmem>>
    %dma_wait3A_2633 = tpu.memref_squeeze %dma_wait3A_2632 : memref<1x200x64xf32, #tpu.memory_space<vmem>> -> memref<200x64xf32, #tpu.memory_space<vmem>>
    %dma_wait3A_2634 = tpu.memref_slice %arg10[%dma_wait3A_2629] : memref<6x!tpu.dma_semaphore, #tpu.memory_space<semaphore_mem>> -> memref<1x!tpu.dma_semaphore, #tpu.memory_space<semaphore_mem>>
    %dma_wait3A_2635 = tpu.memref_squeeze %dma_wait3A_2634 : memref<1x!tpu.dma_semaphore, #tpu.memory_space<semaphore_mem>> -> memref<!tpu.dma_semaphore, #tpu.memory_space<semaphore_mem>>
    %dma_wait3A_2636 = arith.constant 0 : i32
    %dma_wait3A_2637 = arith.constant 0 : i32
    %dma_wait3A_2638 = tpu.memref_slice %arg7[%dma_wait3A_2628, %dma_wait3A_2636, %dma_wait3A_2637] : memref<6x200x64xf32, #tpu.memory_space<vmem>> -> memref<1x200x64xf32, #tpu.memory_space<vmem>>
    %dma_wait3A_2639 = tpu.memref_squeeze %dma_wait3A_2638 : memref<1x200x64xf32, #tpu.memory_space<vmem>> -> memref<200x64xf32, #tpu.memory_space<vmem>>
    tpu.wait_dma2 semaphore(%dma_wait3A_2635 : memref<!tpu.dma_semaphore, #tpu.memory_space<semaphore_mem>>) src(%arg8 : memref<200x64xf32, #tpu.memory_space<vmem_shared>>) dst(%dma_wait3A_2639 : memref<200x64xf32, #tpu.memory_space<vmem>>)
    %dma_start3A_2640 = arith.constant 29 : i32
    %dma_start3A_2641 = arith.constant 5 : i32
    %dma_start3A_2642 = arith.constant 5 : i32
    %dma_start3A_2643 = arith.constant 0 : i32
    %dma_start3A_2644 = arith.constant 0 : i32
    %dma_start3A_2645 = tpu.memref_slice %arg7[%dma_start3A_2641, %dma_start3A_2643, %dma_start3A_2644] : memref<6x200x64xf32, #tpu.memory_space<vmem>> -> memref<1x200x64xf32, #tpu.memory_space<vmem>>
    %dma_start3A_2646 = tpu.memref_squeeze %dma_start3A_2645 : memref<1x200x64xf32, #tpu.memory_space<vmem>> -> memref<200x64xf32, #tpu.memory_space<vmem>>
    %dma_start3A_2647 = arith.constant 0 : i32
    %dma_start3A_2648 = tpu.memref_slice %arg6[%dma_start3A_2640, %dma_start3A_2647] : memref<32x200xi32, #tpu.memory_space<vmem>> -> memref<1x200xi32, #tpu.memory_space<vmem>>
    %dma_start3A_2649 = tpu.memref_squeeze %dma_start3A_2648 : memref<1x200xi32, #tpu.memory_space<vmem>> -> memref<200xi32, #tpu.memory_space<vmem>>
    %dma_start3A_2650 = arith.constant 0 : i32
    %dma_start3A_2651 = arith.constant 0 : i32
    %dma_start3A_2652 = tpu.memref_slice %arg4[%dma_start3A_2650, %dma_start3A_2651] : memref<100000x64xf32, #tpu.memory_space<hbm>> -> memref<100000x64xf32, #tpu.memory_space<hbm>>
    %dma_start3A_2653 = tpu.memref_slice %arg11[%dma_start3A_2642] : memref<6x!tpu.dma_semaphore, #tpu.memory_space<semaphore_mem>> -> memref<1x!tpu.dma_semaphore, #tpu.memory_space<semaphore_mem>>
    %dma_start3A_2654 = tpu.memref_squeeze %dma_start3A_2653 : memref<1x!tpu.dma_semaphore, #tpu.memory_space<semaphore_mem>> -> memref<!tpu.dma_semaphore, #tpu.memory_space<semaphore_mem>>
    tpu.enqueue_indirect_dma source(%dma_start3A_2652 : memref<100000x64xf32, #tpu.memory_space<hbm>>) target(%dma_start3A_2646 : memref<200x64xf32, #tpu.memory_space<vmem>>) offsets(%dma_start3A_2649 : memref<200xi32, #tpu.memory_space<vmem>>) semaphore(%dma_start3A_2654 : memref<!tpu.dma_semaphore, #tpu.memory_space<semaphore_mem>>) {add = true}
    %dma_wait3A_2655 = arith.constant 26 : i32
    %dma_wait3A_2656 = arith.constant 2 : i32
    %dma_wait3A_2657 = arith.constant 2 : i32
    %dma_wait3A_2658 = arith.constant 0 : i32
    %dma_wait3A_2659 = arith.constant 0 : i32
    %dma_wait3A_2660 = tpu.memref_slice %arg7[%dma_wait3A_2656, %dma_wait3A_2658, %dma_wait3A_2659] : memref<6x200x64xf32, #tpu.memory_space<vmem>> -> memref<1x200x64xf32, #tpu.memory_space<vmem>>
    %dma_wait3A_2661 = tpu.memref_squeeze %dma_wait3A_2660 : memref<1x200x64xf32, #tpu.memory_space<vmem>> -> memref<200x64xf32, #tpu.memory_space<vmem>>
    %dma_wait3A_2662 = arith.constant 0 : i32
    %dma_wait3A_2663 = tpu.memref_slice %arg6[%dma_wait3A_2655, %dma_wait3A_2662] : memref<32x200xi32, #tpu.memory_space<vmem>> -> memref<1x200xi32, #tpu.memory_space<vmem>>
    %dma_wait3A_2664 = tpu.memref_squeeze %dma_wait3A_2663 : memref<1x200xi32, #tpu.memory_space<vmem>> -> memref<200xi32, #tpu.memory_space<vmem>>
    %dma_wait3A_2665 = arith.constant 0 : i32
    %dma_wait3A_2666 = arith.constant 0 : i32
    %dma_wait3A_2667 = tpu.memref_slice %arg4[%dma_wait3A_2665, %dma_wait3A_2666] : memref<100000x64xf32, #tpu.memory_space<hbm>> -> memref<100000x64xf32, #tpu.memory_space<hbm>>
    %dma_wait3A_2668 = tpu.memref_slice %arg11[%dma_wait3A_2657] : memref<6x!tpu.dma_semaphore, #tpu.memory_space<semaphore_mem>> -> memref<1x!tpu.dma_semaphore, #tpu.memory_space<semaphore_mem>>
    %dma_wait3A_2669 = tpu.memref_squeeze %dma_wait3A_2668 : memref<1x!tpu.dma_semaphore, #tpu.memory_space<semaphore_mem>> -> memref<!tpu.dma_semaphore, #tpu.memory_space<semaphore_mem>>
    tpu.wait_indirect_dma semaphore(%dma_wait3A_2669 : memref<!tpu.dma_semaphore, #tpu.memory_space<semaphore_mem>>) src(%dma_wait3A_2667 : memref<100000x64xf32, #tpu.memory_space<hbm>>) dst(%dma_wait3A_2661 : memref<200x64xf32, #tpu.memory_space<vmem>>)
    %add3A_2670 = arith.constant 26 : i32
    %add3A_2671 = arith.addi %mul3A_2, %add3A_2670 : i32
    %dma_start3A_2672 = arith.constant 2 : i32
    %dma_start3A_2673 = arith.constant 2 : i32
    %dma_start3A_2674 = arith.constant 0 : i32
    %dma_start3A_2675 = arith.constant 0 : i32
    %dma_start3A_2676 = tpu.memref_slice %arg7[%dma_start3A_2672, %dma_start3A_2674, %dma_start3A_2675] : memref<6x200x64xf32, #tpu.memory_space<vmem>> -> memref<1x200x64xf32, #tpu.memory_space<vmem>>
    %dma_start3A_2677 = tpu.memref_squeeze %dma_start3A_2676 : memref<1x200x64xf32, #tpu.memory_space<vmem>> -> memref<200x64xf32, #tpu.memory_space<vmem>>
    %dma_start3A_2678 = arith.constant 0 : i32
    %dma_start3A_2679 = arith.constant 0 : i32
    %dma_start3A_2680 = tpu.memref_slice %arg5[%add3A_2671, %dma_start3A_2678, %dma_start3A_2679] : memref<1024x200x128xf32, #tpu.memory_space<hbm>> -> memref<1x200x64xf32, #tpu.memory_space<hbm>>
    %dma_start3A_2681 = tpu.memref_squeeze %dma_start3A_2680 : memref<1x200x64xf32, #tpu.memory_space<hbm>> -> memref<200x64xf32, #tpu.memory_space<hbm>>
    %dma_start3A_2682 = tpu.memref_slice %arg12[%dma_start3A_2673] : memref<6x!tpu.dma_semaphore, #tpu.memory_space<semaphore_mem>> -> memref<1x!tpu.dma_semaphore, #tpu.memory_space<semaphore_mem>>
    %dma_start3A_2683 = tpu.memref_squeeze %dma_start3A_2682 : memref<1x!tpu.dma_semaphore, #tpu.memory_space<semaphore_mem>> -> memref<!tpu.dma_semaphore, #tpu.memory_space<semaphore_mem>>
    %dma_start3A_2684 = arith.constant 0 : i32
    %dma_start3A_2685 = arith.constant 0 : i32
    %dma_start3A_2686 = tpu.memref_slice %arg5[%add3A_2671, %dma_start3A_2684, %dma_start3A_2685] : memref<1024x200x128xf32, #tpu.memory_space<hbm>> -> memref<1x200x64xf32, #tpu.memory_space<hbm>>
    %dma_start3A_2687 = tpu.memref_squeeze %dma_start3A_2686 : memref<1x200x64xf32, #tpu.memory_space<hbm>> -> memref<200x64xf32, #tpu.memory_space<hbm>>
    %dma_start3A_2688 = arith.constant 0 : i32
    %dma_start3A_2689 = arith.constant 0 : i32
    %dma_start3A_2690 = tpu.memref_slice %arg7[%dma_start3A_2672, %dma_start3A_2688, %dma_start3A_2689] : memref<6x200x64xf32, #tpu.memory_space<vmem>> -> memref<1x200x64xf32, #tpu.memory_space<vmem>>
    %dma_start3A_2691 = tpu.memref_squeeze %dma_start3A_2690 : memref<1x200x64xf32, #tpu.memory_space<vmem>> -> memref<200x64xf32, #tpu.memory_space<vmem>>
    tpu.enqueue_dma source(%dma_start3A_2691 : memref<200x64xf32, #tpu.memory_space<vmem>>) target(%dma_start3A_2687 : memref<200x64xf32, #tpu.memory_space<hbm>>) target_semaphore(%dma_start3A_2683 : memref<!tpu.dma_semaphore, #tpu.memory_space<semaphore_mem>>)
    %dma_wait3A_2692 = arith.constant 1 : i32
    %dma_wait3A_2693 = arith.constant 1 : i32
    %dma_wait3A_2694 = arith.constant 0 : i32
    %dma_wait3A_2695 = arith.constant 0 : i32
    %dma_wait3A_2696 = tpu.memref_slice %arg7[%dma_wait3A_2692, %dma_wait3A_2694, %dma_wait3A_2695] : memref<6x200x64xf32, #tpu.memory_space<vmem>> -> memref<1x200x64xf32, #tpu.memory_space<vmem>>
    %dma_wait3A_2697 = tpu.memref_squeeze %dma_wait3A_2696 : memref<1x200x64xf32, #tpu.memory_space<vmem>> -> memref<200x64xf32, #tpu.memory_space<vmem>>
    %dma_wait3A_2698 = arith.constant 0 : i32
    %dma_wait3A_2699 = arith.constant 0 : i32
    %dma_wait3A_2700 = tpu.memref_slice %arg5[%add3A_2575, %dma_wait3A_2698, %dma_wait3A_2699] : memref<1024x200x128xf32, #tpu.memory_space<hbm>> -> memref<1x200x64xf32, #tpu.memory_space<hbm>>
    %dma_wait3A_2701 = tpu.memref_squeeze %dma_wait3A_2700 : memref<1x200x64xf32, #tpu.memory_space<hbm>> -> memref<200x64xf32, #tpu.memory_space<hbm>>
    %dma_wait3A_2702 = tpu.memref_slice %arg12[%dma_wait3A_2693] : memref<6x!tpu.dma_semaphore, #tpu.memory_space<semaphore_mem>> -> memref<1x!tpu.dma_semaphore, #tpu.memory_space<semaphore_mem>>
    %dma_wait3A_2703 = tpu.memref_squeeze %dma_wait3A_2702 : memref<1x!tpu.dma_semaphore, #tpu.memory_space<semaphore_mem>> -> memref<!tpu.dma_semaphore, #tpu.memory_space<semaphore_mem>>
    %dma_wait3A_2704 = arith.constant 0 : i32
    %dma_wait3A_2705 = arith.constant 0 : i32
    %dma_wait3A_2706 = tpu.memref_slice %arg5[%add3A_2575, %dma_wait3A_2704, %dma_wait3A_2705] : memref<1024x200x128xf32, #tpu.memory_space<hbm>> -> memref<1x200x64xf32, #tpu.memory_space<hbm>>
    %dma_wait3A_2707 = tpu.memref_squeeze %dma_wait3A_2706 : memref<1x200x64xf32, #tpu.memory_space<hbm>> -> memref<200x64xf32, #tpu.memory_space<hbm>>
    %dma_wait3A_2708 = arith.constant 0 : i32
    %dma_wait3A_2709 = arith.constant 0 : i32
    %dma_wait3A_2710 = tpu.memref_slice %arg7[%dma_wait3A_2692, %dma_wait3A_2708, %dma_wait3A_2709] : memref<6x200x64xf32, #tpu.memory_space<vmem>> -> memref<1x200x64xf32, #tpu.memory_space<vmem>>
    %dma_wait3A_2711 = tpu.memref_squeeze %dma_wait3A_2710 : memref<1x200x64xf32, #tpu.memory_space<vmem>> -> memref<200x64xf32, #tpu.memory_space<vmem>>
    tpu.wait_dma2 semaphore(%dma_wait3A_2703 : memref<!tpu.dma_semaphore, #tpu.memory_space<semaphore_mem>>) src(%dma_wait3A_2711 : memref<200x64xf32, #tpu.memory_space<vmem>>) dst(%dma_wait3A_2707 : memref<200x64xf32, #tpu.memory_space<hbm>>)
    %dma_start3A_2712 = arith.constant 1 : i32
    %dma_start3A_2713 = arith.constant 1 : i32
    %dma_start3A_2714 = arith.constant 0 : i32
    %dma_start3A_2715 = arith.constant 0 : i32
    %dma_start3A_2716 = tpu.memref_slice %arg7[%dma_start3A_2712, %dma_start3A_2714, %dma_start3A_2715] : memref<6x200x64xf32, #tpu.memory_space<vmem>> -> memref<1x200x64xf32, #tpu.memory_space<vmem>>
    %dma_start3A_2717 = tpu.memref_squeeze %dma_start3A_2716 : memref<1x200x64xf32, #tpu.memory_space<vmem>> -> memref<200x64xf32, #tpu.memory_space<vmem>>
    %dma_start3A_2718 = tpu.memref_slice %arg10[%dma_start3A_2713] : memref<6x!tpu.dma_semaphore, #tpu.memory_space<semaphore_mem>> -> memref<1x!tpu.dma_semaphore, #tpu.memory_space<semaphore_mem>>
    %dma_start3A_2719 = tpu.memref_squeeze %dma_start3A_2718 : memref<1x!tpu.dma_semaphore, #tpu.memory_space<semaphore_mem>> -> memref<!tpu.dma_semaphore, #tpu.memory_space<semaphore_mem>>
    %dma_start3A_2720 = arith.constant 0 : i32
    %dma_start3A_2721 = arith.constant 0 : i32
    %dma_start3A_2722 = tpu.memref_slice %arg7[%dma_start3A_2712, %dma_start3A_2720, %dma_start3A_2721] : memref<6x200x64xf32, #tpu.memory_space<vmem>> -> memref<1x200x64xf32, #tpu.memory_space<vmem>>
    %dma_start3A_2723 = tpu.memref_squeeze %dma_start3A_2722 : memref<1x200x64xf32, #tpu.memory_space<vmem>> -> memref<200x64xf32, #tpu.memory_space<vmem>>
    tpu.enqueue_dma source(%arg8 : memref<200x64xf32, #tpu.memory_space<vmem_shared>>) target(%dma_start3A_2723 : memref<200x64xf32, #tpu.memory_space<vmem>>) target_semaphore(%dma_start3A_2719 : memref<!tpu.dma_semaphore, #tpu.memory_space<semaphore_mem>>)
    %dma_wait3A_2724 = arith.constant 0 : i32
    %dma_wait3A_2725 = arith.constant 0 : i32
    %dma_wait3A_2726 = arith.constant 0 : i32
    %dma_wait3A_2727 = arith.constant 0 : i32
    %dma_wait3A_2728 = tpu.memref_slice %arg7[%dma_wait3A_2724, %dma_wait3A_2726, %dma_wait3A_2727] : memref<6x200x64xf32, #tpu.memory_space<vmem>> -> memref<1x200x64xf32, #tpu.memory_space<vmem>>
    %dma_wait3A_2729 = tpu.memref_squeeze %dma_wait3A_2728 : memref<1x200x64xf32, #tpu.memory_space<vmem>> -> memref<200x64xf32, #tpu.memory_space<vmem>>
    %dma_wait3A_2730 = tpu.memref_slice %arg10[%dma_wait3A_2725] : memref<6x!tpu.dma_semaphore, #tpu.memory_space<semaphore_mem>> -> memref<1x!tpu.dma_semaphore, #tpu.memory_space<semaphore_mem>>
    %dma_wait3A_2731 = tpu.memref_squeeze %dma_wait3A_2730 : memref<1x!tpu.dma_semaphore, #tpu.memory_space<semaphore_mem>> -> memref<!tpu.dma_semaphore, #tpu.memory_space<semaphore_mem>>
    %dma_wait3A_2732 = arith.constant 0 : i32
    %dma_wait3A_2733 = arith.constant 0 : i32
    %dma_wait3A_2734 = tpu.memref_slice %arg7[%dma_wait3A_2724, %dma_wait3A_2732, %dma_wait3A_2733] : memref<6x200x64xf32, #tpu.memory_space<vmem>> -> memref<1x200x64xf32, #tpu.memory_space<vmem>>
    %dma_wait3A_2735 = tpu.memref_squeeze %dma_wait3A_2734 : memref<1x200x64xf32, #tpu.memory_space<vmem>> -> memref<200x64xf32, #tpu.memory_space<vmem>>
    tpu.wait_dma2 semaphore(%dma_wait3A_2731 : memref<!tpu.dma_semaphore, #tpu.memory_space<semaphore_mem>>) src(%arg8 : memref<200x64xf32, #tpu.memory_space<vmem_shared>>) dst(%dma_wait3A_2735 : memref<200x64xf32, #tpu.memory_space<vmem>>)
    %dma_start3A_2736 = arith.constant 30 : i32
    %dma_start3A_2737 = arith.constant 0 : i32
    %dma_start3A_2738 = arith.constant 0 : i32
    %dma_start3A_2739 = arith.constant 0 : i32
    %dma_start3A_2740 = arith.constant 0 : i32
    %dma_start3A_2741 = tpu.memref_slice %arg7[%dma_start3A_2737, %dma_start3A_2739, %dma_start3A_2740] : memref<6x200x64xf32, #tpu.memory_space<vmem>> -> memref<1x200x64xf32, #tpu.memory_space<vmem>>
    %dma_start3A_2742 = tpu.memref_squeeze %dma_start3A_2741 : memref<1x200x64xf32, #tpu.memory_space<vmem>> -> memref<200x64xf32, #tpu.memory_space<vmem>>
    %dma_start3A_2743 = arith.constant 0 : i32
    %dma_start3A_2744 = tpu.memref_slice %arg6[%dma_start3A_2736, %dma_start3A_2743] : memref<32x200xi32, #tpu.memory_space<vmem>> -> memref<1x200xi32, #tpu.memory_space<vmem>>
    %dma_start3A_2745 = tpu.memref_squeeze %dma_start3A_2744 : memref<1x200xi32, #tpu.memory_space<vmem>> -> memref<200xi32, #tpu.memory_space<vmem>>
    %dma_start3A_2746 = arith.constant 0 : i32
    %dma_start3A_2747 = arith.constant 0 : i32
    %dma_start3A_2748 = tpu.memref_slice %arg4[%dma_start3A_2746, %dma_start3A_2747] : memref<100000x64xf32, #tpu.memory_space<hbm>> -> memref<100000x64xf32, #tpu.memory_space<hbm>>
    %dma_start3A_2749 = tpu.memref_slice %arg11[%dma_start3A_2738] : memref<6x!tpu.dma_semaphore, #tpu.memory_space<semaphore_mem>> -> memref<1x!tpu.dma_semaphore, #tpu.memory_space<semaphore_mem>>
    %dma_start3A_2750 = tpu.memref_squeeze %dma_start3A_2749 : memref<1x!tpu.dma_semaphore, #tpu.memory_space<semaphore_mem>> -> memref<!tpu.dma_semaphore, #tpu.memory_space<semaphore_mem>>
    tpu.enqueue_indirect_dma source(%dma_start3A_2748 : memref<100000x64xf32, #tpu.memory_space<hbm>>) target(%dma_start3A_2742 : memref<200x64xf32, #tpu.memory_space<vmem>>) offsets(%dma_start3A_2745 : memref<200xi32, #tpu.memory_space<vmem>>) semaphore(%dma_start3A_2750 : memref<!tpu.dma_semaphore, #tpu.memory_space<semaphore_mem>>) {add = true}
    %dma_wait3A_2751 = arith.constant 27 : i32
    %dma_wait3A_2752 = arith.constant 3 : i32
    %dma_wait3A_2753 = arith.constant 3 : i32
    %dma_wait3A_2754 = arith.constant 0 : i32
    %dma_wait3A_2755 = arith.constant 0 : i32
    %dma_wait3A_2756 = tpu.memref_slice %arg7[%dma_wait3A_2752, %dma_wait3A_2754, %dma_wait3A_2755] : memref<6x200x64xf32, #tpu.memory_space<vmem>> -> memref<1x200x64xf32, #tpu.memory_space<vmem>>
    %dma_wait3A_2757 = tpu.memref_squeeze %dma_wait3A_2756 : memref<1x200x64xf32, #tpu.memory_space<vmem>> -> memref<200x64xf32, #tpu.memory_space<vmem>>
    %dma_wait3A_2758 = arith.constant 0 : i32
    %dma_wait3A_2759 = tpu.memref_slice %arg6[%dma_wait3A_2751, %dma_wait3A_2758] : memref<32x200xi32, #tpu.memory_space<vmem>> -> memref<1x200xi32, #tpu.memory_space<vmem>>
    %dma_wait3A_2760 = tpu.memref_squeeze %dma_wait3A_2759 : memref<1x200xi32, #tpu.memory_space<vmem>> -> memref<200xi32, #tpu.memory_space<vmem>>
    %dma_wait3A_2761 = arith.constant 0 : i32
    %dma_wait3A_2762 = arith.constant 0 : i32
    %dma_wait3A_2763 = tpu.memref_slice %arg4[%dma_wait3A_2761, %dma_wait3A_2762] : memref<100000x64xf32, #tpu.memory_space<hbm>> -> memref<100000x64xf32, #tpu.memory_space<hbm>>
    %dma_wait3A_2764 = tpu.memref_slice %arg11[%dma_wait3A_2753] : memref<6x!tpu.dma_semaphore, #tpu.memory_space<semaphore_mem>> -> memref<1x!tpu.dma_semaphore, #tpu.memory_space<semaphore_mem>>
    %dma_wait3A_2765 = tpu.memref_squeeze %dma_wait3A_2764 : memref<1x!tpu.dma_semaphore, #tpu.memory_space<semaphore_mem>> -> memref<!tpu.dma_semaphore, #tpu.memory_space<semaphore_mem>>
    tpu.wait_indirect_dma semaphore(%dma_wait3A_2765 : memref<!tpu.dma_semaphore, #tpu.memory_space<semaphore_mem>>) src(%dma_wait3A_2763 : memref<100000x64xf32, #tpu.memory_space<hbm>>) dst(%dma_wait3A_2757 : memref<200x64xf32, #tpu.memory_space<vmem>>)
    %add3A_2766 = arith.constant 27 : i32
    %add3A_2767 = arith.addi %mul3A_2, %add3A_2766 : i32
    %dma_start3A_2768 = arith.constant 3 : i32
    %dma_start3A_2769 = arith.constant 3 : i32
    %dma_start3A_2770 = arith.constant 0 : i32
    %dma_start3A_2771 = arith.constant 0 : i32
    %dma_start3A_2772 = tpu.memref_slice %arg7[%dma_start3A_2768, %dma_start3A_2770, %dma_start3A_2771] : memref<6x200x64xf32, #tpu.memory_space<vmem>> -> memref<1x200x64xf32, #tpu.memory_space<vmem>>
    %dma_start3A_2773 = tpu.memref_squeeze %dma_start3A_2772 : memref<1x200x64xf32, #tpu.memory_space<vmem>> -> memref<200x64xf32, #tpu.memory_space<vmem>>
    %dma_start3A_2774 = arith.constant 0 : i32
    %dma_start3A_2775 = arith.constant 0 : i32
    %dma_start3A_2776 = tpu.memref_slice %arg5[%add3A_2767, %dma_start3A_2774, %dma_start3A_2775] : memref<1024x200x128xf32, #tpu.memory_space<hbm>> -> memref<1x200x64xf32, #tpu.memory_space<hbm>>
    %dma_start3A_2777 = tpu.memref_squeeze %dma_start3A_2776 : memref<1x200x64xf32, #tpu.memory_space<hbm>> -> memref<200x64xf32, #tpu.memory_space<hbm>>
    %dma_start3A_2778 = tpu.memref_slice %arg12[%dma_start3A_2769] : memref<6x!tpu.dma_semaphore, #tpu.memory_space<semaphore_mem>> -> memref<1x!tpu.dma_semaphore, #tpu.memory_space<semaphore_mem>>
    %dma_start3A_2779 = tpu.memref_squeeze %dma_start3A_2778 : memref<1x!tpu.dma_semaphore, #tpu.memory_space<semaphore_mem>> -> memref<!tpu.dma_semaphore, #tpu.memory_space<semaphore_mem>>
    %dma_start3A_2780 = arith.constant 0 : i32
    %dma_start3A_2781 = arith.constant 0 : i32
    %dma_start3A_2782 = tpu.memref_slice %arg5[%add3A_2767, %dma_start3A_2780, %dma_start3A_2781] : memref<1024x200x128xf32, #tpu.memory_space<hbm>> -> memref<1x200x64xf32, #tpu.memory_space<hbm>>
    %dma_start3A_2783 = tpu.memref_squeeze %dma_start3A_2782 : memref<1x200x64xf32, #tpu.memory_space<hbm>> -> memref<200x64xf32, #tpu.memory_space<hbm>>
    %dma_start3A_2784 = arith.constant 0 : i32
    %dma_start3A_2785 = arith.constant 0 : i32
    %dma_start3A_2786 = tpu.memref_slice %arg7[%dma_start3A_2768, %dma_start3A_2784, %dma_start3A_2785] : memref<6x200x64xf32, #tpu.memory_space<vmem>> -> memref<1x200x64xf32, #tpu.memory_space<vmem>>
    %dma_start3A_2787 = tpu.memref_squeeze %dma_start3A_2786 : memref<1x200x64xf32, #tpu.memory_space<vmem>> -> memref<200x64xf32, #tpu.memory_space<vmem>>
    tpu.enqueue_dma source(%dma_start3A_2787 : memref<200x64xf32, #tpu.memory_space<vmem>>) target(%dma_start3A_2783 : memref<200x64xf32, #tpu.memory_space<hbm>>) target_semaphore(%dma_start3A_2779 : memref<!tpu.dma_semaphore, #tpu.memory_space<semaphore_mem>>)
    %dma_wait3A_2788 = arith.constant 1 : i32
    %dma_wait3A_2789 = arith.constant 1 : i32
    %dma_wait3A_2790 = arith.constant 0 : i32
    %dma_wait3A_2791 = arith.constant 0 : i32
    %dma_wait3A_2792 = tpu.memref_slice %arg7[%dma_wait3A_2788, %dma_wait3A_2790, %dma_wait3A_2791] : memref<6x200x64xf32, #tpu.memory_space<vmem>> -> memref<1x200x64xf32, #tpu.memory_space<vmem>>
    %dma_wait3A_2793 = tpu.memref_squeeze %dma_wait3A_2792 : memref<1x200x64xf32, #tpu.memory_space<vmem>> -> memref<200x64xf32, #tpu.memory_space<vmem>>
    %dma_wait3A_2794 = tpu.memref_slice %arg10[%dma_wait3A_2789] : memref<6x!tpu.dma_semaphore, #tpu.memory_space<semaphore_mem>> -> memref<1x!tpu.dma_semaphore, #tpu.memory_space<semaphore_mem>>
    %dma_wait3A_2795 = tpu.memref_squeeze %dma_wait3A_2794 : memref<1x!tpu.dma_semaphore, #tpu.memory_space<semaphore_mem>> -> memref<!tpu.dma_semaphore, #tpu.memory_space<semaphore_mem>>
    %dma_wait3A_2796 = arith.constant 0 : i32
    %dma_wait3A_2797 = arith.constant 0 : i32
    %dma_wait3A_2798 = tpu.memref_slice %arg7[%dma_wait3A_2788, %dma_wait3A_2796, %dma_wait3A_2797] : memref<6x200x64xf32, #tpu.memory_space<vmem>> -> memref<1x200x64xf32, #tpu.memory_space<vmem>>
    %dma_wait3A_2799 = tpu.memref_squeeze %dma_wait3A_2798 : memref<1x200x64xf32, #tpu.memory_space<vmem>> -> memref<200x64xf32, #tpu.memory_space<vmem>>
    tpu.wait_dma2 semaphore(%dma_wait3A_2795 : memref<!tpu.dma_semaphore, #tpu.memory_space<semaphore_mem>>) src(%arg8 : memref<200x64xf32, #tpu.memory_space<vmem_shared>>) dst(%dma_wait3A_2799 : memref<200x64xf32, #tpu.memory_space<vmem>>)
    %dma_start3A_2800 = arith.constant 31 : i32
    %dma_start3A_2801 = arith.constant 1 : i32
    %dma_start3A_2802 = arith.constant 1 : i32
    %dma_start3A_2803 = arith.constant 0 : i32
    %dma_start3A_2804 = arith.constant 0 : i32
    %dma_start3A_2805 = tpu.memref_slice %arg7[%dma_start3A_2801, %dma_start3A_2803, %dma_start3A_2804] : memref<6x200x64xf32, #tpu.memory_space<vmem>> -> memref<1x200x64xf32, #tpu.memory_space<vmem>>
    %dma_start3A_2806 = tpu.memref_squeeze %dma_start3A_2805 : memref<1x200x64xf32, #tpu.memory_space<vmem>> -> memref<200x64xf32, #tpu.memory_space<vmem>>
    %dma_start3A_2807 = arith.constant 0 : i32
    %dma_start3A_2808 = tpu.memref_slice %arg6[%dma_start3A_2800, %dma_start3A_2807] : memref<32x200xi32, #tpu.memory_space<vmem>> -> memref<1x200xi32, #tpu.memory_space<vmem>>
    %dma_start3A_2809 = tpu.memref_squeeze %dma_start3A_2808 : memref<1x200xi32, #tpu.memory_space<vmem>> -> memref<200xi32, #tpu.memory_space<vmem>>
    %dma_start3A_2810 = arith.constant 0 : i32
    %dma_start3A_2811 = arith.constant 0 : i32
    %dma_start3A_2812 = tpu.memref_slice %arg4[%dma_start3A_2810, %dma_start3A_2811] : memref<100000x64xf32, #tpu.memory_space<hbm>> -> memref<100000x64xf32, #tpu.memory_space<hbm>>
    %dma_start3A_2813 = tpu.memref_slice %arg11[%dma_start3A_2802] : memref<6x!tpu.dma_semaphore, #tpu.memory_space<semaphore_mem>> -> memref<1x!tpu.dma_semaphore, #tpu.memory_space<semaphore_mem>>
    %dma_start3A_2814 = tpu.memref_squeeze %dma_start3A_2813 : memref<1x!tpu.dma_semaphore, #tpu.memory_space<semaphore_mem>> -> memref<!tpu.dma_semaphore, #tpu.memory_space<semaphore_mem>>
    tpu.enqueue_indirect_dma source(%dma_start3A_2812 : memref<100000x64xf32, #tpu.memory_space<hbm>>) target(%dma_start3A_2806 : memref<200x64xf32, #tpu.memory_space<vmem>>) offsets(%dma_start3A_2809 : memref<200xi32, #tpu.memory_space<vmem>>) semaphore(%dma_start3A_2814 : memref<!tpu.dma_semaphore, #tpu.memory_space<semaphore_mem>>) {add = true}
    %dma_wait3A_2815 = arith.constant 28 : i32
    %dma_wait3A_2816 = arith.constant 4 : i32
    %dma_wait3A_2817 = arith.constant 4 : i32
    %dma_wait3A_2818 = arith.constant 0 : i32
    %dma_wait3A_2819 = arith.constant 0 : i32
    %dma_wait3A_2820 = tpu.memref_slice %arg7[%dma_wait3A_2816, %dma_wait3A_2818, %dma_wait3A_2819] : memref<6x200x64xf32, #tpu.memory_space<vmem>> -> memref<1x200x64xf32, #tpu.memory_space<vmem>>
    %dma_wait3A_2821 = tpu.memref_squeeze %dma_wait3A_2820 : memref<1x200x64xf32, #tpu.memory_space<vmem>> -> memref<200x64xf32, #tpu.memory_space<vmem>>
    %dma_wait3A_2822 = arith.constant 0 : i32
    %dma_wait3A_2823 = tpu.memref_slice %arg6[%dma_wait3A_2815, %dma_wait3A_2822] : memref<32x200xi32, #tpu.memory_space<vmem>> -> memref<1x200xi32, #tpu.memory_space<vmem>>
    %dma_wait3A_2824 = tpu.memref_squeeze %dma_wait3A_2823 : memref<1x200xi32, #tpu.memory_space<vmem>> -> memref<200xi32, #tpu.memory_space<vmem>>
    %dma_wait3A_2825 = arith.constant 0 : i32
    %dma_wait3A_2826 = arith.constant 0 : i32
    %dma_wait3A_2827 = tpu.memref_slice %arg4[%dma_wait3A_2825, %dma_wait3A_2826] : memref<100000x64xf32, #tpu.memory_space<hbm>> -> memref<100000x64xf32, #tpu.memory_space<hbm>>
    %dma_wait3A_2828 = tpu.memref_slice %arg11[%dma_wait3A_2817] : memref<6x!tpu.dma_semaphore, #tpu.memory_space<semaphore_mem>> -> memref<1x!tpu.dma_semaphore, #tpu.memory_space<semaphore_mem>>
    %dma_wait3A_2829 = tpu.memref_squeeze %dma_wait3A_2828 : memref<1x!tpu.dma_semaphore, #tpu.memory_space<semaphore_mem>> -> memref<!tpu.dma_semaphore, #tpu.memory_space<semaphore_mem>>
    tpu.wait_indirect_dma semaphore(%dma_wait3A_2829 : memref<!tpu.dma_semaphore, #tpu.memory_space<semaphore_mem>>) src(%dma_wait3A_2827 : memref<100000x64xf32, #tpu.memory_space<hbm>>) dst(%dma_wait3A_2821 : memref<200x64xf32, #tpu.memory_space<vmem>>)
    %add3A_2830 = arith.constant 28 : i32
    %add3A_2831 = arith.addi %mul3A_2, %add3A_2830 : i32
    %dma_start3A_2832 = arith.constant 4 : i32
    %dma_start3A_2833 = arith.constant 4 : i32
    %dma_start3A_2834 = arith.constant 0 : i32
    %dma_start3A_2835 = arith.constant 0 : i32
    %dma_start3A_2836 = tpu.memref_slice %arg7[%dma_start3A_2832, %dma_start3A_2834, %dma_start3A_2835] : memref<6x200x64xf32, #tpu.memory_space<vmem>> -> memref<1x200x64xf32, #tpu.memory_space<vmem>>
    %dma_start3A_2837 = tpu.memref_squeeze %dma_start3A_2836 : memref<1x200x64xf32, #tpu.memory_space<vmem>> -> memref<200x64xf32, #tpu.memory_space<vmem>>
    %dma_start3A_2838 = arith.constant 0 : i32
    %dma_start3A_2839 = arith.constant 0 : i32
    %dma_start3A_2840 = tpu.memref_slice %arg5[%add3A_2831, %dma_start3A_2838, %dma_start3A_2839] : memref<1024x200x128xf32, #tpu.memory_space<hbm>> -> memref<1x200x64xf32, #tpu.memory_space<hbm>>
    %dma_start3A_2841 = tpu.memref_squeeze %dma_start3A_2840 : memref<1x200x64xf32, #tpu.memory_space<hbm>> -> memref<200x64xf32, #tpu.memory_space<hbm>>
    %dma_start3A_2842 = tpu.memref_slice %arg12[%dma_start3A_2833] : memref<6x!tpu.dma_semaphore, #tpu.memory_space<semaphore_mem>> -> memref<1x!tpu.dma_semaphore, #tpu.memory_space<semaphore_mem>>
    %dma_start3A_2843 = tpu.memref_squeeze %dma_start3A_2842 : memref<1x!tpu.dma_semaphore, #tpu.memory_space<semaphore_mem>> -> memref<!tpu.dma_semaphore, #tpu.memory_space<semaphore_mem>>
    %dma_start3A_2844 = arith.constant 0 : i32
    %dma_start3A_2845 = arith.constant 0 : i32
    %dma_start3A_2846 = tpu.memref_slice %arg5[%add3A_2831, %dma_start3A_2844, %dma_start3A_2845] : memref<1024x200x128xf32, #tpu.memory_space<hbm>> -> memref<1x200x64xf32, #tpu.memory_space<hbm>>
    %dma_start3A_2847 = tpu.memref_squeeze %dma_start3A_2846 : memref<1x200x64xf32, #tpu.memory_space<hbm>> -> memref<200x64xf32, #tpu.memory_space<hbm>>
    %dma_start3A_2848 = arith.constant 0 : i32
    %dma_start3A_2849 = arith.constant 0 : i32
    %dma_start3A_2850 = tpu.memref_slice %arg7[%dma_start3A_2832, %dma_start3A_2848, %dma_start3A_2849] : memref<6x200x64xf32, #tpu.memory_space<vmem>> -> memref<1x200x64xf32, #tpu.memory_space<vmem>>
    %dma_start3A_2851 = tpu.memref_squeeze %dma_start3A_2850 : memref<1x200x64xf32, #tpu.memory_space<vmem>> -> memref<200x64xf32, #tpu.memory_space<vmem>>
    tpu.enqueue_dma source(%dma_start3A_2851 : memref<200x64xf32, #tpu.memory_space<vmem>>) target(%dma_start3A_2847 : memref<200x64xf32, #tpu.memory_space<hbm>>) target_semaphore(%dma_start3A_2843 : memref<!tpu.dma_semaphore, #tpu.memory_space<semaphore_mem>>)
    %dma_wait3A_2852 = arith.constant 29 : i32
    %dma_wait3A_2853 = arith.constant 5 : i32
    %dma_wait3A_2854 = arith.constant 5 : i32
    %dma_wait3A_2855 = arith.constant 0 : i32
    %dma_wait3A_2856 = arith.constant 0 : i32
    %dma_wait3A_2857 = tpu.memref_slice %arg7[%dma_wait3A_2853, %dma_wait3A_2855, %dma_wait3A_2856] : memref<6x200x64xf32, #tpu.memory_space<vmem>> -> memref<1x200x64xf32, #tpu.memory_space<vmem>>
    %dma_wait3A_2858 = tpu.memref_squeeze %dma_wait3A_2857 : memref<1x200x64xf32, #tpu.memory_space<vmem>> -> memref<200x64xf32, #tpu.memory_space<vmem>>
    %dma_wait3A_2859 = arith.constant 0 : i32
    %dma_wait3A_2860 = tpu.memref_slice %arg6[%dma_wait3A_2852, %dma_wait3A_2859] : memref<32x200xi32, #tpu.memory_space<vmem>> -> memref<1x200xi32, #tpu.memory_space<vmem>>
    %dma_wait3A_2861 = tpu.memref_squeeze %dma_wait3A_2860 : memref<1x200xi32, #tpu.memory_space<vmem>> -> memref<200xi32, #tpu.memory_space<vmem>>
    %dma_wait3A_2862 = arith.constant 0 : i32
    %dma_wait3A_2863 = arith.constant 0 : i32
    %dma_wait3A_2864 = tpu.memref_slice %arg4[%dma_wait3A_2862, %dma_wait3A_2863] : memref<100000x64xf32, #tpu.memory_space<hbm>> -> memref<100000x64xf32, #tpu.memory_space<hbm>>
    %dma_wait3A_2865 = tpu.memref_slice %arg11[%dma_wait3A_2854] : memref<6x!tpu.dma_semaphore, #tpu.memory_space<semaphore_mem>> -> memref<1x!tpu.dma_semaphore, #tpu.memory_space<semaphore_mem>>
    %dma_wait3A_2866 = tpu.memref_squeeze %dma_wait3A_2865 : memref<1x!tpu.dma_semaphore, #tpu.memory_space<semaphore_mem>> -> memref<!tpu.dma_semaphore, #tpu.memory_space<semaphore_mem>>
    tpu.wait_indirect_dma semaphore(%dma_wait3A_2866 : memref<!tpu.dma_semaphore, #tpu.memory_space<semaphore_mem>>) src(%dma_wait3A_2864 : memref<100000x64xf32, #tpu.memory_space<hbm>>) dst(%dma_wait3A_2858 : memref<200x64xf32, #tpu.memory_space<vmem>>)
    %add3A_2867 = arith.constant 29 : i32
    %add3A_2868 = arith.addi %mul3A_2, %add3A_2867 : i32
    %dma_start3A_2869 = arith.constant 5 : i32
    %dma_start3A_2870 = arith.constant 5 : i32
    %dma_start3A_2871 = arith.constant 0 : i32
    %dma_start3A_2872 = arith.constant 0 : i32
    %dma_start3A_2873 = tpu.memref_slice %arg7[%dma_start3A_2869, %dma_start3A_2871, %dma_start3A_2872] : memref<6x200x64xf32, #tpu.memory_space<vmem>> -> memref<1x200x64xf32, #tpu.memory_space<vmem>>
    %dma_start3A_2874 = tpu.memref_squeeze %dma_start3A_2873 : memref<1x200x64xf32, #tpu.memory_space<vmem>> -> memref<200x64xf32, #tpu.memory_space<vmem>>
    %dma_start3A_2875 = arith.constant 0 : i32
    %dma_start3A_2876 = arith.constant 0 : i32
    %dma_start3A_2877 = tpu.memref_slice %arg5[%add3A_2868, %dma_start3A_2875, %dma_start3A_2876] : memref<1024x200x128xf32, #tpu.memory_space<hbm>> -> memref<1x200x64xf32, #tpu.memory_space<hbm>>
    %dma_start3A_2878 = tpu.memref_squeeze %dma_start3A_2877 : memref<1x200x64xf32, #tpu.memory_space<hbm>> -> memref<200x64xf32, #tpu.memory_space<hbm>>
    %dma_start3A_2879 = tpu.memref_slice %arg12[%dma_start3A_2870] : memref<6x!tpu.dma_semaphore, #tpu.memory_space<semaphore_mem>> -> memref<1x!tpu.dma_semaphore, #tpu.memory_space<semaphore_mem>>
    %dma_start3A_2880 = tpu.memref_squeeze %dma_start3A_2879 : memref<1x!tpu.dma_semaphore, #tpu.memory_space<semaphore_mem>> -> memref<!tpu.dma_semaphore, #tpu.memory_space<semaphore_mem>>
    %dma_start3A_2881 = arith.constant 0 : i32
    %dma_start3A_2882 = arith.constant 0 : i32
    %dma_start3A_2883 = tpu.memref_slice %arg5[%add3A_2868, %dma_start3A_2881, %dma_start3A_2882] : memref<1024x200x128xf32, #tpu.memory_space<hbm>> -> memref<1x200x64xf32, #tpu.memory_space<hbm>>
    %dma_start3A_2884 = tpu.memref_squeeze %dma_start3A_2883 : memref<1x200x64xf32, #tpu.memory_space<hbm>> -> memref<200x64xf32, #tpu.memory_space<hbm>>
    %dma_start3A_2885 = arith.constant 0 : i32
    %dma_start3A_2886 = arith.constant 0 : i32
    %dma_start3A_2887 = tpu.memref_slice %arg7[%dma_start3A_2869, %dma_start3A_2885, %dma_start3A_2886] : memref<6x200x64xf32, #tpu.memory_space<vmem>> -> memref<1x200x64xf32, #tpu.memory_space<vmem>>
    %dma_start3A_2888 = tpu.memref_squeeze %dma_start3A_2887 : memref<1x200x64xf32, #tpu.memory_space<vmem>> -> memref<200x64xf32, #tpu.memory_space<vmem>>
    tpu.enqueue_dma source(%dma_start3A_2888 : memref<200x64xf32, #tpu.memory_space<vmem>>) target(%dma_start3A_2884 : memref<200x64xf32, #tpu.memory_space<hbm>>) target_semaphore(%dma_start3A_2880 : memref<!tpu.dma_semaphore, #tpu.memory_space<semaphore_mem>>)
    %dma_wait3A_2889 = arith.constant 30 : i32
    %dma_wait3A_2890 = arith.constant 0 : i32
    %dma_wait3A_2891 = arith.constant 0 : i32
    %dma_wait3A_2892 = arith.constant 0 : i32
    %dma_wait3A_2893 = arith.constant 0 : i32
    %dma_wait3A_2894 = tpu.memref_slice %arg7[%dma_wait3A_2890, %dma_wait3A_2892, %dma_wait3A_2893] : memref<6x200x64xf32, #tpu.memory_space<vmem>> -> memref<1x200x64xf32, #tpu.memory_space<vmem>>
    %dma_wait3A_2895 = tpu.memref_squeeze %dma_wait3A_2894 : memref<1x200x64xf32, #tpu.memory_space<vmem>> -> memref<200x64xf32, #tpu.memory_space<vmem>>
    %dma_wait3A_2896 = arith.constant 0 : i32
    %dma_wait3A_2897 = tpu.memref_slice %arg6[%dma_wait3A_2889, %dma_wait3A_2896] : memref<32x200xi32, #tpu.memory_space<vmem>> -> memref<1x200xi32, #tpu.memory_space<vmem>>
    %dma_wait3A_2898 = tpu.memref_squeeze %dma_wait3A_2897 : memref<1x200xi32, #tpu.memory_space<vmem>> -> memref<200xi32, #tpu.memory_space<vmem>>
    %dma_wait3A_2899 = arith.constant 0 : i32
    %dma_wait3A_2900 = arith.constant 0 : i32
    %dma_wait3A_2901 = tpu.memref_slice %arg4[%dma_wait3A_2899, %dma_wait3A_2900] : memref<100000x64xf32, #tpu.memory_space<hbm>> -> memref<100000x64xf32, #tpu.memory_space<hbm>>
    %dma_wait3A_2902 = tpu.memref_slice %arg11[%dma_wait3A_2891] : memref<6x!tpu.dma_semaphore, #tpu.memory_space<semaphore_mem>> -> memref<1x!tpu.dma_semaphore, #tpu.memory_space<semaphore_mem>>
    %dma_wait3A_2903 = tpu.memref_squeeze %dma_wait3A_2902 : memref<1x!tpu.dma_semaphore, #tpu.memory_space<semaphore_mem>> -> memref<!tpu.dma_semaphore, #tpu.memory_space<semaphore_mem>>
    tpu.wait_indirect_dma semaphore(%dma_wait3A_2903 : memref<!tpu.dma_semaphore, #tpu.memory_space<semaphore_mem>>) src(%dma_wait3A_2901 : memref<100000x64xf32, #tpu.memory_space<hbm>>) dst(%dma_wait3A_2895 : memref<200x64xf32, #tpu.memory_space<vmem>>)
    %add3A_2904 = arith.constant 30 : i32
    %add3A_2905 = arith.addi %mul3A_2, %add3A_2904 : i32
    %dma_start3A_2906 = arith.constant 0 : i32
    %dma_start3A_2907 = arith.constant 0 : i32
    %dma_start3A_2908 = arith.constant 0 : i32
    %dma_start3A_2909 = arith.constant 0 : i32
    %dma_start3A_2910 = tpu.memref_slice %arg7[%dma_start3A_2906, %dma_start3A_2908, %dma_start3A_2909] : memref<6x200x64xf32, #tpu.memory_space<vmem>> -> memref<1x200x64xf32, #tpu.memory_space<vmem>>
    %dma_start3A_2911 = tpu.memref_squeeze %dma_start3A_2910 : memref<1x200x64xf32, #tpu.memory_space<vmem>> -> memref<200x64xf32, #tpu.memory_space<vmem>>
    %dma_start3A_2912 = arith.constant 0 : i32
    %dma_start3A_2913 = arith.constant 0 : i32
    %dma_start3A_2914 = tpu.memref_slice %arg5[%add3A_2905, %dma_start3A_2912, %dma_start3A_2913] : memref<1024x200x128xf32, #tpu.memory_space<hbm>> -> memref<1x200x64xf32, #tpu.memory_space<hbm>>
    %dma_start3A_2915 = tpu.memref_squeeze %dma_start3A_2914 : memref<1x200x64xf32, #tpu.memory_space<hbm>> -> memref<200x64xf32, #tpu.memory_space<hbm>>
    %dma_start3A_2916 = tpu.memref_slice %arg12[%dma_start3A_2907] : memref<6x!tpu.dma_semaphore, #tpu.memory_space<semaphore_mem>> -> memref<1x!tpu.dma_semaphore, #tpu.memory_space<semaphore_mem>>
    %dma_start3A_2917 = tpu.memref_squeeze %dma_start3A_2916 : memref<1x!tpu.dma_semaphore, #tpu.memory_space<semaphore_mem>> -> memref<!tpu.dma_semaphore, #tpu.memory_space<semaphore_mem>>
    %dma_start3A_2918 = arith.constant 0 : i32
    %dma_start3A_2919 = arith.constant 0 : i32
    %dma_start3A_2920 = tpu.memref_slice %arg5[%add3A_2905, %dma_start3A_2918, %dma_start3A_2919] : memref<1024x200x128xf32, #tpu.memory_space<hbm>> -> memref<1x200x64xf32, #tpu.memory_space<hbm>>
    %dma_start3A_2921 = tpu.memref_squeeze %dma_start3A_2920 : memref<1x200x64xf32, #tpu.memory_space<hbm>> -> memref<200x64xf32, #tpu.memory_space<hbm>>
    %dma_start3A_2922 = arith.constant 0 : i32
    %dma_start3A_2923 = arith.constant 0 : i32
    %dma_start3A_2924 = tpu.memref_slice %arg7[%dma_start3A_2906, %dma_start3A_2922, %dma_start3A_2923] : memref<6x200x64xf32, #tpu.memory_space<vmem>> -> memref<1x200x64xf32, #tpu.memory_space<vmem>>
    %dma_start3A_2925 = tpu.memref_squeeze %dma_start3A_2924 : memref<1x200x64xf32, #tpu.memory_space<vmem>> -> memref<200x64xf32, #tpu.memory_space<vmem>>
    tpu.enqueue_dma source(%dma_start3A_2925 : memref<200x64xf32, #tpu.memory_space<vmem>>) target(%dma_start3A_2921 : memref<200x64xf32, #tpu.memory_space<hbm>>) target_semaphore(%dma_start3A_2917 : memref<!tpu.dma_semaphore, #tpu.memory_space<semaphore_mem>>)
    %dma_wait3A_2926 = arith.constant 31 : i32
    %dma_wait3A_2927 = arith.constant 1 : i32
    %dma_wait3A_2928 = arith.constant 1 : i32
    %dma_wait3A_2929 = arith.constant 0 : i32
    %dma_wait3A_2930 = arith.constant 0 : i32
    %dma_wait3A_2931 = tpu.memref_slice %arg7[%dma_wait3A_2927, %dma_wait3A_2929, %dma_wait3A_2930] : memref<6x200x64xf32, #tpu.memory_space<vmem>> -> memref<1x200x64xf32, #tpu.memory_space<vmem>>
    %dma_wait3A_2932 = tpu.memref_squeeze %dma_wait3A_2931 : memref<1x200x64xf32, #tpu.memory_space<vmem>> -> memref<200x64xf32, #tpu.memory_space<vmem>>
    %dma_wait3A_2933 = arith.constant 0 : i32
    %dma_wait3A_2934 = tpu.memref_slice %arg6[%dma_wait3A_2926, %dma_wait3A_2933] : memref<32x200xi32, #tpu.memory_space<vmem>> -> memref<1x200xi32, #tpu.memory_space<vmem>>
    %dma_wait3A_2935 = tpu.memref_squeeze %dma_wait3A_2934 : memref<1x200xi32, #tpu.memory_space<vmem>> -> memref<200xi32, #tpu.memory_space<vmem>>
    %dma_wait3A_2936 = arith.constant 0 : i32
    %dma_wait3A_2937 = arith.constant 0 : i32
    %dma_wait3A_2938 = tpu.memref_slice %arg4[%dma_wait3A_2936, %dma_wait3A_2937] : memref<100000x64xf32, #tpu.memory_space<hbm>> -> memref<100000x64xf32, #tpu.memory_space<hbm>>
    %dma_wait3A_2939 = tpu.memref_slice %arg11[%dma_wait3A_2928] : memref<6x!tpu.dma_semaphore, #tpu.memory_space<semaphore_mem>> -> memref<1x!tpu.dma_semaphore, #tpu.memory_space<semaphore_mem>>
    %dma_wait3A_2940 = tpu.memref_squeeze %dma_wait3A_2939 : memref<1x!tpu.dma_semaphore, #tpu.memory_space<semaphore_mem>> -> memref<!tpu.dma_semaphore, #tpu.memory_space<semaphore_mem>>
    tpu.wait_indirect_dma semaphore(%dma_wait3A_2940 : memref<!tpu.dma_semaphore, #tpu.memory_space<semaphore_mem>>) src(%dma_wait3A_2938 : memref<100000x64xf32, #tpu.memory_space<hbm>>) dst(%dma_wait3A_2932 : memref<200x64xf32, #tpu.memory_space<vmem>>)
    %add3A_2941 = arith.constant 31 : i32
    %add3A_2942 = arith.addi %mul3A_2, %add3A_2941 : i32
    %dma_start3A_2943 = arith.constant 1 : i32
    %dma_start3A_2944 = arith.constant 1 : i32
    %dma_start3A_2945 = arith.constant 0 : i32
    %dma_start3A_2946 = arith.constant 0 : i32
    %dma_start3A_2947 = tpu.memref_slice %arg7[%dma_start3A_2943, %dma_start3A_2945, %dma_start3A_2946] : memref<6x200x64xf32, #tpu.memory_space<vmem>> -> memref<1x200x64xf32, #tpu.memory_space<vmem>>
    %dma_start3A_2948 = tpu.memref_squeeze %dma_start3A_2947 : memref<1x200x64xf32, #tpu.memory_space<vmem>> -> memref<200x64xf32, #tpu.memory_space<vmem>>
    %dma_start3A_2949 = arith.constant 0 : i32
    %dma_start3A_2950 = arith.constant 0 : i32
    %dma_start3A_2951 = tpu.memref_slice %arg5[%add3A_2942, %dma_start3A_2949, %dma_start3A_2950] : memref<1024x200x128xf32, #tpu.memory_space<hbm>> -> memref<1x200x64xf32, #tpu.memory_space<hbm>>
    %dma_start3A_2952 = tpu.memref_squeeze %dma_start3A_2951 : memref<1x200x64xf32, #tpu.memory_space<hbm>> -> memref<200x64xf32, #tpu.memory_space<hbm>>
    %dma_start3A_2953 = tpu.memref_slice %arg12[%dma_start3A_2944] : memref<6x!tpu.dma_semaphore, #tpu.memory_space<semaphore_mem>> -> memref<1x!tpu.dma_semaphore, #tpu.memory_space<semaphore_mem>>
    %dma_start3A_2954 = tpu.memref_squeeze %dma_start3A_2953 : memref<1x!tpu.dma_semaphore, #tpu.memory_space<semaphore_mem>> -> memref<!tpu.dma_semaphore, #tpu.memory_space<semaphore_mem>>
    %dma_start3A_2955 = arith.constant 0 : i32
    %dma_start3A_2956 = arith.constant 0 : i32
    %dma_start3A_2957 = tpu.memref_slice %arg5[%add3A_2942, %dma_start3A_2955, %dma_start3A_2956] : memref<1024x200x128xf32, #tpu.memory_space<hbm>> -> memref<1x200x64xf32, #tpu.memory_space<hbm>>
    %dma_start3A_2958 = tpu.memref_squeeze %dma_start3A_2957 : memref<1x200x64xf32, #tpu.memory_space<hbm>> -> memref<200x64xf32, #tpu.memory_space<hbm>>
    %dma_start3A_2959 = arith.constant 0 : i32
    %dma_start3A_2960 = arith.constant 0 : i32
    %dma_start3A_2961 = tpu.memref_slice %arg7[%dma_start3A_2943, %dma_start3A_2959, %dma_start3A_2960] : memref<6x200x64xf32, #tpu.memory_space<vmem>> -> memref<1x200x64xf32, #tpu.memory_space<vmem>>
    %dma_start3A_2962 = tpu.memref_squeeze %dma_start3A_2961 : memref<1x200x64xf32, #tpu.memory_space<vmem>> -> memref<200x64xf32, #tpu.memory_space<vmem>>
    tpu.enqueue_dma source(%dma_start3A_2962 : memref<200x64xf32, #tpu.memory_space<vmem>>) target(%dma_start3A_2958 : memref<200x64xf32, #tpu.memory_space<hbm>>) target_semaphore(%dma_start3A_2954 : memref<!tpu.dma_semaphore, #tpu.memory_space<semaphore_mem>>)
    %dma_wait3A_2963 = arith.constant 2 : i32
    %dma_wait3A_2964 = arith.constant 2 : i32
    %dma_wait3A_2965 = arith.constant 0 : i32
    %dma_wait3A_2966 = arith.constant 0 : i32
    %dma_wait3A_2967 = tpu.memref_slice %arg7[%dma_wait3A_2963, %dma_wait3A_2965, %dma_wait3A_2966] : memref<6x200x64xf32, #tpu.memory_space<vmem>> -> memref<1x200x64xf32, #tpu.memory_space<vmem>>
    %dma_wait3A_2968 = tpu.memref_squeeze %dma_wait3A_2967 : memref<1x200x64xf32, #tpu.memory_space<vmem>> -> memref<200x64xf32, #tpu.memory_space<vmem>>
    %dma_wait3A_2969 = arith.constant 0 : i32
    %dma_wait3A_2970 = arith.constant 0 : i32
    %dma_wait3A_2971 = tpu.memref_slice %arg5[%add3A_2671, %dma_wait3A_2969, %dma_wait3A_2970] : memref<1024x200x128xf32, #tpu.memory_space<hbm>> -> memref<1x200x64xf32, #tpu.memory_space<hbm>>
    %dma_wait3A_2972 = tpu.memref_squeeze %dma_wait3A_2971 : memref<1x200x64xf32, #tpu.memory_space<hbm>> -> memref<200x64xf32, #tpu.memory_space<hbm>>
    %dma_wait3A_2973 = tpu.memref_slice %arg12[%dma_wait3A_2964] : memref<6x!tpu.dma_semaphore, #tpu.memory_space<semaphore_mem>> -> memref<1x!tpu.dma_semaphore, #tpu.memory_space<semaphore_mem>>
    %dma_wait3A_2974 = tpu.memref_squeeze %dma_wait3A_2973 : memref<1x!tpu.dma_semaphore, #tpu.memory_space<semaphore_mem>> -> memref<!tpu.dma_semaphore, #tpu.memory_space<semaphore_mem>>
    %dma_wait3A_2975 = arith.constant 0 : i32
    %dma_wait3A_2976 = arith.constant 0 : i32
    %dma_wait3A_2977 = tpu.memref_slice %arg5[%add3A_2671, %dma_wait3A_2975, %dma_wait3A_2976] : memref<1024x200x128xf32, #tpu.memory_space<hbm>> -> memref<1x200x64xf32, #tpu.memory_space<hbm>>
    %dma_wait3A_2978 = tpu.memref_squeeze %dma_wait3A_2977 : memref<1x200x64xf32, #tpu.memory_space<hbm>> -> memref<200x64xf32, #tpu.memory_space<hbm>>
    %dma_wait3A_2979 = arith.constant 0 : i32
    %dma_wait3A_2980 = arith.constant 0 : i32
    %dma_wait3A_2981 = tpu.memref_slice %arg7[%dma_wait3A_2963, %dma_wait3A_2979, %dma_wait3A_2980] : memref<6x200x64xf32, #tpu.memory_space<vmem>> -> memref<1x200x64xf32, #tpu.memory_space<vmem>>
    %dma_wait3A_2982 = tpu.memref_squeeze %dma_wait3A_2981 : memref<1x200x64xf32, #tpu.memory_space<vmem>> -> memref<200x64xf32, #tpu.memory_space<vmem>>
    tpu.wait_dma2 semaphore(%dma_wait3A_2974 : memref<!tpu.dma_semaphore, #tpu.memory_space<semaphore_mem>>) src(%dma_wait3A_2982 : memref<200x64xf32, #tpu.memory_space<vmem>>) dst(%dma_wait3A_2978 : memref<200x64xf32, #tpu.memory_space<hbm>>)
    %dma_wait3A_2983 = arith.constant 3 : i32
    %dma_wait3A_2984 = arith.constant 3 : i32
    %dma_wait3A_2985 = arith.constant 0 : i32
    %dma_wait3A_2986 = arith.constant 0 : i32
    %dma_wait3A_2987 = tpu.memref_slice %arg7[%dma_wait3A_2983, %dma_wait3A_2985, %dma_wait3A_2986] : memref<6x200x64xf32, #tpu.memory_space<vmem>> -> memref<1x200x64xf32, #tpu.memory_space<vmem>>
    %dma_wait3A_2988 = tpu.memref_squeeze %dma_wait3A_2987 : memref<1x200x64xf32, #tpu.memory_space<vmem>> -> memref<200x64xf32, #tpu.memory_space<vmem>>
    %dma_wait3A_2989 = arith.constant 0 : i32
    %dma_wait3A_2990 = arith.constant 0 : i32
    %dma_wait3A_2991 = tpu.memref_slice %arg5[%add3A_2767, %dma_wait3A_2989, %dma_wait3A_2990] : memref<1024x200x128xf32, #tpu.memory_space<hbm>> -> memref<1x200x64xf32, #tpu.memory_space<hbm>>
    %dma_wait3A_2992 = tpu.memref_squeeze %dma_wait3A_2991 : memref<1x200x64xf32, #tpu.memory_space<hbm>> -> memref<200x64xf32, #tpu.memory_space<hbm>>
    %dma_wait3A_2993 = tpu.memref_slice %arg12[%dma_wait3A_2984] : memref<6x!tpu.dma_semaphore, #tpu.memory_space<semaphore_mem>> -> memref<1x!tpu.dma_semaphore, #tpu.memory_space<semaphore_mem>>
    %dma_wait3A_2994 = tpu.memref_squeeze %dma_wait3A_2993 : memref<1x!tpu.dma_semaphore, #tpu.memory_space<semaphore_mem>> -> memref<!tpu.dma_semaphore, #tpu.memory_space<semaphore_mem>>
    %dma_wait3A_2995 = arith.constant 0 : i32
    %dma_wait3A_2996 = arith.constant 0 : i32
    %dma_wait3A_2997 = tpu.memref_slice %arg5[%add3A_2767, %dma_wait3A_2995, %dma_wait3A_2996] : memref<1024x200x128xf32, #tpu.memory_space<hbm>> -> memref<1x200x64xf32, #tpu.memory_space<hbm>>
    %dma_wait3A_2998 = tpu.memref_squeeze %dma_wait3A_2997 : memref<1x200x64xf32, #tpu.memory_space<hbm>> -> memref<200x64xf32, #tpu.memory_space<hbm>>
    %dma_wait3A_2999 = arith.constant 0 : i32
    %dma_wait3A_3000 = arith.constant 0 : i32
    %dma_wait3A_3001 = tpu.memref_slice %arg7[%dma_wait3A_2983, %dma_wait3A_2999, %dma_wait3A_3000] : memref<6x200x64xf32, #tpu.memory_space<vmem>> -> memref<1x200x64xf32, #tpu.memory_space<vmem>>
    %dma_wait3A_3002 = tpu.memref_squeeze %dma_wait3A_3001 : memref<1x200x64xf32, #tpu.memory_space<vmem>> -> memref<200x64xf32, #tpu.memory_space<vmem>>
    tpu.wait_dma2 semaphore(%dma_wait3A_2994 : memref<!tpu.dma_semaphore, #tpu.memory_space<semaphore_mem>>) src(%dma_wait3A_3002 : memref<200x64xf32, #tpu.memory_space<vmem>>) dst(%dma_wait3A_2998 : memref<200x64xf32, #tpu.memory_space<hbm>>)
    %dma_wait3A_3003 = arith.constant 4 : i32
    %dma_wait3A_3004 = arith.constant 4 : i32
    %dma_wait3A_3005 = arith.constant 0 : i32
    %dma_wait3A_3006 = arith.constant 0 : i32
    %dma_wait3A_3007 = tpu.memref_slice %arg7[%dma_wait3A_3003, %dma_wait3A_3005, %dma_wait3A_3006] : memref<6x200x64xf32, #tpu.memory_space<vmem>> -> memref<1x200x64xf32, #tpu.memory_space<vmem>>
    %dma_wait3A_3008 = tpu.memref_squeeze %dma_wait3A_3007 : memref<1x200x64xf32, #tpu.memory_space<vmem>> -> memref<200x64xf32, #tpu.memory_space<vmem>>
    %dma_wait3A_3009 = arith.constant 0 : i32
    %dma_wait3A_3010 = arith.constant 0 : i32
    %dma_wait3A_3011 = tpu.memref_slice %arg5[%add3A_2831, %dma_wait3A_3009, %dma_wait3A_3010] : memref<1024x200x128xf32, #tpu.memory_space<hbm>> -> memref<1x200x64xf32, #tpu.memory_space<hbm>>
    %dma_wait3A_3012 = tpu.memref_squeeze %dma_wait3A_3011 : memref<1x200x64xf32, #tpu.memory_space<hbm>> -> memref<200x64xf32, #tpu.memory_space<hbm>>
    %dma_wait3A_3013 = tpu.memref_slice %arg12[%dma_wait3A_3004] : memref<6x!tpu.dma_semaphore, #tpu.memory_space<semaphore_mem>> -> memref<1x!tpu.dma_semaphore, #tpu.memory_space<semaphore_mem>>
    %dma_wait3A_3014 = tpu.memref_squeeze %dma_wait3A_3013 : memref<1x!tpu.dma_semaphore, #tpu.memory_space<semaphore_mem>> -> memref<!tpu.dma_semaphore, #tpu.memory_space<semaphore_mem>>
    %dma_wait3A_3015 = arith.constant 0 : i32
    %dma_wait3A_3016 = arith.constant 0 : i32
    %dma_wait3A_3017 = tpu.memref_slice %arg5[%add3A_2831, %dma_wait3A_3015, %dma_wait3A_3016] : memref<1024x200x128xf32, #tpu.memory_space<hbm>> -> memref<1x200x64xf32, #tpu.memory_space<hbm>>
    %dma_wait3A_3018 = tpu.memref_squeeze %dma_wait3A_3017 : memref<1x200x64xf32, #tpu.memory_space<hbm>> -> memref<200x64xf32, #tpu.memory_space<hbm>>
    %dma_wait3A_3019 = arith.constant 0 : i32
    %dma_wait3A_3020 = arith.constant 0 : i32
    %dma_wait3A_3021 = tpu.memref_slice %arg7[%dma_wait3A_3003, %dma_wait3A_3019, %dma_wait3A_3020] : memref<6x200x64xf32, #tpu.memory_space<vmem>> -> memref<1x200x64xf32, #tpu.memory_space<vmem>>
    %dma_wait3A_3022 = tpu.memref_squeeze %dma_wait3A_3021 : memref<1x200x64xf32, #tpu.memory_space<vmem>> -> memref<200x64xf32, #tpu.memory_space<vmem>>
    tpu.wait_dma2 semaphore(%dma_wait3A_3014 : memref<!tpu.dma_semaphore, #tpu.memory_space<semaphore_mem>>) src(%dma_wait3A_3022 : memref<200x64xf32, #tpu.memory_space<vmem>>) dst(%dma_wait3A_3018 : memref<200x64xf32, #tpu.memory_space<hbm>>)
    %dma_wait3A_3023 = arith.constant 5 : i32
    %dma_wait3A_3024 = arith.constant 5 : i32
    %dma_wait3A_3025 = arith.constant 0 : i32
    %dma_wait3A_3026 = arith.constant 0 : i32
    %dma_wait3A_3027 = tpu.memref_slice %arg7[%dma_wait3A_3023, %dma_wait3A_3025, %dma_wait3A_3026] : memref<6x200x64xf32, #tpu.memory_space<vmem>> -> memref<1x200x64xf32, #tpu.memory_space<vmem>>
    %dma_wait3A_3028 = tpu.memref_squeeze %dma_wait3A_3027 : memref<1x200x64xf32, #tpu.memory_space<vmem>> -> memref<200x64xf32, #tpu.memory_space<vmem>>
    %dma_wait3A_3029 = arith.constant 0 : i32
    %dma_wait3A_3030 = arith.constant 0 : i32
    %dma_wait3A_3031 = tpu.memref_slice %arg5[%add3A_2868, %dma_wait3A_3029, %dma_wait3A_3030] : memref<1024x200x128xf32, #tpu.memory_space<hbm>> -> memref<1x200x64xf32, #tpu.memory_space<hbm>>
    %dma_wait3A_3032 = tpu.memref_squeeze %dma_wait3A_3031 : memref<1x200x64xf32, #tpu.memory_space<hbm>> -> memref<200x64xf32, #tpu.memory_space<hbm>>
    %dma_wait3A_3033 = tpu.memref_slice %arg12[%dma_wait3A_3024] : memref<6x!tpu.dma_semaphore, #tpu.memory_space<semaphore_mem>> -> memref<1x!tpu.dma_semaphore, #tpu.memory_space<semaphore_mem>>
    %dma_wait3A_3034 = tpu.memref_squeeze %dma_wait3A_3033 : memref<1x!tpu.dma_semaphore, #tpu.memory_space<semaphore_mem>> -> memref<!tpu.dma_semaphore, #tpu.memory_space<semaphore_mem>>
    %dma_wait3A_3035 = arith.constant 0 : i32
    %dma_wait3A_3036 = arith.constant 0 : i32
    %dma_wait3A_3037 = tpu.memref_slice %arg5[%add3A_2868, %dma_wait3A_3035, %dma_wait3A_3036] : memref<1024x200x128xf32, #tpu.memory_space<hbm>> -> memref<1x200x64xf32, #tpu.memory_space<hbm>>
    %dma_wait3A_3038 = tpu.memref_squeeze %dma_wait3A_3037 : memref<1x200x64xf32, #tpu.memory_space<hbm>> -> memref<200x64xf32, #tpu.memory_space<hbm>>
    %dma_wait3A_3039 = arith.constant 0 : i32
    %dma_wait3A_3040 = arith.constant 0 : i32
    %dma_wait3A_3041 = tpu.memref_slice %arg7[%dma_wait3A_3023, %dma_wait3A_3039, %dma_wait3A_3040] : memref<6x200x64xf32, #tpu.memory_space<vmem>> -> memref<1x200x64xf32, #tpu.memory_space<vmem>>
    %dma_wait3A_3042 = tpu.memref_squeeze %dma_wait3A_3041 : memref<1x200x64xf32, #tpu.memory_space<vmem>> -> memref<200x64xf32, #tpu.memory_space<vmem>>
    tpu.wait_dma2 semaphore(%dma_wait3A_3034 : memref<!tpu.dma_semaphore, #tpu.memory_space<semaphore_mem>>) src(%dma_wait3A_3042 : memref<200x64xf32, #tpu.memory_space<vmem>>) dst(%dma_wait3A_3038 : memref<200x64xf32, #tpu.memory_space<hbm>>)
    %dma_wait3A_3043 = arith.constant 0 : i32
    %dma_wait3A_3044 = arith.constant 0 : i32
    %dma_wait3A_3045 = arith.constant 0 : i32
    %dma_wait3A_3046 = arith.constant 0 : i32
    %dma_wait3A_3047 = tpu.memref_slice %arg7[%dma_wait3A_3043, %dma_wait3A_3045, %dma_wait3A_3046] : memref<6x200x64xf32, #tpu.memory_space<vmem>> -> memref<1x200x64xf32, #tpu.memory_space<vmem>>
    %dma_wait3A_3048 = tpu.memref_squeeze %dma_wait3A_3047 : memref<1x200x64xf32, #tpu.memory_space<vmem>> -> memref<200x64xf32, #tpu.memory_space<vmem>>
    %dma_wait3A_3049 = arith.constant 0 : i32
    %dma_wait3A_3050 = arith.constant 0 : i32
    %dma_wait3A_3051 = tpu.memref_slice %arg5[%add3A_2905, %dma_wait3A_3049, %dma_wait3A_3050] : memref<1024x200x128xf32, #tpu.memory_space<hbm>> -> memref<1x200x64xf32, #tpu.memory_space<hbm>>
    %dma_wait3A_3052 = tpu.memref_squeeze %dma_wait3A_3051 : memref<1x200x64xf32, #tpu.memory_space<hbm>> -> memref<200x64xf32, #tpu.memory_space<hbm>>
    %dma_wait3A_3053 = tpu.memref_slice %arg12[%dma_wait3A_3044] : memref<6x!tpu.dma_semaphore, #tpu.memory_space<semaphore_mem>> -> memref<1x!tpu.dma_semaphore, #tpu.memory_space<semaphore_mem>>
    %dma_wait3A_3054 = tpu.memref_squeeze %dma_wait3A_3053 : memref<1x!tpu.dma_semaphore, #tpu.memory_space<semaphore_mem>> -> memref<!tpu.dma_semaphore, #tpu.memory_space<semaphore_mem>>
    %dma_wait3A_3055 = arith.constant 0 : i32
    %dma_wait3A_3056 = arith.constant 0 : i32
    %dma_wait3A_3057 = tpu.memref_slice %arg5[%add3A_2905, %dma_wait3A_3055, %dma_wait3A_3056] : memref<1024x200x128xf32, #tpu.memory_space<hbm>> -> memref<1x200x64xf32, #tpu.memory_space<hbm>>
    %dma_wait3A_3058 = tpu.memref_squeeze %dma_wait3A_3057 : memref<1x200x64xf32, #tpu.memory_space<hbm>> -> memref<200x64xf32, #tpu.memory_space<hbm>>
    %dma_wait3A_3059 = arith.constant 0 : i32
    %dma_wait3A_3060 = arith.constant 0 : i32
    %dma_wait3A_3061 = tpu.memref_slice %arg7[%dma_wait3A_3043, %dma_wait3A_3059, %dma_wait3A_3060] : memref<6x200x64xf32, #tpu.memory_space<vmem>> -> memref<1x200x64xf32, #tpu.memory_space<vmem>>
    %dma_wait3A_3062 = tpu.memref_squeeze %dma_wait3A_3061 : memref<1x200x64xf32, #tpu.memory_space<vmem>> -> memref<200x64xf32, #tpu.memory_space<vmem>>
    tpu.wait_dma2 semaphore(%dma_wait3A_3054 : memref<!tpu.dma_semaphore, #tpu.memory_space<semaphore_mem>>) src(%dma_wait3A_3062 : memref<200x64xf32, #tpu.memory_space<vmem>>) dst(%dma_wait3A_3058 : memref<200x64xf32, #tpu.memory_space<hbm>>)
    %dma_wait3A_3063 = arith.constant 1 : i32
    %dma_wait3A_3064 = arith.constant 1 : i32
    %dma_wait3A_3065 = arith.constant 0 : i32
    %dma_wait3A_3066 = arith.constant 0 : i32
    %dma_wait3A_3067 = tpu.memref_slice %arg7[%dma_wait3A_3063, %dma_wait3A_3065, %dma_wait3A_3066] : memref<6x200x64xf32, #tpu.memory_space<vmem>> -> memref<1x200x64xf32, #tpu.memory_space<vmem>>
    %dma_wait3A_3068 = tpu.memref_squeeze %dma_wait3A_3067 : memref<1x200x64xf32, #tpu.memory_space<vmem>> -> memref<200x64xf32, #tpu.memory_space<vmem>>
    %dma_wait3A_3069 = arith.constant 0 : i32
    %dma_wait3A_3070 = arith.constant 0 : i32
    %dma_wait3A_3071 = tpu.memref_slice %arg5[%add3A_2942, %dma_wait3A_3069, %dma_wait3A_3070] : memref<1024x200x128xf32, #tpu.memory_space<hbm>> -> memref<1x200x64xf32, #tpu.memory_space<hbm>>
    %dma_wait3A_3072 = tpu.memref_squeeze %dma_wait3A_3071 : memref<1x200x64xf32, #tpu.memory_space<hbm>> -> memref<200x64xf32, #tpu.memory_space<hbm>>
    %dma_wait3A_3073 = tpu.memref_slice %arg12[%dma_wait3A_3064] : memref<6x!tpu.dma_semaphore, #tpu.memory_space<semaphore_mem>> -> memref<1x!tpu.dma_semaphore, #tpu.memory_space<semaphore_mem>>
    %dma_wait3A_3074 = tpu.memref_squeeze %dma_wait3A_3073 : memref<1x!tpu.dma_semaphore, #tpu.memory_space<semaphore_mem>> -> memref<!tpu.dma_semaphore, #tpu.memory_space<semaphore_mem>>
    %dma_wait3A_3075 = arith.constant 0 : i32
    %dma_wait3A_3076 = arith.constant 0 : i32
    %dma_wait3A_3077 = tpu.memref_slice %arg5[%add3A_2942, %dma_wait3A_3075, %dma_wait3A_3076] : memref<1024x200x128xf32, #tpu.memory_space<hbm>> -> memref<1x200x64xf32, #tpu.memory_space<hbm>>
    %dma_wait3A_3078 = tpu.memref_squeeze %dma_wait3A_3077 : memref<1x200x64xf32, #tpu.memory_space<hbm>> -> memref<200x64xf32, #tpu.memory_space<hbm>>
    %dma_wait3A_3079 = arith.constant 0 : i32
    %dma_wait3A_3080 = arith.constant 0 : i32
    %dma_wait3A_3081 = tpu.memref_slice %arg7[%dma_wait3A_3063, %dma_wait3A_3079, %dma_wait3A_3080] : memref<6x200x64xf32, #tpu.memory_space<vmem>> -> memref<1x200x64xf32, #tpu.memory_space<vmem>>
    %dma_wait3A_3082 = tpu.memref_squeeze %dma_wait3A_3081 : memref<1x200x64xf32, #tpu.memory_space<vmem>> -> memref<200x64xf32, #tpu.memory_space<vmem>>
    tpu.wait_dma2 semaphore(%dma_wait3A_3074 : memref<!tpu.dma_semaphore, #tpu.memory_space<semaphore_mem>>) src(%dma_wait3A_3082 : memref<200x64xf32, #tpu.memory_space<vmem>>) dst(%dma_wait3A_3078 : memref<200x64xf32, #tpu.memory_space<hbm>>)
    return
  }
}

</mosaic_0001>

<sc_bundles>
// kernel: kernel.3.cloned.1.call-start
scs
__scs_entry_jumppad:
0x0: {  	(pc) =	sbr.rel $0x88, $3  }
0x1: {  	(tag) =	ssettag $0x0;
	lr =	simm.s32 $0x1  }
0x2: {  	[smem:$0x3F9F] =	sst lr;
	_ =	strace $0xD0000000  }
0x3: {  	_ = 	snop  }
0x4: {  	_ = 	snop  }
0x5: {  	_ = 	snop  }
0x6: {  	_ = 	snop  }
0x7: {  	_ = 	snop  }
__scs_overlays_trampoline_lowered:
0x8: {  	[smem:$0x3FAE] =	sst s0  }
0x9: {  	[smem:$0x3FAF] =	sst s1  }
0xa: {  	[smem:$0x3FB0] =	sst s2  }
0xb: {  	[smem:$0x3FB1] =	sst s3  }
0xc: {  	[smem:$0x3FB2] =	sst s4  }
0xd: {  	[smem:$0x3FB3] =	sst s5  }
0xe: {  	[smem:$0x3FB4] =	sst s6  }
0xf: {  	[smem:$0x3FB5] =	sst s7  }
0x10: {  	[smem:$0x3FB6] =	sst s8  }
0x11: {  	[smem:$0x3FB7] =	sst s9;
	s0 =	simm.s32 @!p0 $0x0  }
0x12: {  	s1 =	sld [smem:$0x3F9D];
	s0 =	simm.s32 @p0 $0x1  }
0x13: {  	[smem:$0x3FB8] =	sst s0;
	s0 =	simm.s32 @!p1 $0x0  }
0x14: {  	s2 =	sld [smem:$0x3F9C];
	s0 =	simm.s32 @p1 $0x1  }
0x15: {  	[smem:$0x3FB9] =	sst s0;
	s0 =	simm.s32 @!p2 $0x0  }
0x16: {  	s3 =	sld [smem:$0x3FDB];
	s0 =	simm.s32 @p2 $0x1  }
0x17: {  	s4 =	simm.s32 $0x1BF5;
	[smem:$0x3FBB] =	sst s0  }
0x18: {  	s0 =	sld [smem:$0x3F9E];
	_ =	swait.ge [sflag:s4], $0x0  }
0x19: {  	s7 =	sld [smem:$0x3F9F]  }
0x1a: {  	s8 =	sadd.s32 $0xFFFFE003, lr  }
0x1b: {  	s9 =	sadd.s32 $0xFFFFFEF7, lr;
	s5 =	simm.s32 $0xFFFFFFFF;
	p2 =	slt.u32 s8, $0xFFFFF086  }
0x1c: {  	p1 =	slt.u32 s9, $0xF7A;
	s5 =	simm.s32 @!p2 $0x0  }
0x1d: {  	s5 =	simm.s32 @p1 $0x1;
	p0 =	seq.s32 s7, s2  }
0x1e: {  	s7 =	smul.u32 @!p0 $0xF7A, s2;
	p2 =	seq.s32 @!p0 s5, $0x0  }
0x1f: {  	s9 =	smul.u32 $0xF7A, s1;
	s8 =	simm.s32 @!p0 $0x1BF5;
	p2 =	por !p2, p0  }
0x20: {  	[sflag:s8] =	ssyncset.s32 @!p0 $0xFFFFF086;
	s6 =	sadd.s32 @!p0 s3, s7;
	s7 =	simm.s32 @!p0 $0x108  }
0x21: {  	s3 =	sadd.s32 s3, s9;
	s6 =	sadd.s32 @!p0 $0x88, s6;
	s7 =	simm.s32 @p2 $0x1082  }
0x22: {  	[simem:s7], [sflag:s8] =	dma.local @!p0 [hbm:s6], $0xF7A  }
0x23: {  	s9 =	sor.u32 $0xD0000000, s2;
	s6 =	simm.s32 $0x108;
	_ =	swait.ge @!p0 [sflag:s8], $0x0  }
0x24: {  	s3 =	sadd.s32 $0x88, s3;
	s6 =	simm.s32 @!p1 $0x1082;
	[sflag:s4] =	ssyncset.s32 $0xFFFFF086  }
0x25: {  	[simem:s6], [sflag:s4] =	dma.local [hbm:s3], $0xF7A  }
0x26: {  	[smem:$0x3F9F] =	sst s1;
	(tag) =	ssettag s2;
	_ =	strace s9  }
0x27: {  	s1 =	sld [smem:$0x3FAF]  }
0x28: {  	s2 =	sld [smem:$0x3FB0]  }
0x29: {  	s4 =	sld [smem:$0x3FB2]  }
0x2a: {  	p0 =	seq.s32 s5, $0x0;
	s5 =	sld [smem:$0x3FB3]  }
0x2b: {  	s6 =	sld [smem:$0x3FB4]  }
0x2c: {  	s7 =	sld [smem:$0x3FB5]  }
0x2d: {  	s3 =	simm.s32 $0x108;
	s8 =	sld [smem:$0x3FB6]  }
0x2e: {  	s3 =	simm.s32 @!p0 $0x1082;
	s9 =	sld [smem:$0x3FB7]  }
0x2f: {  	lr =	sadd.s32 s0, s3;
	s0 =	sld [smem:$0x3FAE]  }
0x30: {  	s3 =	sld [smem:$0x3FB1]  }
0x31: {  	[smem:$0x3FBA] =	sst s10  }
0x32: {  	s10 =	sld [smem:$0x3FB8];
	_ =	sdelay $0x3  }
0x33: {  	p0 =	seq.s32 s10, $0x1;
	s10 =	sld [smem:$0x3FBA];
	_ =	sdelay $0x3  }
0x34: {  	[smem:$0x3FBA] =	sst s10  }
0x35: {  	s10 =	sld [smem:$0x3FB9];
	_ =	sdelay $0x3  }
0x36: {  	p1 =	seq.s32 s10, $0x1;
	s10 =	sld [smem:$0x3FBA];
	_ =	sdelay $0x3  }
0x37: {  	[smem:$0x3FBA] =	sst s10  }
0x38: {  	s10 =	sld [smem:$0x3FBB]  }
0x39: {  	_ = 	snop;
	(pc) =	sbr.ind lr, $3  }
0x3a: {  	_ = 	snop  }
0x3b: {  	_ = 	snop  }
0x3c: {  	p2 =	seq.s32 s10, $0x1;
	s10 =	sld [smem:$0x3FBA]  }
0x3d: {  	_ =	shalt  }
0x3e: {  	_ =	shalt  }
0x3f: {  	_ =	shalt  }
0x40: {  	_ =	shalt  }
0x41: {  	_ =	shalt  }
0x42: {  	_ =	shalt  }
0x43: {  	_ =	shalt  }
0x44: {  	_ =	shalt  }
0x45: {  	_ =	shalt  }
0x46: {  	_ =	shalt  }
0x47: {  	_ =	shalt  }
0x48: {  	_ =	shalt  }
0x49: {  	_ =	shalt  }
0x4a: {  	_ =	shalt  }
0x4b: {  	_ =	shalt  }
0x4c: {  	_ =	shalt  }
0x4d: {  	_ =	shalt  }
0x4e: {  	_ =	shalt  }
0x4f: {  	_ =	shalt  }
0x50: {  	_ =	shalt  }
0x51: {  	_ =	shalt  }
0x52: {  	_ =	shalt  }
0x53: {  	_ =	shalt  }
0x54: {  	_ =	shalt  }
0x55: {  	_ =	shalt  }
0x56: {  	_ =	shalt  }
0x57: {  	_ =	shalt  }
0x58: {  	_ =	shalt  }
0x59: {  	_ =	shalt  }
0x5a: {  	_ =	shalt  }
0x5b: {  	_ =	shalt  }
0x5c: {  	_ =	shalt  }
0x5d: {  	_ =	shalt  }
0x5e: {  	_ =	shalt  }
0x5f: {  	_ =	shalt  }
0x60: {  	_ =	shalt  }
0x61: {  	_ =	shalt  }
0x62: {  	_ =	shalt  }
0x63: {  	_ =	shalt  }
0x64: {  	_ =	shalt  }
0x65: {  	_ =	shalt  }
0x66: {  	_ =	shalt  }
0x67: {  	_ =	shalt  }
0x68: {  	_ =	shalt  }
0x69: {  	_ =	shalt  }
0x6a: {  	_ =	shalt  }
0x6b: {  	_ =	shalt  }
0x6c: {  	_ =	shalt  }
0x6d: {  	_ =	shalt  }
0x6e: {  	_ =	shalt  }
0x6f: {  	_ =	shalt  }
0x70: {  	_ =	shalt  }
0x71: {  	_ =	shalt  }
0x72: {  	_ =	shalt  }
0x73: {  	_ =	shalt  }
0x74: {  	_ =	shalt  }
0x75: {  	_ =	shalt  }
0x76: {  	_ =	shalt  }
0x77: {  	_ =	shalt  }
0x78: {  	_ =	shalt  }
0x79: {  	_ =	shalt  }
0x7a: {  	_ =	shalt  }
0x7b: {  	_ =	shalt  }
0x7c: {  	_ =	shalt  }
0x7d: {  	_ =	shalt  }
0x7e: {  	_ =	shalt  }
0x7f: {  	_ =	shalt  }
0x80: {  	_ =	shalt  }
0x81: {  	_ =	shalt  }
0x82: {  	_ =	shalt  }
0x83: {  	_ =	shalt  }
0x84: {  	_ =	shalt  }
0x85: {  	_ =	shalt  }
0x86: {  	_ =	shalt  }
0x87: {  	_ =	shalt  }
.Lfunc_end0:
.L_simem_size_0:
called_computation.1_lowered:
.L_overlay_start_0:
0x88: {  	s2 =	sld [smem:$0x3FD9]  }
0x89: {  	s3 =	sld [smem:$0x3FFE];
	_ =	sdelay $0x1  }
0x8a: {  	s1 =	srdreg.scid  }
0x8b: {  	s0 =	sand.u32 $0x1, s1  }
0x8c: {  	s16 =	sshll.u32 s0, $0xA;
	s2 =	sadd.s32 s3, s2  }
0x8d: {  	s2 =	sadd.s32 s2, s16  }
0x8e: {  	[smem:$0x3FC6] =	sst s2  }
0x8f: {  	_ = 	snop  }
0x90: {  	(tm) =	ssettm $0x1  }
0x91: {  	s17 =	sld [smem:$0x3FFB];
	_ =	sdelay $0x3  }
0x92: {  	_ =	strace s17  }
0x93: {  	s2 =	sld [smem:$0x3FFC];
	_ =	sdelay $0x3  }
0x94: {  	_ =	strace s2  }
0x95: {  	s2 =	sld [smem:$0x3FFD];
	_ =	sdelay $0x3  }
0x96: {  	_ =	strace s2  }
0x97: {  	_ =	strace $0x8FFFFFFF  }
0x98: {  	s18 =	sld [smem:$0x3FDB];
	_ =	sdelay $0x1  }
0x99: {  	s19 =	simm.s32 $_scs_section_size  }
0x9a: {  	s4 =	simm.s32 $_size__tile_overlayer_lowered;
	s5 =	simm.s32 $_tile_overlayer_lowered  }
0x9b: {  	s22 =	simm.s32 $0x1BFF;
	s21 =	sshll.u32 s5, $0x1;
	s2 =	sadd.s32 s19, s18  }
0x9c: {  	s6 =	simm.s32 $0x0;
	s20 =	sshll.u32 s4, $0x1;
	s4 =	sadd.s32 s21, s2  }
0x9d: {  	[timem:s6], [sflag:s22] =	dma.local [hbm:s4], s20  }
0x9e: {  	_ =	swait.ge [sflag:s22], s20  }
0x9f: {  	s3 =	ssub.s32 $0x0, s20;
	[sflag:s22] =	ssyncset.done $0x0  }
0xa0: {  	[sflag:s22] =	ssyncadd.s32 s3;
	_ =	sdelay $0x1  }
0xa1: {  	s23 =	simm.s32 $0x1B8B  }
0xa2: {  	_ =	swait.ge [sflag:s23], $0x1  }
0xa3: {  	[sflag:s23] =	ssyncset.done $0x0  }
0xa4: {  	s25 =	simm.s32 $0x1B8E;
	s24 =	sld [smem:$0x3FFE];
	[sflag:s23] =	ssyncadd.s32 $0xFFFFFFFF  }
0xa5: {  	s26 =	simm.s32 $execute0_lowered;
	[smem:$0x3FD2] =	sst s25  }
0xa6: {  	s4 =	sshll.u32 s26, $0x1;
	_ =	strace $0x80000046;
	[dreg:$0x1] =	wrdreg $0xFFFFFFFF  }
0xa7: {  	s28 =	simm.s32 $_size_execute0_lowered;
	s2 =	sadd.s32 s2, s4;
	[dreg:$0x0] =	wrdreg $0x0  }
0xa8: {  	s4 =	sshll.u32 s28, $0x1;
	[dreg:$0x2] =	wrdreg s2  }
0xa9: {  	[dreg:$0x3] =	wrdreg s4  }
0xaa: {  	[dreg:$0x4] =	wrdreg $0xC0  }
0xab: {  	_ =	task [dreg:s6], $0x5FFFF  }
0xac: {  	[dreg:$0x1] =	wrdreg $0xFFFFFFFF  }
0xad: {  	[dreg:$0x0] =	wrdreg $0x60  }
0xae: {  	[dreg:$0x2] =	wrdreg s24  }
0xaf: {  	[dreg:$0x3] =	wrdreg $0x145000  }
0xb0: {  	[dreg:$0x4] =	wrdreg $0x9  }
0xb1: {  	_ =	task.clear_ibuf [dreg:s6], $0x5FFFF;
	_ =	strace $0x90000046  }
0xb2: {  	s29 =	simm.s32 $0x9;
	_ =	strace $0x80000048  }
0xb3: {  	_ =	swait.ge [sflag:s29], $0x1  }
0xb4: {  	[sflag:s29] =	ssyncadd.s32 $0xFFFFFFFF  }
0xb5: {  	_ =	strace $0x90000048  }
0xb6: {  	_ =	sfence  }
0xb7: {  	s30 =	sld [smem:$0x0];
	_ =	sdelay $0x2  }
0xb8: {  	s31 =	sshll.u32 s1, $0xD;
	s1 =	sshrl.u32 s1, $0x2  }
0xb9: {  	s3 =	sand.u32 $0x4000, s31;
	s1 =	sadd.s32 s1, s30  }
0xba: {  	s0 =	sor.u32 s3, s0;
	s1 =	sshll.u32 s1, $0x11  }
0xbb: {  	s0 =	sor.u32 s1, s0  }
0xbc: {  	s0 =	sadd.s32 $0x8F2B, s0  }
0xbd: {  	[sflag:s0] =	ssyncadd.remote.s32 $0x1  }
0xbe: {  	_ =	sfence.sel $0xFFFF  }
0xbf: {  	[dreg:$0x0] =	wrdreg $0xFFFFFFFF;
	(pc) =	sbr.abs _section_cstart, $3  }
0xc0: {  	[dreg:$0x1] =	wrdreg $0xFFFFFFFF  }
0xc1: {  	_ =	task.clear_ibuf [dreg:s6], $0x2FFFF;
	_ =	strace $0x9FFFFFFF  }
0xc2: {  	(tm) =	ssettm $0x7FFFFFFF  }
0xc3: {  	_ =	shalt  }
tec
execute0_lowered:
.L_overlay_start_1:
0x0: {  	(tag) =	ssettag $0x1  }
0x1: {  	s1 =	srdreg.scid  }
0x2: {  	s0 =	stileid.u32;
	s3 =	sand.u32 $0x1, s1  }
0x3: {  	s4 =	sshll.u32 s0, $0x6;
	s5 =	sshll.u32 s3, $0x5  }
0x4: {  	s2 =	rddreg [dreg:$0x0];
	s4 =	sor.u32 s5, s4  }
0x5: {  	s6 =	simm.s32 $0x0;
	s1 =	rddreg [dreg:$0x1];
	s5 =	smul.u32 $0x19, s4  }
0x6: {  	[smem:$0x7FF] =	sst s6;
	s7 =	sadd.s32 $0x800, s2;
	s24 =	smul.u32 $0xC80, s4  }
0x7: {  	s25 =	sadd.s32 $0xCAA00, s2;
	_ =	strace $0x80000047;
	s4 =	smul.u32 $0x6400, s4  }
0x8: {  	[dreg:$0x3] =	wrdreg s7;
	s5 =	sadd.s32 s5, s2;
	s6 =	sadd.s32 s25, s24  }
0x9: {  	s4 =	sshrl.u32 s4, $0x3;
	s5 =	sadd.s32 $0x1000, s5;
	[smem:$0x7D9] =	sst s6  }
0xa: {  	s26 =	sadd.s32 $0xC80, s6;
	s4 =	sadd.s32 s25, s4;
	[dreg:$0x4] =	wrdreg s5  }
0xb: {  	[dreg:$0x5] =	wrdreg s26;
	s31 =	sadd.s32 $0x1900, s4  }
0xc: {  	s6 =	sadd.s32 $0x2580, s4;
	[dreg:$0x6] =	wrdreg s31  }
0xd: {  	s7 =	sadd.s32 $0x3200, s4;
	[dreg:$0x7] =	wrdreg s6  }
0xe: {  	s8 =	sadd.s32 $0x3E80, s4;
	[dreg:$0x8] =	wrdreg s7  }
0xf: {  	s9 =	sadd.s32 $0x4B00, s4;
	[dreg:$0x9] =	wrdreg s8  }
0x10: {  	s10 =	sadd.s32 $0x5780, s4;
	[dreg:$0xa] =	wrdreg s9  }
0x11: {  	s11 =	sadd.s32 $0x6400, s4;
	[dreg:$0xb] =	wrdreg s10  }
0x12: {  	s12 =	sadd.s32 $0x7080, s4;
	[dreg:$0xc] =	wrdreg s11  }
0x13: {  	s13 =	sadd.s32 $0x7D00, s4;
	[dreg:$0xd] =	wrdreg s12  }
0x14: {  	s14 =	sadd.s32 $0x8980, s4;
	[dreg:$0xe] =	wrdreg s13  }
0x15: {  	s15 =	sadd.s32 $0x9600, s4;
	[dreg:$0xf] =	wrdreg s14  }
0x16: {  	s16 =	sadd.s32 $0xA280, s4;
	[dreg:$0x10] =	wrdreg s15  }
0x17: {  	s17 =	sadd.s32 $0xAF00, s4;
	[dreg:$0x11] =	wrdreg s16  }
0x18: {  	s18 =	sadd.s32 $0xBB80, s4;
	[dreg:$0x12] =	wrdreg s17  }
0x19: {  	s19 =	sadd.s32 $0xC800, s4;
	[dreg:$0x13] =	wrdreg s18  }
0x1a: {  	s20 =	sadd.s32 $0xD480, s4;
	[dreg:$0x14] =	wrdreg s19  }
0x1b: {  	s21 =	sadd.s32 $0xE100, s4;
	[dreg:$0x15] =	wrdreg s20  }
0x1c: {  	s22 =	sadd.s32 $0xED80, s4;
	[dreg:$0x16] =	wrdreg s21  }
0x1d: {  	s23 =	sadd.s32 $0xFA00, s4;
	[dreg:$0x17] =	wrdreg s22  }
0x1e: {  	s24 =	sadd.s32 $0x10680, s4;
	[dreg:$0x18] =	wrdreg s23  }
0x1f: {  	s25 =	sadd.s32 $0x11300, s4;
	[dreg:$0x19] =	wrdreg s24  }
0x20: {  	s26 =	sadd.s32 $0x11F80, s4;
	[dreg:$0x1a] =	wrdreg s25  }
0x21: {  	[dreg:$0x1b] =	wrdreg s26  }
0x22: {  	p0 =	sne.s32 s0, $0x0;
	s31 =	sadd.s32 $0x12C00, s4;
	s0 =	rddreg [dreg:$0x4]  }
0x23: {  	s6 =	sadd.s32 $0x13880, s4;
	[dreg:$0x1c] =	wrdreg s31  }
0x24: {  	s7 =	sadd.s32 $0x14500, s4;
	[dreg:$0x1d] =	wrdreg s6  }
0x25: {  	s8 =	sadd.s32 $0x15180, s4;
	[dreg:$0x1e] =	wrdreg s7  }
0x26: {  	s9 =	sadd.s32 $0x15E00, s4;
	[dreg:$0x1f] =	wrdreg s8  }
0x27: {  	s10 =	sadd.s32 $0x16A80, s4;
	[smem:$0x7DA] =	sst s9  }
0x28: {  	s11 =	sadd.s32 $0x17700, s4;
	[smem:$0x7DB] =	sst s10  }
0x29: {  	s4 =	sadd.s32 $0x18380, s4;
	[smem:$0x7DC] =	sst s11  }
0x2a: {  	s12 =	simm.s32 $0x190;
	[smem:$0x7DD] =	sst s4  }
0x2b: {  	s13 =	simm.s32 $0x258;
	[smem:$0x7DE] =	sst s12  }
0x2c: {  	s14 =	simm.s32 $0x320;
	[smem:$0x7DF] =	sst s13  }
0x2d: {  	s15 =	simm.s32 $0x3E8;
	[smem:$0x7E0] =	sst s14  }
0x2e: {  	s16 =	simm.s32 $0x4B0;
	[smem:$0x7E1] =	sst s15  }
0x2f: {  	s17 =	simm.s32 $0x578;
	[smem:$0x7E2] =	sst s16  }
0x30: {  	s30 =	simm.s32 $0x4;
	s18 =	simm.s32 $0x640;
	[smem:$0x7E3] =	sst s17  }
0x31: {  	s28 =	simm.s32 $0x5;
	s20 =	simm.s32 $0x708;
	[smem:$0x7E4] =	sst s18  }
0x32: {  	s29 =	simm.s32 $0x6;
	s21 =	simm.s32 $0x7D0;
	[smem:$0x7E5] =	sst s20  }
0x33: {  	p1 =	por $0x0, $0x0;
	s22 =	simm.s32 $0x898;
	[smem:$0x7E6] =	sst s21  }
0x34: {  	s3 =	ssub.s32 $0x2, s3;
	s23 =	simm.s32 $0x960;
	[smem:$0x7E7] =	sst s22  }
0x35: {  	s2 =	sadd.s32 $0x7400, s2;
	s24 =	simm.s32 $0xA28;
	[smem:$0x7E8] =	sst s23  }
0x36: {  	s5 =	simm.s32 $0xC8;
	s25 =	simm.s32 $0xAF0;
	[smem:$0x7E9] =	sst s24  }
0x37: {  	s19 =	sshrl.u32 s3, $0x1;
	s26 =	simm.s32 $0xBB8;
	[smem:$0x7EA] =	sst s25  }
0x38: {  	s3 =	ssub.s32 s3, s19;
	[smem:$0x7EB] =	sst s26;
	s31 =	simm.s32 $0xC80  }
0x39: {  	s4 =	simm.s32 $0x1900;
	s6 =	simm.s32 $0xD48;
	[smem:$0x7EC] =	sst s31  }
0x3a: {  	s11 =	simm.s32 $0x2;
	s7 =	simm.s32 $0xE10;
	[smem:$0x7ED] =	sst s6  }
0x3b: {  	s17 =	simm.s32 $0x7D00;
	s9 =	simm.s32 $0xED8;
	[smem:$0x7EE] =	sst s7  }
0x3c: {  	s8 =	simm.s32 $0x3;
	s10 =	simm.s32 $0xFA0;
	[smem:$0x7EF] =	sst s9  }
0x3d: {  	s14 =	simm.s32 $0xAF00;
	s12 =	simm.s32 $0x1068;
	[smem:$0x7F0] =	sst s10  }
0x3e: {  	s15 =	simm.s32 $0x1130;
	s16 =	simm.s32 $0x11F8;
	[smem:$0x7F1] =	sst s12  }
0x3f: {  	s18 =	simm.s32 $0x12C0;
	s19 =	simm.s32 $0x1388;
	[smem:$0x7F2] =	sst s15  }
0x40: {  	s20 =	simm.s32 $0x1450;
	s21 =	simm.s32 $0x1518;
	[smem:$0x7F3] =	sst s16  }
0x41: {  	s22 =	simm.s32 $0x15E0;
	s23 =	simm.s32 $0x16A8;
	[smem:$0x7F4] =	sst s18  }
0x42: {  	s24 =	simm.s32 $0x1770;
	s26 =	simm.s32 $0x7;
	[smem:$0x7F5] =	sst s19  }
0x43: {  	s25 =	simm.s32 $0x1838;
	s13 =	smax.u32 s3, $0x1;
	[smem:$0x7F6] =	sst s20  }
0x44: {  	s3 =	simm.s32 $0x4B00;
	s9 =	simm.s32 $0x8;
	[smem:$0x7F7] =	sst s21  }
0x45: {  	s6 =	simm.s32 $0x40;
	s10 =	simm.s32 $0x80;
	[smem:$0x7F8] =	sst s22  }
0x46: {  	s16 =	simm.s32 $0x11300;
	[smem:$0x7F9] =	sst s23;
	s31 =	sadd.s32 $0xFFFFFFFF, s13  }
0x47: {  	s15 =	simm.s32 $0x9;
	[smem:$0x7FA] =	sst s24;
	p2 =	sne.s32 s31, $0x0  }
.Ltmp0:
0x48: {  	s7 =	simm.s32 $0xE;
	[smem:$0x7FB] =	sst s25;
	(pc) =	sbr.rel @!p2 .LBB2_3-.Ltmp0, $4  }
0x49: {  	s25 =	simm.s32 $0xA;
	s24 =	simm.s32 $0xB;
	s21 =	simm.s32 $0x10  }
0x4a: {  	s23 =	simm.s32 $0xC;
	s20 =	simm.s32 $0x11;
	s12 =	sshrl.u32 @!p0 s1, $0x3  }
0x4b: {  	s22 =	simm.s32 $0xD;
	s19 =	simm.s32 $0x12;
	[smem:$0x7FD] =	sst s12  }
0x4c: {  	s18 =	simm.s32 $0x13;
	s13 =	simm.s32 $0xF;
	[smem:$0x7FC] =	sst s31  }
0x4d: {  	s12 =	simm.s32 $0x0  }
0x4e: {  	[tilespmem:s12], [sflag:$0x1] =	stream.linear.gather [hbm4b:s0+s12], $0x1900, $0x38;
	[tilespmem:$0x14820] =	vst v63  }
0x4f: {  	s0 =	sld [smem:$0x7FD];
	_ =	sdelay $0x1  }
0x50: {  	s31 =	rddreg [dreg:$0x3];
	s16 =	simm.s32 @!p0 $0x1C14;
	s12 =	simm.s32 @!p0 $0x14  }
0x51: {  	[spmem:s0], [sflag:s16] =	dma.local @!p0 [hbm:s31], $0x640  }
0x52: {  	_ =	swait.ge @!p0 [sflag:s12], $0x640  }
0x53: {  	[sflag:s12] =	ssyncset.done @!p0 $0x0  }
0x54: {  	[sflag:s12] =	ssyncadd.s32 @!p0 $0xFFFFF9C0  }
0x55: {  	[bflag:$0x0] =	sbarrier.arrive $0xFFFF  }
0x56: {  	[tilespmem:s4], [sflag:$0x2] =	stream.linear.gather [spmem:s1], $0x3200, $0x38;
	[tilespmem:$0x14820] =	vst v63  }
0x57: {  	s12 =	simm.s32 $0x1  }
0x58: {  	[tilespmem:s3], [sflag:$0x3] =	stream.linear.gather [spmem:s1], $0x3200, $0x38;
	[tilespmem:$0x14820] =	vst v63  }
0x59: {  	_ =	swait.ge [sflag:s12], $0x1900  }
0x5a: {  	[sflag:s12] =	ssyncset.done $0x0  }
0x5b: {  	[sflag:s12] =	ssyncadd.s32 $0xFFFFE700  }
0x5c: {  	_ =	swait.ge [sflag:s11], $0x3200  }
0x5d: {  	[sflag:s11] =	ssyncset.done $0x0  }
0x5e: {  	s12 =	simm.s32 $0x0;
	[sflag:s11] =	ssyncadd.s32 $0xFFFFCE00  }
0x5f: {  	[tilespmem:s4], [sflag:$0x8] =	stream.indirect.gather.add.f32 [hbm:s2], $0x40, s12, s5, $0xb8;
	[tilespmem:$0x14820] =	vst v63  }
0x60: {  	_ = 	snop  }
0x61: {  	[tilespmem:s17], [sflag:$0x4] =	stream.linear.gather [spmem:s1], $0x3200, $0x38;
	[tilespmem:$0x14820] =	vst v63  }
0x62: {  	_ =	swait.ge [sflag:s8], $0x3200  }
0x63: {  	[sflag:s8] =	ssyncset.done $0x0  }
0x64: {  	[sflag:s8] =	ssyncadd.s32 $0xFFFFCE00  }
0x65: {  	[tilespmem:s3], [sflag:$0x9] =	stream.indirect.gather.add.f32 [hbm:s2], $0x40, s5, s5, $0xb8;
	[tilespmem:$0x14820] =	vst v63  }
0x66: {  	_ = 	snop  }
0x67: {  	[tilespmem:s14], [sflag:$0x5] =	stream.linear.gather [spmem:s1], $0x3200, $0x38;
	[tilespmem:$0x14820] =	vst v63  }
0x68: {  	_ =	swait.ge [sflag:s30], $0x3200  }
0x69: {  	s12 =	sld [smem:$0x7DE]  }
0x6a: {  	[sflag:s30] =	ssyncset.done $0x0  }
0x6b: {  	[sflag:s30] =	ssyncadd.s32 $0xFFFFCE00  }
0x6c: {  	[tilespmem:s17], [sflag:$0xA] =	stream.indirect.gather.add.f32 [hbm:s2], $0x40, s12, s5, $0xb8;
	[tilespmem:$0x14820] =	vst v63  }
0x6d: {  	s12 =	simm.s32 $0xE100  }
0x6e: {  	[tilespmem:s12], [sflag:$0x6] =	stream.linear.gather [spmem:s1], $0x3200, $0x38;
	[tilespmem:$0x14820] =	vst v63  }
0x6f: {  	_ =	swait.ge [sflag:s28], $0x3200  }
0x70: {  	s0 =	sld [smem:$0x7DF]  }
0x71: {  	[sflag:s28] =	ssyncset.done $0x0  }
0x72: {  	[sflag:s28] =	ssyncadd.s32 $0xFFFFCE00  }
0x73: {  	[tilespmem:s14], [sflag:$0xB] =	stream.indirect.gather.add.f32 [hbm:s2], $0x40, s0, s5, $0xb8;
	[tilespmem:$0x14820] =	vst v63  }
0x74: {  	_ =	swait.ge [sflag:s9], $0x3200  }
0x75: {  	s0 =	sld [smem:$0x7D9]  }
0x76: {  	[sflag:s9] =	ssyncset.done $0x0  }
0x77: {  	[sflag:s9] =	ssyncadd.s32 $0xFFFFCE00  }
0x78: {  	[hbm4b:s0+s6] =	stream.strided.scatter [tilespmem:s4], [sflag:$0xE], $0x3200, s10, s6, $0x38;
	[tilespmem:$0x14820] =	vst v63  }
0x79: {  	s16 =	simm.s32 $0x11300  }
0x7a: {  	[tilespmem:s16], [sflag:$0x7] =	stream.linear.gather [spmem:s1], $0x3200, $0x38;
	[tilespmem:$0x14820] =	vst v63  }
0x7b: {  	_ =	swait.ge [sflag:s29], $0x3200  }
0x7c: {  	s0 =	sld [smem:$0x7E0]  }
0x7d: {  	[sflag:s29] =	ssyncset.done $0x0  }
0x7e: {  	[sflag:s29] =	ssyncadd.s32 $0xFFFFCE00  }
0x7f: {  	[tilespmem:s12], [sflag:$0xC] =	stream.indirect.gather.add.f32 [hbm:s2], $0x40, s0, s5, $0xb8;
	[tilespmem:$0x14820] =	vst v63  }
0x80: {  	_ =	swait.ge [sflag:s15], $0x3200  }
0x81: {  	[sflag:s15] =	ssyncset.done $0x0  }
0x82: {  	s0 =	rddreg [dreg:$0x5];
	[sflag:s15] =	ssyncadd.s32 $0xFFFFCE00  }
0x83: {  	[hbm4b:s0+s6] =	stream.strided.scatter [tilespmem:s3], [sflag:$0xF], $0x3200, s10, s6, $0x38;
	[tilespmem:$0x14820] =	vst v63  }
0x84: {  	_ =	swait.ge [sflag:s7], $0x3200  }
0x85: {  	[sflag:s7] =	ssyncset.done $0x0  }
0x86: {  	[sflag:s7] =	ssyncadd.s32 $0xFFFFCE00  }
0x87: {  	[tilespmem:s4], [sflag:$0x2] =	stream.linear.gather [spmem:s1], $0x3200, $0x38;
	[tilespmem:$0x14820] =	vst v63  }
0x88: {  	_ =	swait.ge [sflag:s26], $0x3200  }
0x89: {  	s0 =	sld [smem:$0x7E1]  }
0x8a: {  	[sflag:s26] =	ssyncset.done $0x0  }
0x8b: {  	[sflag:s26] =	ssyncadd.s32 $0xFFFFCE00  }
0x8c: {  	[tilespmem:s16], [sflag:$0xD] =	stream.indirect.gather.add.f32 [hbm:s2], $0x40, s0, s5, $0xb8;
	[tilespmem:$0x14820] =	vst v63  }
0x8d: {  	_ =	swait.ge [sflag:s25], $0x3200  }
0x8e: {  	[sflag:s25] =	ssyncset.done $0x0  }
0x8f: {  	s0 =	rddreg [dreg:$0x6];
	[sflag:s25] =	ssyncadd.s32 $0xFFFFCE00  }
0x90: {  	[hbm4b:s0+s6] =	stream.strided.scatter [tilespmem:s17], [sflag:$0x10], $0x3200, s10, s6, $0x38;
	[tilespmem:$0x14820] =	vst v63  }
0x91: {  	_ =	swait.ge [sflag:s13], $0x3200  }
0x92: {  	[sflag:s13] =	ssyncset.done $0x0  }
0x93: {  	[sflag:s13] =	ssyncadd.s32 $0xFFFFCE00  }
0x94: {  	[tilespmem:s3], [sflag:$0x3] =	stream.linear.gather [spmem:s1], $0x3200, $0x38;
	[tilespmem:$0x14820] =	vst v63  }
0x95: {  	_ =	swait.ge [sflag:s11], $0x3200  }
0x96: {  	s0 =	sld [smem:$0x7E2]  }
0x97: {  	[sflag:s11] =	ssyncset.done $0x0  }
0x98: {  	[sflag:s11] =	ssyncadd.s32 $0xFFFFCE00  }
0x99: {  	[tilespmem:s4], [sflag:$0x8] =	stream.indirect.gather.add.f32 [hbm:s2], $0x40, s0, s5, $0xb8;
	[tilespmem:$0x14820] =	vst v63  }
0x9a: {  	_ =	swait.ge [sflag:s24], $0x3200  }
0x9b: {  	[sflag:s24] =	ssyncset.done $0x0  }
0x9c: {  	s0 =	rddreg [dreg:$0x7];
	[sflag:s24] =	ssyncadd.s32 $0xFFFFCE00  }
0x9d: {  	[hbm4b:s0+s6] =	stream.strided.scatter [tilespmem:s14], [sflag:$0x11], $0x3200, s10, s6, $0x38;
	[tilespmem:$0x14820] =	vst v63  }
0x9e: {  	_ =	swait.ge [sflag:s21], $0x3200  }
0x9f: {  	[sflag:s21] =	ssyncset.done $0x0  }
0xa0: {  	[sflag:s21] =	ssyncadd.s32 $0xFFFFCE00  }
0xa1: {  	[tilespmem:s17], [sflag:$0x4] =	stream.linear.gather [spmem:s1], $0x3200, $0x38;
	[tilespmem:$0x14820] =	vst v63  }
0xa2: {  	_ =	swait.ge [sflag:s8], $0x3200  }
0xa3: {  	s0 =	sld [smem:$0x7E3]  }
0xa4: {  	[sflag:s8] =	ssyncset.done $0x0  }
0xa5: {  	[sflag:s8] =	ssyncadd.s32 $0xFFFFCE00  }
0xa6: {  	[tilespmem:s3], [sflag:$0x9] =	stream.indirect.gather.add.f32 [hbm:s2], $0x40, s0, s5, $0xb8;
	[tilespmem:$0x14820] =	vst v63  }
0xa7: {  	_ =	swait.ge [sflag:s23], $0x3200  }
0xa8: {  	[sflag:s23] =	ssyncset.done $0x0  }
0xa9: {  	s0 =	rddreg [dreg:$0x8];
	[sflag:s23] =	ssyncadd.s32 $0xFFFFCE00  }
0xaa: {  	[hbm4b:s0+s6] =	stream.strided.scatter [tilespmem:s12], [sflag:$0x12], $0x3200, s10, s6, $0x38;
	[tilespmem:$0x14820] =	vst v63  }
0xab: {  	_ =	swait.ge [sflag:s20], $0x3200  }
0xac: {  	[sflag:s20] =	ssyncset.done $0x0  }
0xad: {  	[sflag:s20] =	ssyncadd.s32 $0xFFFFCE00  }
0xae: {  	[tilespmem:s14], [sflag:$0x5] =	stream.linear.gather [spmem:s1], $0x3200, $0x38;
	[tilespmem:$0x14820] =	vst v63  }
0xaf: {  	_ =	swait.ge [sflag:s30], $0x3200  }
0xb0: {  	s0 =	sld [smem:$0x7E4]  }
0xb1: {  	[sflag:s30] =	ssyncset.done $0x0  }
0xb2: {  	[sflag:s30] =	ssyncadd.s32 $0xFFFFCE00  }
0xb3: {  	[tilespmem:s17], [sflag:$0xA] =	stream.indirect.gather.add.f32 [hbm:s2], $0x40, s0, s5, $0xb8;
	[tilespmem:$0x14820] =	vst v63  }
0xb4: {  	_ =	swait.ge [sflag:s22], $0x3200  }
0xb5: {  	[sflag:s22] =	ssyncset.done $0x0  }
0xb6: {  	s0 =	rddreg [dreg:$0x9];
	[sflag:s22] =	ssyncadd.s32 $0xFFFFCE00  }
0xb7: {  	[hbm4b:s0+s6] =	stream.strided.scatter [tilespmem:s16], [sflag:$0x13], $0x3200, s10, s6, $0x38;
	[tilespmem:$0x14820] =	vst v63  }
0xb8: {  	_ =	swait.ge [sflag:s19], $0x3200  }
0xb9: {  	[sflag:s19] =	ssyncset.done $0x0  }
0xba: {  	[sflag:s19] =	ssyncadd.s32 $0xFFFFCE00  }
0xbb: {  	[tilespmem:s12], [sflag:$0x6] =	stream.linear.gather [spmem:s1], $0x3200, $0x38;
	[tilespmem:$0x14820] =	vst v63  }
0xbc: {  	_ =	swait.ge [sflag:s28], $0x3200  }
0xbd: {  	s0 =	sld [smem:$0x7E5]  }
0xbe: {  	[sflag:s28] =	ssyncset.done $0x0  }
0xbf: {  	[sflag:s28] =	ssyncadd.s32 $0xFFFFCE00  }
0xc0: {  	[tilespmem:s14], [sflag:$0xB] =	stream.indirect.gather.add.f32 [hbm:s2], $0x40, s0, s5, $0xb8;
	[tilespmem:$0x14820] =	vst v63  }
0xc1: {  	_ =	swait.ge [sflag:s9], $0x3200  }
0xc2: {  	[sflag:s9] =	ssyncset.done $0x0  }
0xc3: {  	s0 =	rddreg [dreg:$0xa];
	[sflag:s9] =	ssyncadd.s32 $0xFFFFCE00  }
0xc4: {  	[hbm4b:s0+s6] =	stream.strided.scatter [tilespmem:s4], [sflag:$0xE], $0x3200, s10, s6, $0x38;
	[tilespmem:$0x14820] =	vst v63  }
0xc5: {  	_ =	swait.ge [sflag:s18], $0x3200  }
0xc6: {  	[sflag:s18] =	ssyncset.done $0x0  }
0xc7: {  	[sflag:s18] =	ssyncadd.s32 $0xFFFFCE00  }
0xc8: {  	[tilespmem:s16], [sflag:$0x7] =	stream.linear.gather [spmem:s1], $0x3200, $0x38;
	[tilespmem:$0x14820] =	vst v63  }
0xc9: {  	_ =	swait.ge [sflag:s29], $0x3200  }
0xca: {  	s0 =	sld [smem:$0x7E6]  }
0xcb: {  	[sflag:s29] =	ssyncset.done $0x0  }
0xcc: {  	[sflag:s29] =	ssyncadd.s32 $0xFFFFCE00  }
0xcd: {  	[tilespmem:s12], [sflag:$0xC] =	stream.indirect.gather.add.f32 [hbm:s2], $0x40, s0, s5, $0xb8;
	[tilespmem:$0x14820] =	vst v63  }
0xce: {  	_ =	swait.ge [sflag:s15], $0x3200  }
0xcf: {  	[sflag:s15] =	ssyncset.done $0x0  }
0xd0: {  	s0 =	rddreg [dreg:$0xb];
	[sflag:s15] =	ssyncadd.s32 $0xFFFFCE00  }
0xd1: {  	[hbm4b:s0+s6] =	stream.strided.scatter [tilespmem:s3], [sflag:$0xF], $0x3200, s10, s6, $0x38;
	[tilespmem:$0x14820] =	vst v63  }
0xd2: {  	_ =	swait.ge [sflag:s7], $0x3200  }
0xd3: {  	[sflag:s7] =	ssyncset.done $0x0  }
0xd4: {  	[sflag:s7] =	ssyncadd.s32 $0xFFFFCE00  }
0xd5: {  	[tilespmem:s4], [sflag:$0x2] =	stream.linear.gather [spmem:s1], $0x3200, $0x38;
	[tilespmem:$0x14820] =	vst v63  }
0xd6: {  	_ =	swait.ge [sflag:s26], $0x3200  }
0xd7: {  	s0 =	sld [smem:$0x7E7]  }
0xd8: {  	[sflag:s26] =	ssyncset.done $0x0  }
0xd9: {  	[sflag:s26] =	ssyncadd.s32 $0xFFFFCE00  }
0xda: {  	[tilespmem:s16], [sflag:$0xD] =	stream.indirect.gather.add.f32 [hbm:s2], $0x40, s0, s5, $0xb8;
	[tilespmem:$0x14820] =	vst v63  }
0xdb: {  	_ =	swait.ge [sflag:s25], $0x3200  }
0xdc: {  	[sflag:s25] =	ssyncset.done $0x0  }
0xdd: {  	s0 =	rddreg [dreg:$0xc];
	[sflag:s25] =	ssyncadd.s32 $0xFFFFCE00  }
0xde: {  	[hbm4b:s0+s6] =	stream.strided.scatter [tilespmem:s17], [sflag:$0x10], $0x3200, s10, s6, $0x38;
	[tilespmem:$0x14820] =	vst v63  }
0xdf: {  	_ =	swait.ge [sflag:s13], $0x3200  }
0xe0: {  	[sflag:s13] =	ssyncset.done $0x0  }
0xe1: {  	[sflag:s13] =	ssyncadd.s32 $0xFFFFCE00  }
0xe2: {  	[tilespmem:s3], [sflag:$0x3] =	stream.linear.gather [spmem:s1], $0x3200, $0x38;
	[tilespmem:$0x14820] =	vst v63  }
0xe3: {  	_ =	swait.ge [sflag:s11], $0x3200  }
0xe4: {  	s0 =	sld [smem:$0x7E8]  }
0xe5: {  	[sflag:s11] =	ssyncset.done $0x0  }
0xe6: {  	[sflag:s11] =	ssyncadd.s32 $0xFFFFCE00  }
0xe7: {  	[tilespmem:s4], [sflag:$0x8] =	stream.indirect.gather.add.f32 [hbm:s2], $0x40, s0, s5, $0xb8;
	[tilespmem:$0x14820] =	vst v63  }
0xe8: {  	_ =	swait.ge [sflag:s24], $0x3200  }
0xe9: {  	[sflag:s24] =	ssyncset.done $0x0  }
0xea: {  	s0 =	rddreg [dreg:$0xd];
	[sflag:s24] =	ssyncadd.s32 $0xFFFFCE00  }
0xeb: {  	[hbm4b:s0+s6] =	stream.strided.scatter [tilespmem:s14], [sflag:$0x11], $0x3200, s10, s6, $0x38;
	[tilespmem:$0x14820] =	vst v63  }
0xec: {  	_ =	swait.ge [sflag:s21], $0x3200  }
0xed: {  	[sflag:s21] =	ssyncset.done $0x0  }
0xee: {  	[sflag:s21] =	ssyncadd.s32 $0xFFFFCE00  }
0xef: {  	[tilespmem:s17], [sflag:$0x4] =	stream.linear.gather [spmem:s1], $0x3200, $0x38;
	[tilespmem:$0x14820] =	vst v63  }
0xf0: {  	_ =	swait.ge [sflag:s8], $0x3200  }
0xf1: {  	s0 =	sld [smem:$0x7E9]  }
0xf2: {  	[sflag:s8] =	ssyncset.done $0x0  }
0xf3: {  	[sflag:s8] =	ssyncadd.s32 $0xFFFFCE00  }
0xf4: {  	[tilespmem:s3], [sflag:$0x9] =	stream.indirect.gather.add.f32 [hbm:s2], $0x40, s0, s5, $0xb8;
	[tilespmem:$0x14820] =	vst v63  }
0xf5: {  	_ =	swait.ge [sflag:s23], $0x3200  }
0xf6: {  	[sflag:s23] =	ssyncset.done $0x0  }
0xf7: {  	s0 =	rddreg [dreg:$0xe];
	[sflag:s23] =	ssyncadd.s32 $0xFFFFCE00  }
0xf8: {  	[hbm4b:s0+s6] =	stream.strided.scatter [tilespmem:s12], [sflag:$0x12], $0x3200, s10, s6, $0x38;
	[tilespmem:$0x14820] =	vst v63  }
0xf9: {  	_ =	swait.ge [sflag:s20], $0x3200  }
0xfa: {  	[sflag:s20] =	ssyncset.done $0x0  }
0xfb: {  	[sflag:s20] =	ssyncadd.s32 $0xFFFFCE00  }
0xfc: {  	[tilespmem:s14], [sflag:$0x5] =	stream.linear.gather [spmem:s1], $0x3200, $0x38;
	[tilespmem:$0x14820] =	vst v63  }
0xfd: {  	_ =	swait.ge [sflag:s30], $0x3200  }
0xfe: {  	s0 =	sld [smem:$0x7EA]  }
0xff: {  	[sflag:s30] =	ssyncset.done $0x0  }
0x100: {  	[sflag:s30] =	ssyncadd.s32 $0xFFFFCE00  }
0x101: {  	[tilespmem:s17], [sflag:$0xA] =	stream.indirect.gather.add.f32 [hbm:s2], $0x40, s0, s5, $0xb8;
	[tilespmem:$0x14820] =	vst v63  }
0x102: {  	_ =	swait.ge [sflag:s22], $0x3200  }
0x103: {  	[sflag:s22] =	ssyncset.done $0x0  }
0x104: {  	s0 =	rddreg [dreg:$0xf];
	[sflag:s22] =	ssyncadd.s32 $0xFFFFCE00  }
0x105: {  	[hbm4b:s0+s6] =	stream.strided.scatter [tilespmem:s16], [sflag:$0x13], $0x3200, s10, s6, $0x38;
	[tilespmem:$0x14820] =	vst v63  }
0x106: {  	_ =	swait.ge [sflag:s19], $0x3200  }
0x107: {  	[sflag:s19] =	ssyncset.done $0x0  }
0x108: {  	[sflag:s19] =	ssyncadd.s32 $0xFFFFCE00  }
0x109: {  	[tilespmem:s12], [sflag:$0x6] =	stream.linear.gather [spmem:s1], $0x3200, $0x38;
	[tilespmem:$0x14820] =	vst v63  }
0x10a: {  	_ =	swait.ge [sflag:s28], $0x3200  }
0x10b: {  	s0 =	sld [smem:$0x7EB]  }
0x10c: {  	[sflag:s28] =	ssyncset.done $0x0  }
0x10d: {  	[sflag:s28] =	ssyncadd.s32 $0xFFFFCE00  }
0x10e: {  	[tilespmem:s14], [sflag:$0xB] =	stream.indirect.gather.add.f32 [hbm:s2], $0x40, s0, s5, $0xb8;
	[tilespmem:$0x14820] =	vst v63  }
0x10f: {  	_ =	swait.ge [sflag:s9], $0x3200  }
0x110: {  	[sflag:s9] =	ssyncset.done $0x0  }
0x111: {  	s0 =	rddreg [dreg:$0x10];
	[sflag:s9] =	ssyncadd.s32 $0xFFFFCE00  }
0x112: {  	[hbm4b:s0+s6] =	stream.strided.scatter [tilespmem:s4], [sflag:$0xE], $0x3200, s10, s6, $0x38;
	[tilespmem:$0x14820] =	vst v63  }
0x113: {  	_ =	swait.ge [sflag:s18], $0x3200  }
0x114: {  	[sflag:s18] =	ssyncset.done $0x0  }
0x115: {  	[sflag:s18] =	ssyncadd.s32 $0xFFFFCE00  }
0x116: {  	[tilespmem:s16], [sflag:$0x7] =	stream.linear.gather [spmem:s1], $0x3200, $0x38;
	[tilespmem:$0x14820] =	vst v63  }
0x117: {  	_ =	swait.ge [sflag:s29], $0x3200  }
0x118: {  	s0 =	sld [smem:$0x7EC]  }
0x119: {  	[sflag:s29] =	ssyncset.done $0x0  }
0x11a: {  	[sflag:s29] =	ssyncadd.s32 $0xFFFFCE00  }
0x11b: {  	[tilespmem:s12], [sflag:$0xC] =	stream.indirect.gather.add.f32 [hbm:s2], $0x40, s0, s5, $0xb8;
	[tilespmem:$0x14820] =	vst v63  }
0x11c: {  	_ =	swait.ge [sflag:s15], $0x3200  }
0x11d: {  	[sflag:s15] =	ssyncset.done $0x0  }
0x11e: {  	s0 =	rddreg [dreg:$0x11];
	[sflag:s15] =	ssyncadd.s32 $0xFFFFCE00  }
0x11f: {  	[hbm4b:s0+s6] =	stream.strided.scatter [tilespmem:s3], [sflag:$0xF], $0x3200, s10, s6, $0x38;
	[tilespmem:$0x14820] =	vst v63  }
0x120: {  	_ =	swait.ge [sflag:s7], $0x3200  }
0x121: {  	[sflag:s7] =	ssyncset.done $0x0  }
0x122: {  	[sflag:s7] =	ssyncadd.s32 $0xFFFFCE00  }
0x123: {  	[tilespmem:s4], [sflag:$0x2] =	stream.linear.gather [spmem:s1], $0x3200, $0x38;
	[tilespmem:$0x14820] =	vst v63  }
0x124: {  	_ =	swait.ge [sflag:s26], $0x3200  }
0x125: {  	s0 =	sld [smem:$0x7ED]  }
0x126: {  	[sflag:s26] =	ssyncset.done $0x0  }
0x127: {  	[sflag:s26] =	ssyncadd.s32 $0xFFFFCE00  }
0x128: {  	[tilespmem:s16], [sflag:$0xD] =	stream.indirect.gather.add.f32 [hbm:s2], $0x40, s0, s5, $0xb8;
	[tilespmem:$0x14820] =	vst v63  }
0x129: {  	_ =	swait.ge [sflag:s25], $0x3200  }
0x12a: {  	[sflag:s25] =	ssyncset.done $0x0  }
0x12b: {  	s0 =	rddreg [dreg:$0x12];
	[sflag:s25] =	ssyncadd.s32 $0xFFFFCE00  }
0x12c: {  	[hbm4b:s0+s6] =	stream.strided.scatter [tilespmem:s17], [sflag:$0x10], $0x3200, s10, s6, $0x38;
	[tilespmem:$0x14820] =	vst v63  }
0x12d: {  	_ =	swait.ge [sflag:s13], $0x3200  }
0x12e: {  	[sflag:s13] =	ssyncset.done $0x0  }
0x12f: {  	[sflag:s13] =	ssyncadd.s32 $0xFFFFCE00  }
0x130: {  	[tilespmem:s3], [sflag:$0x3] =	stream.linear.gather [spmem:s1], $0x3200, $0x38;
	[tilespmem:$0x14820] =	vst v63  }
0x131: {  	_ =	swait.ge [sflag:s11], $0x3200  }
0x132: {  	s0 =	sld [smem:$0x7EE]  }
0x133: {  	[sflag:s11] =	ssyncset.done $0x0  }
0x134: {  	[sflag:s11] =	ssyncadd.s32 $0xFFFFCE00  }
0x135: {  	[tilespmem:s4], [sflag:$0x8] =	stream.indirect.gather.add.f32 [hbm:s2], $0x40, s0, s5, $0xb8;
	[tilespmem:$0x14820] =	vst v63  }
0x136: {  	_ =	swait.ge [sflag:s24], $0x3200  }
0x137: {  	[sflag:s24] =	ssyncset.done $0x0  }
0x138: {  	s0 =	rddreg [dreg:$0x13];
	[sflag:s24] =	ssyncadd.s32 $0xFFFFCE00  }
0x139: {  	[hbm4b:s0+s6] =	stream.strided.scatter [tilespmem:s14], [sflag:$0x11], $0x3200, s10, s6, $0x38;
	[tilespmem:$0x14820] =	vst v63  }
0x13a: {  	_ =	swait.ge [sflag:s21], $0x3200  }
0x13b: {  	[sflag:s21] =	ssyncset.done $0x0  }
0x13c: {  	[sflag:s21] =	ssyncadd.s32 $0xFFFFCE00  }
0x13d: {  	[tilespmem:s17], [sflag:$0x4] =	stream.linear.gather [spmem:s1], $0x3200, $0x38;
	[tilespmem:$0x14820] =	vst v63  }
0x13e: {  	_ =	swait.ge [sflag:s8], $0x3200  }
0x13f: {  	s0 =	sld [smem:$0x7EF]  }
0x140: {  	[sflag:s8] =	ssyncset.done $0x0  }
0x141: {  	[sflag:s8] =	ssyncadd.s32 $0xFFFFCE00  }
0x142: {  	[tilespmem:s3], [sflag:$0x9] =	stream.indirect.gather.add.f32 [hbm:s2], $0x40, s0, s5, $0xb8;
	[tilespmem:$0x14820] =	vst v63  }
0x143: {  	_ =	swait.ge [sflag:s23], $0x3200  }
0x144: {  	[sflag:s23] =	ssyncset.done $0x0  }
0x145: {  	s0 =	rddreg [dreg:$0x14];
	[sflag:s23] =	ssyncadd.s32 $0xFFFFCE00  }
0x146: {  	[hbm4b:s0+s6] =	stream.strided.scatter [tilespmem:s12], [sflag:$0x12], $0x3200, s10, s6, $0x38;
	[tilespmem:$0x14820] =	vst v63  }
0x147: {  	_ =	swait.ge [sflag:s20], $0x3200  }
0x148: {  	[sflag:s20] =	ssyncset.done $0x0  }
0x149: {  	[sflag:s20] =	ssyncadd.s32 $0xFFFFCE00  }
0x14a: {  	[tilespmem:s14], [sflag:$0x5] =	stream.linear.gather [spmem:s1], $0x3200, $0x38;
	[tilespmem:$0x14820] =	vst v63  }
0x14b: {  	_ =	swait.ge [sflag:s30], $0x3200  }
0x14c: {  	s0 =	sld [smem:$0x7F0]  }
0x14d: {  	[sflag:s30] =	ssyncset.done $0x0  }
0x14e: {  	[sflag:s30] =	ssyncadd.s32 $0xFFFFCE00  }
0x14f: {  	[tilespmem:s17], [sflag:$0xA] =	stream.indirect.gather.add.f32 [hbm:s2], $0x40, s0, s5, $0xb8;
	[tilespmem:$0x14820] =	vst v63  }
0x150: {  	_ =	swait.ge [sflag:s22], $0x3200  }
0x151: {  	[sflag:s22] =	ssyncset.done $0x0  }
0x152: {  	s0 =	rddreg [dreg:$0x15];
	[sflag:s22] =	ssyncadd.s32 $0xFFFFCE00  }
0x153: {  	[hbm4b:s0+s6] =	stream.strided.scatter [tilespmem:s16], [sflag:$0x13], $0x3200, s10, s6, $0x38;
	[tilespmem:$0x14820] =	vst v63  }
0x154: {  	_ =	swait.ge [sflag:s19], $0x3200  }
0x155: {  	[sflag:s19] =	ssyncset.done $0x0  }
0x156: {  	[sflag:s19] =	ssyncadd.s32 $0xFFFFCE00  }
0x157: {  	[tilespmem:s12], [sflag:$0x6] =	stream.linear.gather [spmem:s1], $0x3200, $0x38;
	[tilespmem:$0x14820] =	vst v63  }
0x158: {  	_ =	swait.ge [sflag:s28], $0x3200  }
0x159: {  	s0 =	sld [smem:$0x7F1]  }
0x15a: {  	[sflag:s28] =	ssyncset.done $0x0  }
0x15b: {  	[sflag:s28] =	ssyncadd.s32 $0xFFFFCE00  }
0x15c: {  	[tilespmem:s14], [sflag:$0xB] =	stream.indirect.gather.add.f32 [hbm:s2], $0x40, s0, s5, $0xb8;
	[tilespmem:$0x14820] =	vst v63  }
0x15d: {  	_ =	swait.ge [sflag:s9], $0x3200  }
0x15e: {  	[sflag:s9] =	ssyncset.done $0x0  }
0x15f: {  	s0 =	rddreg [dreg:$0x16];
	[sflag:s9] =	ssyncadd.s32 $0xFFFFCE00  }
0x160: {  	[hbm4b:s0+s6] =	stream.strided.scatter [tilespmem:s4], [sflag:$0xE], $0x3200, s10, s6, $0x38;
	[tilespmem:$0x14820] =	vst v63  }
0x161: {  	_ =	swait.ge [sflag:s18], $0x3200  }
0x162: {  	[sflag:s18] =	ssyncset.done $0x0  }
0x163: {  	[sflag:s18] =	ssyncadd.s32 $0xFFFFCE00  }
0x164: {  	[tilespmem:s16], [sflag:$0x7] =	stream.linear.gather [spmem:s1], $0x3200, $0x38;
	[tilespmem:$0x14820] =	vst v63  }
0x165: {  	_ =	swait.ge [sflag:s29], $0x3200  }
0x166: {  	s0 =	sld [smem:$0x7F2]  }
0x167: {  	[sflag:s29] =	ssyncset.done $0x0  }
0x168: {  	[sflag:s29] =	ssyncadd.s32 $0xFFFFCE00  }
0x169: {  	[tilespmem:s12], [sflag:$0xC] =	stream.indirect.gather.add.f32 [hbm:s2], $0x40, s0, s5, $0xb8;
	[tilespmem:$0x14820] =	vst v63  }
0x16a: {  	_ =	swait.ge [sflag:s15], $0x3200  }
0x16b: {  	[sflag:s15] =	ssyncset.done $0x0  }
0x16c: {  	s0 =	rddreg [dreg:$0x17];
	[sflag:s15] =	ssyncadd.s32 $0xFFFFCE00  }
0x16d: {  	[hbm4b:s0+s6] =	stream.strided.scatter [tilespmem:s3], [sflag:$0xF], $0x3200, s10, s6, $0x38;
	[tilespmem:$0x14820] =	vst v63  }
0x16e: {  	_ =	swait.ge [sflag:s7], $0x3200  }
0x16f: {  	[sflag:s7] =	ssyncset.done $0x0  }
0x170: {  	[sflag:s7] =	ssyncadd.s32 $0xFFFFCE00  }
0x171: {  	[tilespmem:s4], [sflag:$0x2] =	stream.linear.gather [spmem:s1], $0x3200, $0x38;
	[tilespmem:$0x14820] =	vst v63  }
0x172: {  	_ =	swait.ge [sflag:s26], $0x3200  }
0x173: {  	s0 =	sld [smem:$0x7F3]  }
0x174: {  	[sflag:s26] =	ssyncset.done $0x0  }
0x175: {  	[sflag:s26] =	ssyncadd.s32 $0xFFFFCE00  }
0x176: {  	[tilespmem:s16], [sflag:$0xD] =	stream.indirect.gather.add.f32 [hbm:s2], $0x40, s0, s5, $0xb8;
	[tilespmem:$0x14820] =	vst v63  }
0x177: {  	_ =	swait.ge [sflag:s25], $0x3200  }
0x178: {  	[sflag:s25] =	ssyncset.done $0x0  }
0x179: {  	s0 =	rddreg [dreg:$0x18];
	[sflag:s25] =	ssyncadd.s32 $0xFFFFCE00  }
0x17a: {  	[hbm4b:s0+s6] =	stream.strided.scatter [tilespmem:s17], [sflag:$0x10], $0x3200, s10, s6, $0x38;
	[tilespmem:$0x14820] =	vst v63  }
0x17b: {  	_ =	swait.ge [sflag:s13], $0x3200  }
0x17c: {  	[sflag:s13] =	ssyncset.done $0x0  }
0x17d: {  	[sflag:s13] =	ssyncadd.s32 $0xFFFFCE00  }
0x17e: {  	[tilespmem:s3], [sflag:$0x3] =	stream.linear.gather [spmem:s1], $0x3200, $0x38;
	[tilespmem:$0x14820] =	vst v63  }
0x17f: {  	_ =	swait.ge [sflag:s11], $0x3200  }
0x180: {  	s0 =	sld [smem:$0x7F4]  }
0x181: {  	[sflag:s11] =	ssyncset.done $0x0  }
0x182: {  	[sflag:s11] =	ssyncadd.s32 $0xFFFFCE00  }
0x183: {  	[tilespmem:s4], [sflag:$0x8] =	stream.indirect.gather.add.f32 [hbm:s2], $0x40, s0, s5, $0xb8;
	[tilespmem:$0x14820] =	vst v63  }
0x184: {  	_ =	swait.ge [sflag:s24], $0x3200  }
0x185: {  	[sflag:s24] =	ssyncset.done $0x0  }
0x186: {  	s0 =	rddreg [dreg:$0x19];
	[sflag:s24] =	ssyncadd.s32 $0xFFFFCE00  }
0x187: {  	[hbm4b:s0+s6] =	stream.strided.scatter [tilespmem:s14], [sflag:$0x11], $0x3200, s10, s6, $0x38;
	[tilespmem:$0x14820] =	vst v63  }
0x188: {  	_ =	swait.ge [sflag:s21], $0x3200  }
0x189: {  	[sflag:s21] =	ssyncset.done $0x0  }
0x18a: {  	[sflag:s21] =	ssyncadd.s32 $0xFFFFCE00  }
0x18b: {  	[tilespmem:s17], [sflag:$0x4] =	stream.linear.gather [spmem:s1], $0x3200, $0x38;
	[tilespmem:$0x14820] =	vst v63  }
0x18c: {  	_ =	swait.ge [sflag:s8], $0x3200  }
0x18d: {  	s0 =	sld [smem:$0x7F5]  }
0x18e: {  	[sflag:s8] =	ssyncset.done $0x0  }
0x18f: {  	[sflag:s8] =	ssyncadd.s32 $0xFFFFCE00  }
0x190: {  	[tilespmem:s3], [sflag:$0x9] =	stream.indirect.gather.add.f32 [hbm:s2], $0x40, s0, s5, $0xb8;
	[tilespmem:$0x14820] =	vst v63  }
0x191: {  	_ =	swait.ge [sflag:s23], $0x3200  }
0x192: {  	[sflag:s23] =	ssyncset.done $0x0  }
0x193: {  	s0 =	rddreg [dreg:$0x1a];
	[sflag:s23] =	ssyncadd.s32 $0xFFFFCE00  }
0x194: {  	[hbm4b:s0+s6] =	stream.strided.scatter [tilespmem:s12], [sflag:$0x12], $0x3200, s10, s6, $0x38;
	[tilespmem:$0x14820] =	vst v63  }
0x195: {  	_ =	swait.ge [sflag:s20], $0x3200  }
0x196: {  	[sflag:s20] =	ssyncset.done $0x0  }
0x197: {  	[sflag:s20] =	ssyncadd.s32 $0xFFFFCE00  }
0x198: {  	[tilespmem:s14], [sflag:$0x5] =	stream.linear.gather [spmem:s1], $0x3200, $0x38;
	[tilespmem:$0x14820] =	vst v63  }
0x199: {  	_ =	swait.ge [sflag:s30], $0x3200  }
0x19a: {  	s0 =	sld [smem:$0x7F6]  }
0x19b: {  	[sflag:s30] =	ssyncset.done $0x0  }
0x19c: {  	[sflag:s30] =	ssyncadd.s32 $0xFFFFCE00  }
0x19d: {  	[tilespmem:s17], [sflag:$0xA] =	stream.indirect.gather.add.f32 [hbm:s2], $0x40, s0, s5, $0xb8;
	[tilespmem:$0x14820] =	vst v63  }
0x19e: {  	_ =	swait.ge [sflag:s22], $0x3200  }
0x19f: {  	[sflag:s22] =	ssyncset.done $0x0  }
0x1a0: {  	s0 =	rddreg [dreg:$0x1b];
	[sflag:s22] =	ssyncadd.s32 $0xFFFFCE00  }
0x1a1: {  	[hbm4b:s0+s6] =	stream.strided.scatter [tilespmem:s16], [sflag:$0x13], $0x3200, s10, s6, $0x38;
	[tilespmem:$0x14820] =	vst v63  }
0x1a2: {  	_ =	swait.ge [sflag:s19], $0x3200  }
0x1a3: {  	[sflag:s19] =	ssyncset.done $0x0  }
0x1a4: {  	[sflag:s19] =	ssyncadd.s32 $0xFFFFCE00  }
0x1a5: {  	[tilespmem:s12], [sflag:$0x6] =	stream.linear.gather [spmem:s1], $0x3200, $0x38;
	[tilespmem:$0x14820] =	vst v63  }
0x1a6: {  	_ =	swait.ge [sflag:s28], $0x3200  }
0x1a7: {  	s0 =	sld [smem:$0x7F7]  }
0x1a8: {  	[sflag:s28] =	ssyncset.done $0x0  }
0x1a9: {  	[sflag:s28] =	ssyncadd.s32 $0xFFFFCE00  }
0x1aa: {  	[tilespmem:s14], [sflag:$0xB] =	stream.indirect.gather.add.f32 [hbm:s2], $0x40, s0, s5, $0xb8;
	[tilespmem:$0x14820] =	vst v63  }
0x1ab: {  	_ =	swait.ge [sflag:s9], $0x3200  }
0x1ac: {  	[sflag:s9] =	ssyncset.done $0x0  }
0x1ad: {  	s0 =	rddreg [dreg:$0x1c];
	[sflag:s9] =	ssyncadd.s32 $0xFFFFCE00  }
0x1ae: {  	[hbm4b:s0+s6] =	stream.strided.scatter [tilespmem:s4], [sflag:$0xE], $0x3200, s10, s6, $0x38;
	[tilespmem:$0x14820] =	vst v63  }
0x1af: {  	_ =	swait.ge [sflag:s18], $0x3200  }
0x1b0: {  	[sflag:s18] =	ssyncset.done $0x0  }
0x1b1: {  	[sflag:s18] =	ssyncadd.s32 $0xFFFFCE00  }
0x1b2: {  	[tilespmem:s16], [sflag:$0x7] =	stream.linear.gather [spmem:s1], $0x3200, $0x38;
	[tilespmem:$0x14820] =	vst v63  }
0x1b3: {  	_ =	swait.ge [sflag:s29], $0x3200  }
0x1b4: {  	s0 =	sld [smem:$0x7F8]  }
0x1b5: {  	[sflag:s29] =	ssyncset.done $0x0  }
0x1b6: {  	[sflag:s29] =	ssyncadd.s32 $0xFFFFCE00  }
0x1b7: {  	[tilespmem:s12], [sflag:$0xC] =	stream.indirect.gather.add.f32 [hbm:s2], $0x40, s0, s5, $0xb8;
	[tilespmem:$0x14820] =	vst v63  }
0x1b8: {  	_ =	swait.ge [sflag:s15], $0x3200  }
0x1b9: {  	[sflag:s15] =	ssyncset.done $0x0  }
0x1ba: {  	s0 =	rddreg [dreg:$0x1d];
	[sflag:s15] =	ssyncadd.s32 $0xFFFFCE00  }
0x1bb: {  	[hbm4b:s0+s6] =	stream.strided.scatter [tilespmem:s3], [sflag:$0xF], $0x3200, s10, s6, $0x38;
	[tilespmem:$0x14820] =	vst v63  }
0x1bc: {  	_ =	swait.ge [sflag:s7], $0x3200  }
0x1bd: {  	[sflag:s7] =	ssyncset.done $0x0  }
0x1be: {  	[sflag:s7] =	ssyncadd.s32 $0xFFFFCE00  }
0x1bf: {  	[tilespmem:s4], [sflag:$0x2] =	stream.linear.gather [spmem:s1], $0x3200, $0x38;
	[tilespmem:$0x14820] =	vst v63  }
0x1c0: {  	_ =	swait.ge [sflag:s26], $0x3200  }
0x1c1: {  	s0 =	sld [smem:$0x7F9]  }
0x1c2: {  	[sflag:s26] =	ssyncset.done $0x0  }
0x1c3: {  	[sflag:s26] =	ssyncadd.s32 $0xFFFFCE00  }
0x1c4: {  	[tilespmem:s16], [sflag:$0xD] =	stream.indirect.gather.add.f32 [hbm:s2], $0x40, s0, s5, $0xb8;
	[tilespmem:$0x14820] =	vst v63  }
0x1c5: {  	_ =	swait.ge [sflag:s25], $0x3200  }
0x1c6: {  	[sflag:s25] =	ssyncset.done $0x0  }
0x1c7: {  	s0 =	rddreg [dreg:$0x1e];
	[sflag:s25] =	ssyncadd.s32 $0xFFFFCE00  }
0x1c8: {  	[hbm4b:s0+s6] =	stream.strided.scatter [tilespmem:s17], [sflag:$0x10], $0x3200, s10, s6, $0x38;
	[tilespmem:$0x14820] =	vst v63  }
0x1c9: {  	_ =	swait.ge [sflag:s13], $0x3200  }
0x1ca: {  	[sflag:s13] =	ssyncset.done $0x0  }
0x1cb: {  	[sflag:s13] =	ssyncadd.s32 $0xFFFFCE00  }
0x1cc: {  	[tilespmem:s3], [sflag:$0x3] =	stream.linear.gather [spmem:s1], $0x3200, $0x38;
	[tilespmem:$0x14820] =	vst v63  }
0x1cd: {  	_ =	swait.ge [sflag:s11], $0x3200  }
0x1ce: {  	s0 =	sld [smem:$0x7FA]  }
0x1cf: {  	[sflag:s11] =	ssyncset.done $0x0  }
0x1d0: {  	[sflag:s11] =	ssyncadd.s32 $0xFFFFCE00  }
0x1d1: {  	[tilespmem:s4], [sflag:$0x8] =	stream.indirect.gather.add.f32 [hbm:s2], $0x40, s0, s5, $0xb8;
	[tilespmem:$0x14820] =	vst v63  }
0x1d2: {  	_ =	swait.ge [sflag:s24], $0x3200  }
0x1d3: {  	[sflag:s24] =	ssyncset.done $0x0  }
0x1d4: {  	s0 =	rddreg [dreg:$0x1f];
	[sflag:s24] =	ssyncadd.s32 $0xFFFFCE00  }
0x1d5: {  	[hbm4b:s0+s6] =	stream.strided.scatter [tilespmem:s14], [sflag:$0x11], $0x3200, s10, s6, $0x38;
	[tilespmem:$0x14820] =	vst v63  }
0x1d6: {  	_ =	swait.ge [sflag:s8], $0x3200  }
0x1d7: {  	s0 =	sld [smem:$0x7FB]  }
0x1d8: {  	[sflag:s8] =	ssyncset.done $0x0  }
0x1d9: {  	[sflag:s8] =	ssyncadd.s32 $0xFFFFCE00  }
0x1da: {  	[tilespmem:s3], [sflag:$0x9] =	stream.indirect.gather.add.f32 [hbm:s2], $0x40, s0, s5, $0xb8;
	[tilespmem:$0x14820] =	vst v63  }
0x1db: {  	_ =	swait.ge [sflag:s23], $0x3200  }
0x1dc: {  	s0 =	sld [smem:$0x7DA]  }
0x1dd: {  	[sflag:s23] =	ssyncset.done $0x0  }
0x1de: {  	[sflag:s23] =	ssyncadd.s32 $0xFFFFCE00  }
0x1df: {  	[hbm4b:s0+s6] =	stream.strided.scatter [tilespmem:s12], [sflag:$0x12], $0x3200, s10, s6, $0x38;
	[tilespmem:$0x14820] =	vst v63  }
0x1e0: {  	_ =	swait.ge [sflag:s22], $0x3200  }
0x1e1: {  	s12 =	sld [smem:$0x7DB]  }
0x1e2: {  	[sflag:s22] =	ssyncset.done $0x0  }
0x1e3: {  	[sflag:s22] =	ssyncadd.s32 $0xFFFFCE00  }
0x1e4: {  	[hbm4b:s12+s6] =	stream.strided.scatter [tilespmem:s16], [sflag:$0x13], $0x3200, s10, s6, $0x38;
	[tilespmem:$0x14820] =	vst v63  }
0x1e5: {  	_ =	swait.ge [sflag:s9], $0x3200  }
0x1e6: {  	s12 =	sld [smem:$0x7DC]  }
0x1e7: {  	[sflag:s9] =	ssyncset.done $0x0  }
0x1e8: {  	[sflag:s9] =	ssyncadd.s32 $0xFFFFCE00  }
0x1e9: {  	[hbm4b:s12+s6] =	stream.strided.scatter [tilespmem:s4], [sflag:$0xE], $0x3200, s10, s6, $0x38;
	[tilespmem:$0x14820] =	vst v63  }
0x1ea: {  	_ =	swait.ge [sflag:s15], $0x3200  }
0x1eb: {  	s12 =	sld [smem:$0x7DD]  }
0x1ec: {  	[sflag:s15] =	ssyncset.done $0x0  }
0x1ed: {  	[sflag:s15] =	ssyncadd.s32 $0xFFFFCE00  }
0x1ee: {  	[hbm4b:s12+s6] =	stream.strided.scatter [tilespmem:s3], [sflag:$0xF], $0x3200, s10, s6, $0x38;
	[tilespmem:$0x14820] =	vst v63  }
0x1ef: {  	_ =	swait.ge [sflag:s21], $0x3200  }
0x1f0: {  	[sflag:s21] =	ssyncset.done $0x0  }
0x1f1: {  	[sflag:s21] =	ssyncadd.s32 $0xFFFFCE00  }
0x1f2: {  	_ =	swait.ge [sflag:s20], $0x3200  }
0x1f3: {  	[sflag:s20] =	ssyncset.done $0x0  }
0x1f4: {  	[sflag:s20] =	ssyncadd.s32 $0xFFFFCE00  }
0x1f5: {  	_ =	swait.ge [sflag:s19], $0x3200  }
0x1f6: {  	[sflag:s19] =	ssyncset.done $0x0  }
0x1f7: {  	[sflag:s19] =	ssyncadd.s32 $0xFFFFCE00  }
0x1f8: {  	_ =	swait.ge [sflag:s18], $0x3200  }
0x1f9: {  	[sflag:s18] =	ssyncset.done $0x0  }
0x1fa: {  	[sflag:s18] =	ssyncadd.s32 $0xFFFFCE00  }
0x1fb: {  	_ =	swait.ge [sflag:s7], $0x3200  }
0x1fc: {  	s12 =	sld [smem:$0x7FC];
	_ =	sdelay $0x2  }
0x1fd: {  	s31 =	sadd.s32 $0xFFFFFFFF, s12  }
0x1fe: {  	p2 =	sne.s32 s31, $0x0  }
.Ltmp1:
0x1ff: {  	_ = 	snop;
	(pc) =	sbr.rel @!p2 .LBB2_3-.Ltmp1, $4  }
0x200: {  	[sflag:s7] =	ssyncset.done $0x0  }
0x201: {  	[sflag:s7] =	ssyncadd.s32 $0xFFFFCE00  }
0x202: {  	_ =	swait.ge [sflag:s13], $0x3200  }
0x203: {  	p1 =	por $0x1, $0x1;
	s0 =	rddreg [dreg:$0x4];
	[sflag:s13] =	ssyncset.done $0x0  }
.LBB2_2:
0x204: {  	[sflag:s13] =	ssyncadd.s32 $0xFFFFCE00;
	s14 =	simm.s32 $0x0  }
0x205: {  	[tilespmem:s14], [sflag:$0x1] =	stream.linear.gather [hbm4b:s0+s14], $0x1900, $0x38;
	[tilespmem:$0x14820] =	vst v63  }
0x206: {  	s0 =	sld [smem:$0x7FD];
	_ =	sdelay $0x1  }
0x207: {  	s12 =	rddreg [dreg:$0x3];
	s16 =	simm.s32 @!p0 $0x1C14  }
0x208: {  	[spmem:s0], [sflag:s16] =	dma.local @!p0 [hbm:s12], $0x640  }
0x209: {  	s0 =	simm.s32 @!p0 $0x14  }
0x20a: {  	_ =	swait.ge @!p0 [sflag:s0], $0x640  }
0x20b: {  	[sflag:s0] =	ssyncset.done @!p0 $0x0  }
0x20c: {  	[sflag:s0] =	ssyncadd.s32 @!p0 $0xFFFFF9C0  }
0x20d: {  	[bflag:$0x0] =	sbarrier.arrive $0xFFFF  }
0x20e: {  	[tilespmem:s4], [sflag:$0x2] =	stream.linear.gather [spmem:s1], $0x3200, $0x38;
	[tilespmem:$0x14820] =	vst v63  }
0x20f: {  	s0 =	simm.s32 $0x1  }
0x210: {  	[tilespmem:s3], [sflag:$0x3] =	stream.linear.gather [spmem:s1], $0x3200, $0x38;
	[tilespmem:$0x14820] =	vst v63  }
0x211: {  	_ =	swait.ge [sflag:s0], $0x1900  }
0x212: {  	[sflag:s0] =	ssyncset.done $0x0  }
0x213: {  	[sflag:s0] =	ssyncadd.s32 $0xFFFFE700  }
0x214: {  	_ =	swait.ge [sflag:s11], $0x3200  }
0x215: {  	[sflag:s11] =	ssyncset.done $0x0  }
0x216: {  	[sflag:s11] =	ssyncadd.s32 $0xFFFFCE00  }
0x217: {  	[tilespmem:s4], [sflag:$0x8] =	stream.indirect.gather.add.f32 [hbm:s2], $0x40, s14, s5, $0xb8;
	[tilespmem:$0x14820] =	vst v63  }
0x218: {  	_ = 	snop  }
0x219: {  	[tilespmem:s17], [sflag:$0x4] =	stream.linear.gather [spmem:s1], $0x3200, $0x38;
	[tilespmem:$0x14820] =	vst v63  }
0x21a: {  	_ =	swait.ge [sflag:s8], $0x3200  }
0x21b: {  	[sflag:s8] =	ssyncset.done $0x0  }
0x21c: {  	[sflag:s8] =	ssyncadd.s32 $0xFFFFCE00  }
0x21d: {  	[tilespmem:s3], [sflag:$0x9] =	stream.indirect.gather.add.f32 [hbm:s2], $0x40, s5, s5, $0xb8;
	[tilespmem:$0x14820] =	vst v63  }
0x21e: {  	s14 =	simm.s32 $0xAF00  }
0x21f: {  	[tilespmem:s14], [sflag:$0x5] =	stream.linear.gather [spmem:s1], $0x3200, $0x38;
	[tilespmem:$0x14820] =	vst v63  }
0x220: {  	_ =	swait.ge [sflag:s30], $0x3200  }
0x221: {  	s0 =	sld [smem:$0x7DE]  }
0x222: {  	[sflag:s30] =	ssyncset.done $0x0  }
0x223: {  	[sflag:s30] =	ssyncadd.s32 $0xFFFFCE00  }
0x224: {  	[tilespmem:s17], [sflag:$0xA] =	stream.indirect.gather.add.f32 [hbm:s2], $0x40, s0, s5, $0xb8;
	[tilespmem:$0x14820] =	vst v63  }
0x225: {  	s12 =	simm.s32 $0xE100  }
0x226: {  	[tilespmem:s12], [sflag:$0x6] =	stream.linear.gather [spmem:s1], $0x3200, $0x38;
	[tilespmem:$0x14820] =	vst v63  }
0x227: {  	_ =	swait.ge [sflag:s28], $0x3200  }
0x228: {  	s0 =	sld [smem:$0x7DF]  }
0x229: {  	[sflag:s28] =	ssyncset.done $0x0  }
0x22a: {  	[sflag:s28] =	ssyncadd.s32 $0xFFFFCE00  }
0x22b: {  	[tilespmem:s14], [sflag:$0xB] =	stream.indirect.gather.add.f32 [hbm:s2], $0x40, s0, s5, $0xb8;
	[tilespmem:$0x14820] =	vst v63  }
0x22c: {  	_ =	swait.ge [sflag:s9], $0x3200  }
0x22d: {  	s0 =	sld [smem:$0x7D9]  }
0x22e: {  	[sflag:s9] =	ssyncset.done $0x0  }
0x22f: {  	[sflag:s9] =	ssyncadd.s32 $0xFFFFCE00  }
0x230: {  	[hbm4b:s0+s6] =	stream.strided.scatter [tilespmem:s4], [sflag:$0xE], $0x3200, s10, s6, $0x38;
	[tilespmem:$0x14820] =	vst v63  }
0x231: {  	s16 =	simm.s32 $0x11300  }
0x232: {  	[tilespmem:s16], [sflag:$0x7] =	stream.linear.gather [spmem:s1], $0x3200, $0x38;
	[tilespmem:$0x14820] =	vst v63  }
0x233: {  	_ =	swait.ge [sflag:s29], $0x3200  }
0x234: {  	s0 =	sld [smem:$0x7E0]  }
0x235: {  	[sflag:s29] =	ssyncset.done $0x0  }
0x236: {  	[sflag:s29] =	ssyncadd.s32 $0xFFFFCE00  }
0x237: {  	[tilespmem:s12], [sflag:$0xC] =	stream.indirect.gather.add.f32 [hbm:s2], $0x40, s0, s5, $0xb8;
	[tilespmem:$0x14820] =	vst v63  }
0x238: {  	_ =	swait.ge [sflag:s15], $0x3200  }
0x239: {  	[sflag:s15] =	ssyncset.done $0x0  }
0x23a: {  	s0 =	rddreg [dreg:$0x5];
	[sflag:s15] =	ssyncadd.s32 $0xFFFFCE00  }
0x23b: {  	[hbm4b:s0+s6] =	stream.strided.scatter [tilespmem:s3], [sflag:$0xF], $0x3200, s10, s6, $0x38;
	[tilespmem:$0x14820] =	vst v63  }
0x23c: {  	_ =	swait.ge [sflag:s7], $0x3200  }
0x23d: {  	[sflag:s7] =	ssyncset.done $0x0  }
0x23e: {  	[sflag:s7] =	ssyncadd.s32 $0xFFFFCE00  }
0x23f: {  	[tilespmem:s4], [sflag:$0x2] =	stream.linear.gather [spmem:s1], $0x3200, $0x38;
	[tilespmem:$0x14820] =	vst v63  }
0x240: {  	_ =	swait.ge [sflag:s26], $0x3200  }
0x241: {  	s0 =	sld [smem:$0x7E1]  }
0x242: {  	[sflag:s26] =	ssyncset.done $0x0  }
0x243: {  	[sflag:s26] =	ssyncadd.s32 $0xFFFFCE00  }
0x244: {  	[tilespmem:s16], [sflag:$0xD] =	stream.indirect.gather.add.f32 [hbm:s2], $0x40, s0, s5, $0xb8;
	[tilespmem:$0x14820] =	vst v63  }
0x245: {  	_ =	swait.ge [sflag:s25], $0x3200  }
0x246: {  	[sflag:s25] =	ssyncset.done $0x0  }
0x247: {  	s0 =	rddreg [dreg:$0x6];
	[sflag:s25] =	ssyncadd.s32 $0xFFFFCE00  }
0x248: {  	[hbm4b:s0+s6] =	stream.strided.scatter [tilespmem:s17], [sflag:$0x10], $0x3200, s10, s6, $0x38;
	[tilespmem:$0x14820] =	vst v63  }
0x249: {  	_ =	swait.ge [sflag:s13], $0x3200  }
0x24a: {  	[sflag:s13] =	ssyncset.done $0x0  }
0x24b: {  	[sflag:s13] =	ssyncadd.s32 $0xFFFFCE00  }
0x24c: {  	[tilespmem:s3], [sflag:$0x3] =	stream.linear.gather [spmem:s1], $0x3200, $0x38;
	[tilespmem:$0x14820] =	vst v63  }
0x24d: {  	_ =	swait.ge [sflag:s11], $0x3200  }
0x24e: {  	s0 =	sld [smem:$0x7E2]  }
0x24f: {  	[sflag:s11] =	ssyncset.done $0x0  }
0x250: {  	[sflag:s11] =	ssyncadd.s32 $0xFFFFCE00  }
0x251: {  	[tilespmem:s4], [sflag:$0x8] =	stream.indirect.gather.add.f32 [hbm:s2], $0x40, s0, s5, $0xb8;
	[tilespmem:$0x14820] =	vst v63  }
0x252: {  	_ =	swait.ge [sflag:s24], $0x3200  }
0x253: {  	[sflag:s24] =	ssyncset.done $0x0  }
0x254: {  	s0 =	rddreg [dreg:$0x7];
	[sflag:s24] =	ssyncadd.s32 $0xFFFFCE00  }
0x255: {  	[hbm4b:s0+s6] =	stream.strided.scatter [tilespmem:s14], [sflag:$0x11], $0x3200, s10, s6, $0x38;
	[tilespmem:$0x14820] =	vst v63  }
0x256: {  	_ =	swait.ge [sflag:s21], $0x3200  }
0x257: {  	[sflag:s21] =	ssyncset.done $0x0  }
0x258: {  	[sflag:s21] =	ssyncadd.s32 $0xFFFFCE00  }
0x259: {  	[tilespmem:s17], [sflag:$0x4] =	stream.linear.gather [spmem:s1], $0x3200, $0x38;
	[tilespmem:$0x14820] =	vst v63  }
0x25a: {  	_ =	swait.ge [sflag:s8], $0x3200  }
0x25b: {  	s0 =	sld [smem:$0x7E3]  }
0x25c: {  	[sflag:s8] =	ssyncset.done $0x0  }
0x25d: {  	[sflag:s8] =	ssyncadd.s32 $0xFFFFCE00  }
0x25e: {  	[tilespmem:s3], [sflag:$0x9] =	stream.indirect.gather.add.f32 [hbm:s2], $0x40, s0, s5, $0xb8;
	[tilespmem:$0x14820] =	vst v63  }
0x25f: {  	_ =	swait.ge [sflag:s23], $0x3200  }
0x260: {  	[sflag:s23] =	ssyncset.done $0x0  }
0x261: {  	s0 =	rddreg [dreg:$0x8];
	[sflag:s23] =	ssyncadd.s32 $0xFFFFCE00  }
0x262: {  	[hbm4b:s0+s6] =	stream.strided.scatter [tilespmem:s12], [sflag:$0x12], $0x3200, s10, s6, $0x38;
	[tilespmem:$0x14820] =	vst v63  }
0x263: {  	_ =	swait.ge [sflag:s20], $0x3200  }
0x264: {  	[sflag:s20] =	ssyncset.done $0x0  }
0x265: {  	[sflag:s20] =	ssyncadd.s32 $0xFFFFCE00  }
0x266: {  	[tilespmem:s14], [sflag:$0x5] =	stream.linear.gather [spmem:s1], $0x3200, $0x38;
	[tilespmem:$0x14820] =	vst v63  }
0x267: {  	_ =	swait.ge [sflag:s30], $0x3200  }
0x268: {  	s0 =	sld [smem:$0x7E4]  }
0x269: {  	[sflag:s30] =	ssyncset.done $0x0  }
0x26a: {  	[sflag:s30] =	ssyncadd.s32 $0xFFFFCE00  }
0x26b: {  	[tilespmem:s17], [sflag:$0xA] =	stream.indirect.gather.add.f32 [hbm:s2], $0x40, s0, s5, $0xb8;
	[tilespmem:$0x14820] =	vst v63  }
0x26c: {  	_ =	swait.ge [sflag:s22], $0x3200  }
0x26d: {  	[sflag:s22] =	ssyncset.done $0x0  }
0x26e: {  	s0 =	rddreg [dreg:$0x9];
	[sflag:s22] =	ssyncadd.s32 $0xFFFFCE00  }
0x26f: {  	[hbm4b:s0+s6] =	stream.strided.scatter [tilespmem:s16], [sflag:$0x13], $0x3200, s10, s6, $0x38;
	[tilespmem:$0x14820] =	vst v63  }
0x270: {  	_ =	swait.ge [sflag:s19], $0x3200  }
0x271: {  	[sflag:s19] =	ssyncset.done $0x0  }
0x272: {  	[sflag:s19] =	ssyncadd.s32 $0xFFFFCE00  }
0x273: {  	[tilespmem:s12], [sflag:$0x6] =	stream.linear.gather [spmem:s1], $0x3200, $0x38;
	[tilespmem:$0x14820] =	vst v63  }
0x274: {  	_ =	swait.ge [sflag:s28], $0x3200  }
0x275: {  	s0 =	sld [smem:$0x7E5]  }
0x276: {  	[sflag:s28] =	ssyncset.done $0x0  }
0x277: {  	[sflag:s28] =	ssyncadd.s32 $0xFFFFCE00  }
0x278: {  	[tilespmem:s14], [sflag:$0xB] =	stream.indirect.gather.add.f32 [hbm:s2], $0x40, s0, s5, $0xb8;
	[tilespmem:$0x14820] =	vst v63  }
0x279: {  	_ =	swait.ge [sflag:s9], $0x3200  }
0x27a: {  	[sflag:s9] =	ssyncset.done $0x0  }
0x27b: {  	s0 =	rddreg [dreg:$0xa];
	[sflag:s9] =	ssyncadd.s32 $0xFFFFCE00  }
0x27c: {  	[hbm4b:s0+s6] =	stream.strided.scatter [tilespmem:s4], [sflag:$0xE], $0x3200, s10, s6, $0x38;
	[tilespmem:$0x14820] =	vst v63  }
0x27d: {  	_ =	swait.ge [sflag:s18], $0x3200  }
0x27e: {  	[sflag:s18] =	ssyncset.done $0x0  }
0x27f: {  	[sflag:s18] =	ssyncadd.s32 $0xFFFFCE00  }
0x280: {  	[tilespmem:s16], [sflag:$0x7] =	stream.linear.gather [spmem:s1], $0x3200, $0x38;
	[tilespmem:$0x14820] =	vst v63  }
0x281: {  	_ =	swait.ge [sflag:s29], $0x3200  }
0x282: {  	s0 =	sld [smem:$0x7E6]  }
0x283: {  	[sflag:s29] =	ssyncset.done $0x0  }
0x284: {  	[sflag:s29] =	ssyncadd.s32 $0xFFFFCE00  }
0x285: {  	[tilespmem:s12], [sflag:$0xC] =	stream.indirect.gather.add.f32 [hbm:s2], $0x40, s0, s5, $0xb8;
	[tilespmem:$0x14820] =	vst v63  }
0x286: {  	_ =	swait.ge [sflag:s15], $0x3200  }
0x287: {  	[sflag:s15] =	ssyncset.done $0x0  }
0x288: {  	s0 =	rddreg [dreg:$0xb];
	[sflag:s15] =	ssyncadd.s32 $0xFFFFCE00  }
0x289: {  	[hbm4b:s0+s6] =	stream.strided.scatter [tilespmem:s3], [sflag:$0xF], $0x3200, s10, s6, $0x38;
	[tilespmem:$0x14820] =	vst v63  }
0x28a: {  	_ =	swait.ge [sflag:s7], $0x3200  }
0x28b: {  	[sflag:s7] =	ssyncset.done $0x0  }
0x28c: {  	[sflag:s7] =	ssyncadd.s32 $0xFFFFCE00  }
0x28d: {  	[tilespmem:s4], [sflag:$0x2] =	stream.linear.gather [spmem:s1], $0x3200, $0x38;
	[tilespmem:$0x14820] =	vst v63  }
0x28e: {  	_ =	swait.ge [sflag:s26], $0x3200  }
0x28f: {  	s0 =	sld [smem:$0x7E7]  }
0x290: {  	[sflag:s26] =	ssyncset.done $0x0  }
0x291: {  	[sflag:s26] =	ssyncadd.s32 $0xFFFFCE00  }
0x292: {  	[tilespmem:s16], [sflag:$0xD] =	stream.indirect.gather.add.f32 [hbm:s2], $0x40, s0, s5, $0xb8;
	[tilespmem:$0x14820] =	vst v63  }
0x293: {  	_ =	swait.ge [sflag:s25], $0x3200  }
0x294: {  	[sflag:s25] =	ssyncset.done $0x0  }
0x295: {  	s0 =	rddreg [dreg:$0xc];
	[sflag:s25] =	ssyncadd.s32 $0xFFFFCE00  }
0x296: {  	[hbm4b:s0+s6] =	stream.strided.scatter [tilespmem:s17], [sflag:$0x10], $0x3200, s10, s6, $0x38;
	[tilespmem:$0x14820] =	vst v63  }
0x297: {  	_ =	swait.ge [sflag:s13], $0x3200  }
0x298: {  	[sflag:s13] =	ssyncset.done $0x0  }
0x299: {  	[sflag:s13] =	ssyncadd.s32 $0xFFFFCE00  }
0x29a: {  	[tilespmem:s3], [sflag:$0x3] =	stream.linear.gather [spmem:s1], $0x3200, $0x38;
	[tilespmem:$0x14820] =	vst v63  }
0x29b: {  	_ =	swait.ge [sflag:s11], $0x3200  }
0x29c: {  	s0 =	sld [smem:$0x7E8]  }
0x29d: {  	[sflag:s11] =	ssyncset.done $0x0  }
0x29e: {  	[sflag:s11] =	ssyncadd.s32 $0xFFFFCE00  }
0x29f: {  	[tilespmem:s4], [sflag:$0x8] =	stream.indirect.gather.add.f32 [hbm:s2], $0x40, s0, s5, $0xb8;
	[tilespmem:$0x14820] =	vst v63  }
0x2a0: {  	_ =	swait.ge [sflag:s24], $0x3200  }
0x2a1: {  	[sflag:s24] =	ssyncset.done $0x0  }
0x2a2: {  	s0 =	rddreg [dreg:$0xd];
	[sflag:s24] =	ssyncadd.s32 $0xFFFFCE00  }
0x2a3: {  	[hbm4b:s0+s6] =	stream.strided.scatter [tilespmem:s14], [sflag:$0x11], $0x3200, s10, s6, $0x38;
	[tilespmem:$0x14820] =	vst v63  }
0x2a4: {  	_ =	swait.ge [sflag:s21], $0x3200  }
0x2a5: {  	[sflag:s21] =	ssyncset.done $0x0  }
0x2a6: {  	[sflag:s21] =	ssyncadd.s32 $0xFFFFCE00  }
0x2a7: {  	[tilespmem:s17], [sflag:$0x4] =	stream.linear.gather [spmem:s1], $0x3200, $0x38;
	[tilespmem:$0x14820] =	vst v63  }
0x2a8: {  	_ =	swait.ge [sflag:s8], $0x3200  }
0x2a9: {  	s0 =	sld [smem:$0x7E9]  }
0x2aa: {  	[sflag:s8] =	ssyncset.done $0x0  }
0x2ab: {  	[sflag:s8] =	ssyncadd.s32 $0xFFFFCE00  }
0x2ac: {  	[tilespmem:s3], [sflag:$0x9] =	stream.indirect.gather.add.f32 [hbm:s2], $0x40, s0, s5, $0xb8;
	[tilespmem:$0x14820] =	vst v63  }
0x2ad: {  	_ =	swait.ge [sflag:s23], $0x3200  }
0x2ae: {  	[sflag:s23] =	ssyncset.done $0x0  }
0x2af: {  	s0 =	rddreg [dreg:$0xe];
	[sflag:s23] =	ssyncadd.s32 $0xFFFFCE00  }
0x2b0: {  	[hbm4b:s0+s6] =	stream.strided.scatter [tilespmem:s12], [sflag:$0x12], $0x3200, s10, s6, $0x38;
	[tilespmem:$0x14820] =	vst v63  }
0x2b1: {  	_ =	swait.ge [sflag:s20], $0x3200  }
0x2b2: {  	[sflag:s20] =	ssyncset.done $0x0  }
0x2b3: {  	[sflag:s20] =	ssyncadd.s32 $0xFFFFCE00  }
0x2b4: {  	[tilespmem:s14], [sflag:$0x5] =	stream.linear.gather [spmem:s1], $0x3200, $0x38;
	[tilespmem:$0x14820] =	vst v63  }
0x2b5: {  	_ =	swait.ge [sflag:s30], $0x3200  }
0x2b6: {  	s0 =	sld [smem:$0x7EA]  }
0x2b7: {  	[sflag:s30] =	ssyncset.done $0x0  }
0x2b8: {  	[sflag:s30] =	ssyncadd.s32 $0xFFFFCE00  }
0x2b9: {  	[tilespmem:s17], [sflag:$0xA] =	stream.indirect.gather.add.f32 [hbm:s2], $0x40, s0, s5, $0xb8;
	[tilespmem:$0x14820] =	vst v63  }
0x2ba: {  	_ =	swait.ge [sflag:s22], $0x3200  }
0x2bb: {  	[sflag:s22] =	ssyncset.done $0x0  }
0x2bc: {  	s0 =	rddreg [dreg:$0xf];
	[sflag:s22] =	ssyncadd.s32 $0xFFFFCE00  }
0x2bd: {  	[hbm4b:s0+s6] =	stream.strided.scatter [tilespmem:s16], [sflag:$0x13], $0x3200, s10, s6, $0x38;
	[tilespmem:$0x14820] =	vst v63  }
0x2be: {  	_ =	swait.ge [sflag:s19], $0x3200  }
0x2bf: {  	[sflag:s19] =	ssyncset.done $0x0  }
0x2c0: {  	[sflag:s19] =	ssyncadd.s32 $0xFFFFCE00  }
0x2c1: {  	[tilespmem:s12], [sflag:$0x6] =	stream.linear.gather [spmem:s1], $0x3200, $0x38;
	[tilespmem:$0x14820] =	vst v63  }
0x2c2: {  	_ =	swait.ge [sflag:s28], $0x3200  }
0x2c3: {  	s0 =	sld [smem:$0x7EB]  }
0x2c4: {  	[sflag:s28] =	ssyncset.done $0x0  }
0x2c5: {  	[sflag:s28] =	ssyncadd.s32 $0xFFFFCE00  }
0x2c6: {  	[tilespmem:s14], [sflag:$0xB] =	stream.indirect.gather.add.f32 [hbm:s2], $0x40, s0, s5, $0xb8;
	[tilespmem:$0x14820] =	vst v63  }
0x2c7: {  	_ =	swait.ge [sflag:s9], $0x3200  }
0x2c8: {  	[sflag:s9] =	ssyncset.done $0x0  }
0x2c9: {  	s0 =	rddreg [dreg:$0x10];
	[sflag:s9] =	ssyncadd.s32 $0xFFFFCE00  }
0x2ca: {  	[hbm4b:s0+s6] =	stream.strided.scatter [tilespmem:s4], [sflag:$0xE], $0x3200, s10, s6, $0x38;
	[tilespmem:$0x14820] =	vst v63  }
0x2cb: {  	_ =	swait.ge [sflag:s18], $0x3200  }
0x2cc: {  	[sflag:s18] =	ssyncset.done $0x0  }
0x2cd: {  	[sflag:s18] =	ssyncadd.s32 $0xFFFFCE00  }
0x2ce: {  	[tilespmem:s16], [sflag:$0x7] =	stream.linear.gather [spmem:s1], $0x3200, $0x38;
	[tilespmem:$0x14820] =	vst v63  }
0x2cf: {  	_ =	swait.ge [sflag:s29], $0x3200  }
0x2d0: {  	s0 =	sld [smem:$0x7EC]  }
0x2d1: {  	[sflag:s29] =	ssyncset.done $0x0  }
0x2d2: {  	[sflag:s29] =	ssyncadd.s32 $0xFFFFCE00  }
0x2d3: {  	[tilespmem:s12], [sflag:$0xC] =	stream.indirect.gather.add.f32 [hbm:s2], $0x40, s0, s5, $0xb8;
	[tilespmem:$0x14820] =	vst v63  }
0x2d4: {  	_ =	swait.ge [sflag:s15], $0x3200  }
0x2d5: {  	[sflag:s15] =	ssyncset.done $0x0  }
0x2d6: {  	s0 =	rddreg [dreg:$0x11];
	[sflag:s15] =	ssyncadd.s32 $0xFFFFCE00  }
0x2d7: {  	[hbm4b:s0+s6] =	stream.strided.scatter [tilespmem:s3], [sflag:$0xF], $0x3200, s10, s6, $0x38;
	[tilespmem:$0x14820] =	vst v63  }
0x2d8: {  	_ =	swait.ge [sflag:s7], $0x3200  }
0x2d9: {  	[sflag:s7] =	ssyncset.done $0x0  }
0x2da: {  	[sflag:s7] =	ssyncadd.s32 $0xFFFFCE00  }
0x2db: {  	[tilespmem:s4], [sflag:$0x2] =	stream.linear.gather [spmem:s1], $0x3200, $0x38;
	[tilespmem:$0x14820] =	vst v63  }
0x2dc: {  	_ =	swait.ge [sflag:s26], $0x3200  }
0x2dd: {  	s0 =	sld [smem:$0x7ED]  }
0x2de: {  	[sflag:s26] =	ssyncset.done $0x0  }
0x2df: {  	[sflag:s26] =	ssyncadd.s32 $0xFFFFCE00  }
0x2e0: {  	[tilespmem:s16], [sflag:$0xD] =	stream.indirect.gather.add.f32 [hbm:s2], $0x40, s0, s5, $0xb8;
	[tilespmem:$0x14820] =	vst v63  }
0x2e1: {  	_ =	swait.ge [sflag:s25], $0x3200  }
0x2e2: {  	[sflag:s25] =	ssyncset.done $0x0  }
0x2e3: {  	s0 =	rddreg [dreg:$0x12];
	[sflag:s25] =	ssyncadd.s32 $0xFFFFCE00  }
0x2e4: {  	[hbm4b:s0+s6] =	stream.strided.scatter [tilespmem:s17], [sflag:$0x10], $0x3200, s10, s6, $0x38;
	[tilespmem:$0x14820] =	vst v63  }
0x2e5: {  	_ =	swait.ge [sflag:s13], $0x3200  }
0x2e6: {  	[sflag:s13] =	ssyncset.done $0x0  }
0x2e7: {  	[sflag:s13] =	ssyncadd.s32 $0xFFFFCE00  }
0x2e8: {  	[tilespmem:s3], [sflag:$0x3] =	stream.linear.gather [spmem:s1], $0x3200, $0x38;
	[tilespmem:$0x14820] =	vst v63  }
0x2e9: {  	_ =	swait.ge [sflag:s11], $0x3200  }
0x2ea: {  	s0 =	sld [smem:$0x7EE]  }
0x2eb: {  	[sflag:s11] =	ssyncset.done $0x0  }
0x2ec: {  	[sflag:s11] =	ssyncadd.s32 $0xFFFFCE00  }
0x2ed: {  	[tilespmem:s4], [sflag:$0x8] =	stream.indirect.gather.add.f32 [hbm:s2], $0x40, s0, s5, $0xb8;
	[tilespmem:$0x14820] =	vst v63  }
0x2ee: {  	_ =	swait.ge [sflag:s24], $0x3200  }
0x2ef: {  	[sflag:s24] =	ssyncset.done $0x0  }
0x2f0: {  	s0 =	rddreg [dreg:$0x13];
	[sflag:s24] =	ssyncadd.s32 $0xFFFFCE00  }
0x2f1: {  	[hbm4b:s0+s6] =	stream.strided.scatter [tilespmem:s14], [sflag:$0x11], $0x3200, s10, s6, $0x38;
	[tilespmem:$0x14820] =	vst v63  }
0x2f2: {  	_ =	swait.ge [sflag:s21], $0x3200  }
0x2f3: {  	[sflag:s21] =	ssyncset.done $0x0  }
0x2f4: {  	[sflag:s21] =	ssyncadd.s32 $0xFFFFCE00  }
0x2f5: {  	[tilespmem:s17], [sflag:$0x4] =	stream.linear.gather [spmem:s1], $0x3200, $0x38;
	[tilespmem:$0x14820] =	vst v63  }
0x2f6: {  	_ =	swait.ge [sflag:s8], $0x3200  }
0x2f7: {  	s0 =	sld [smem:$0x7EF]  }
0x2f8: {  	[sflag:s8] =	ssyncset.done $0x0  }
0x2f9: {  	[sflag:s8] =	ssyncadd.s32 $0xFFFFCE00  }
0x2fa: {  	[tilespmem:s3], [sflag:$0x9] =	stream.indirect.gather.add.f32 [hbm:s2], $0x40, s0, s5, $0xb8;
	[tilespmem:$0x14820] =	vst v63  }
0x2fb: {  	_ =	swait.ge [sflag:s23], $0x3200  }
0x2fc: {  	[sflag:s23] =	ssyncset.done $0x0  }
0x2fd: {  	s0 =	rddreg [dreg:$0x14];
	[sflag:s23] =	ssyncadd.s32 $0xFFFFCE00  }
0x2fe: {  	[hbm4b:s0+s6] =	stream.strided.scatter [tilespmem:s12], [sflag:$0x12], $0x3200, s10, s6, $0x38;
	[tilespmem:$0x14820] =	vst v63  }
0x2ff: {  	_ =	swait.ge [sflag:s20], $0x3200  }
0x300: {  	[sflag:s20] =	ssyncset.done $0x0  }
0x301: {  	[sflag:s20] =	ssyncadd.s32 $0xFFFFCE00  }
0x302: {  	[tilespmem:s14], [sflag:$0x5] =	stream.linear.gather [spmem:s1], $0x3200, $0x38;
	[tilespmem:$0x14820] =	vst v63  }
0x303: {  	_ =	swait.ge [sflag:s30], $0x3200  }
0x304: {  	s0 =	sld [smem:$0x7F0]  }
0x305: {  	[sflag:s30] =	ssyncset.done $0x0  }
0x306: {  	[sflag:s30] =	ssyncadd.s32 $0xFFFFCE00  }
0x307: {  	[tilespmem:s17], [sflag:$0xA] =	stream.indirect.gather.add.f32 [hbm:s2], $0x40, s0, s5, $0xb8;
	[tilespmem:$0x14820] =	vst v63  }
0x308: {  	_ =	swait.ge [sflag:s22], $0x3200  }
0x309: {  	[sflag:s22] =	ssyncset.done $0x0  }
0x30a: {  	s0 =	rddreg [dreg:$0x15];
	[sflag:s22] =	ssyncadd.s32 $0xFFFFCE00  }
0x30b: {  	[hbm4b:s0+s6] =	stream.strided.scatter [tilespmem:s16], [sflag:$0x13], $0x3200, s10, s6, $0x38;
	[tilespmem:$0x14820] =	vst v63  }
0x30c: {  	_ =	swait.ge [sflag:s19], $0x3200  }
0x30d: {  	[sflag:s19] =	ssyncset.done $0x0  }
0x30e: {  	[sflag:s19] =	ssyncadd.s32 $0xFFFFCE00  }
0x30f: {  	[tilespmem:s12], [sflag:$0x6] =	stream.linear.gather [spmem:s1], $0x3200, $0x38;
	[tilespmem:$0x14820] =	vst v63  }
0x310: {  	_ =	swait.ge [sflag:s28], $0x3200  }
0x311: {  	s0 =	sld [smem:$0x7F1]  }
0x312: {  	[sflag:s28] =	ssyncset.done $0x0  }
0x313: {  	[sflag:s28] =	ssyncadd.s32 $0xFFFFCE00  }
0x314: {  	[tilespmem:s14], [sflag:$0xB] =	stream.indirect.gather.add.f32 [hbm:s2], $0x40, s0, s5, $0xb8;
	[tilespmem:$0x14820] =	vst v63  }
0x315: {  	_ =	swait.ge [sflag:s9], $0x3200  }
0x316: {  	[sflag:s9] =	ssyncset.done $0x0  }
0x317: {  	s0 =	rddreg [dreg:$0x16];
	[sflag:s9] =	ssyncadd.s32 $0xFFFFCE00  }
0x318: {  	[hbm4b:s0+s6] =	stream.strided.scatter [tilespmem:s4], [sflag:$0xE], $0x3200, s10, s6, $0x38;
	[tilespmem:$0x14820] =	vst v63  }
0x319: {  	_ =	swait.ge [sflag:s18], $0x3200  }
0x31a: {  	[sflag:s18] =	ssyncset.done $0x0  }
0x31b: {  	[sflag:s18] =	ssyncadd.s32 $0xFFFFCE00  }
0x31c: {  	[tilespmem:s16], [sflag:$0x7] =	stream.linear.gather [spmem:s1], $0x3200, $0x38;
	[tilespmem:$0x14820] =	vst v63  }
0x31d: {  	_ =	swait.ge [sflag:s29], $0x3200  }
0x31e: {  	s0 =	sld [smem:$0x7F2]  }
0x31f: {  	[sflag:s29] =	ssyncset.done $0x0  }
0x320: {  	[sflag:s29] =	ssyncadd.s32 $0xFFFFCE00  }
0x321: {  	[tilespmem:s12], [sflag:$0xC] =	stream.indirect.gather.add.f32 [hbm:s2], $0x40, s0, s5, $0xb8;
	[tilespmem:$0x14820] =	vst v63  }
0x322: {  	_ =	swait.ge [sflag:s15], $0x3200  }
0x323: {  	[sflag:s15] =	ssyncset.done $0x0  }
0x324: {  	s0 =	rddreg [dreg:$0x17];
	[sflag:s15] =	ssyncadd.s32 $0xFFFFCE00  }
0x325: {  	[hbm4b:s0+s6] =	stream.strided.scatter [tilespmem:s3], [sflag:$0xF], $0x3200, s10, s6, $0x38;
	[tilespmem:$0x14820] =	vst v63  }
0x326: {  	_ =	swait.ge [sflag:s7], $0x3200  }
0x327: {  	[sflag:s7] =	ssyncset.done $0x0  }
0x328: {  	[sflag:s7] =	ssyncadd.s32 $0xFFFFCE00  }
0x329: {  	[tilespmem:s4], [sflag:$0x2] =	stream.linear.gather [spmem:s1], $0x3200, $0x38;
	[tilespmem:$0x14820] =	vst v63  }
0x32a: {  	_ =	swait.ge [sflag:s26], $0x3200  }
0x32b: {  	s0 =	sld [smem:$0x7F3]  }
0x32c: {  	[sflag:s26] =	ssyncset.done $0x0  }
0x32d: {  	[sflag:s26] =	ssyncadd.s32 $0xFFFFCE00  }
0x32e: {  	[tilespmem:s16], [sflag:$0xD] =	stream.indirect.gather.add.f32 [hbm:s2], $0x40, s0, s5, $0xb8;
	[tilespmem:$0x14820] =	vst v63  }
0x32f: {  	_ =	swait.ge [sflag:s25], $0x3200  }
0x330: {  	[sflag:s25] =	ssyncset.done $0x0  }
0x331: {  	s0 =	rddreg [dreg:$0x18];
	[sflag:s25] =	ssyncadd.s32 $0xFFFFCE00  }
0x332: {  	[hbm4b:s0+s6] =	stream.strided.scatter [tilespmem:s17], [sflag:$0x10], $0x3200, s10, s6, $0x38;
	[tilespmem:$0x14820] =	vst v63  }
0x333: {  	_ =	swait.ge [sflag:s13], $0x3200  }
0x334: {  	[sflag:s13] =	ssyncset.done $0x0  }
0x335: {  	[sflag:s13] =	ssyncadd.s32 $0xFFFFCE00  }
0x336: {  	[tilespmem:s3], [sflag:$0x3] =	stream.linear.gather [spmem:s1], $0x3200, $0x38;
	[tilespmem:$0x14820] =	vst v63  }
0x337: {  	_ =	swait.ge [sflag:s11], $0x3200  }
0x338: {  	s0 =	sld [smem:$0x7F4]  }
0x339: {  	[sflag:s11] =	ssyncset.done $0x0  }
0x33a: {  	[sflag:s11] =	ssyncadd.s32 $0xFFFFCE00  }
0x33b: {  	[tilespmem:s4], [sflag:$0x8] =	stream.indirect.gather.add.f32 [hbm:s2], $0x40, s0, s5, $0xb8;
	[tilespmem:$0x14820] =	vst v63  }
0x33c: {  	_ =	swait.ge [sflag:s24], $0x3200  }
0x33d: {  	[sflag:s24] =	ssyncset.done $0x0  }
0x33e: {  	s0 =	rddreg [dreg:$0x19];
	[sflag:s24] =	ssyncadd.s32 $0xFFFFCE00  }
0x33f: {  	[hbm4b:s0+s6] =	stream.strided.scatter [tilespmem:s14], [sflag:$0x11], $0x3200, s10, s6, $0x38;
	[tilespmem:$0x14820] =	vst v63  }
0x340: {  	_ =	swait.ge [sflag:s21], $0x3200  }
0x341: {  	[sflag:s21] =	ssyncset.done $0x0  }
0x342: {  	[sflag:s21] =	ssyncadd.s32 $0xFFFFCE00  }
0x343: {  	[tilespmem:s17], [sflag:$0x4] =	stream.linear.gather [spmem:s1], $0x3200, $0x38;
	[tilespmem:$0x14820] =	vst v63  }
0x344: {  	_ =	swait.ge [sflag:s8], $0x3200  }
0x345: {  	s0 =	sld [smem:$0x7F5]  }
0x346: {  	[sflag:s8] =	ssyncset.done $0x0  }
0x347: {  	[sflag:s8] =	ssyncadd.s32 $0xFFFFCE00  }
0x348: {  	[tilespmem:s3], [sflag:$0x9] =	stream.indirect.gather.add.f32 [hbm:s2], $0x40, s0, s5, $0xb8;
	[tilespmem:$0x14820] =	vst v63  }
0x349: {  	_ =	swait.ge [sflag:s23], $0x3200  }
0x34a: {  	[sflag:s23] =	ssyncset.done $0x0  }
0x34b: {  	s0 =	rddreg [dreg:$0x1a];
	[sflag:s23] =	ssyncadd.s32 $0xFFFFCE00  }
0x34c: {  	[hbm4b:s0+s6] =	stream.strided.scatter [tilespmem:s12], [sflag:$0x12], $0x3200, s10, s6, $0x38;
	[tilespmem:$0x14820] =	vst v63  }
0x34d: {  	_ =	swait.ge [sflag:s20], $0x3200  }
0x34e: {  	[sflag:s20] =	ssyncset.done $0x0  }
0x34f: {  	[sflag:s20] =	ssyncadd.s32 $0xFFFFCE00  }
0x350: {  	[tilespmem:s14], [sflag:$0x5] =	stream.linear.gather [spmem:s1], $0x3200, $0x38;
	[tilespmem:$0x14820] =	vst v63  }
0x351: {  	_ =	swait.ge [sflag:s30], $0x3200  }
0x352: {  	s0 =	sld [smem:$0x7F6]  }
0x353: {  	[sflag:s30] =	ssyncset.done $0x0  }
0x354: {  	[sflag:s30] =	ssyncadd.s32 $0xFFFFCE00  }
0x355: {  	[tilespmem:s17], [sflag:$0xA] =	stream.indirect.gather.add.f32 [hbm:s2], $0x40, s0, s5, $0xb8;
	[tilespmem:$0x14820] =	vst v63  }
0x356: {  	_ =	swait.ge [sflag:s22], $0x3200  }
0x357: {  	[sflag:s22] =	ssyncset.done $0x0  }
0x358: {  	s0 =	rddreg [dreg:$0x1b];
	[sflag:s22] =	ssyncadd.s32 $0xFFFFCE00  }
0x359: {  	[hbm4b:s0+s6] =	stream.strided.scatter [tilespmem:s16], [sflag:$0x13], $0x3200, s10, s6, $0x38;
	[tilespmem:$0x14820] =	vst v63  }
0x35a: {  	_ =	swait.ge [sflag:s19], $0x3200  }
0x35b: {  	[sflag:s19] =	ssyncset.done $0x0  }
0x35c: {  	[sflag:s19] =	ssyncadd.s32 $0xFFFFCE00  }
0x35d: {  	[tilespmem:s12], [sflag:$0x6] =	stream.linear.gather [spmem:s1], $0x3200, $0x38;
	[tilespmem:$0x14820] =	vst v63  }
0x35e: {  	_ =	swait.ge [sflag:s28], $0x3200  }
0x35f: {  	s0 =	sld [smem:$0x7F7]  }
0x360: {  	[sflag:s28] =	ssyncset.done $0x0  }
0x361: {  	[sflag:s28] =	ssyncadd.s32 $0xFFFFCE00  }
0x362: {  	[tilespmem:s14], [sflag:$0xB] =	stream.indirect.gather.add.f32 [hbm:s2], $0x40, s0, s5, $0xb8;
	[tilespmem:$0x14820] =	vst v63  }
0x363: {  	_ =	swait.ge [sflag:s9], $0x3200  }
0x364: {  	[sflag:s9] =	ssyncset.done $0x0  }
0x365: {  	s0 =	rddreg [dreg:$0x1c];
	[sflag:s9] =	ssyncadd.s32 $0xFFFFCE00  }
0x366: {  	[hbm4b:s0+s6] =	stream.strided.scatter [tilespmem:s4], [sflag:$0xE], $0x3200, s10, s6, $0x38;
	[tilespmem:$0x14820] =	vst v63  }
0x367: {  	_ =	swait.ge [sflag:s18], $0x3200  }
0x368: {  	[sflag:s18] =	ssyncset.done $0x0  }
0x369: {  	[sflag:s18] =	ssyncadd.s32 $0xFFFFCE00  }
0x36a: {  	[tilespmem:s16], [sflag:$0x7] =	stream.linear.gather [spmem:s1], $0x3200, $0x38;
	[tilespmem:$0x14820] =	vst v63  }
0x36b: {  	_ =	swait.ge [sflag:s29], $0x3200  }
0x36c: {  	s0 =	sld [smem:$0x7F8]  }
0x36d: {  	[sflag:s29] =	ssyncset.done $0x0  }
0x36e: {  	[sflag:s29] =	ssyncadd.s32 $0xFFFFCE00  }
0x36f: {  	[tilespmem:s12], [sflag:$0xC] =	stream.indirect.gather.add.f32 [hbm:s2], $0x40, s0, s5, $0xb8;
	[tilespmem:$0x14820] =	vst v63  }
0x370: {  	_ =	swait.ge [sflag:s15], $0x3200  }
0x371: {  	[sflag:s15] =	ssyncset.done $0x0  }
0x372: {  	s0 =	rddreg [dreg:$0x1d];
	[sflag:s15] =	ssyncadd.s32 $0xFFFFCE00  }
0x373: {  	[hbm4b:s0+s6] =	stream.strided.scatter [tilespmem:s3], [sflag:$0xF], $0x3200, s10, s6, $0x38;
	[tilespmem:$0x14820] =	vst v63  }
0x374: {  	_ =	swait.ge [sflag:s7], $0x3200  }
0x375: {  	[sflag:s7] =	ssyncset.done $0x0  }
0x376: {  	[sflag:s7] =	ssyncadd.s32 $0xFFFFCE00  }
0x377: {  	[tilespmem:s4], [sflag:$0x2] =	stream.linear.gather [spmem:s1], $0x3200, $0x38;
	[tilespmem:$0x14820] =	vst v63  }
0x378: {  	_ =	swait.ge [sflag:s26], $0x3200  }
0x379: {  	s0 =	sld [smem:$0x7F9]  }
0x37a: {  	[sflag:s26] =	ssyncset.done $0x0  }
0x37b: {  	[sflag:s26] =	ssyncadd.s32 $0xFFFFCE00  }
0x37c: {  	[tilespmem:s16], [sflag:$0xD] =	stream.indirect.gather.add.f32 [hbm:s2], $0x40, s0, s5, $0xb8;
	[tilespmem:$0x14820] =	vst v63  }
0x37d: {  	_ =	swait.ge [sflag:s25], $0x3200  }
0x37e: {  	[sflag:s25] =	ssyncset.done $0x0  }
0x37f: {  	s0 =	rddreg [dreg:$0x1e];
	[sflag:s25] =	ssyncadd.s32 $0xFFFFCE00  }
0x380: {  	[hbm4b:s0+s6] =	stream.strided.scatter [tilespmem:s17], [sflag:$0x10], $0x3200, s10, s6, $0x38;
	[tilespmem:$0x14820] =	vst v63  }
0x381: {  	_ =	swait.ge [sflag:s13], $0x3200  }
0x382: {  	[sflag:s13] =	ssyncset.done $0x0  }
0x383: {  	[sflag:s13] =	ssyncadd.s32 $0xFFFFCE00  }
0x384: {  	[tilespmem:s3], [sflag:$0x3] =	stream.linear.gather [spmem:s1], $0x3200, $0x38;
	[tilespmem:$0x14820] =	vst v63  }
0x385: {  	_ =	swait.ge [sflag:s11], $0x3200  }
0x386: {  	s0 =	sld [smem:$0x7FA]  }
0x387: {  	[sflag:s11] =	ssyncset.done $0x0  }
0x388: {  	[sflag:s11] =	ssyncadd.s32 $0xFFFFCE00  }
0x389: {  	[tilespmem:s4], [sflag:$0x8] =	stream.indirect.gather.add.f32 [hbm:s2], $0x40, s0, s5, $0xb8;
	[tilespmem:$0x14820] =	vst v63  }
0x38a: {  	_ =	swait.ge [sflag:s24], $0x3200  }
0x38b: {  	[sflag:s24] =	ssyncset.done $0x0  }
0x38c: {  	s0 =	rddreg [dreg:$0x1f];
	[sflag:s24] =	ssyncadd.s32 $0xFFFFCE00  }
0x38d: {  	[hbm4b:s0+s6] =	stream.strided.scatter [tilespmem:s14], [sflag:$0x11], $0x3200, s10, s6, $0x38;
	[tilespmem:$0x14820] =	vst v63  }
0x38e: {  	_ =	swait.ge [sflag:s8], $0x3200  }
0x38f: {  	s0 =	sld [smem:$0x7FB]  }
0x390: {  	[sflag:s8] =	ssyncset.done $0x0  }
0x391: {  	[sflag:s8] =	ssyncadd.s32 $0xFFFFCE00  }
0x392: {  	[tilespmem:s3], [sflag:$0x9] =	stream.indirect.gather.add.f32 [hbm:s2], $0x40, s0, s5, $0xb8;
	[tilespmem:$0x14820] =	vst v63  }
0x393: {  	_ =	swait.ge [sflag:s23], $0x3200  }
0x394: {  	s0 =	sld [smem:$0x7DA]  }
0x395: {  	[sflag:s23] =	ssyncset.done $0x0  }
0x396: {  	[sflag:s23] =	ssyncadd.s32 $0xFFFFCE00  }
0x397: {  	[hbm4b:s0+s6] =	stream.strided.scatter [tilespmem:s12], [sflag:$0x12], $0x3200, s10, s6, $0x38;
	[tilespmem:$0x14820] =	vst v63  }
0x398: {  	_ =	swait.ge [sflag:s22], $0x3200  }
0x399: {  	s12 =	sld [smem:$0x7DB]  }
0x39a: {  	[sflag:s22] =	ssyncset.done $0x0  }
0x39b: {  	[sflag:s22] =	ssyncadd.s32 $0xFFFFCE00  }
0x39c: {  	[hbm4b:s12+s6] =	stream.strided.scatter [tilespmem:s16], [sflag:$0x13], $0x3200, s10, s6, $0x38;
	[tilespmem:$0x14820] =	vst v63  }
0x39d: {  	_ =	swait.ge [sflag:s9], $0x3200  }
0x39e: {  	s12 =	sld [smem:$0x7DC]  }
0x39f: {  	[sflag:s9] =	ssyncset.done $0x0  }
0x3a0: {  	[sflag:s9] =	ssyncadd.s32 $0xFFFFCE00  }
0x3a1: {  	[hbm4b:s12+s6] =	stream.strided.scatter [tilespmem:s4], [sflag:$0xE], $0x3200, s10, s6, $0x38;
	[tilespmem:$0x14820] =	vst v63  }
0x3a2: {  	_ =	swait.ge [sflag:s15], $0x3200  }
0x3a3: {  	s12 =	sld [smem:$0x7DD]  }
0x3a4: {  	[sflag:s15] =	ssyncset.done $0x0  }
0x3a5: {  	[sflag:s15] =	ssyncadd.s32 $0xFFFFCE00  }
0x3a6: {  	[hbm4b:s12+s6] =	stream.strided.scatter [tilespmem:s3], [sflag:$0xF], $0x3200, s10, s6, $0x38;
	[tilespmem:$0x14820] =	vst v63  }
0x3a7: {  	_ =	swait.ge [sflag:s21], $0x3200  }
0x3a8: {  	[sflag:s21] =	ssyncset.done $0x0  }
0x3a9: {  	[sflag:s21] =	ssyncadd.s32 $0xFFFFCE00  }
0x3aa: {  	_ =	swait.ge [sflag:s20], $0x3200  }
0x3ab: {  	[sflag:s20] =	ssyncset.done $0x0  }
0x3ac: {  	[sflag:s20] =	ssyncadd.s32 $0xFFFFCE00  }
0x3ad: {  	_ =	swait.ge [sflag:s19], $0x3200  }
0x3ae: {  	[sflag:s19] =	ssyncset.done $0x0  }
0x3af: {  	[sflag:s19] =	ssyncadd.s32 $0xFFFFCE00  }
0x3b0: {  	_ =	swait.ge [sflag:s18], $0x3200  }
0x3b1: {  	s31 =	sadd.s32 $0xFFFFFFFF, s31;
	[sflag:s18] =	ssyncset.done $0x0  }
0x3b2: {  	p2 =	sne.s32 s31, $0x0;
	[sflag:s18] =	ssyncadd.s32 $0xFFFFCE00  }
.Ltmp2:
0x3b3: {  	_ =	swait.ge [sflag:s7], $0x3200;
	(pc) =	sbr.rel @p2 .LBB2_2-.Ltmp2, $4  }
0x3b4: {  	[sflag:s7] =	ssyncset.done $0x0  }
0x3b5: {  	[sflag:s7] =	ssyncadd.s32 $0xFFFFCE00  }
0x3b6: {  	_ =	swait.ge [sflag:s13], $0x3200  }
0x3b7: {  	s0 =	rddreg [dreg:$0x4];
	[sflag:s13] =	ssyncset.done $0x0  }
.LBB2_3:
0x3b8: {  	[sflag:s13] =	ssyncadd.s32 @p1 $0xFFFFCE00;
	s31 =	simm.s32 $0x0  }
0x3b9: {  	[tilespmem:s31], [sflag:$0x1] =	stream.linear.gather [hbm4b:s0+s31], $0x1900, $0x38;
	[tilespmem:$0x14820] =	vst v63  }
0x3ba: {  	s31 =	sld [smem:$0x7FD];
	_ =	sdelay $0x1  }
0x3bb: {  	s12 =	rddreg [dreg:$0x3];
	s0 =	simm.s32 @!p0 $0x1C14  }
0x3bc: {  	[spmem:s31], [sflag:s0] =	dma.local @!p0 [hbm:s12], $0x640  }
0x3bd: {  	s0 =	simm.s32 @!p0 $0x14  }
0x3be: {  	_ =	swait.ge @!p0 [sflag:s0], $0x640  }
0x3bf: {  	[sflag:s0] =	ssyncset.done @!p0 $0x0  }
0x3c0: {  	[sflag:s0] =	ssyncadd.s32 @!p0 $0xFFFFF9C0  }
0x3c1: {  	[bflag:$0x0] =	sbarrier.arrive $0xFFFF  }
0x3c2: {  	[tilespmem:s4], [sflag:$0x2] =	stream.linear.gather [spmem:s1], $0x3200, $0x38;
	[tilespmem:$0x14820] =	vst v63  }
0x3c3: {  	s12 =	simm.s32 $0x1  }
0x3c4: {  	[tilespmem:s3], [sflag:$0x3] =	stream.linear.gather [spmem:s1], $0x3200, $0x38;
	[tilespmem:$0x14820] =	vst v63  }
0x3c5: {  	_ =	swait.ge [sflag:s12], $0x1900  }
0x3c6: {  	[sflag:s12] =	ssyncset.done $0x0  }
0x3c7: {  	[sflag:s12] =	ssyncadd.s32 $0xFFFFE700  }
0x3c8: {  	_ =	swait.ge [sflag:s11], $0x3200  }
0x3c9: {  	[sflag:s11] =	ssyncset.done $0x0  }
0x3ca: {  	s31 =	simm.s32 $0x0;
	[sflag:s11] =	ssyncadd.s32 $0xFFFFCE00  }
0x3cb: {  	[tilespmem:s4], [sflag:$0x8] =	stream.indirect.gather.add.f32 [hbm:s2], $0x40, s31, s5, $0xb8;
	[tilespmem:$0x14820] =	vst v63  }
0x3cc: {  	_ = 	snop  }
0x3cd: {  	[tilespmem:s17], [sflag:$0x4] =	stream.linear.gather [spmem:s1], $0x3200, $0x38;
	[tilespmem:$0x14820] =	vst v63  }
0x3ce: {  	_ =	swait.ge [sflag:s8], $0x3200  }
0x3cf: {  	[sflag:s8] =	ssyncset.done $0x0  }
0x3d0: {  	[sflag:s8] =	ssyncadd.s32 $0xFFFFCE00  }
0x3d1: {  	[tilespmem:s3], [sflag:$0x9] =	stream.indirect.gather.add.f32 [hbm:s2], $0x40, s5, s5, $0xb8;
	[tilespmem:$0x14820] =	vst v63  }
0x3d2: {  	_ = 	snop  }
0x3d3: {  	[tilespmem:s14], [sflag:$0x5] =	stream.linear.gather [spmem:s1], $0x3200, $0x38;
	[tilespmem:$0x14820] =	vst v63  }
0x3d4: {  	_ =	swait.ge [sflag:s30], $0x3200  }
0x3d5: {  	s12 =	sld [smem:$0x7DE]  }
0x3d6: {  	[sflag:s30] =	ssyncset.done $0x0  }
0x3d7: {  	[sflag:s30] =	ssyncadd.s32 $0xFFFFCE00  }
0x3d8: {  	[tilespmem:s17], [sflag:$0xA] =	stream.indirect.gather.add.f32 [hbm:s2], $0x40, s12, s5, $0xb8;
	[tilespmem:$0x14820] =	vst v63  }
0x3d9: {  	s12 =	simm.s32 $0xE100  }
0x3da: {  	[tilespmem:s12], [sflag:$0x6] =	stream.linear.gather [spmem:s1], $0x3200, $0x38;
	[tilespmem:$0x14820] =	vst v63  }
0x3db: {  	_ =	swait.ge [sflag:s28], $0x3200  }
0x3dc: {  	s31 =	sld [smem:$0x7DF]  }
0x3dd: {  	[sflag:s28] =	ssyncset.done $0x0  }
0x3de: {  	[sflag:s28] =	ssyncadd.s32 $0xFFFFCE00  }
0x3df: {  	[tilespmem:s14], [sflag:$0xB] =	stream.indirect.gather.add.f32 [hbm:s2], $0x40, s31, s5, $0xb8;
	[tilespmem:$0x14820] =	vst v63  }
0x3e0: {  	_ =	swait.ge [sflag:s9], $0x3200  }
0x3e1: {  	s31 =	sld [smem:$0x7D9]  }
0x3e2: {  	[sflag:s9] =	ssyncset.done $0x0  }
0x3e3: {  	[sflag:s9] =	ssyncadd.s32 $0xFFFFCE00  }
0x3e4: {  	[hbm4b:s31+s6] =	stream.strided.scatter [tilespmem:s4], [sflag:$0xE], $0x3200, s10, s6, $0x38;
	[tilespmem:$0x14820] =	vst v63  }
0x3e5: {  	_ = 	snop  }
0x3e6: {  	[tilespmem:s16], [sflag:$0x7] =	stream.linear.gather [spmem:s1], $0x3200, $0x38;
	[tilespmem:$0x14820] =	vst v63  }
0x3e7: {  	_ =	swait.ge [sflag:s29], $0x3200  }
0x3e8: {  	s31 =	sld [smem:$0x7E0]  }
0x3e9: {  	[sflag:s29] =	ssyncset.done $0x0  }
0x3ea: {  	[sflag:s29] =	ssyncadd.s32 $0xFFFFCE00  }
0x3eb: {  	[tilespmem:s12], [sflag:$0xC] =	stream.indirect.gather.add.f32 [hbm:s2], $0x40, s31, s5, $0xb8;
	[tilespmem:$0x14820] =	vst v63  }
0x3ec: {  	_ =	swait.ge [sflag:s15], $0x3200  }
0x3ed: {  	[sflag:s15] =	ssyncset.done $0x0  }
0x3ee: {  	s31 =	rddreg [dreg:$0x5];
	[sflag:s15] =	ssyncadd.s32 $0xFFFFCE00  }
0x3ef: {  	[hbm4b:s31+s6] =	stream.strided.scatter [tilespmem:s3], [sflag:$0xF], $0x3200, s10, s6, $0x38;
	[tilespmem:$0x14820] =	vst v63  }
0x3f0: {  	_ =	swait.ge [sflag:s7], $0x3200  }
0x3f1: {  	[sflag:s7] =	ssyncset.done $0x0  }
0x3f2: {  	[sflag:s7] =	ssyncadd.s32 $0xFFFFCE00  }
0x3f3: {  	[tilespmem:s4], [sflag:$0x2] =	stream.linear.gather [spmem:s1], $0x3200, $0x38;
	[tilespmem:$0x14820] =	vst v63  }
0x3f4: {  	_ =	swait.ge [sflag:s26], $0x3200  }
0x3f5: {  	s31 =	sld [smem:$0x7E1]  }
0x3f6: {  	[sflag:s26] =	ssyncset.done $0x0  }
0x3f7: {  	[sflag:s26] =	ssyncadd.s32 $0xFFFFCE00  }
0x3f8: {  	[tilespmem:s16], [sflag:$0xD] =	stream.indirect.gather.add.f32 [hbm:s2], $0x40, s31, s5, $0xb8;
	[tilespmem:$0x14820] =	vst v63  }
0x3f9: {  	_ =	swait.ge [sflag:s25], $0x3200  }
0x3fa: {  	[sflag:s25] =	ssyncset.done $0x0  }
0x3fb: {  	s31 =	rddreg [dreg:$0x6];
	[sflag:s25] =	ssyncadd.s32 $0xFFFFCE00  }
0x3fc: {  	[hbm4b:s31+s6] =	stream.strided.scatter [tilespmem:s17], [sflag:$0x10], $0x3200, s10, s6, $0x38;
	[tilespmem:$0x14820] =	vst v63  }
0x3fd: {  	_ =	swait.ge [sflag:s13], $0x3200  }
0x3fe: {  	[sflag:s13] =	ssyncset.done $0x0  }
0x3ff: {  	[sflag:s13] =	ssyncadd.s32 $0xFFFFCE00  }
0x400: {  	[tilespmem:s3], [sflag:$0x3] =	stream.linear.gather [spmem:s1], $0x3200, $0x38;
	[tilespmem:$0x14820] =	vst v63  }
0x401: {  	_ =	swait.ge [sflag:s11], $0x3200  }
0x402: {  	s31 =	sld [smem:$0x7E2]  }
0x403: {  	[sflag:s11] =	ssyncset.done $0x0  }
0x404: {  	[sflag:s11] =	ssyncadd.s32 $0xFFFFCE00  }
0x405: {  	[tilespmem:s4], [sflag:$0x8] =	stream.indirect.gather.add.f32 [hbm:s2], $0x40, s31, s5, $0xb8;
	[tilespmem:$0x14820] =	vst v63  }
0x406: {  	_ =	swait.ge [sflag:s24], $0x3200  }
0x407: {  	[sflag:s24] =	ssyncset.done $0x0  }
0x408: {  	s31 =	rddreg [dreg:$0x7];
	[sflag:s24] =	ssyncadd.s32 $0xFFFFCE00  }
0x409: {  	[hbm4b:s31+s6] =	stream.strided.scatter [tilespmem:s14], [sflag:$0x11], $0x3200, s10, s6, $0x38;
	[tilespmem:$0x14820] =	vst v63  }
0x40a: {  	_ =	swait.ge [sflag:s21], $0x3200  }
0x40b: {  	[sflag:s21] =	ssyncset.done $0x0  }
0x40c: {  	[sflag:s21] =	ssyncadd.s32 $0xFFFFCE00  }
0x40d: {  	[tilespmem:s17], [sflag:$0x4] =	stream.linear.gather [spmem:s1], $0x3200, $0x38;
	[tilespmem:$0x14820] =	vst v63  }
0x40e: {  	_ =	swait.ge [sflag:s8], $0x3200  }
0x40f: {  	s31 =	sld [smem:$0x7E3]  }
0x410: {  	[sflag:s8] =	ssyncset.done $0x0  }
0x411: {  	[sflag:s8] =	ssyncadd.s32 $0xFFFFCE00  }
0x412: {  	[tilespmem:s3], [sflag:$0x9] =	stream.indirect.gather.add.f32 [hbm:s2], $0x40, s31, s5, $0xb8;
	[tilespmem:$0x14820] =	vst v63  }
0x413: {  	_ =	swait.ge [sflag:s23], $0x3200  }
0x414: {  	[sflag:s23] =	ssyncset.done $0x0  }
0x415: {  	s31 =	rddreg [dreg:$0x8];
	[sflag:s23] =	ssyncadd.s32 $0xFFFFCE00  }
0x416: {  	[hbm4b:s31+s6] =	stream.strided.scatter [tilespmem:s12], [sflag:$0x12], $0x3200, s10, s6, $0x38;
	[tilespmem:$0x14820] =	vst v63  }
0x417: {  	_ =	swait.ge [sflag:s20], $0x3200  }
0x418: {  	[sflag:s20] =	ssyncset.done $0x0  }
0x419: {  	[sflag:s20] =	ssyncadd.s32 $0xFFFFCE00  }
0x41a: {  	[tilespmem:s14], [sflag:$0x5] =	stream.linear.gather [spmem:s1], $0x3200, $0x38;
	[tilespmem:$0x14820] =	vst v63  }
0x41b: {  	_ =	swait.ge [sflag:s30], $0x3200  }
0x41c: {  	s31 =	sld [smem:$0x7E4]  }
0x41d: {  	[sflag:s30] =	ssyncset.done $0x0  }
0x41e: {  	[sflag:s30] =	ssyncadd.s32 $0xFFFFCE00  }
0x41f: {  	[tilespmem:s17], [sflag:$0xA] =	stream.indirect.gather.add.f32 [hbm:s2], $0x40, s31, s5, $0xb8;
	[tilespmem:$0x14820] =	vst v63  }
0x420: {  	_ =	swait.ge [sflag:s22], $0x3200  }
0x421: {  	[sflag:s22] =	ssyncset.done $0x0  }
0x422: {  	s31 =	rddreg [dreg:$0x9];
	[sflag:s22] =	ssyncadd.s32 $0xFFFFCE00  }
0x423: {  	[hbm4b:s31+s6] =	stream.strided.scatter [tilespmem:s16], [sflag:$0x13], $0x3200, s10, s6, $0x38;
	[tilespmem:$0x14820] =	vst v63  }
0x424: {  	_ =	swait.ge [sflag:s19], $0x3200  }
0x425: {  	[sflag:s19] =	ssyncset.done $0x0  }
0x426: {  	[sflag:s19] =	ssyncadd.s32 $0xFFFFCE00  }
0x427: {  	[tilespmem:s12], [sflag:$0x6] =	stream.linear.gather [spmem:s1], $0x3200, $0x38;
	[tilespmem:$0x14820] =	vst v63  }
0x428: {  	_ =	swait.ge [sflag:s28], $0x3200  }
0x429: {  	s31 =	sld [smem:$0x7E5]  }
0x42a: {  	[sflag:s28] =	ssyncset.done $0x0  }
0x42b: {  	[sflag:s28] =	ssyncadd.s32 $0xFFFFCE00  }
0x42c: {  	[tilespmem:s14], [sflag:$0xB] =	stream.indirect.gather.add.f32 [hbm:s2], $0x40, s31, s5, $0xb8;
	[tilespmem:$0x14820] =	vst v63  }
0x42d: {  	_ =	swait.ge [sflag:s9], $0x3200  }
0x42e: {  	[sflag:s9] =	ssyncset.done $0x0  }
0x42f: {  	s31 =	rddreg [dreg:$0xa];
	[sflag:s9] =	ssyncadd.s32 $0xFFFFCE00  }
0x430: {  	[hbm4b:s31+s6] =	stream.strided.scatter [tilespmem:s4], [sflag:$0xE], $0x3200, s10, s6, $0x38;
	[tilespmem:$0x14820] =	vst v63  }
0x431: {  	_ =	swait.ge [sflag:s18], $0x3200  }
0x432: {  	[sflag:s18] =	ssyncset.done $0x0  }
0x433: {  	[sflag:s18] =	ssyncadd.s32 $0xFFFFCE00  }
0x434: {  	[tilespmem:s16], [sflag:$0x7] =	stream.linear.gather [spmem:s1], $0x3200, $0x38;
	[tilespmem:$0x14820] =	vst v63  }
0x435: {  	_ =	swait.ge [sflag:s29], $0x3200  }
0x436: {  	s31 =	sld [smem:$0x7E6]  }
0x437: {  	[sflag:s29] =	ssyncset.done $0x0  }
0x438: {  	[sflag:s29] =	ssyncadd.s32 $0xFFFFCE00  }
0x439: {  	[tilespmem:s12], [sflag:$0xC] =	stream.indirect.gather.add.f32 [hbm:s2], $0x40, s31, s5, $0xb8;
	[tilespmem:$0x14820] =	vst v63  }
0x43a: {  	_ =	swait.ge [sflag:s15], $0x3200  }
0x43b: {  	[sflag:s15] =	ssyncset.done $0x0  }
0x43c: {  	s31 =	rddreg [dreg:$0xb];
	[sflag:s15] =	ssyncadd.s32 $0xFFFFCE00  }
0x43d: {  	[hbm4b:s31+s6] =	stream.strided.scatter [tilespmem:s3], [sflag:$0xF], $0x3200, s10, s6, $0x38;
	[tilespmem:$0x14820] =	vst v63  }
0x43e: {  	_ =	swait.ge [sflag:s7], $0x3200  }
0x43f: {  	[sflag:s7] =	ssyncset.done $0x0  }
0x440: {  	[sflag:s7] =	ssyncadd.s32 $0xFFFFCE00  }
0x441: {  	[tilespmem:s4], [sflag:$0x2] =	stream.linear.gather [spmem:s1], $0x3200, $0x38;
	[tilespmem:$0x14820] =	vst v63  }
0x442: {  	_ =	swait.ge [sflag:s26], $0x3200  }
0x443: {  	s31 =	sld [smem:$0x7E7]  }
0x444: {  	[sflag:s26] =	ssyncset.done $0x0  }
0x445: {  	[sflag:s26] =	ssyncadd.s32 $0xFFFFCE00  }
0x446: {  	[tilespmem:s16], [sflag:$0xD] =	stream.indirect.gather.add.f32 [hbm:s2], $0x40, s31, s5, $0xb8;
	[tilespmem:$0x14820] =	vst v63  }
0x447: {  	_ =	swait.ge [sflag:s25], $0x3200  }
0x448: {  	[sflag:s25] =	ssyncset.done $0x0  }
0x449: {  	s31 =	rddreg [dreg:$0xc];
	[sflag:s25] =	ssyncadd.s32 $0xFFFFCE00  }
0x44a: {  	[hbm4b:s31+s6] =	stream.strided.scatter [tilespmem:s17], [sflag:$0x10], $0x3200, s10, s6, $0x38;
	[tilespmem:$0x14820] =	vst v63  }
0x44b: {  	_ =	swait.ge [sflag:s13], $0x3200  }
0x44c: {  	[sflag:s13] =	ssyncset.done $0x0  }
0x44d: {  	[sflag:s13] =	ssyncadd.s32 $0xFFFFCE00  }
0x44e: {  	[tilespmem:s3], [sflag:$0x3] =	stream.linear.gather [spmem:s1], $0x3200, $0x38;
	[tilespmem:$0x14820] =	vst v63  }
0x44f: {  	_ =	swait.ge [sflag:s11], $0x3200  }
0x450: {  	s31 =	sld [smem:$0x7E8]  }
0x451: {  	[sflag:s11] =	ssyncset.done $0x0  }
0x452: {  	[sflag:s11] =	ssyncadd.s32 $0xFFFFCE00  }
0x453: {  	[tilespmem:s4], [sflag:$0x8] =	stream.indirect.gather.add.f32 [hbm:s2], $0x40, s31, s5, $0xb8;
	[tilespmem:$0x14820] =	vst v63  }
0x454: {  	_ =	swait.ge [sflag:s24], $0x3200  }
0x455: {  	[sflag:s24] =	ssyncset.done $0x0  }
0x456: {  	s31 =	rddreg [dreg:$0xd];
	[sflag:s24] =	ssyncadd.s32 $0xFFFFCE00  }
0x457: {  	[hbm4b:s31+s6] =	stream.strided.scatter [tilespmem:s14], [sflag:$0x11], $0x3200, s10, s6, $0x38;
	[tilespmem:$0x14820] =	vst v63  }
0x458: {  	_ =	swait.ge [sflag:s21], $0x3200  }
0x459: {  	[sflag:s21] =	ssyncset.done $0x0  }
0x45a: {  	[sflag:s21] =	ssyncadd.s32 $0xFFFFCE00  }
0x45b: {  	[tilespmem:s17], [sflag:$0x4] =	stream.linear.gather [spmem:s1], $0x3200, $0x38;
	[tilespmem:$0x14820] =	vst v63  }
0x45c: {  	_ =	swait.ge [sflag:s8], $0x3200  }
0x45d: {  	s31 =	sld [smem:$0x7E9]  }
0x45e: {  	[sflag:s8] =	ssyncset.done $0x0  }
0x45f: {  	[sflag:s8] =	ssyncadd.s32 $0xFFFFCE00  }
0x460: {  	[tilespmem:s3], [sflag:$0x9] =	stream.indirect.gather.add.f32 [hbm:s2], $0x40, s31, s5, $0xb8;
	[tilespmem:$0x14820] =	vst v63  }
0x461: {  	_ =	swait.ge [sflag:s23], $0x3200  }
0x462: {  	[sflag:s23] =	ssyncset.done $0x0  }
0x463: {  	s31 =	rddreg [dreg:$0xe];
	[sflag:s23] =	ssyncadd.s32 $0xFFFFCE00  }
0x464: {  	[hbm4b:s31+s6] =	stream.strided.scatter [tilespmem:s12], [sflag:$0x12], $0x3200, s10, s6, $0x38;
	[tilespmem:$0x14820] =	vst v63  }
0x465: {  	_ =	swait.ge [sflag:s20], $0x3200  }
0x466: {  	[sflag:s20] =	ssyncset.done $0x0  }
0x467: {  	[sflag:s20] =	ssyncadd.s32 $0xFFFFCE00  }
0x468: {  	[tilespmem:s14], [sflag:$0x5] =	stream.linear.gather [spmem:s1], $0x3200, $0x38;
	[tilespmem:$0x14820] =	vst v63  }
0x469: {  	_ =	swait.ge [sflag:s30], $0x3200  }
0x46a: {  	s31 =	sld [smem:$0x7EA]  }
0x46b: {  	[sflag:s30] =	ssyncset.done $0x0  }
0x46c: {  	[sflag:s30] =	ssyncadd.s32 $0xFFFFCE00  }
0x46d: {  	[tilespmem:s17], [sflag:$0xA] =	stream.indirect.gather.add.f32 [hbm:s2], $0x40, s31, s5, $0xb8;
	[tilespmem:$0x14820] =	vst v63  }
0x46e: {  	_ =	swait.ge [sflag:s22], $0x3200  }
0x46f: {  	[sflag:s22] =	ssyncset.done $0x0  }
0x470: {  	s31 =	rddreg [dreg:$0xf];
	[sflag:s22] =	ssyncadd.s32 $0xFFFFCE00  }
0x471: {  	[hbm4b:s31+s6] =	stream.strided.scatter [tilespmem:s16], [sflag:$0x13], $0x3200, s10, s6, $0x38;
	[tilespmem:$0x14820] =	vst v63  }
0x472: {  	_ =	swait.ge [sflag:s19], $0x3200  }
0x473: {  	[sflag:s19] =	ssyncset.done $0x0  }
0x474: {  	[sflag:s19] =	ssyncadd.s32 $0xFFFFCE00  }
0x475: {  	[tilespmem:s12], [sflag:$0x6] =	stream.linear.gather [spmem:s1], $0x3200, $0x38;
	[tilespmem:$0x14820] =	vst v63  }
0x476: {  	_ =	swait.ge [sflag:s28], $0x3200  }
0x477: {  	s31 =	sld [smem:$0x7EB]  }
0x478: {  	[sflag:s28] =	ssyncset.done $0x0  }
0x479: {  	[sflag:s28] =	ssyncadd.s32 $0xFFFFCE00  }
0x47a: {  	[tilespmem:s14], [sflag:$0xB] =	stream.indirect.gather.add.f32 [hbm:s2], $0x40, s31, s5, $0xb8;
	[tilespmem:$0x14820] =	vst v63  }
0x47b: {  	_ =	swait.ge [sflag:s9], $0x3200  }
0x47c: {  	[sflag:s9] =	ssyncset.done $0x0  }
0x47d: {  	s31 =	rddreg [dreg:$0x10];
	[sflag:s9] =	ssyncadd.s32 $0xFFFFCE00  }
0x47e: {  	[hbm4b:s31+s6] =	stream.strided.scatter [tilespmem:s4], [sflag:$0xE], $0x3200, s10, s6, $0x38;
	[tilespmem:$0x14820] =	vst v63  }
0x47f: {  	_ =	swait.ge [sflag:s18], $0x3200  }
0x480: {  	[sflag:s18] =	ssyncset.done $0x0  }
0x481: {  	[sflag:s18] =	ssyncadd.s32 $0xFFFFCE00  }
0x482: {  	[tilespmem:s16], [sflag:$0x7] =	stream.linear.gather [spmem:s1], $0x3200, $0x38;
	[tilespmem:$0x14820] =	vst v63  }
0x483: {  	_ =	swait.ge [sflag:s29], $0x3200  }
0x484: {  	s31 =	sld [smem:$0x7EC]  }
0x485: {  	[sflag:s29] =	ssyncset.done $0x0  }
0x486: {  	[sflag:s29] =	ssyncadd.s32 $0xFFFFCE00  }
0x487: {  	[tilespmem:s12], [sflag:$0xC] =	stream.indirect.gather.add.f32 [hbm:s2], $0x40, s31, s5, $0xb8;
	[tilespmem:$0x14820] =	vst v63  }
0x488: {  	_ =	swait.ge [sflag:s15], $0x3200  }
0x489: {  	[sflag:s15] =	ssyncset.done $0x0  }
0x48a: {  	s31 =	rddreg [dreg:$0x11];
	[sflag:s15] =	ssyncadd.s32 $0xFFFFCE00  }
0x48b: {  	[hbm4b:s31+s6] =	stream.strided.scatter [tilespmem:s3], [sflag:$0xF], $0x3200, s10, s6, $0x38;
	[tilespmem:$0x14820] =	vst v63  }
0x48c: {  	_ =	swait.ge [sflag:s7], $0x3200  }
0x48d: {  	[sflag:s7] =	ssyncset.done $0x0  }
0x48e: {  	[sflag:s7] =	ssyncadd.s32 $0xFFFFCE00  }
0x48f: {  	[tilespmem:s4], [sflag:$0x2] =	stream.linear.gather [spmem:s1], $0x3200, $0x38;
	[tilespmem:$0x14820] =	vst v63  }
0x490: {  	_ =	swait.ge [sflag:s26], $0x3200  }
0x491: {  	s31 =	sld [smem:$0x7ED]  }
0x492: {  	[sflag:s26] =	ssyncset.done $0x0  }
0x493: {  	[sflag:s26] =	ssyncadd.s32 $0xFFFFCE00  }
0x494: {  	[tilespmem:s16], [sflag:$0xD] =	stream.indirect.gather.add.f32 [hbm:s2], $0x40, s31, s5, $0xb8;
	[tilespmem:$0x14820] =	vst v63  }
0x495: {  	_ =	swait.ge [sflag:s25], $0x3200  }
0x496: {  	[sflag:s25] =	ssyncset.done $0x0  }
0x497: {  	s31 =	rddreg [dreg:$0x12];
	[sflag:s25] =	ssyncadd.s32 $0xFFFFCE00  }
0x498: {  	[hbm4b:s31+s6] =	stream.strided.scatter [tilespmem:s17], [sflag:$0x10], $0x3200, s10, s6, $0x38;
	[tilespmem:$0x14820] =	vst v63  }
0x499: {  	_ =	swait.ge [sflag:s13], $0x3200  }
0x49a: {  	[sflag:s13] =	ssyncset.done $0x0  }
0x49b: {  	[sflag:s13] =	ssyncadd.s32 $0xFFFFCE00  }
0x49c: {  	[tilespmem:s3], [sflag:$0x3] =	stream.linear.gather [spmem:s1], $0x3200, $0x38;
	[tilespmem:$0x14820] =	vst v63  }
0x49d: {  	_ =	swait.ge [sflag:s11], $0x3200  }
0x49e: {  	s31 =	sld [smem:$0x7EE]  }
0x49f: {  	[sflag:s11] =	ssyncset.done $0x0  }
0x4a0: {  	[sflag:s11] =	ssyncadd.s32 $0xFFFFCE00  }
0x4a1: {  	[tilespmem:s4], [sflag:$0x8] =	stream.indirect.gather.add.f32 [hbm:s2], $0x40, s31, s5, $0xb8;
	[tilespmem:$0x14820] =	vst v63  }
0x4a2: {  	_ =	swait.ge [sflag:s24], $0x3200  }
0x4a3: {  	[sflag:s24] =	ssyncset.done $0x0  }
0x4a4: {  	s31 =	rddreg [dreg:$0x13];
	[sflag:s24] =	ssyncadd.s32 $0xFFFFCE00  }
0x4a5: {  	[hbm4b:s31+s6] =	stream.strided.scatter [tilespmem:s14], [sflag:$0x11], $0x3200, s10, s6, $0x38;
	[tilespmem:$0x14820] =	vst v63  }
0x4a6: {  	_ =	swait.ge [sflag:s21], $0x3200  }
0x4a7: {  	[sflag:s21] =	ssyncset.done $0x0  }
0x4a8: {  	[sflag:s21] =	ssyncadd.s32 $0xFFFFCE00  }
0x4a9: {  	[tilespmem:s17], [sflag:$0x4] =	stream.linear.gather [spmem:s1], $0x3200, $0x38;
	[tilespmem:$0x14820] =	vst v63  }
0x4aa: {  	_ =	swait.ge [sflag:s8], $0x3200  }
0x4ab: {  	s31 =	sld [smem:$0x7EF]  }
0x4ac: {  	[sflag:s8] =	ssyncset.done $0x0  }
0x4ad: {  	[sflag:s8] =	ssyncadd.s32 $0xFFFFCE00  }
0x4ae: {  	[tilespmem:s3], [sflag:$0x9] =	stream.indirect.gather.add.f32 [hbm:s2], $0x40, s31, s5, $0xb8;
	[tilespmem:$0x14820] =	vst v63  }
0x4af: {  	_ =	swait.ge [sflag:s23], $0x3200  }
0x4b0: {  	[sflag:s23] =	ssyncset.done $0x0  }
0x4b1: {  	s31 =	rddreg [dreg:$0x14];
	[sflag:s23] =	ssyncadd.s32 $0xFFFFCE00  }
0x4b2: {  	[hbm4b:s31+s6] =	stream.strided.scatter [tilespmem:s12], [sflag:$0x12], $0x3200, s10, s6, $0x38;
	[tilespmem:$0x14820] =	vst v63  }
0x4b3: {  	_ =	swait.ge [sflag:s20], $0x3200  }
0x4b4: {  	[sflag:s20] =	ssyncset.done $0x0  }
0x4b5: {  	[sflag:s20] =	ssyncadd.s32 $0xFFFFCE00  }
0x4b6: {  	[tilespmem:s14], [sflag:$0x5] =	stream.linear.gather [spmem:s1], $0x3200, $0x38;
	[tilespmem:$0x14820] =	vst v63  }
0x4b7: {  	_ =	swait.ge [sflag:s30], $0x3200  }
0x4b8: {  	s31 =	sld [smem:$0x7F0]  }
0x4b9: {  	[sflag:s30] =	ssyncset.done $0x0  }
0x4ba: {  	[sflag:s30] =	ssyncadd.s32 $0xFFFFCE00  }
0x4bb: {  	[tilespmem:s17], [sflag:$0xA] =	stream.indirect.gather.add.f32 [hbm:s2], $0x40, s31, s5, $0xb8;
	[tilespmem:$0x14820] =	vst v63  }
0x4bc: {  	_ =	swait.ge [sflag:s22], $0x3200  }
0x4bd: {  	[sflag:s22] =	ssyncset.done $0x0  }
0x4be: {  	s31 =	rddreg [dreg:$0x15];
	[sflag:s22] =	ssyncadd.s32 $0xFFFFCE00  }
0x4bf: {  	[hbm4b:s31+s6] =	stream.strided.scatter [tilespmem:s16], [sflag:$0x13], $0x3200, s10, s6, $0x38;
	[tilespmem:$0x14820] =	vst v63  }
0x4c0: {  	_ =	swait.ge [sflag:s19], $0x3200  }
0x4c1: {  	[sflag:s19] =	ssyncset.done $0x0  }
0x4c2: {  	[sflag:s19] =	ssyncadd.s32 $0xFFFFCE00  }
0x4c3: {  	[tilespmem:s12], [sflag:$0x6] =	stream.linear.gather [spmem:s1], $0x3200, $0x38;
	[tilespmem:$0x14820] =	vst v63  }
0x4c4: {  	_ =	swait.ge [sflag:s28], $0x3200  }
0x4c5: {  	s31 =	sld [smem:$0x7F1]  }
0x4c6: {  	[sflag:s28] =	ssyncset.done $0x0  }
0x4c7: {  	[sflag:s28] =	ssyncadd.s32 $0xFFFFCE00  }
0x4c8: {  	[tilespmem:s14], [sflag:$0xB] =	stream.indirect.gather.add.f32 [hbm:s2], $0x40, s31, s5, $0xb8;
	[tilespmem:$0x14820] =	vst v63  }
0x4c9: {  	_ =	swait.ge [sflag:s9], $0x3200  }
0x4ca: {  	[sflag:s9] =	ssyncset.done $0x0  }
0x4cb: {  	s31 =	rddreg [dreg:$0x16];
	[sflag:s9] =	ssyncadd.s32 $0xFFFFCE00  }
0x4cc: {  	[hbm4b:s31+s6] =	stream.strided.scatter [tilespmem:s4], [sflag:$0xE], $0x3200, s10, s6, $0x38;
	[tilespmem:$0x14820] =	vst v63  }
0x4cd: {  	_ =	swait.ge [sflag:s18], $0x3200  }
0x4ce: {  	[sflag:s18] =	ssyncset.done $0x0  }
0x4cf: {  	[sflag:s18] =	ssyncadd.s32 $0xFFFFCE00  }
0x4d0: {  	[tilespmem:s16], [sflag:$0x7] =	stream.linear.gather [spmem:s1], $0x3200, $0x38;
	[tilespmem:$0x14820] =	vst v63  }
0x4d1: {  	_ =	swait.ge [sflag:s29], $0x3200  }
0x4d2: {  	s31 =	sld [smem:$0x7F2]  }
0x4d3: {  	[sflag:s29] =	ssyncset.done $0x0  }
0x4d4: {  	[sflag:s29] =	ssyncadd.s32 $0xFFFFCE00  }
0x4d5: {  	[tilespmem:s12], [sflag:$0xC] =	stream.indirect.gather.add.f32 [hbm:s2], $0x40, s31, s5, $0xb8;
	[tilespmem:$0x14820] =	vst v63  }
0x4d6: {  	_ =	swait.ge [sflag:s15], $0x3200  }
0x4d7: {  	[sflag:s15] =	ssyncset.done $0x0  }
0x4d8: {  	s31 =	rddreg [dreg:$0x17];
	[sflag:s15] =	ssyncadd.s32 $0xFFFFCE00  }
0x4d9: {  	[hbm4b:s31+s6] =	stream.strided.scatter [tilespmem:s3], [sflag:$0xF], $0x3200, s10, s6, $0x38;
	[tilespmem:$0x14820] =	vst v63  }
0x4da: {  	_ =	swait.ge [sflag:s7], $0x3200  }
0x4db: {  	[sflag:s7] =	ssyncset.done $0x0  }
0x4dc: {  	[sflag:s7] =	ssyncadd.s32 $0xFFFFCE00  }
0x4dd: {  	[tilespmem:s4], [sflag:$0x2] =	stream.linear.gather [spmem:s1], $0x3200, $0x38;
	[tilespmem:$0x14820] =	vst v63  }
0x4de: {  	_ =	swait.ge [sflag:s26], $0x3200  }
0x4df: {  	s31 =	sld [smem:$0x7F3]  }
0x4e0: {  	[sflag:s26] =	ssyncset.done $0x0  }
0x4e1: {  	[sflag:s26] =	ssyncadd.s32 $0xFFFFCE00  }
0x4e2: {  	[tilespmem:s16], [sflag:$0xD] =	stream.indirect.gather.add.f32 [hbm:s2], $0x40, s31, s5, $0xb8;
	[tilespmem:$0x14820] =	vst v63  }
0x4e3: {  	_ =	swait.ge [sflag:s25], $0x3200  }
0x4e4: {  	[sflag:s25] =	ssyncset.done $0x0  }
0x4e5: {  	s31 =	rddreg [dreg:$0x18];
	[sflag:s25] =	ssyncadd.s32 $0xFFFFCE00  }
0x4e6: {  	[hbm4b:s31+s6] =	stream.strided.scatter [tilespmem:s17], [sflag:$0x10], $0x3200, s10, s6, $0x38;
	[tilespmem:$0x14820] =	vst v63  }
0x4e7: {  	_ =	swait.ge [sflag:s13], $0x3200  }
0x4e8: {  	[sflag:s13] =	ssyncset.done $0x0  }
0x4e9: {  	[sflag:s13] =	ssyncadd.s32 $0xFFFFCE00  }
0x4ea: {  	[tilespmem:s3], [sflag:$0x3] =	stream.linear.gather [spmem:s1], $0x3200, $0x38;
	[tilespmem:$0x14820] =	vst v63  }
0x4eb: {  	_ =	swait.ge [sflag:s11], $0x3200  }
0x4ec: {  	s31 =	sld [smem:$0x7F4]  }
0x4ed: {  	[sflag:s11] =	ssyncset.done $0x0  }
0x4ee: {  	[sflag:s11] =	ssyncadd.s32 $0xFFFFCE00  }
0x4ef: {  	[tilespmem:s4], [sflag:$0x8] =	stream.indirect.gather.add.f32 [hbm:s2], $0x40, s31, s5, $0xb8;
	[tilespmem:$0x14820] =	vst v63  }
0x4f0: {  	_ =	swait.ge [sflag:s24], $0x3200  }
0x4f1: {  	[sflag:s24] =	ssyncset.done $0x0  }
0x4f2: {  	s31 =	rddreg [dreg:$0x19];
	[sflag:s24] =	ssyncadd.s32 $0xFFFFCE00  }
0x4f3: {  	[hbm4b:s31+s6] =	stream.strided.scatter [tilespmem:s14], [sflag:$0x11], $0x3200, s10, s6, $0x38;
	[tilespmem:$0x14820] =	vst v63  }
0x4f4: {  	_ =	swait.ge [sflag:s21], $0x3200  }
0x4f5: {  	[sflag:s21] =	ssyncset.done $0x0  }
0x4f6: {  	[sflag:s21] =	ssyncadd.s32 $0xFFFFCE00  }
0x4f7: {  	[tilespmem:s17], [sflag:$0x4] =	stream.linear.gather [spmem:s1], $0x3200, $0x38;
	[tilespmem:$0x14820] =	vst v63  }
0x4f8: {  	_ =	swait.ge [sflag:s8], $0x3200  }
0x4f9: {  	s31 =	sld [smem:$0x7F5]  }
0x4fa: {  	[sflag:s8] =	ssyncset.done $0x0  }
0x4fb: {  	[sflag:s8] =	ssyncadd.s32 $0xFFFFCE00  }
0x4fc: {  	[tilespmem:s3], [sflag:$0x9] =	stream.indirect.gather.add.f32 [hbm:s2], $0x40, s31, s5, $0xb8;
	[tilespmem:$0x14820] =	vst v63  }
0x4fd: {  	_ =	swait.ge [sflag:s23], $0x3200  }
0x4fe: {  	[sflag:s23] =	ssyncset.done $0x0  }
0x4ff: {  	s31 =	rddreg [dreg:$0x1a];
	[sflag:s23] =	ssyncadd.s32 $0xFFFFCE00  }
0x500: {  	[hbm4b:s31+s6] =	stream.strided.scatter [tilespmem:s12], [sflag:$0x12], $0x3200, s10, s6, $0x38;
	[tilespmem:$0x14820] =	vst v63  }
0x501: {  	_ =	swait.ge [sflag:s20], $0x3200  }
0x502: {  	[sflag:s20] =	ssyncset.done $0x0  }
0x503: {  	[sflag:s20] =	ssyncadd.s32 $0xFFFFCE00  }
0x504: {  	[tilespmem:s14], [sflag:$0x5] =	stream.linear.gather [spmem:s1], $0x3200, $0x38;
	[tilespmem:$0x14820] =	vst v63  }
0x505: {  	_ =	swait.ge [sflag:s30], $0x3200  }
0x506: {  	s31 =	sld [smem:$0x7F6]  }
0x507: {  	[sflag:s30] =	ssyncset.done $0x0  }
0x508: {  	[sflag:s30] =	ssyncadd.s32 $0xFFFFCE00  }
0x509: {  	[tilespmem:s17], [sflag:$0xA] =	stream.indirect.gather.add.f32 [hbm:s2], $0x40, s31, s5, $0xb8;
	[tilespmem:$0x14820] =	vst v63  }
0x50a: {  	_ =	swait.ge [sflag:s22], $0x3200  }
0x50b: {  	[sflag:s22] =	ssyncset.done $0x0  }
0x50c: {  	s31 =	rddreg [dreg:$0x1b];
	[sflag:s22] =	ssyncadd.s32 $0xFFFFCE00  }
0x50d: {  	[hbm4b:s31+s6] =	stream.strided.scatter [tilespmem:s16], [sflag:$0x13], $0x3200, s10, s6, $0x38;
	[tilespmem:$0x14820] =	vst v63  }
0x50e: {  	_ =	swait.ge [sflag:s19], $0x3200  }
0x50f: {  	[sflag:s19] =	ssyncset.done $0x0  }
0x510: {  	[sflag:s19] =	ssyncadd.s32 $0xFFFFCE00  }
0x511: {  	[tilespmem:s12], [sflag:$0x6] =	stream.linear.gather [spmem:s1], $0x3200, $0x38;
	[tilespmem:$0x14820] =	vst v63  }
0x512: {  	_ =	swait.ge [sflag:s28], $0x3200  }
0x513: {  	s30 =	sld [smem:$0x7F7]  }
0x514: {  	[sflag:s28] =	ssyncset.done $0x0  }
0x515: {  	[sflag:s28] =	ssyncadd.s32 $0xFFFFCE00  }
0x516: {  	[tilespmem:s14], [sflag:$0xB] =	stream.indirect.gather.add.f32 [hbm:s2], $0x40, s30, s5, $0xb8;
	[tilespmem:$0x14820] =	vst v63  }
0x517: {  	_ =	swait.ge [sflag:s9], $0x3200  }
0x518: {  	[sflag:s9] =	ssyncset.done $0x0  }
0x519: {  	s31 =	rddreg [dreg:$0x1c];
	[sflag:s9] =	ssyncadd.s32 $0xFFFFCE00  }
0x51a: {  	[hbm4b:s31+s6] =	stream.strided.scatter [tilespmem:s4], [sflag:$0xE], $0x3200, s10, s6, $0x38;
	[tilespmem:$0x14820] =	vst v63  }
0x51b: {  	_ =	swait.ge [sflag:s18], $0x3200  }
0x51c: {  	[sflag:s18] =	ssyncset.done $0x0  }
0x51d: {  	[sflag:s18] =	ssyncadd.s32 $0xFFFFCE00  }
0x51e: {  	[tilespmem:s16], [sflag:$0x7] =	stream.linear.gather [spmem:s1], $0x3200, $0x38;
	[tilespmem:$0x14820] =	vst v63  }
0x51f: {  	_ =	swait.ge [sflag:s29], $0x3200  }
0x520: {  	s28 =	sld [smem:$0x7F8]  }
0x521: {  	[sflag:s29] =	ssyncset.done $0x0  }
0x522: {  	[sflag:s29] =	ssyncadd.s32 $0xFFFFCE00  }
0x523: {  	[tilespmem:s12], [sflag:$0xC] =	stream.indirect.gather.add.f32 [hbm:s2], $0x40, s28, s5, $0xb8;
	[tilespmem:$0x14820] =	vst v63  }
0x524: {  	_ =	swait.ge [sflag:s15], $0x3200  }
0x525: {  	[sflag:s15] =	ssyncset.done $0x0  }
0x526: {  	s29 =	rddreg [dreg:$0x1d];
	[sflag:s15] =	ssyncadd.s32 $0xFFFFCE00  }
0x527: {  	[hbm4b:s29+s6] =	stream.strided.scatter [tilespmem:s3], [sflag:$0xF], $0x3200, s10, s6, $0x38;
	[tilespmem:$0x14820] =	vst v63  }
0x528: {  	_ =	swait.ge [sflag:s7], $0x3200  }
0x529: {  	[sflag:s7] =	ssyncset.done $0x0  }
0x52a: {  	[sflag:s7] =	ssyncadd.s32 $0xFFFFCE00  }
0x52b: {  	[tilespmem:s4], [sflag:$0x2] =	stream.linear.gather [spmem:s1], $0x3200, $0x38;
	[tilespmem:$0x14820] =	vst v63  }
0x52c: {  	_ =	swait.ge [sflag:s26], $0x3200  }
0x52d: {  	s30 =	sld [smem:$0x7F9]  }
0x52e: {  	[sflag:s26] =	ssyncset.done $0x0  }
0x52f: {  	[sflag:s26] =	ssyncadd.s32 $0xFFFFCE00  }
0x530: {  	[tilespmem:s16], [sflag:$0xD] =	stream.indirect.gather.add.f32 [hbm:s2], $0x40, s30, s5, $0xb8;
	[tilespmem:$0x14820] =	vst v63  }
0x531: {  	_ =	swait.ge [sflag:s25], $0x3200  }
0x532: {  	[sflag:s25] =	ssyncset.done $0x0  }
0x533: {  	s31 =	rddreg [dreg:$0x1e];
	[sflag:s25] =	ssyncadd.s32 $0xFFFFCE00  }
0x534: {  	[hbm4b:s31+s6] =	stream.strided.scatter [tilespmem:s17], [sflag:$0x10], $0x3200, s10, s6, $0x38;
	[tilespmem:$0x14820] =	vst v63  }
0x535: {  	_ =	swait.ge [sflag:s13], $0x3200  }
0x536: {  	[sflag:s13] =	ssyncset.done $0x0  }
0x537: {  	[sflag:s13] =	ssyncadd.s32 $0xFFFFCE00  }
0x538: {  	[tilespmem:s3], [sflag:$0x3] =	stream.linear.gather [spmem:s1], $0x3200, $0x38;
	[tilespmem:$0x14820] =	vst v63  }
0x539: {  	_ =	swait.ge [sflag:s11], $0x3200  }
0x53a: {  	s17 =	sld [smem:$0x7FA]  }
0x53b: {  	[sflag:s11] =	ssyncset.done $0x0  }
0x53c: {  	[sflag:s11] =	ssyncadd.s32 $0xFFFFCE00  }
0x53d: {  	[tilespmem:s4], [sflag:$0x8] =	stream.indirect.gather.add.f32 [hbm:s2], $0x40, s17, s5, $0xb8;
	[tilespmem:$0x14820] =	vst v63  }
0x53e: {  	_ =	swait.ge [sflag:s24], $0x3200  }
0x53f: {  	[sflag:s24] =	ssyncset.done $0x0  }
0x540: {  	s25 =	rddreg [dreg:$0x1f];
	[sflag:s24] =	ssyncadd.s32 $0xFFFFCE00  }
0x541: {  	[hbm4b:s25+s6] =	stream.strided.scatter [tilespmem:s14], [sflag:$0x11], $0x3200, s10, s6, $0x38;
	[tilespmem:$0x14820] =	vst v63  }
0x542: {  	_ =	swait.ge [sflag:s8], $0x3200  }
0x543: {  	s26 =	sld [smem:$0x7FB]  }
0x544: {  	[sflag:s8] =	ssyncset.done $0x0  }
0x545: {  	[sflag:s8] =	ssyncadd.s32 $0xFFFFCE00  }
0x546: {  	[tilespmem:s3], [sflag:$0x9] =	stream.indirect.gather.add.f32 [hbm:s2], $0x40, s26, s5, $0xb8;
	[tilespmem:$0x14820] =	vst v63  }
0x547: {  	_ =	swait.ge [sflag:s23], $0x3200  }
0x548: {  	s28 =	sld [smem:$0x7DA]  }
0x549: {  	[sflag:s23] =	ssyncset.done $0x0  }
0x54a: {  	[sflag:s23] =	ssyncadd.s32 $0xFFFFCE00  }
0x54b: {  	[hbm4b:s28+s6] =	stream.strided.scatter [tilespmem:s12], [sflag:$0x12], $0x3200, s10, s6, $0x38;
	[tilespmem:$0x14820] =	vst v63  }
0x54c: {  	_ =	swait.ge [sflag:s22], $0x3200  }
0x54d: {  	s29 =	sld [smem:$0x7DB]  }
0x54e: {  	[sflag:s22] =	ssyncset.done $0x0  }
0x54f: {  	[sflag:s22] =	ssyncadd.s32 $0xFFFFCE00  }
0x550: {  	[hbm4b:s29+s6] =	stream.strided.scatter [tilespmem:s16], [sflag:$0x13], $0x3200, s10, s6, $0x38;
	[tilespmem:$0x14820] =	vst v63  }
0x551: {  	_ =	swait.ge [sflag:s9], $0x3200  }
0x552: {  	s30 =	sld [smem:$0x7DC]  }
0x553: {  	[sflag:s9] =	ssyncset.done $0x0  }
0x554: {  	[sflag:s9] =	ssyncadd.s32 $0xFFFFCE00  }
0x555: {  	[hbm4b:s30+s6] =	stream.strided.scatter [tilespmem:s4], [sflag:$0xE], $0x3200, s10, s6, $0x38;
	[tilespmem:$0x14820] =	vst v63  }
0x556: {  	_ =	swait.ge [sflag:s15], $0x3200  }
0x557: {  	s31 =	sld [smem:$0x7DD]  }
0x558: {  	[sflag:s15] =	ssyncset.done $0x0  }
0x559: {  	[sflag:s15] =	ssyncadd.s32 $0xFFFFCE00  }
0x55a: {  	[hbm4b:s31+s6] =	stream.strided.scatter [tilespmem:s3], [sflag:$0xF], $0x3200, s10, s6, $0x38;
	[tilespmem:$0x14820] =	vst v63  }
0x55b: {  	_ =	swait.ge [sflag:s21], $0x3200  }
0x55c: {  	[sflag:s21] =	ssyncset.done $0x0  }
0x55d: {  	[sflag:s21] =	ssyncadd.s32 $0xFFFFCE00  }
0x55e: {  	_ =	swait.ge [sflag:s20], $0x3200  }
0x55f: {  	[sflag:s20] =	ssyncset.done $0x0  }
0x560: {  	[sflag:s20] =	ssyncadd.s32 $0xFFFFCE00  }
0x561: {  	_ =	swait.ge [sflag:s19], $0x3200  }
0x562: {  	[sflag:s19] =	ssyncset.done $0x0  }
0x563: {  	[sflag:s19] =	ssyncadd.s32 $0xFFFFCE00  }
0x564: {  	_ =	swait.ge [sflag:s18], $0x3200  }
0x565: {  	[sflag:s18] =	ssyncset.done $0x0  }
0x566: {  	[sflag:s18] =	ssyncadd.s32 $0xFFFFCE00  }
0x567: {  	_ =	swait.ge [sflag:s7], $0x3200  }
0x568: {  	[sflag:s7] =	ssyncset.done $0x0  }
0x569: {  	[sflag:s7] =	ssyncadd.s32 $0xFFFFCE00  }
0x56a: {  	_ =	swait.ge [sflag:s13], $0x3200  }
0x56b: {  	[sflag:s13] =	ssyncset.done $0x0  }
0x56c: {  	[sflag:s13] =	ssyncadd.s32 $0xFFFFCE00  }
0x56d: {  	_ =	sfence.sel $0x180000  }
0x56e: {  	[bflag:$0x0] =	sbarrier.arrive $0xFFFF  }
0x56f: {  	_ =	strace $0x90000047  }
0x570: {  	[bflag:$0x2] =	sbarrier.arrive $0xFFFF  }
0x571: {  	s0 =	rddreg [dreg:$0x2]  }
0x572: {  	s0 =	sadd.s32 @!p0 $0x100000, s0  }
0x573: {  	[sflag:s0] =	ssyncadd.tile.s32 @!p0 $0x1;
	_ =	shalt  }
.Lfunc_end2:
_tile_overlayer_lowered:
.L_overlay_start_2:
0x574: {  	(tag) =	ssettag $0x2  }
0x575: {  	s0 =	rddreg [dreg:$0x0];
	s2 =	stileid.u32  }
0x576: {  	s1 =	rddreg [dreg:$0x1];
	p0 =	sne.s32 s2, $0x0  }
0x577: {  	s3 =	rddreg [dreg:$0x2];
	[bflag:$0x3] =	sbarrier.arrive $0xFFFF;
	s2 =	simm.s32 @!p0 $0x1C14  }
0x578: {  	[timem:s3], [sflag:s2] =	dma.local @!p0 [hbm:s0], s1  }
0x579: {  	s0 =	simm.s32 @!p0 $0x14  }
0x57a: {  	_ =	swait.ge @!p0 [sflag:s0], s1  }
0x57b: {  	s1 =	ssub.s32 @!p0 $0x0, s1;
	[sflag:s0] =	ssyncset.done @!p0 $0x0  }
0x57c: {  	[sflag:s0] =	ssyncadd.s32 @!p0 s1  }
0x57d: {  	[bflag:$0x3] =	sbarrier.arrive $0xFFFF  }
0x57e: {  	_ =	shalt  }

// kernel: sparse-core-data-format-call.cloned.1.call-start
scs
called_computation_lowered:
.L_overlay_start_0:
0x0: {  	s2 =	sld [smem:$0x3FD9]  }
0x1: {  	s3 =	sld [smem:$0x3FFE];
	_ =	sdelay $0x1  }
0x2: {  	s1 =	srdreg.scid  }
0x3: {  	s0 =	sand.u32 $0x1, s1  }
0x4: {  	s18 =	sshll.u32 s0, $0xA;
	s2 =	sadd.s32 s3, s2  }
0x5: {  	s2 =	sadd.s32 s2, s18  }
0x6: {  	[smem:$0x3FC6] =	sst s2  }
0x7: {  	_ = 	snop  }
0x8: {  	s2 =	sld [smem:$0x3FD0];
	(tm) =	ssettm $0x1  }
0x9: {  	s19 =	sld [smem:$0x3FFB];
	_ =	sdelay $0x3  }
0xa: {  	_ =	strace s19  }
0xb: {  	s3 =	sld [smem:$0x3FFC];
	_ =	sdelay $0x3  }
0xc: {  	_ =	strace s3  }
0xd: {  	s3 =	sld [smem:$0x3FFD];
	_ =	sdelay $0x3  }
0xe: {  	_ =	strace s3  }
0xf: {  	_ =	strace $0x8FFFFFFF  }
0x10: {  	s20 =	sld [smem:$0x3FDB];
	_ =	sdelay $0x1  }
0x11: {  	s4 =	simm.s32 $_scs_section_size  }
0x12: {  	s5 =	simm.s32 $_size__tile_overlayer_lowered;
	s6 =	simm.s32 $_tile_overlayer_lowered  }
0x13: {  	s23 =	simm.s32 $0x1BFF;
	s22 =	sshll.u32 s6, $0x1;
	s3 =	sadd.s32 s4, s20  }
0x14: {  	s7 =	simm.s32 $0x0;
	s21 =	sshll.u32 s5, $0x1;
	s5 =	sadd.s32 s22, s3  }
0x15: {  	[timem:s7], [sflag:s23] =	dma.local [hbm:s5], s21  }
0x16: {  	_ =	swait.ge [sflag:s23], s21  }
0x17: {  	s4 =	ssub.s32 $0x0, s21;
	[sflag:s23] =	ssyncset.done $0x0  }
0x18: {  	[sflag:s23] =	ssyncadd.s32 s4;
	_ =	sdelay $0x1  }
0x19: {  	s24 =	simm.s32 $0x1B8B  }
0x1a: {  	_ =	swait.ge [sflag:s24], $0x1  }
0x1b: {  	[sflag:s24] =	ssyncset.done $0x0  }
0x1c: {  	s26 =	simm.s32 $0x1B8E;
	s25 =	sld [smem:$0x3FFE];
	[sflag:s24] =	ssyncadd.s32 $0xFFFFFFFF  }
0x1d: {  	s27 =	simm.s32 $execute0_lowered;
	[smem:$0x3FD2] =	sst s26  }
0x1e: {  	s5 =	sshll.u32 s27, $0x1;
	_ =	strace $0x80000049;
	[dreg:$0x1] =	wrdreg $0xFFFFFFFF  }
0x1f: {  	s28 =	simm.s32 $_size_execute0_lowered;
	s3 =	sadd.s32 s3, s5;
	[dreg:$0x0] =	wrdreg $0x0  }
0x20: {  	s5 =	sshll.u32 s28, $0x1;
	[dreg:$0x2] =	wrdreg s3  }
0x21: {  	[dreg:$0x3] =	wrdreg s5  }
0x22: {  	[dreg:$0x4] =	wrdreg $0xC0  }
0x23: {  	_ =	task [dreg:s7], $0x5FFFF  }
0x24: {  	[dreg:$0x1] =	wrdreg $0xFFFFFFFF  }
0x25: {  	[dreg:$0x0] =	wrdreg $0x60  }
0x26: {  	[dreg:$0x2] =	wrdreg s25  }
0x27: {  	[dreg:$0x3] =	wrdreg s2  }
0x28: {  	[dreg:$0x4] =	wrdreg $0x9  }
0x29: {  	_ =	task.clear_ibuf [dreg:s7], $0x5FFFF;
	_ =	strace $0x90000049  }
0x2a: {  	s29 =	simm.s32 $0x9;
	_ =	strace $0x8000004B  }
0x2b: {  	_ =	swait.ge [sflag:s29], $0x1  }
0x2c: {  	[sflag:s29] =	ssyncadd.s32 $0xFFFFFFFF  }
0x2d: {  	_ =	strace $0x9000004B  }
0x2e: {  	_ =	sfence  }
0x2f: {  	s30 =	sld [smem:$0x0];
	_ =	sdelay $0x2  }
0x30: {  	s31 =	sshll.u32 s1, $0xD;
	s1 =	sshrl.u32 s1, $0x2  }
0x31: {  	s3 =	sand.u32 $0x4000, s31;
	s1 =	sadd.s32 s1, s30  }
0x32: {  	s0 =	sor.u32 s3, s0;
	s1 =	sshll.u32 s1, $0x11  }
0x33: {  	s0 =	sor.u32 s1, s0  }
0x34: {  	s0 =	sadd.s32 $0x8F2B, s0  }
0x35: {  	[sflag:s0] =	ssyncadd.remote.s32 $0x1  }
0x36: {  	_ =	sfence.sel $0xFFFF  }
0x37: {  	[dreg:$0x0] =	wrdreg $0xFFFFFFFF;
	(pc) =	sbr.abs _section_cstart, $3  }
0x38: {  	[dreg:$0x1] =	wrdreg $0xFFFFFFFF  }
0x39: {  	_ =	task.clear_ibuf [dreg:s7], $0x2FFFF;
	_ =	strace $0x9FFFFFFF  }
0x3a: {  	(tm) =	ssettm $0x7FFFFFFF  }
0x3b: {  	_ =	shalt  }
tec
execute0_lowered:
.L_overlay_start_1:
0x0: {  	(tag) =	ssettag $0x1  }
0x1: {  	s0 =	stileid.u32;
	s6 =	rddreg [dreg:$0x0]  }
0x2: {  	s2 =	rddreg [dreg:$0x1];
	s5 =	srdreg.scid  }
0x3: {  	s31 =	simm.s32 $0x2;
	s13 =	simm.s32 $0x0;
	s1 =	sshll.u32 s0, $0x7  }
0x4: {  	s14 =	simm.s32 $0x0;
	s12 =	simm.s32 $0x0;
	s3 =	sand.u32 $0x380, s1  }
0x5: {  	s5 =	sshll.u32 s5, $0x4;
	s6 =	sadd.s32 $0xCAA00, s6;
	s4 =	ssub.s32 $0x400, s3  }
0x6: {  	s1 =	rddreg [dreg:$0x2];
	_ =	strace $0x8000004A;
	s7 =	sand.u32 $0x380, s4  }
0x7: {  	s5 =	sand.u32 $0x10, s5;
	p0 =	sne.s32 s7, $0x0;
	s7 =	simm.s32 $0x1  }
.Ltmp0:
0x8: {  	s8 =	sshrl.u32 s4, $0xA;
	s7 =	simm.s32 @!p0 $0x0;
	(pc) =	sbr.rel .LBB1_1-.Ltmp0, $4  }
0x9: {  	s9 =	sor.u32 s0, s5;
	s4 =	simm.s32 $0x1;
	s30 =	sadd.s32 s7, s8  }
0xa: {  	s11 =	smov.u32 s3;
	[sflag:s4] =	ssyncpa.u1 $0x0;
	s5 =	smul.u32 $0x32, s30  }
0xb: {  	[sflag:s31] =	ssyncpa.u1 $0x0;
	p0 =	por $0x0, $0x0;
	s7 =	sshrl.u32 s9, $0x3  }
0xc: {  	s9 =	simm.s32 $0x2000;
	s10 =	smov.u32 s7;
	s8 =	sor.u32 $0x1, s5  }
.LBB1_4:
0xd: {  	s17 =	sand.u32 $0x1F80, s14;
	s13 =	sshll.u32 s13, $0xD  }
0xe: {  	[tilespmem:s16+$0x810 ss:$0x81] =	vst.msk $0xffff, v2;
	s18 =	sshrl.u32 s14, $0x3;
	s31 =	sand.u32 $0x7, s14;
	s17 =	sadd.s32 s2, s17  }
0xf: {  	[tilespmem:s16+$0x1020 ss:$0x81] =	vst.msk $0xffff, v0;
	s18 =	sand.u32 $0xF, s18;
	s14 =	sshll.u32 s31, $0x12;
	s13 =	sadd.s32 s13, s17  }
0x10: {  	[tilespmem:s16+$0x0 ss:$0x81] =	vst.msk $0xffff, v1;
	s14 =	sor.u32 $0x400, s14;
	s13 =	sadd.s32 s18, s13  }
0x11: {  	[hbm4b:s13+s14] =	stream.strided.scatter [tilespmem:s15], [sflag:$0x2], $0x2000, s9, s14, $0x20;
	[tilespmem:$0x8080] =	vst v63  }
.LBB1_5:
0x12: {  	s15 =	sadd.s32 $0x4, s10  }
0x13: {  	s13 =	sadd.s32 $0x400, s11;
	s17 =	smov.u32 s11;
	p2 =	sgt.s32 s15, $0xC7  }
0x14: {  	s17 =	smov.u32 @p2 s13  }
0x15: {  	s15 =	smov.u32 @p2 s7;
	p2 =	sgt.s32 s17, $0x3FF  }
0x16: {  	s17 =	smov.u32 @p2 s3;
	p2 =	sne.s32 s12, s8  }
.Ltmp1:
0x17: {  	p1 =	slt.u32 s12, $0x2;
	(pc) =	sbr.rel @!p2 .LBB1_6-.Ltmp1, $4  }
0x18: {  	s16 =	simm.s32 @!p1 $0x2  }
0x19: {  	s14 =	smov.u32 s11;
	p0 =	por !p0, !p0;
	_ =	swait.ge @!p1 [sflag:s16], $0x2000  }
0x1a: {  	s13 =	smov.u32 s10;
	[sflag:s16] =	ssyncset.done @!p1 $0x0;
	s10 =	smov.u32 s15  }
0x1b: {  	s12 =	sadd.s32 $0x1, s12;
	[sflag:s16] =	ssyncadd.s32 @!p1 $0xFFFFE000;
	s11 =	smov.u32 s17  }
.LBB1_1:
0x1c: {  	p1 =	sge.u32 s12, s5  }
0x1d: {  	s15 =	sand.u32 @!p1 $0x1FFFFFF, s10  }
0x1e: {  	s16 =	smulhi.u32 @!p1 $0x147AE15, s15;
	_ =	sdelay $0x1  }
0x1f: {  	s16 =	smul.u32 @!p1 $0xC8, s16  }
0x20: {  	s17 =	sxor.u32 @!p1 $0xFFFFFFFF, s12;
	s18 =	smul.u32 @!p1 $0xC80, s11  }
0x21: {  	s31 =	sadd.s32 $0xFFFFFFFF, s12;
	s17 =	sshll.u32 @!p1 s17, $0xD;
	s15 =	ssub.s32 @!p1 s15, s16  }
0x22: {  	s16 =	sand.u32 @!p1 $0x2000, s17;
	s17 =	sadd.s32 @!p1 s6, s18;
	s15 =	sshll.u32 @!p1 s15, $0x4  }
0x23: {  	s18 =	simm.s32 @!p1 $0x6400;
	s15 =	sadd.s32 @!p1 s15, s17;
	s17 =	simm.s32 @!p1 $0x40  }
0x24: {  	[tilespmem:s16], [sflag:$0x1] =	stream.strided.gather @!p1 [hbm4b:s15+s17], $0x2000, s18, s17, $0x38;
	[tilespmem:$0x8080] =	vst v63  }
0x25: {  	p1 =	sge.u32 s31, s5  }
.Ltmp2:
0x26: {  	_ = 	snop;
	(pc) =	sbr.rel @p1 .LBB1_5-.Ltmp2, $1  }
0x27: {  	_ =	sdelay $0x3  }
0x28: {  	s15 =	simm.s32 $0x1  }
0x29: {  	_ =	swait.ge [sflag:s4], $0x2000;
	s15 =	simm.s32 @!p0 $0x0  }
0x2a: {  	[sflag:s4] =	ssyncset.done $0x0;
	s16 =	sshll.u32 s15, $0xD  }
0x2b: {  	[sflag:s4] =	ssyncadd.s32 $0xFFFFE000;
	s19 =	sor.u32 $0x20, s16  }
0x2c: {  	s15 =	smul.u32 $0x8100, s15;
	v3 =	vld [tilespmem:s19+$0x10]  }
0x2d: {  	s30 =	sand.u32 $0x1, s12;
	v2 =	vld [tilespmem:s19+$0xFFFFFFF0]  }
0x2e: {  	s16 =	smul.u32 $0x8100, s30;
	s15 =	sshrl.u32 s15, $0x2;
	v0 =	vld [tilespmem:s19+$0x0]  }
0x2f: {  	v1 =	vld [tilespmem:s19+$0xFFFFFFE0];
	s17 =	sor.u32 $0x4000, s15  }
0x30: {  	s31 =	sshrl.u32 s16, $0x2;
	s16 =	sadd.s32 $0x0, s17  }
0x31: {  	s18 =	simm.s32 $0x4;
	s19 =	sadd.s32 $0x40, s19;
	s15 =	sor.u32 $0x4000, s31;
	[tilespmem:s16+$0x1830 ss:$0x81] =	vst.msk $0xffff, v3  }
.LBB1_3:
0x32: {  	v3 =	vld [tilespmem:s19+$0x10];
	p1 =	sne.s32 s18, $0x1FC;
	[tilespmem:s16+$0x810 ss:$0x81] =	vst.msk $0xffff, v2;
	s20 =	smov.u32 s18;
	s18 =	sadd.s32 $0x4, s18  }
.Ltmp3:
0x33: {  	v2 =	vld [tilespmem:s19+$0xFFFFFFF0];
	[tilespmem:s16+$0x1020 ss:$0x81] =	vst.msk $0xffff, v0;
	(pc) =	sbr.rel @p1 .LBB1_3-.Ltmp3, $4  }
0x34: {  	v0 =	vld [tilespmem:s19+$0x0];
	[tilespmem:s16+$0x0 ss:$0x81] =	vst.msk $0xffff, v1  }
0x35: {  	s16 =	sshra.s32 s20, $0x2;
	v1 =	vld [tilespmem:s19+$0xFFFFFFE0]  }
0x36: {  	s16 =	sadd.s32 s16, s17  }
0x37: {  	s19 =	sadd.s32 $0x40, s19;
	[tilespmem:s16+$0x1830 ss:$0x81] =	vst.msk $0xffff, v3  }
.Ltmp4:
0x38: {  	_ = 	snop;
	(pc) =	sbr.rel .LBB1_4-.Ltmp4, $1  }
0x39: {  	_ =	sdelay $0x3  }
.LBB1_6:
0x3a: {  	_ =	sfence.sel $0x180000  }
0x3b: {  	s2 =	simm.s32 $0x1;
	[bflag:$0x0] =	sbarrier.arrive $0xFFFF  }
0x3c: {  	s31 =	simm.s32 $0x2;
	[sflag:s2] =	ssyncpa.u1 $0x1  }
0x3d: {  	[sflag:s31] =	ssyncpa.u1 $0x1  }
0x3e: {  	p0 =	sne.s32 s0, $0x0;
	_ =	strace $0x9000004A  }
0x3f: {  	s0 =	sadd.s32 @!p0 $0x100000, s1;
	[bflag:$0x2] =	sbarrier.arrive $0xFFFF  }
0x40: {  	[sflag:s0] =	ssyncadd.tile.s32 @!p0 $0x1;
	_ =	shalt  }
.Lfunc_end1:
_tile_overlayer_lowered:
.L_overlay_start_2:
0x41: {  	(tag) =	ssettag $0x2  }
0x42: {  	s0 =	rddreg [dreg:$0x0];
	s2 =	stileid.u32  }
0x43: {  	s1 =	rddreg [dreg:$0x1];
	p0 =	sne.s32 s2, $0x0  }
0x44: {  	s3 =	rddreg [dreg:$0x2];
	[bflag:$0x3] =	sbarrier.arrive $0xFFFF;
	s2 =	simm.s32 @!p0 $0x1C01  }
0x45: {  	[timem:s3], [sflag:s2] =	dma.local @!p0 [hbm:s0], s1  }
0x46: {  	s0 =	simm.s32 @!p0 $0x1  }
0x47: {  	_ =	swait.ge @!p0 [sflag:s0], s1  }
0x48: {  	s1 =	ssub.s32 @!p0 $0x0, s1;
	[sflag:s0] =	ssyncset.done @!p0 $0x0  }
0x49: {  	[sflag:s0] =	ssyncadd.s32 @!p0 s1  }
0x4a: {  	[bflag:$0x3] =	sbarrier.arrive $0xFFFF  }
0x4b: {  	_ =	shalt  }

</sc_bundles>
